<compile_context>
chip_gen: v7x
topology: tpu7x:2x2x1
jax: 0.10.2.dev20260603
libtpu: 0.0.44.dev20260713+nightly
codegen_flags: <defaults>
</compile_context>

<pallas_src>
import jax
import jax.numpy as jnp
import numpy as np
from jax import lax
from jax.experimental import pallas as pl
from jax.experimental.pallas import tpu as pltpu
from jax.experimental.pallas import tpu_sc as plsc

_LEVELS = ((128, 128, 4.0), (64, 64, 8.0), (32, 32, 16.0))
_N = 21504
_ROWS = _N // 128
_NT = 16
_PER = _N // _NT
_NV = _PER // 16
_MAX_OUT = 512


def _static_arrays():
    ybs, xbs, uys, uxs, scs = [], [], [], [], []
    for h, w, s in _LEVELS:
        gy, gx = np.meshgrid(np.arange(h), np.arange(w), indexing="ij")
        ybs.append((gy + 0.5).astype(np.float32).ravel())
        xbs.append((gx + 0.5).astype(np.float32).ravel())
        uys.append(np.full(h * w, h, np.float32))
        uxs.append(np.full(h * w, w, np.float32))
        scs.append(np.full(h * w, s, np.float32))
    cat = lambda parts: np.concatenate(parts).reshape(_ROWS, 128)
    return cat(ybs), cat(xbs), cat(uys), cat(uxs), cat(scs)


_YB, _XB, _UY, _UX, _SC = _static_arrays()


def _pre_body(l0, l1, rz, ry, rx, yb, xb, uy, ux, sc, cur_o, z_o, y_o, x_o):
    a = l0[...]
    b = l1[...]
    mx = jnp.maximum(a, b)
    e0 = jnp.exp(a - mx)
    e1 = jnp.exp(b - mx)
    s = e0 / (e0 + e1)
    vz = 0.5 + rz[...]
    vy = yb[...] + ry[...]
    vx = xb[...] + rx[...]
    valid = (vz > 0.0) & (vz < 1.0) & (vy > 0.0) & (vy < uy[...]) & (vx > 0.0) & (vx < ux[...])
    cur_o[...] = jnp.where(valid & (s > 0.2), s, -1.0)
    z_o[...] = vz * 5.0
    y_o[...] = vy * sc[...]
    x_o[...] = vx * sc[...]


_preprocess = pl.pallas_call(
    _pre_body,
    out_shape=tuple(jax.ShapeDtypeStruct((_ROWS, 128), jnp.float32) for _ in range(4)),
)


def _better(v, i, V, I):
    return (v > V) | ((v == V) & (i < I))


def _sel5(c, a, b):
    return tuple(jnp.where(c, x, y) for x, y in zip(a, b))


def _bo5(a, b):
    return _sel5(_better(a[0], a[1], b[0], b[1]), a, b)


def _nms_body(cur_h, z_h, y_h, x_h, os_h, oz_h, oy_h, ox_h, oc_h,
              ac, az, ay, ax, stage, rows,
              os_v, oz_v, oy_v, ox_v, oc_v, smi, smf, pub):
    sid = lax.axis_index("s")
    base = sid * _PER
    pltpu.sync_copy(cur_h.at[pl.ds(base, _PER)], ac)
    pltpu.sync_copy(z_h.at[pl.ds(base, _PER)], az)
    pltpu.sync_copy(y_h.at[pl.ds(base, _PER)], ay)
    pltpu.sync_copy(x_h.at[pl.ds(base, _PER)], ax)

    lanes = jnp.arange(16, dtype=jnp.int32)
    lanesf = lanes.astype(jnp.float32)
    basef = (sid * _PER).astype(jnp.float32)
    neg1 = jnp.full((16,), -1.0, jnp.float32)
    zeros = jnp.zeros((16,), jnp.float32)
    negi = jnp.full((16,), -1, jnp.int32)
    far = jnp.float32(1e9)

    for i in range(_MAX_OUT // 16):
        os_v[pl.ds(i * 16, 16)] = neg1
        oz_v[pl.ds(i * 16, 16)] = zeros
        oy_v[pl.ds(i * 16, 16)] = zeros
        ox_v[pl.ds(i * 16, 16)] = zeros
        oc_v[pl.ds(i * 16, 16)] = negi
    smi[0] = jnp.int32(0)
    for j in range(6):
        smf[j] = far

    def body(k, dummy):
        p0 = smi[0]

        @pl.when(p0 < _MAX_OUT)
        def _round():
            w1z = smf[0]
            w1y = smf[1]
            w1x = smf[2]
            w2z = smf[3]
            w2y = smf[4]
            w2x = smf[5]

            def scan_body(i, c):
                b1v, b1i, b1z, b1y, b1x, b2v, b2i, b2z, b2y, b2x = c
                off = i * 16
                cv = ac[pl.ds(off, 16)]
                zz = az[pl.ds(off, 16)]
                yy = ay[pl.ds(off, 16)]
                xx = ax[pl.ds(off, 16)]
                da = zz - w1z
                db = yy - w1y
                dc = xx - w1x
                d2a = da * da + db * db + dc * dc
                ea = zz - w2z
                eb = yy - w2y
                ec = xx - w2x
                d2b = ea * ea + eb * eb + ec * ec
                nc = jnp.where(jnp.minimum(d2a, d2b) < 64.0, -1.0, cv)
                ac[pl.ds(off, 16)] = nc
                fi = basef + off.astype(jnp.float32) + lanesf
                g1 = nc > b1v
                g2 = nc > b2v
                b2v = jnp.where(g1, b1v, jnp.where(g2, nc, b2v))
                b2i = jnp.where(g1, b1i, jnp.where(g2, fi, b2i))
                b2z = jnp.where(g1, b1z, jnp.where(g2, zz, b2z))
                b2y = jnp.where(g1, b1y, jnp.where(g2, yy, b2y))
                b2x = jnp.where(g1, b1x, jnp.where(g2, xx, b2x))
                b1v = jnp.where(g1, nc, b1v)
                b1i = jnp.where(g1, fi, b1i)
                b1z = jnp.where(g1, zz, b1z)
                b1y = jnp.where(g1, yy, b1y)
                b1x = jnp.where(g1, xx, b1x)
                return (b1v, b1i, b1z, b1y, b1x, b2v, b2i, b2z, b2y, b2x)

            sc0 = (neg1, zeros, zeros, zeros, zeros,
                   neg1, zeros, zeros, zeros, zeros)
            b1v, b1i, b1z, b1y, b1x, b2v, b2i, b2z, b2y, b2x = lax.fori_loop(
                0, _NV, scan_body, sc0)

            e1 = [(b1v[l], b1i[l], b1z[l], b1y[l], b1x[l]) for l in range(16)]
            e2 = [(b2v[l], b2i[l], b2z[l], b2y[l], b2x[l]) for l in range(16)]
            T1 = e1[0]
            S = e2[0]
            R = (jnp.float32(-1.0), jnp.float32(0.0), jnp.float32(0.0),
                 jnp.float32(0.0), jnp.float32(0.0))
            for l in range(1, 16):
                btr = _better(e1[l][0], e1[l][1], T1[0], T1[1])
                loser = _sel5(btr, T1, e1[l])
                T1 = _sel5(btr, e1[l], T1)
                S = _sel5(btr, e2[l], S)
                R = _bo5(R, loser)
            T2 = _bo5(R, S)

            pr = jnp.where(lanes == 0, T1[0], 0.0)
            pr = jnp.where(lanes == 1, T1[1], pr)
            pr = jnp.where(lanes == 2, T1[2], pr)
            pr = jnp.where(lanes == 3, T1[3], pr)
            pr = jnp.where(lanes == 4, T1[4], pr)
            pr = jnp.where(lanes == 5, T2[0], pr)
            pr = jnp.where(lanes == 6, T2[1], pr)
            pr = jnp.where(lanes == 7, T2[2], pr)
            pr = jnp.where(lanes == 8, T2[3], pr)
            pr = jnp.where(lanes == 9, T2[4], pr)
            stage[pl.ds(0, 16)] = pr
            even = lax.rem(k, 2) == 0

            @pl.when(even)
            def _pub0():
                pltpu.sync_copy(stage.at[pl.ds(0, 16)],
                                pub.at[pl.ds(sid * 16, 16)])

            @pl.when(jnp.logical_not(even))
            def _pub1():
                pltpu.sync_copy(stage.at[pl.ds(0, 16)],
                                pub.at[pl.ds(256 + sid * 16, 16)])

            plsc.subcore_barrier()

            @pl.when(even)
            def _rd0():
                pltpu.sync_copy(pub.at[pl.ds(0, 256)], rows)

            @pl.when(jnp.logical_not(even))
            def _rd1():
                pltpu.sync_copy(pub.at[pl.ds(256, 256)], rows)

            r0 = rows[pl.ds(0, 16)]
            G1 = (r0[0], r0[1], r0[2], r0[3], r0[4])
            G2 = (r0[5], r0[6], r0[7], r0[8], r0[9])
            for t in range(1, _NT):
                rt = rows[pl.ds(t * 16, 16)]
                a1 = (rt[0], rt[1], rt[2], rt[3], rt[4])
                a2 = (rt[5], rt[6], rt[7], rt[8], rt[9])
                btr = _better(a1[0], a1[1], G1[0], G1[1])
                G2 = _sel5(btr, _bo5(G1, a2), _bo5(G2, a1))
                G1 = _sel5(btr, a1, G1)

            p1ok = G1[0] > 0.0
            dgz = G1[2] - G2[2]
            dgy = G1[3] - G2[3]
            dgx = G1[4] - G2[4]
            dg = dgz * dgz + dgy * dgy + dgx * dgx
            p2ok = p1ok & (G2[0] > 0.0) & jnp.logical_not(dg < 64.0)

            def emit(q, tup):
                blk = (q // 16) * 16
                put = lanes == lax.rem(q, 16)
                os_v[pl.ds(blk, 16)] = jnp.where(put, tup[0], os_v[pl.ds(blk, 16)])
                oz_v[pl.ds(blk, 16)] = jnp.where(put, tup[2] * 0.2, oz_v[pl.ds(blk, 16)])
                oy_v[pl.ds(blk, 16)] = jnp.where(put, tup[3], oy_v[pl.ds(blk, 16)])
                ox_v[pl.ds(blk, 16)] = jnp.where(put, tup[4], ox_v[pl.ds(blk, 16)])
                oc_v[pl.ds(blk, 16)] = jnp.where(put, 0, oc_v[pl.ds(blk, 16)])

            @pl.when(p1ok)
            def _e1():
                emit(p0, G1)

            @pl.when(p2ok & (p0 + 1 < _MAX_OUT))
            def _e2():
                emit(p0 + 1, G2)

            npick = jnp.where(p1ok, jnp.where(p2ok, 2, 1), 0)
            pn = p0 + npick
            smi[0] = jnp.where(pn < _MAX_OUT, pn, jnp.int32(_MAX_OUT))
            smf[0] = jnp.where(p1ok, G1[2], far)
            smf[1] = jnp.where(p1ok, G1[3], far)
            smf[2] = jnp.where(p1ok, G1[4], far)
            smf[3] = jnp.where(p2ok, G2[2], far)
            smf[4] = jnp.where(p2ok, G2[3], far)
            smf[5] = jnp.where(p2ok, G2[4], far)

        return dummy

    lax.fori_loop(0, _MAX_OUT, body, jnp.int32(0))

    @pl.when(sid == 0)
    def _out():
        pltpu.sync_copy(os_v, os_h)
        pltpu.sync_copy(oz_v, oz_h)
        pltpu.sync_copy(oy_v, oy_h)
        pltpu.sync_copy(ox_v, ox_h)
        pltpu.sync_copy(oc_v, oc_h)


_nms = pl.kernel(
    _nms_body,
    out_type=(
        jax.ShapeDtypeStruct((_MAX_OUT,), jnp.float32),
        jax.ShapeDtypeStruct((_MAX_OUT,), jnp.float32),
        jax.ShapeDtypeStruct((_MAX_OUT,), jnp.float32),
        jax.ShapeDtypeStruct((_MAX_OUT,), jnp.float32),
        jax.ShapeDtypeStruct((_MAX_OUT,), jnp.int32),
    ),
    mesh=plsc.VectorSubcoreMesh(core_axis_name="c", subcore_axis_name="s", num_cores=1),
    scratch_types=[
        pltpu.VMEM((_PER,), jnp.float32),
        pltpu.VMEM((_PER,), jnp.float32),
        pltpu.VMEM((_PER,), jnp.float32),
        pltpu.VMEM((_PER,), jnp.float32),
        pltpu.VMEM((16,), jnp.float32),
        pltpu.VMEM((_NT * 16,), jnp.float32),
        pltpu.VMEM((_MAX_OUT,), jnp.float32),
        pltpu.VMEM((_MAX_OUT,), jnp.float32),
        pltpu.VMEM((_MAX_OUT,), jnp.float32),
        pltpu.VMEM((_MAX_OUT,), jnp.float32),
        pltpu.VMEM((_MAX_OUT,), jnp.int32),
        pltpu.SMEM((8,), jnp.int32),
        pltpu.SMEM((8,), jnp.float32),
        pltpu.VMEM_SHARED((2 * _NT * 16,), jnp.float32),
    ],
)


def kernel(cls_logits_0, regressions_0, cls_logits_1, regressions_1,
           cls_logits_2, regressions_2):
    cls = (cls_logits_0, cls_logits_1, cls_logits_2)
    reg = (regressions_0, regressions_1, regressions_2)
    cat = lambda ch, arrs: jnp.concatenate(
        [a[..., ch].reshape(-1) for a in arrs]).reshape(_ROWS, 128)
    l0 = cat(0, cls)
    l1 = cat(1, cls)
    rz = cat(0, reg)
    ry = cat(1, reg)
    rx = cat(2, reg)
    cur, z, y, x = _preprocess(l0, l1, rz, ry, rx,
                               jnp.asarray(_YB), jnp.asarray(_XB),
                               jnp.asarray(_UY), jnp.asarray(_UX),
                               jnp.asarray(_SC))
    out_s, out_z, out_y, out_x, out_c = _nms(
        cur.reshape(-1), z.reshape(-1), y.reshape(-1), x.reshape(-1))
    out_locs = jnp.stack([out_z, out_y, out_x], axis=-1)
    return out_s, out_locs, out_c

# --- scband reference (transcript-rebuilt; emitter-appended) ---
"""Pipeline reference for scband-lpn-36292473651320 (READ-ONLY COPY).

The authoritative reference and input builder live on the scoring server;
editing this copy changes nothing except your own understanding.
"""

import jax, jax.numpy as jnp
import numpy as np

Z_SCALE = 5.0
SCALES = (4.0, 8.0, 16.0)
NMS_THRESHOLD = 8.0
MAX_OUTPUT = 512
MIN_SCORE = 0.2
N_CLS = 1


def non_max_suppression(scores, locations, output_size, threshold, score_threshold):
    # threshold is 1/d^2: suppress neighbors with squared distance < 1/threshold
    n = scores.shape[0]
    dist_sq_thresh = 1.0 / threshold
    init = jnp.where(scores > score_threshold, scores, -1.0)

    def step(cur, _):
        idx = jnp.argmax(cur)
        valid = cur[idx] > 0
        sc = jnp.where(valid, cur[idx], -1.0)
        loc = jnp.where(valid, locations[idx], 0.0)
        d = ((locations - locations[idx]) ** 2).sum(axis=-1)
        cur = jnp.where(valid & (d < dist_sq_thresh), -1.0, cur)
        return cur, (sc, loc, idx, valid)

    _, (out_scores, out_locs, idxs, valids) = jax.lax.scan(step, init, None, length=output_size)
    sel = jnp.zeros((n,), dtype=jnp.int32).at[idxs].add(valids.astype(jnp.int32)) > 0
    return out_scores, out_locs, sel


def generate_predictions(levels):
    scores, locations, clss = [], [], []
    for (cls_logits, regressions), scale in zip(levels, SCALES):
        logits = jax.nn.softmax(cls_logits)
        scores_ = logits[..., :-1].sum(axis=-1)
        clss_ = logits[..., :-1].argmax(axis=-1)
        depth, height, width = scores_.shape
        loc_ = jnp.moveaxis(jnp.mgrid[:depth, :height, :width] + 0.5, 0, -1)
        loc_ = loc_ + regressions
        max_values = jnp.asarray([depth, height, width])
        is_valid = (loc_ > 0.0).all(axis=-1) & (loc_ < max_values).all(axis=-1)
        scores_ = jnp.where(is_valid, scores_, -1.0)
        loc_ = loc_ * jnp.asarray([Z_SCALE, scale, scale])
        scores.append(scores_.reshape(-1))
        locations.append(loc_.reshape(-1, 3))
        clss.append(clss_.reshape(-1))
    scores = jnp.concatenate(scores)
    locations = jnp.concatenate(locations)
    clss = jnp.concatenate(clss)
    topk = scores.shape[0]  # pre_nms_topk = -1 -> keep all
    scores, selections = jax.lax.top_k(scores, topk)
    locations = locations[selections]
    clss = clss[selections]
    threshold = 1.0 / NMS_THRESHOLD / NMS_THRESHOLD
    out_scores, out_locs, sel = non_max_suppression(scores, locations, MAX_OUTPUT, threshold, MIN_SCORE)
    idx_of_selected = jnp.argwhere(sel, size=MAX_OUTPUT, fill_value=-1).squeeze(-1)
    out_clss = jnp.where(idx_of_selected >= 0, clss[idx_of_selected], -1)
    out_locs = out_locs / jnp.asarray([Z_SCALE, 1.0, 1.0])
    return out_scores, out_locs, out_clss


def setup_inputs(seed: int = 0):
    key = jax.random.key(seed)
    ks = jax.random.split(key, 6)
    shapes = [(1, 128, 128), (1, 64, 64), (1, 32, 32)]
    inp = {}
    for i, (d, h, w) in enumerate(shapes):
        inp[f"cls_logits_{i}"] = jax.random.normal(ks[2 * i], (d, h, w, N_CLS + 1), dtype=jnp.float32)
        inp[f"regressions_{i}"] = jax.random.normal(ks[2 * i + 1], (d, h, w, 3), dtype=jnp.float32)
    return inp


def reference(cls_logits_0, regressions_0, cls_logits_1, regressions_1, cls_logits_2, regressions_2):
    levels = [
        (cls_logits_0, regressions_0),
        (cls_logits_1, regressions_1),
        (cls_logits_2, regressions_2),
    ]
    return generate_predictions(levels)

if __name__ == "__main__":
    import jax
    _d = setup_inputs()
    print(jax.jit(kernel)(*tuple(_d.values())))

</pallas_src>

<mosaic_0001>
#map = affine_map<(d0, d1) -> (0)>
module attributes {stable_mosaic.version = 14 : i64} {
  func.func @_nms_body(%arg0: i32, %arg1: i32, %arg2: memref<21504xf32, #tpu.memory_space<hbm>>, %arg3: memref<21504xf32, #tpu.memory_space<hbm>>, %arg4: memref<21504xf32, #tpu.memory_space<hbm>>, %arg5: memref<21504xf32, #tpu.memory_space<hbm>>, %arg6: memref<512xf32, #tpu.memory_space<hbm>>, %arg7: memref<512xf32, #tpu.memory_space<hbm>>, %arg8: memref<512xf32, #tpu.memory_space<hbm>>, %arg9: memref<512xf32, #tpu.memory_space<hbm>>, %arg10: memref<512xi32, #tpu.memory_space<hbm>>, %arg11: memref<1344xf32, #tpu.memory_space<vmem>>, %arg12: memref<1344xf32, #tpu.memory_space<vmem>>, %arg13: memref<1344xf32, #tpu.memory_space<vmem>>, %arg14: memref<1344xf32, #tpu.memory_space<vmem>>, %arg15: memref<16xf32, #tpu.memory_space<vmem>>, %arg16: memref<256xf32, #tpu.memory_space<vmem>>, %arg17: memref<512xf32, #tpu.memory_space<vmem>>, %arg18: memref<512xf32, #tpu.memory_space<vmem>>, %arg19: memref<512xf32, #tpu.memory_space<vmem>>, %arg20: memref<512xf32, #tpu.memory_space<vmem>>, %arg21: memref<512xi32, #tpu.memory_space<vmem>>, %arg22: memref<8xi32, #tpu.memory_space<smem>>, %arg23: memref<8xf32, #tpu.memory_space<smem>>, %arg24: memref<512xf32, #tpu.memory_space<vmem_shared>>) attributes {dimension_semantics = [#tpu.dimension_semantics<core_parallel>, #tpu.dimension_semantics<subcore_parallel>], iteration_bounds = array<i64: 1, 16>, scalar_prefetch = 0 : i64, scratch_operands = 14 : i64, tpu.core_type = #tpu.core_type<sc_vector_subcore>, window_params = [{transform_indices = #map}, {transform_indices = #map}, {transform_indices = #map}, {transform_indices = #map}, {transform_indices = #map}, {transform_indices = #map}, {transform_indices = #map}, {transform_indices = #map}, {transform_indices = #map}]} {
    %mul3A = arith.constant 1344 : i32
    %mul3A_0 = arith.muli %arg1, %mul3A : i32
    "tpu.region"() ({
      %run_scoped3A = tpu.sem_alloc : memref<!tpu.dma_semaphore, #tpu.memory_space<semaphore_mem>>
      %dma_start3A = tpu.memref_slice %arg2[%mul3A_0] : memref<21504xf32, #tpu.memory_space<hbm>> -> memref<1344xf32, #tpu.memory_space<hbm>>
      %dma_start3A_685 = tpu.memref_slice %arg2[%mul3A_0] : memref<21504xf32, #tpu.memory_space<hbm>> -> memref<1344xf32, #tpu.memory_space<hbm>>
      tpu.enqueue_dma source(%dma_start3A_685 : memref<1344xf32, #tpu.memory_space<hbm>>) target(%arg11 : memref<1344xf32, #tpu.memory_space<vmem>>) target_semaphore(%run_scoped3A : memref<!tpu.dma_semaphore, #tpu.memory_space<semaphore_mem>>)
      %dma_wait3A = tpu.memref_slice %arg2[%mul3A_0] : memref<21504xf32, #tpu.memory_space<hbm>> -> memref<1344xf32, #tpu.memory_space<hbm>>
      %dma_wait3A_686 = tpu.memref_slice %arg2[%mul3A_0] : memref<21504xf32, #tpu.memory_space<hbm>> -> memref<1344xf32, #tpu.memory_space<hbm>>
      tpu.wait_dma2 semaphore(%run_scoped3A : memref<!tpu.dma_semaphore, #tpu.memory_space<semaphore_mem>>) src(%dma_wait3A_686 : memref<1344xf32, #tpu.memory_space<hbm>>) dst(%arg11 : memref<1344xf32, #tpu.memory_space<vmem>>)
      tpu.yield
    }) : () -> ()
    "tpu.region"() ({
      %run_scoped3A = tpu.sem_alloc : memref<!tpu.dma_semaphore, #tpu.memory_space<semaphore_mem>>
      %dma_start3A = tpu.memref_slice %arg3[%mul3A_0] : memref<21504xf32, #tpu.memory_space<hbm>> -> memref<1344xf32, #tpu.memory_space<hbm>>
      %dma_start3A_685 = tpu.memref_slice %arg3[%mul3A_0] : memref<21504xf32, #tpu.memory_space<hbm>> -> memref<1344xf32, #tpu.memory_space<hbm>>
      tpu.enqueue_dma source(%dma_start3A_685 : memref<1344xf32, #tpu.memory_space<hbm>>) target(%arg12 : memref<1344xf32, #tpu.memory_space<vmem>>) target_semaphore(%run_scoped3A : memref<!tpu.dma_semaphore, #tpu.memory_space<semaphore_mem>>)
      %dma_wait3A = tpu.memref_slice %arg3[%mul3A_0] : memref<21504xf32, #tpu.memory_space<hbm>> -> memref<1344xf32, #tpu.memory_space<hbm>>
      %dma_wait3A_686 = tpu.memref_slice %arg3[%mul3A_0] : memref<21504xf32, #tpu.memory_space<hbm>> -> memref<1344xf32, #tpu.memory_space<hbm>>
      tpu.wait_dma2 semaphore(%run_scoped3A : memref<!tpu.dma_semaphore, #tpu.memory_space<semaphore_mem>>) src(%dma_wait3A_686 : memref<1344xf32, #tpu.memory_space<hbm>>) dst(%arg12 : memref<1344xf32, #tpu.memory_space<vmem>>)
      tpu.yield
    }) : () -> ()
    "tpu.region"() ({
      %run_scoped3A = tpu.sem_alloc : memref<!tpu.dma_semaphore, #tpu.memory_space<semaphore_mem>>
      %dma_start3A = tpu.memref_slice %arg4[%mul3A_0] : memref<21504xf32, #tpu.memory_space<hbm>> -> memref<1344xf32, #tpu.memory_space<hbm>>
      %dma_start3A_685 = tpu.memref_slice %arg4[%mul3A_0] : memref<21504xf32, #tpu.memory_space<hbm>> -> memref<1344xf32, #tpu.memory_space<hbm>>
      tpu.enqueue_dma source(%dma_start3A_685 : memref<1344xf32, #tpu.memory_space<hbm>>) target(%arg13 : memref<1344xf32, #tpu.memory_space<vmem>>) target_semaphore(%run_scoped3A : memref<!tpu.dma_semaphore, #tpu.memory_space<semaphore_mem>>)
      %dma_wait3A = tpu.memref_slice %arg4[%mul3A_0] : memref<21504xf32, #tpu.memory_space<hbm>> -> memref<1344xf32, #tpu.memory_space<hbm>>
      %dma_wait3A_686 = tpu.memref_slice %arg4[%mul3A_0] : memref<21504xf32, #tpu.memory_space<hbm>> -> memref<1344xf32, #tpu.memory_space<hbm>>
      tpu.wait_dma2 semaphore(%run_scoped3A : memref<!tpu.dma_semaphore, #tpu.memory_space<semaphore_mem>>) src(%dma_wait3A_686 : memref<1344xf32, #tpu.memory_space<hbm>>) dst(%arg13 : memref<1344xf32, #tpu.memory_space<vmem>>)
      tpu.yield
    }) : () -> ()
    "tpu.region"() ({
      %run_scoped3A = tpu.sem_alloc : memref<!tpu.dma_semaphore, #tpu.memory_space<semaphore_mem>>
      %dma_start3A = tpu.memref_slice %arg5[%mul3A_0] : memref<21504xf32, #tpu.memory_space<hbm>> -> memref<1344xf32, #tpu.memory_space<hbm>>
      %dma_start3A_685 = tpu.memref_slice %arg5[%mul3A_0] : memref<21504xf32, #tpu.memory_space<hbm>> -> memref<1344xf32, #tpu.memory_space<hbm>>
      tpu.enqueue_dma source(%dma_start3A_685 : memref<1344xf32, #tpu.memory_space<hbm>>) target(%arg14 : memref<1344xf32, #tpu.memory_space<vmem>>) target_semaphore(%run_scoped3A : memref<!tpu.dma_semaphore, #tpu.memory_space<semaphore_mem>>)
      %dma_wait3A = tpu.memref_slice %arg5[%mul3A_0] : memref<21504xf32, #tpu.memory_space<hbm>> -> memref<1344xf32, #tpu.memory_space<hbm>>
      %dma_wait3A_686 = tpu.memref_slice %arg5[%mul3A_0] : memref<21504xf32, #tpu.memory_space<hbm>> -> memref<1344xf32, #tpu.memory_space<hbm>>
      tpu.wait_dma2 semaphore(%run_scoped3A : memref<!tpu.dma_semaphore, #tpu.memory_space<semaphore_mem>>) src(%dma_wait3A_686 : memref<1344xf32, #tpu.memory_space<hbm>>) dst(%arg14 : memref<1344xf32, #tpu.memory_space<vmem>>)
      tpu.yield
    }) : () -> ()
    %iota3A = tpu.iota {dimensions = array<i32: 0>} : vector<16xi32>
    %convert_element_type3A = arith.sitofp %iota3A : vector<16xi32> to vector<16xf32>
    %mul3A_1 = arith.constant 1344 : i32
    %mul3A_2 = arith.muli %arg1, %mul3A_1 : i32
    %convert_element_type3A_3 = arith.sitofp %mul3A_2 : i32 to f32
    %broadcast_in_dim3A = arith.constant -1.000000e+00 : f32
    %broadcast_in_dim3A_4 = vector.broadcast %broadcast_in_dim3A : f32 to vector<16xf32>
    %broadcast_in_dim3A_5 = arith.constant 0.000000e+00 : f32
    %broadcast_in_dim3A_6 = vector.broadcast %broadcast_in_dim3A_5 : f32 to vector<16xf32>
    %broadcast_in_dim3A_7 = arith.constant -1 : i32
    %broadcast_in_dim3A_8 = vector.broadcast %broadcast_in_dim3A_7 : i32 to vector<16xi32>
    %swap3A = arith.constant 0 : index
    %swap3A_9 = tpu.vector_load %arg17[%swap3A] {strides = array<i32>} : memref<512xf32, #tpu.memory_space<vmem>>, vector<16xf32>,
    %swap3A_10 = vector.shape_cast %swap3A_9 : vector<16xf32> to vector<16xf32>
    %swap3A_11 = vector.shape_cast %broadcast_in_dim3A_4 : vector<16xf32> to vector<16xf32>
    tpu.vector_store %arg17[%swap3A], %swap3A_11 {strides = array<i32>} : memref<512xf32, #tpu.memory_space<vmem>>, vector<16xf32>,
    %swap3A_12 = arith.constant 0 : index
    %swap3A_13 = tpu.vector_load %arg18[%swap3A_12] {strides = array<i32>} : memref<512xf32, #tpu.memory_space<vmem>>, vector<16xf32>,
    %swap3A_14 = vector.shape_cast %swap3A_13 : vector<16xf32> to vector<16xf32>
    %swap3A_15 = vector.shape_cast %broadcast_in_dim3A_6 : vector<16xf32> to vector<16xf32>
    tpu.vector_store %arg18[%swap3A_12], %swap3A_15 {strides = array<i32>} : memref<512xf32, #tpu.memory_space<vmem>>, vector<16xf32>,
    %swap3A_16 = arith.constant 0 : index
    %swap3A_17 = tpu.vector_load %arg19[%swap3A_16] {strides = array<i32>} : memref<512xf32, #tpu.memory_space<vmem>>, vector<16xf32>,
    %swap3A_18 = vector.shape_cast %swap3A_17 : vector<16xf32> to vector<16xf32>
    %swap3A_19 = vector.shape_cast %broadcast_in_dim3A_6 : vector<16xf32> to vector<16xf32>
    tpu.vector_store %arg19[%swap3A_16], %swap3A_19 {strides = array<i32>} : memref<512xf32, #tpu.memory_space<vmem>>, vector<16xf32>,
    %swap3A_20 = arith.constant 0 : index
    %swap3A_21 = tpu.vector_load %arg20[%swap3A_20] {strides = array<i32>} : memref<512xf32, #tpu.memory_space<vmem>>, vector<16xf32>,
    %swap3A_22 = vector.shape_cast %swap3A_21 : vector<16xf32> to vector<16xf32>
    %swap3A_23 = vector.shape_cast %broadcast_in_dim3A_6 : vector<16xf32> to vector<16xf32>
    tpu.vector_store %arg20[%swap3A_20], %swap3A_23 {strides = array<i32>} : memref<512xf32, #tpu.memory_space<vmem>>, vector<16xf32>,
    %swap3A_24 = arith.constant 0 : index
    %swap3A_25 = tpu.vector_load %arg21[%swap3A_24] {strides = array<i32>} : memref<512xi32, #tpu.memory_space<vmem>>, vector<16xi32>,
    %swap3A_26 = vector.shape_cast %swap3A_25 : vector<16xi32> to vector<16xi32>
    %swap3A_27 = vector.shape_cast %broadcast_in_dim3A_8 : vector<16xi32> to vector<16xi32>
    tpu.vector_store %arg21[%swap3A_24], %swap3A_27 {strides = array<i32>} : memref<512xi32, #tpu.memory_space<vmem>>, vector<16xi32>,
    %swap3A_28 = arith.constant 16 : index
    %swap3A_29 = tpu.vector_load %arg17[%swap3A_28] {strides = array<i32>} : memref<512xf32, #tpu.memory_space<vmem>>, vector<16xf32>,
    %swap3A_30 = vector.shape_cast %swap3A_29 : vector<16xf32> to vector<16xf32>
    %swap3A_31 = vector.shape_cast %broadcast_in_dim3A_4 : vector<16xf32> to vector<16xf32>
    tpu.vector_store %arg17[%swap3A_28], %swap3A_31 {strides = array<i32>} : memref<512xf32, #tpu.memory_space<vmem>>, vector<16xf32>,
    %swap3A_32 = arith.constant 16 : index
    %swap3A_33 = tpu.vector_load %arg18[%swap3A_32] {strides = array<i32>} : memref<512xf32, #tpu.memory_space<vmem>>, vector<16xf32>,
    %swap3A_34 = vector.shape_cast %swap3A_33 : vector<16xf32> to vector<16xf32>
    %swap3A_35 = vector.shape_cast %broadcast_in_dim3A_6 : vector<16xf32> to vector<16xf32>
    tpu.vector_store %arg18[%swap3A_32], %swap3A_35 {strides = array<i32>} : memref<512xf32, #tpu.memory_space<vmem>>, vector<16xf32>,
    %swap3A_36 = arith.constant 16 : index
    %swap3A_37 = tpu.vector_load %arg19[%swap3A_36] {strides = array<i32>} : memref<512xf32, #tpu.memory_space<vmem>>, vector<16xf32>,
    %swap3A_38 = vector.shape_cast %swap3A_37 : vector<16xf32> to vector<16xf32>
    %swap3A_39 = vector.shape_cast %broadcast_in_dim3A_6 : vector<16xf32> to vector<16xf32>
    tpu.vector_store %arg19[%swap3A_36], %swap3A_39 {strides = array<i32>} : memref<512xf32, #tpu.memory_space<vmem>>, vector<16xf32>,
    %swap3A_40 = arith.constant 16 : index
    %swap3A_41 = tpu.vector_load %arg20[%swap3A_40] {strides = array<i32>} : memref<512xf32, #tpu.memory_space<vmem>>, vector<16xf32>,
    %swap3A_42 = vector.shape_cast %swap3A_41 : vector<16xf32> to vector<16xf32>
    %swap3A_43 = vector.shape_cast %broadcast_in_dim3A_6 : vector<16xf32> to vector<16xf32>
    tpu.vector_store %arg20[%swap3A_40], %swap3A_43 {strides = array<i32>} : memref<512xf32, #tpu.memory_space<vmem>>, vector<16xf32>,
    %swap3A_44 = arith.constant 16 : index
    %swap3A_45 = tpu.vector_load %arg21[%swap3A_44] {strides = array<i32>} : memref<512xi32, #tpu.memory_space<vmem>>, vector<16xi32>,
    %swap3A_46 = vector.shape_cast %swap3A_45 : vector<16xi32> to vector<16xi32>
    %swap3A_47 = vector.shape_cast %broadcast_in_dim3A_8 : vector<16xi32> to vector<16xi32>
    tpu.vector_store %arg21[%swap3A_44], %swap3A_47 {strides = array<i32>} : memref<512xi32, #tpu.memory_space<vmem>>, vector<16xi32>,
    %swap3A_48 = arith.constant 32 : index
    %swap3A_49 = tpu.vector_load %arg17[%swap3A_48] {strides = array<i32>} : memref<512xf32, #tpu.memory_space<vmem>>, vector<16xf32>,
    %swap3A_50 = vector.shape_cast %swap3A_49 : vector<16xf32> to vector<16xf32>
    %swap3A_51 = vector.shape_cast %broadcast_in_dim3A_4 : vector<16xf32> to vector<16xf32>
    tpu.vector_store %arg17[%swap3A_48], %swap3A_51 {strides = array<i32>} : memref<512xf32, #tpu.memory_space<vmem>>, vector<16xf32>,
    %swap3A_52 = arith.constant 32 : index
    %swap3A_53 = tpu.vector_load %arg18[%swap3A_52] {strides = array<i32>} : memref<512xf32, #tpu.memory_space<vmem>>, vector<16xf32>,
    %swap3A_54 = vector.shape_cast %swap3A_53 : vector<16xf32> to vector<16xf32>
    %swap3A_55 = vector.shape_cast %broadcast_in_dim3A_6 : vector<16xf32> to vector<16xf32>
    tpu.vector_store %arg18[%swap3A_52], %swap3A_55 {strides = array<i32>} : memref<512xf32, #tpu.memory_space<vmem>>, vector<16xf32>,
    %swap3A_56 = arith.constant 32 : index
    %swap3A_57 = tpu.vector_load %arg19[%swap3A_56] {strides = array<i32>} : memref<512xf32, #tpu.memory_space<vmem>>, vector<16xf32>,
    %swap3A_58 = vector.shape_cast %swap3A_57 : vector<16xf32> to vector<16xf32>
    %swap3A_59 = vector.shape_cast %broadcast_in_dim3A_6 : vector<16xf32> to vector<16xf32>
    tpu.vector_store %arg19[%swap3A_56], %swap3A_59 {strides = array<i32>} : memref<512xf32, #tpu.memory_space<vmem>>, vector<16xf32>,
    %swap3A_60 = arith.constant 32 : index
    %swap3A_61 = tpu.vector_load %arg20[%swap3A_60] {strides = array<i32>} : memref<512xf32, #tpu.memory_space<vmem>>, vector<16xf32>,
    %swap3A_62 = vector.shape_cast %swap3A_61 : vector<16xf32> to vector<16xf32>
    %swap3A_63 = vector.shape_cast %broadcast_in_dim3A_6 : vector<16xf32> to vector<16xf32>
    tpu.vector_store %arg20[%swap3A_60], %swap3A_63 {strides = array<i32>} : memref<512xf32, #tpu.memory_space<vmem>>, vector<16xf32>,
    %swap3A_64 = arith.constant 32 : index
    %swap3A_65 = tpu.vector_load %arg21[%swap3A_64] {strides = array<i32>} : memref<512xi32, #tpu.memory_space<vmem>>, vector<16xi32>,
    %swap3A_66 = vector.shape_cast %swap3A_65 : vector<16xi32> to vector<16xi32>
    %swap3A_67 = vector.shape_cast %broadcast_in_dim3A_8 : vector<16xi32> to vector<16xi32>
    tpu.vector_store %arg21[%swap3A_64], %swap3A_67 {strides = array<i32>} : memref<512xi32, #tpu.memory_space<vmem>>, vector<16xi32>,
    %swap3A_68 = arith.constant 48 : index
    %swap3A_69 = tpu.vector_load %arg17[%swap3A_68] {strides = array<i32>} : memref<512xf32, #tpu.memory_space<vmem>>, vector<16xf32>,
    %swap3A_70 = vector.shape_cast %swap3A_69 : vector<16xf32> to vector<16xf32>
    %swap3A_71 = vector.shape_cast %broadcast_in_dim3A_4 : vector<16xf32> to vector<16xf32>
    tpu.vector_store %arg17[%swap3A_68], %swap3A_71 {strides = array<i32>} : memref<512xf32, #tpu.memory_space<vmem>>, vector<16xf32>,
    %swap3A_72 = arith.constant 48 : index
    %swap3A_73 = tpu.vector_load %arg18[%swap3A_72] {strides = array<i32>} : memref<512xf32, #tpu.memory_space<vmem>>, vector<16xf32>,
    %swap3A_74 = vector.shape_cast %swap3A_73 : vector<16xf32> to vector<16xf32>
    %swap3A_75 = vector.shape_cast %broadcast_in_dim3A_6 : vector<16xf32> to vector<16xf32>
    tpu.vector_store %arg18[%swap3A_72], %swap3A_75 {strides = array<i32>} : memref<512xf32, #tpu.memory_space<vmem>>, vector<16xf32>,
    %swap3A_76 = arith.constant 48 : index
    %swap3A_77 = tpu.vector_load %arg19[%swap3A_76] {strides = array<i32>} : memref<512xf32, #tpu.memory_space<vmem>>, vector<16xf32>,
    %swap3A_78 = vector.shape_cast %swap3A_77 : vector<16xf32> to vector<16xf32>
    %swap3A_79 = vector.shape_cast %broadcast_in_dim3A_6 : vector<16xf32> to vector<16xf32>
    tpu.vector_store %arg19[%swap3A_76], %swap3A_79 {strides = array<i32>} : memref<512xf32, #tpu.memory_space<vmem>>, vector<16xf32>,
    %swap3A_80 = arith.constant 48 : index
    %swap3A_81 = tpu.vector_load %arg20[%swap3A_80] {strides = array<i32>} : memref<512xf32, #tpu.memory_space<vmem>>, vector<16xf32>,
    %swap3A_82 = vector.shape_cast %swap3A_81 : vector<16xf32> to vector<16xf32>
    %swap3A_83 = vector.shape_cast %broadcast_in_dim3A_6 : vector<16xf32> to vector<16xf32>
    tpu.vector_store %arg20[%swap3A_80], %swap3A_83 {strides = array<i32>} : memref<512xf32, #tpu.memory_space<vmem>>, vector<16xf32>,
    %swap3A_84 = arith.constant 48 : index
    %swap3A_85 = tpu.vector_load %arg21[%swap3A_84] {strides = array<i32>} : memref<512xi32, #tpu.memory_space<vmem>>, vector<16xi32>,
    %swap3A_86 = vector.shape_cast %swap3A_85 : vector<16xi32> to vector<16xi32>
    %swap3A_87 = vector.shape_cast %broadcast_in_dim3A_8 : vector<16xi32> to vector<16xi32>
    tpu.vector_store %arg21[%swap3A_84], %swap3A_87 {strides = array<i32>} : memref<512xi32, #tpu.memory_space<vmem>>, vector<16xi32>,
    %swap3A_88 = arith.constant 64 : index
    %swap3A_89 = tpu.vector_load %arg17[%swap3A_88] {strides = array<i32>} : memref<512xf32, #tpu.memory_space<vmem>>, vector<16xf32>,
    %swap3A_90 = vector.shape_cast %swap3A_89 : vector<16xf32> to vector<16xf32>
    %swap3A_91 = vector.shape_cast %broadcast_in_dim3A_4 : vector<16xf32> to vector<16xf32>
    tpu.vector_store %arg17[%swap3A_88], %swap3A_91 {strides = array<i32>} : memref<512xf32, #tpu.memory_space<vmem>>, vector<16xf32>,
    %swap3A_92 = arith.constant 64 : index
    %swap3A_93 = tpu.vector_load %arg18[%swap3A_92] {strides = array<i32>} : memref<512xf32, #tpu.memory_space<vmem>>, vector<16xf32>,
    %swap3A_94 = vector.shape_cast %swap3A_93 : vector<16xf32> to vector<16xf32>
    %swap3A_95 = vector.shape_cast %broadcast_in_dim3A_6 : vector<16xf32> to vector<16xf32>
    tpu.vector_store %arg18[%swap3A_92], %swap3A_95 {strides = array<i32>} : memref<512xf32, #tpu.memory_space<vmem>>, vector<16xf32>,
    %swap3A_96 = arith.constant 64 : index
    %swap3A_97 = tpu.vector_load %arg19[%swap3A_96] {strides = array<i32>} : memref<512xf32, #tpu.memory_space<vmem>>, vector<16xf32>,
    %swap3A_98 = vector.shape_cast %swap3A_97 : vector<16xf32> to vector<16xf32>
    %swap3A_99 = vector.shape_cast %broadcast_in_dim3A_6 : vector<16xf32> to vector<16xf32>
    tpu.vector_store %arg19[%swap3A_96], %swap3A_99 {strides = array<i32>} : memref<512xf32, #tpu.memory_space<vmem>>, vector<16xf32>,
    %swap3A_100 = arith.constant 64 : index
    %swap3A_101 = tpu.vector_load %arg20[%swap3A_100] {strides = array<i32>} : memref<512xf32, #tpu.memory_space<vmem>>, vector<16xf32>,
    %swap3A_102 = vector.shape_cast %swap3A_101 : vector<16xf32> to vector<16xf32>
    %swap3A_103 = vector.shape_cast %broadcast_in_dim3A_6 : vector<16xf32> to vector<16xf32>
    tpu.vector_store %arg20[%swap3A_100], %swap3A_103 {strides = array<i32>} : memref<512xf32, #tpu.memory_space<vmem>>, vector<16xf32>,
    %swap3A_104 = arith.constant 64 : index
    %swap3A_105 = tpu.vector_load %arg21[%swap3A_104] {strides = array<i32>} : memref<512xi32, #tpu.memory_space<vmem>>, vector<16xi32>,
    %swap3A_106 = vector.shape_cast %swap3A_105 : vector<16xi32> to vector<16xi32>
    %swap3A_107 = vector.shape_cast %broadcast_in_dim3A_8 : vector<16xi32> to vector<16xi32>
    tpu.vector_store %arg21[%swap3A_104], %swap3A_107 {strides = array<i32>} : memref<512xi32, #tpu.memory_space<vmem>>, vector<16xi32>,
    %swap3A_108 = arith.constant 80 : index
    %swap3A_109 = tpu.vector_load %arg17[%swap3A_108] {strides = array<i32>} : memref<512xf32, #tpu.memory_space<vmem>>, vector<16xf32>,
    %swap3A_110 = vector.shape_cast %swap3A_109 : vector<16xf32> to vector<16xf32>
    %swap3A_111 = vector.shape_cast %broadcast_in_dim3A_4 : vector<16xf32> to vector<16xf32>
    tpu.vector_store %arg17[%swap3A_108], %swap3A_111 {strides = array<i32>} : memref<512xf32, #tpu.memory_space<vmem>>, vector<16xf32>,
    %swap3A_112 = arith.constant 80 : index
    %swap3A_113 = tpu.vector_load %arg18[%swap3A_112] {strides = array<i32>} : memref<512xf32, #tpu.memory_space<vmem>>, vector<16xf32>,
    %swap3A_114 = vector.shape_cast %swap3A_113 : vector<16xf32> to vector<16xf32>
    %swap3A_115 = vector.shape_cast %broadcast_in_dim3A_6 : vector<16xf32> to vector<16xf32>
    tpu.vector_store %arg18[%swap3A_112], %swap3A_115 {strides = array<i32>} : memref<512xf32, #tpu.memory_space<vmem>>, vector<16xf32>,
    %swap3A_116 = arith.constant 80 : index
    %swap3A_117 = tpu.vector_load %arg19[%swap3A_116] {strides = array<i32>} : memref<512xf32, #tpu.memory_space<vmem>>, vector<16xf32>,
    %swap3A_118 = vector.shape_cast %swap3A_117 : vector<16xf32> to vector<16xf32>
    %swap3A_119 = vector.shape_cast %broadcast_in_dim3A_6 : vector<16xf32> to vector<16xf32>
    tpu.vector_store %arg19[%swap3A_116], %swap3A_119 {strides = array<i32>} : memref<512xf32, #tpu.memory_space<vmem>>, vector<16xf32>,
    %swap3A_120 = arith.constant 80 : index
    %swap3A_121 = tpu.vector_load %arg20[%swap3A_120] {strides = array<i32>} : memref<512xf32, #tpu.memory_space<vmem>>, vector<16xf32>,
    %swap3A_122 = vector.shape_cast %swap3A_121 : vector<16xf32> to vector<16xf32>
    %swap3A_123 = vector.shape_cast %broadcast_in_dim3A_6 : vector<16xf32> to vector<16xf32>
    tpu.vector_store %arg20[%swap3A_120], %swap3A_123 {strides = array<i32>} : memref<512xf32, #tpu.memory_space<vmem>>, vector<16xf32>,
    %swap3A_124 = arith.constant 80 : index
    %swap3A_125 = tpu.vector_load %arg21[%swap3A_124] {strides = array<i32>} : memref<512xi32, #tpu.memory_space<vmem>>, vector<16xi32>,
    %swap3A_126 = vector.shape_cast %swap3A_125 : vector<16xi32> to vector<16xi32>
    %swap3A_127 = vector.shape_cast %broadcast_in_dim3A_8 : vector<16xi32> to vector<16xi32>
    tpu.vector_store %arg21[%swap3A_124], %swap3A_127 {strides = array<i32>} : memref<512xi32, #tpu.memory_space<vmem>>, vector<16xi32>,
    %swap3A_128 = arith.constant 96 : index
    %swap3A_129 = tpu.vector_load %arg17[%swap3A_128] {strides = array<i32>} : memref<512xf32, #tpu.memory_space<vmem>>, vector<16xf32>,
    %swap3A_130 = vector.shape_cast %swap3A_129 : vector<16xf32> to vector<16xf32>
    %swap3A_131 = vector.shape_cast %broadcast_in_dim3A_4 : vector<16xf32> to vector<16xf32>
    tpu.vector_store %arg17[%swap3A_128], %swap3A_131 {strides = array<i32>} : memref<512xf32, #tpu.memory_space<vmem>>, vector<16xf32>,
    %swap3A_132 = arith.constant 96 : index
    %swap3A_133 = tpu.vector_load %arg18[%swap3A_132] {strides = array<i32>} : memref<512xf32, #tpu.memory_space<vmem>>, vector<16xf32>,
    %swap3A_134 = vector.shape_cast %swap3A_133 : vector<16xf32> to vector<16xf32>
    %swap3A_135 = vector.shape_cast %broadcast_in_dim3A_6 : vector<16xf32> to vector<16xf32>
    tpu.vector_store %arg18[%swap3A_132], %swap3A_135 {strides = array<i32>} : memref<512xf32, #tpu.memory_space<vmem>>, vector<16xf32>,
    %swap3A_136 = arith.constant 96 : index
    %swap3A_137 = tpu.vector_load %arg19[%swap3A_136] {strides = array<i32>} : memref<512xf32, #tpu.memory_space<vmem>>, vector<16xf32>,
    %swap3A_138 = vector.shape_cast %swap3A_137 : vector<16xf32> to vector<16xf32>
    %swap3A_139 = vector.shape_cast %broadcast_in_dim3A_6 : vector<16xf32> to vector<16xf32>
    tpu.vector_store %arg19[%swap3A_136], %swap3A_139 {strides = array<i32>} : memref<512xf32, #tpu.memory_space<vmem>>, vector<16xf32>,
    %swap3A_140 = arith.constant 96 : index
    %swap3A_141 = tpu.vector_load %arg20[%swap3A_140] {strides = array<i32>} : memref<512xf32, #tpu.memory_space<vmem>>, vector<16xf32>,
    %swap3A_142 = vector.shape_cast %swap3A_141 : vector<16xf32> to vector<16xf32>
    %swap3A_143 = vector.shape_cast %broadcast_in_dim3A_6 : vector<16xf32> to vector<16xf32>
    tpu.vector_store %arg20[%swap3A_140], %swap3A_143 {strides = array<i32>} : memref<512xf32, #tpu.memory_space<vmem>>, vector<16xf32>,
    %swap3A_144 = arith.constant 96 : index
    %swap3A_145 = tpu.vector_load %arg21[%swap3A_144] {strides = array<i32>} : memref<512xi32, #tpu.memory_space<vmem>>, vector<16xi32>,
    %swap3A_146 = vector.shape_cast %swap3A_145 : vector<16xi32> to vector<16xi32>
    %swap3A_147 = vector.shape_cast %broadcast_in_dim3A_8 : vector<16xi32> to vector<16xi32>
    tpu.vector_store %arg21[%swap3A_144], %swap3A_147 {strides = array<i32>} : memref<512xi32, #tpu.memory_space<vmem>>, vector<16xi32>,
    %swap3A_148 = arith.constant 112 : index
    %swap3A_149 = tpu.vector_load %arg17[%swap3A_148] {strides = array<i32>} : memref<512xf32, #tpu.memory_space<vmem>>, vector<16xf32>,
    %swap3A_150 = vector.shape_cast %swap3A_149 : vector<16xf32> to vector<16xf32>
    %swap3A_151 = vector.shape_cast %broadcast_in_dim3A_4 : vector<16xf32> to vector<16xf32>
    tpu.vector_store %arg17[%swap3A_148], %swap3A_151 {strides = array<i32>} : memref<512xf32, #tpu.memory_space<vmem>>, vector<16xf32>,
    %swap3A_152 = arith.constant 112 : index
    %swap3A_153 = tpu.vector_load %arg18[%swap3A_152] {strides = array<i32>} : memref<512xf32, #tpu.memory_space<vmem>>, vector<16xf32>,
    %swap3A_154 = vector.shape_cast %swap3A_153 : vector<16xf32> to vector<16xf32>
    %swap3A_155 = vector.shape_cast %broadcast_in_dim3A_6 : vector<16xf32> to vector<16xf32>
    tpu.vector_store %arg18[%swap3A_152], %swap3A_155 {strides = array<i32>} : memref<512xf32, #tpu.memory_space<vmem>>, vector<16xf32>,
    %swap3A_156 = arith.constant 112 : index
    %swap3A_157 = tpu.vector_load %arg19[%swap3A_156] {strides = array<i32>} : memref<512xf32, #tpu.memory_space<vmem>>, vector<16xf32>,
    %swap3A_158 = vector.shape_cast %swap3A_157 : vector<16xf32> to vector<16xf32>
    %swap3A_159 = vector.shape_cast %broadcast_in_dim3A_6 : vector<16xf32> to vector<16xf32>
    tpu.vector_store %arg19[%swap3A_156], %swap3A_159 {strides = array<i32>} : memref<512xf32, #tpu.memory_space<vmem>>, vector<16xf32>,
    %swap3A_160 = arith.constant 112 : index
    %swap3A_161 = tpu.vector_load %arg20[%swap3A_160] {strides = array<i32>} : memref<512xf32, #tpu.memory_space<vmem>>, vector<16xf32>,
    %swap3A_162 = vector.shape_cast %swap3A_161 : vector<16xf32> to vector<16xf32>
    %swap3A_163 = vector.shape_cast %broadcast_in_dim3A_6 : vector<16xf32> to vector<16xf32>
    tpu.vector_store %arg20[%swap3A_160], %swap3A_163 {strides = array<i32>} : memref<512xf32, #tpu.memory_space<vmem>>, vector<16xf32>,
    %swap3A_164 = arith.constant 112 : index
    %swap3A_165 = tpu.vector_load %arg21[%swap3A_164] {strides = array<i32>} : memref<512xi32, #tpu.memory_space<vmem>>, vector<16xi32>,
    %swap3A_166 = vector.shape_cast %swap3A_165 : vector<16xi32> to vector<16xi32>
    %swap3A_167 = vector.shape_cast %broadcast_in_dim3A_8 : vector<16xi32> to vector<16xi32>
    tpu.vector_store %arg21[%swap3A_164], %swap3A_167 {strides = array<i32>} : memref<512xi32, #tpu.memory_space<vmem>>, vector<16xi32>,
    %swap3A_168 = arith.constant 128 : index
    %swap3A_169 = tpu.vector_load %arg17[%swap3A_168] {strides = array<i32>} : memref<512xf32, #tpu.memory_space<vmem>>, vector<16xf32>,
    %swap3A_170 = vector.shape_cast %swap3A_169 : vector<16xf32> to vector<16xf32>
    %swap3A_171 = vector.shape_cast %broadcast_in_dim3A_4 : vector<16xf32> to vector<16xf32>
    tpu.vector_store %arg17[%swap3A_168], %swap3A_171 {strides = array<i32>} : memref<512xf32, #tpu.memory_space<vmem>>, vector<16xf32>,
    %swap3A_172 = arith.constant 128 : index
    %swap3A_173 = tpu.vector_load %arg18[%swap3A_172] {strides = array<i32>} : memref<512xf32, #tpu.memory_space<vmem>>, vector<16xf32>,
    %swap3A_174 = vector.shape_cast %swap3A_173 : vector<16xf32> to vector<16xf32>
    %swap3A_175 = vector.shape_cast %broadcast_in_dim3A_6 : vector<16xf32> to vector<16xf32>
    tpu.vector_store %arg18[%swap3A_172], %swap3A_175 {strides = array<i32>} : memref<512xf32, #tpu.memory_space<vmem>>, vector<16xf32>,
    %swap3A_176 = arith.constant 128 : index
    %swap3A_177 = tpu.vector_load %arg19[%swap3A_176] {strides = array<i32>} : memref<512xf32, #tpu.memory_space<vmem>>, vector<16xf32>,
    %swap3A_178 = vector.shape_cast %swap3A_177 : vector<16xf32> to vector<16xf32>
    %swap3A_179 = vector.shape_cast %broadcast_in_dim3A_6 : vector<16xf32> to vector<16xf32>
    tpu.vector_store %arg19[%swap3A_176], %swap3A_179 {strides = array<i32>} : memref<512xf32, #tpu.memory_space<vmem>>, vector<16xf32>,
    %swap3A_180 = arith.constant 128 : index
    %swap3A_181 = tpu.vector_load %arg20[%swap3A_180] {strides = array<i32>} : memref<512xf32, #tpu.memory_space<vmem>>, vector<16xf32>,
    %swap3A_182 = vector.shape_cast %swap3A_181 : vector<16xf32> to vector<16xf32>
    %swap3A_183 = vector.shape_cast %broadcast_in_dim3A_6 : vector<16xf32> to vector<16xf32>
    tpu.vector_store %arg20[%swap3A_180], %swap3A_183 {strides = array<i32>} : memref<512xf32, #tpu.memory_space<vmem>>, vector<16xf32>,
    %swap3A_184 = arith.constant 128 : index
    %swap3A_185 = tpu.vector_load %arg21[%swap3A_184] {strides = array<i32>} : memref<512xi32, #tpu.memory_space<vmem>>, vector<16xi32>,
    %swap3A_186 = vector.shape_cast %swap3A_185 : vector<16xi32> to vector<16xi32>
    %swap3A_187 = vector.shape_cast %broadcast_in_dim3A_8 : vector<16xi32> to vector<16xi32>
    tpu.vector_store %arg21[%swap3A_184], %swap3A_187 {strides = array<i32>} : memref<512xi32, #tpu.memory_space<vmem>>, vector<16xi32>,
    %swap3A_188 = arith.constant 144 : index
    %swap3A_189 = tpu.vector_load %arg17[%swap3A_188] {strides = array<i32>} : memref<512xf32, #tpu.memory_space<vmem>>, vector<16xf32>,
    %swap3A_190 = vector.shape_cast %swap3A_189 : vector<16xf32> to vector<16xf32>
    %swap3A_191 = vector.shape_cast %broadcast_in_dim3A_4 : vector<16xf32> to vector<16xf32>
    tpu.vector_store %arg17[%swap3A_188], %swap3A_191 {strides = array<i32>} : memref<512xf32, #tpu.memory_space<vmem>>, vector<16xf32>,
    %swap3A_192 = arith.constant 144 : index
    %swap3A_193 = tpu.vector_load %arg18[%swap3A_192] {strides = array<i32>} : memref<512xf32, #tpu.memory_space<vmem>>, vector<16xf32>,
    %swap3A_194 = vector.shape_cast %swap3A_193 : vector<16xf32> to vector<16xf32>
    %swap3A_195 = vector.shape_cast %broadcast_in_dim3A_6 : vector<16xf32> to vector<16xf32>
    tpu.vector_store %arg18[%swap3A_192], %swap3A_195 {strides = array<i32>} : memref<512xf32, #tpu.memory_space<vmem>>, vector<16xf32>,
    %swap3A_196 = arith.constant 144 : index
    %swap3A_197 = tpu.vector_load %arg19[%swap3A_196] {strides = array<i32>} : memref<512xf32, #tpu.memory_space<vmem>>, vector<16xf32>,
    %swap3A_198 = vector.shape_cast %swap3A_197 : vector<16xf32> to vector<16xf32>
    %swap3A_199 = vector.shape_cast %broadcast_in_dim3A_6 : vector<16xf32> to vector<16xf32>
    tpu.vector_store %arg19[%swap3A_196], %swap3A_199 {strides = array<i32>} : memref<512xf32, #tpu.memory_space<vmem>>, vector<16xf32>,
    %swap3A_200 = arith.constant 144 : index
    %swap3A_201 = tpu.vector_load %arg20[%swap3A_200] {strides = array<i32>} : memref<512xf32, #tpu.memory_space<vmem>>, vector<16xf32>,
    %swap3A_202 = vector.shape_cast %swap3A_201 : vector<16xf32> to vector<16xf32>
    %swap3A_203 = vector.shape_cast %broadcast_in_dim3A_6 : vector<16xf32> to vector<16xf32>
    tpu.vector_store %arg20[%swap3A_200], %swap3A_203 {strides = array<i32>} : memref<512xf32, #tpu.memory_space<vmem>>, vector<16xf32>,
    %swap3A_204 = arith.constant 144 : index
    %swap3A_205 = tpu.vector_load %arg21[%swap3A_204] {strides = array<i32>} : memref<512xi32, #tpu.memory_space<vmem>>, vector<16xi32>,
    %swap3A_206 = vector.shape_cast %swap3A_205 : vector<16xi32> to vector<16xi32>
    %swap3A_207 = vector.shape_cast %broadcast_in_dim3A_8 : vector<16xi32> to vector<16xi32>
    tpu.vector_store %arg21[%swap3A_204], %swap3A_207 {strides = array<i32>} : memref<512xi32, #tpu.memory_space<vmem>>, vector<16xi32>,
    %swap3A_208 = arith.constant 160 : index
    %swap3A_209 = tpu.vector_load %arg17[%swap3A_208] {strides = array<i32>} : memref<512xf32, #tpu.memory_space<vmem>>, vector<16xf32>,
    %swap3A_210 = vector.shape_cast %swap3A_209 : vector<16xf32> to vector<16xf32>
    %swap3A_211 = vector.shape_cast %broadcast_in_dim3A_4 : vector<16xf32> to vector<16xf32>
    tpu.vector_store %arg17[%swap3A_208], %swap3A_211 {strides = array<i32>} : memref<512xf32, #tpu.memory_space<vmem>>, vector<16xf32>,
    %swap3A_212 = arith.constant 160 : index
    %swap3A_213 = tpu.vector_load %arg18[%swap3A_212] {strides = array<i32>} : memref<512xf32, #tpu.memory_space<vmem>>, vector<16xf32>,
    %swap3A_214 = vector.shape_cast %swap3A_213 : vector<16xf32> to vector<16xf32>
    %swap3A_215 = vector.shape_cast %broadcast_in_dim3A_6 : vector<16xf32> to vector<16xf32>
    tpu.vector_store %arg18[%swap3A_212], %swap3A_215 {strides = array<i32>} : memref<512xf32, #tpu.memory_space<vmem>>, vector<16xf32>,
    %swap3A_216 = arith.constant 160 : index
    %swap3A_217 = tpu.vector_load %arg19[%swap3A_216] {strides = array<i32>} : memref<512xf32, #tpu.memory_space<vmem>>, vector<16xf32>,
    %swap3A_218 = vector.shape_cast %swap3A_217 : vector<16xf32> to vector<16xf32>
    %swap3A_219 = vector.shape_cast %broadcast_in_dim3A_6 : vector<16xf32> to vector<16xf32>
    tpu.vector_store %arg19[%swap3A_216], %swap3A_219 {strides = array<i32>} : memref<512xf32, #tpu.memory_space<vmem>>, vector<16xf32>,
    %swap3A_220 = arith.constant 160 : index
    %swap3A_221 = tpu.vector_load %arg20[%swap3A_220] {strides = array<i32>} : memref<512xf32, #tpu.memory_space<vmem>>, vector<16xf32>,
    %swap3A_222 = vector.shape_cast %swap3A_221 : vector<16xf32> to vector<16xf32>
    %swap3A_223 = vector.shape_cast %broadcast_in_dim3A_6 : vector<16xf32> to vector<16xf32>
    tpu.vector_store %arg20[%swap3A_220], %swap3A_223 {strides = array<i32>} : memref<512xf32, #tpu.memory_space<vmem>>, vector<16xf32>,
    %swap3A_224 = arith.constant 160 : index
    %swap3A_225 = tpu.vector_load %arg21[%swap3A_224] {strides = array<i32>} : memref<512xi32, #tpu.memory_space<vmem>>, vector<16xi32>,
    %swap3A_226 = vector.shape_cast %swap3A_225 : vector<16xi32> to vector<16xi32>
    %swap3A_227 = vector.shape_cast %broadcast_in_dim3A_8 : vector<16xi32> to vector<16xi32>
    tpu.vector_store %arg21[%swap3A_224], %swap3A_227 {strides = array<i32>} : memref<512xi32, #tpu.memory_space<vmem>>, vector<16xi32>,
    %swap3A_228 = arith.constant 176 : index
    %swap3A_229 = tpu.vector_load %arg17[%swap3A_228] {strides = array<i32>} : memref<512xf32, #tpu.memory_space<vmem>>, vector<16xf32>,
    %swap3A_230 = vector.shape_cast %swap3A_229 : vector<16xf32> to vector<16xf32>
    %swap3A_231 = vector.shape_cast %broadcast_in_dim3A_4 : vector<16xf32> to vector<16xf32>
    tpu.vector_store %arg17[%swap3A_228], %swap3A_231 {strides = array<i32>} : memref<512xf32, #tpu.memory_space<vmem>>, vector<16xf32>,
    %swap3A_232 = arith.constant 176 : index
    %swap3A_233 = tpu.vector_load %arg18[%swap3A_232] {strides = array<i32>} : memref<512xf32, #tpu.memory_space<vmem>>, vector<16xf32>,
    %swap3A_234 = vector.shape_cast %swap3A_233 : vector<16xf32> to vector<16xf32>
    %swap3A_235 = vector.shape_cast %broadcast_in_dim3A_6 : vector<16xf32> to vector<16xf32>
    tpu.vector_store %arg18[%swap3A_232], %swap3A_235 {strides = array<i32>} : memref<512xf32, #tpu.memory_space<vmem>>, vector<16xf32>,
    %swap3A_236 = arith.constant 176 : index
    %swap3A_237 = tpu.vector_load %arg19[%swap3A_236] {strides = array<i32>} : memref<512xf32, #tpu.memory_space<vmem>>, vector<16xf32>,
    %swap3A_238 = vector.shape_cast %swap3A_237 : vector<16xf32> to vector<16xf32>
    %swap3A_239 = vector.shape_cast %broadcast_in_dim3A_6 : vector<16xf32> to vector<16xf32>
    tpu.vector_store %arg19[%swap3A_236], %swap3A_239 {strides = array<i32>} : memref<512xf32, #tpu.memory_space<vmem>>, vector<16xf32>,
    %swap3A_240 = arith.constant 176 : index
    %swap3A_241 = tpu.vector_load %arg20[%swap3A_240] {strides = array<i32>} : memref<512xf32, #tpu.memory_space<vmem>>, vector<16xf32>,
    %swap3A_242 = vector.shape_cast %swap3A_241 : vector<16xf32> to vector<16xf32>
    %swap3A_243 = vector.shape_cast %broadcast_in_dim3A_6 : vector<16xf32> to vector<16xf32>
    tpu.vector_store %arg20[%swap3A_240], %swap3A_243 {strides = array<i32>} : memref<512xf32, #tpu.memory_space<vmem>>, vector<16xf32>,
    %swap3A_244 = arith.constant 176 : index
    %swap3A_245 = tpu.vector_load %arg21[%swap3A_244] {strides = array<i32>} : memref<512xi32, #tpu.memory_space<vmem>>, vector<16xi32>,
    %swap3A_246 = vector.shape_cast %swap3A_245 : vector<16xi32> to vector<16xi32>
    %swap3A_247 = vector.shape_cast %broadcast_in_dim3A_8 : vector<16xi32> to vector<16xi32>
    tpu.vector_store %arg21[%swap3A_244], %swap3A_247 {strides = array<i32>} : memref<512xi32, #tpu.memory_space<vmem>>, vector<16xi32>,
    %swap3A_248 = arith.constant 192 : index
    %swap3A_249 = tpu.vector_load %arg17[%swap3A_248] {strides = array<i32>} : memref<512xf32, #tpu.memory_space<vmem>>, vector<16xf32>,
    %swap3A_250 = vector.shape_cast %swap3A_249 : vector<16xf32> to vector<16xf32>
    %swap3A_251 = vector.shape_cast %broadcast_in_dim3A_4 : vector<16xf32> to vector<16xf32>
    tpu.vector_store %arg17[%swap3A_248], %swap3A_251 {strides = array<i32>} : memref<512xf32, #tpu.memory_space<vmem>>, vector<16xf32>,
    %swap3A_252 = arith.constant 192 : index
    %swap3A_253 = tpu.vector_load %arg18[%swap3A_252] {strides = array<i32>} : memref<512xf32, #tpu.memory_space<vmem>>, vector<16xf32>,
    %swap3A_254 = vector.shape_cast %swap3A_253 : vector<16xf32> to vector<16xf32>
    %swap3A_255 = vector.shape_cast %broadcast_in_dim3A_6 : vector<16xf32> to vector<16xf32>
    tpu.vector_store %arg18[%swap3A_252], %swap3A_255 {strides = array<i32>} : memref<512xf32, #tpu.memory_space<vmem>>, vector<16xf32>,
    %swap3A_256 = arith.constant 192 : index
    %swap3A_257 = tpu.vector_load %arg19[%swap3A_256] {strides = array<i32>} : memref<512xf32, #tpu.memory_space<vmem>>, vector<16xf32>,
    %swap3A_258 = vector.shape_cast %swap3A_257 : vector<16xf32> to vector<16xf32>
    %swap3A_259 = vector.shape_cast %broadcast_in_dim3A_6 : vector<16xf32> to vector<16xf32>
    tpu.vector_store %arg19[%swap3A_256], %swap3A_259 {strides = array<i32>} : memref<512xf32, #tpu.memory_space<vmem>>, vector<16xf32>,
    %swap3A_260 = arith.constant 192 : index
    %swap3A_261 = tpu.vector_load %arg20[%swap3A_260] {strides = array<i32>} : memref<512xf32, #tpu.memory_space<vmem>>, vector<16xf32>,
    %swap3A_262 = vector.shape_cast %swap3A_261 : vector<16xf32> to vector<16xf32>
    %swap3A_263 = vector.shape_cast %broadcast_in_dim3A_6 : vector<16xf32> to vector<16xf32>
    tpu.vector_store %arg20[%swap3A_260], %swap3A_263 {strides = array<i32>} : memref<512xf32, #tpu.memory_space<vmem>>, vector<16xf32>,
    %swap3A_264 = arith.constant 192 : index
    %swap3A_265 = tpu.vector_load %arg21[%swap3A_264] {strides = array<i32>} : memref<512xi32, #tpu.memory_space<vmem>>, vector<16xi32>,
    %swap3A_266 = vector.shape_cast %swap3A_265 : vector<16xi32> to vector<16xi32>
    %swap3A_267 = vector.shape_cast %broadcast_in_dim3A_8 : vector<16xi32> to vector<16xi32>
    tpu.vector_store %arg21[%swap3A_264], %swap3A_267 {strides = array<i32>} : memref<512xi32, #tpu.memory_space<vmem>>, vector<16xi32>,
    %swap3A_268 = arith.constant 208 : index
    %swap3A_269 = tpu.vector_load %arg17[%swap3A_268] {strides = array<i32>} : memref<512xf32, #tpu.memory_space<vmem>>, vector<16xf32>,
    %swap3A_270 = vector.shape_cast %swap3A_269 : vector<16xf32> to vector<16xf32>
    %swap3A_271 = vector.shape_cast %broadcast_in_dim3A_4 : vector<16xf32> to vector<16xf32>
    tpu.vector_store %arg17[%swap3A_268], %swap3A_271 {strides = array<i32>} : memref<512xf32, #tpu.memory_space<vmem>>, vector<16xf32>,
    %swap3A_272 = arith.constant 208 : index
    %swap3A_273 = tpu.vector_load %arg18[%swap3A_272] {strides = array<i32>} : memref<512xf32, #tpu.memory_space<vmem>>, vector<16xf32>,
    %swap3A_274 = vector.shape_cast %swap3A_273 : vector<16xf32> to vector<16xf32>
    %swap3A_275 = vector.shape_cast %broadcast_in_dim3A_6 : vector<16xf32> to vector<16xf32>
    tpu.vector_store %arg18[%swap3A_272], %swap3A_275 {strides = array<i32>} : memref<512xf32, #tpu.memory_space<vmem>>, vector<16xf32>,
    %swap3A_276 = arith.constant 208 : index
    %swap3A_277 = tpu.vector_load %arg19[%swap3A_276] {strides = array<i32>} : memref<512xf32, #tpu.memory_space<vmem>>, vector<16xf32>,
    %swap3A_278 = vector.shape_cast %swap3A_277 : vector<16xf32> to vector<16xf32>
    %swap3A_279 = vector.shape_cast %broadcast_in_dim3A_6 : vector<16xf32> to vector<16xf32>
    tpu.vector_store %arg19[%swap3A_276], %swap3A_279 {strides = array<i32>} : memref<512xf32, #tpu.memory_space<vmem>>, vector<16xf32>,
    %swap3A_280 = arith.constant 208 : index
    %swap3A_281 = tpu.vector_load %arg20[%swap3A_280] {strides = array<i32>} : memref<512xf32, #tpu.memory_space<vmem>>, vector<16xf32>,
    %swap3A_282 = vector.shape_cast %swap3A_281 : vector<16xf32> to vector<16xf32>
    %swap3A_283 = vector.shape_cast %broadcast_in_dim3A_6 : vector<16xf32> to vector<16xf32>
    tpu.vector_store %arg20[%swap3A_280], %swap3A_283 {strides = array<i32>} : memref<512xf32, #tpu.memory_space<vmem>>, vector<16xf32>,
    %swap3A_284 = arith.constant 208 : index
    %swap3A_285 = tpu.vector_load %arg21[%swap3A_284] {strides = array<i32>} : memref<512xi32, #tpu.memory_space<vmem>>, vector<16xi32>,
    %swap3A_286 = vector.shape_cast %swap3A_285 : vector<16xi32> to vector<16xi32>
    %swap3A_287 = vector.shape_cast %broadcast_in_dim3A_8 : vector<16xi32> to vector<16xi32>
    tpu.vector_store %arg21[%swap3A_284], %swap3A_287 {strides = array<i32>} : memref<512xi32, #tpu.memory_space<vmem>>, vector<16xi32>,
    %swap3A_288 = arith.constant 224 : index
    %swap3A_289 = tpu.vector_load %arg17[%swap3A_288] {strides = array<i32>} : memref<512xf32, #tpu.memory_space<vmem>>, vector<16xf32>,
    %swap3A_290 = vector.shape_cast %swap3A_289 : vector<16xf32> to vector<16xf32>
    %swap3A_291 = vector.shape_cast %broadcast_in_dim3A_4 : vector<16xf32> to vector<16xf32>
    tpu.vector_store %arg17[%swap3A_288], %swap3A_291 {strides = array<i32>} : memref<512xf32, #tpu.memory_space<vmem>>, vector<16xf32>,
    %swap3A_292 = arith.constant 224 : index
    %swap3A_293 = tpu.vector_load %arg18[%swap3A_292] {strides = array<i32>} : memref<512xf32, #tpu.memory_space<vmem>>, vector<16xf32>,
    %swap3A_294 = vector.shape_cast %swap3A_293 : vector<16xf32> to vector<16xf32>
    %swap3A_295 = vector.shape_cast %broadcast_in_dim3A_6 : vector<16xf32> to vector<16xf32>
    tpu.vector_store %arg18[%swap3A_292], %swap3A_295 {strides = array<i32>} : memref<512xf32, #tpu.memory_space<vmem>>, vector<16xf32>,
    %swap3A_296 = arith.constant 224 : index
    %swap3A_297 = tpu.vector_load %arg19[%swap3A_296] {strides = array<i32>} : memref<512xf32, #tpu.memory_space<vmem>>, vector<16xf32>,
    %swap3A_298 = vector.shape_cast %swap3A_297 : vector<16xf32> to vector<16xf32>
    %swap3A_299 = vector.shape_cast %broadcast_in_dim3A_6 : vector<16xf32> to vector<16xf32>
    tpu.vector_store %arg19[%swap3A_296], %swap3A_299 {strides = array<i32>} : memref<512xf32, #tpu.memory_space<vmem>>, vector<16xf32>,
    %swap3A_300 = arith.constant 224 : index
    %swap3A_301 = tpu.vector_load %arg20[%swap3A_300] {strides = array<i32>} : memref<512xf32, #tpu.memory_space<vmem>>, vector<16xf32>,
    %swap3A_302 = vector.shape_cast %swap3A_301 : vector<16xf32> to vector<16xf32>
    %swap3A_303 = vector.shape_cast %broadcast_in_dim3A_6 : vector<16xf32> to vector<16xf32>
    tpu.vector_store %arg20[%swap3A_300], %swap3A_303 {strides = array<i32>} : memref<512xf32, #tpu.memory_space<vmem>>, vector<16xf32>,
    %swap3A_304 = arith.constant 224 : index
    %swap3A_305 = tpu.vector_load %arg21[%swap3A_304] {strides = array<i32>} : memref<512xi32, #tpu.memory_space<vmem>>, vector<16xi32>,
    %swap3A_306 = vector.shape_cast %swap3A_305 : vector<16xi32> to vector<16xi32>
    %swap3A_307 = vector.shape_cast %broadcast_in_dim3A_8 : vector<16xi32> to vector<16xi32>
    tpu.vector_store %arg21[%swap3A_304], %swap3A_307 {strides = array<i32>} : memref<512xi32, #tpu.memory_space<vmem>>, vector<16xi32>,
    %swap3A_308 = arith.constant 240 : index
    %swap3A_309 = tpu.vector_load %arg17[%swap3A_308] {strides = array<i32>} : memref<512xf32, #tpu.memory_space<vmem>>, vector<16xf32>,
    %swap3A_310 = vector.shape_cast %swap3A_309 : vector<16xf32> to vector<16xf32>
    %swap3A_311 = vector.shape_cast %broadcast_in_dim3A_4 : vector<16xf32> to vector<16xf32>
    tpu.vector_store %arg17[%swap3A_308], %swap3A_311 {strides = array<i32>} : memref<512xf32, #tpu.memory_space<vmem>>, vector<16xf32>,
    %swap3A_312 = arith.constant 240 : index
    %swap3A_313 = tpu.vector_load %arg18[%swap3A_312] {strides = array<i32>} : memref<512xf32, #tpu.memory_space<vmem>>, vector<16xf32>,
    %swap3A_314 = vector.shape_cast %swap3A_313 : vector<16xf32> to vector<16xf32>
    %swap3A_315 = vector.shape_cast %broadcast_in_dim3A_6 : vector<16xf32> to vector<16xf32>
    tpu.vector_store %arg18[%swap3A_312], %swap3A_315 {strides = array<i32>} : memref<512xf32, #tpu.memory_space<vmem>>, vector<16xf32>,
    %swap3A_316 = arith.constant 240 : index
    %swap3A_317 = tpu.vector_load %arg19[%swap3A_316] {strides = array<i32>} : memref<512xf32, #tpu.memory_space<vmem>>, vector<16xf32>,
    %swap3A_318 = vector.shape_cast %swap3A_317 : vector<16xf32> to vector<16xf32>
    %swap3A_319 = vector.shape_cast %broadcast_in_dim3A_6 : vector<16xf32> to vector<16xf32>
    tpu.vector_store %arg19[%swap3A_316], %swap3A_319 {strides = array<i32>} : memref<512xf32, #tpu.memory_space<vmem>>, vector<16xf32>,
    %swap3A_320 = arith.constant 240 : index
    %swap3A_321 = tpu.vector_load %arg20[%swap3A_320] {strides = array<i32>} : memref<512xf32, #tpu.memory_space<vmem>>, vector<16xf32>,
    %swap3A_322 = vector.shape_cast %swap3A_321 : vector<16xf32> to vector<16xf32>
    %swap3A_323 = vector.shape_cast %broadcast_in_dim3A_6 : vector<16xf32> to vector<16xf32>
    tpu.vector_store %arg20[%swap3A_320], %swap3A_323 {strides = array<i32>} : memref<512xf32, #tpu.memory_space<vmem>>, vector<16xf32>,
    %swap3A_324 = arith.constant 240 : index
    %swap3A_325 = tpu.vector_load %arg21[%swap3A_324] {strides = array<i32>} : memref<512xi32, #tpu.memory_space<vmem>>, vector<16xi32>,
    %swap3A_326 = vector.shape_cast %swap3A_325 : vector<16xi32> to vector<16xi32>
    %swap3A_327 = vector.shape_cast %broadcast_in_dim3A_8 : vector<16xi32> to vector<16xi32>
    tpu.vector_store %arg21[%swap3A_324], %swap3A_327 {strides = array<i32>} : memref<512xi32, #tpu.memory_space<vmem>>, vector<16xi32>,
    %swap3A_328 = arith.constant 256 : index
    %swap3A_329 = tpu.vector_load %arg17[%swap3A_328] {strides = array<i32>} : memref<512xf32, #tpu.memory_space<vmem>>, vector<16xf32>,
    %swap3A_330 = vector.shape_cast %swap3A_329 : vector<16xf32> to vector<16xf32>
    %swap3A_331 = vector.shape_cast %broadcast_in_dim3A_4 : vector<16xf32> to vector<16xf32>
    tpu.vector_store %arg17[%swap3A_328], %swap3A_331 {strides = array<i32>} : memref<512xf32, #tpu.memory_space<vmem>>, vector<16xf32>,
    %swap3A_332 = arith.constant 256 : index
    %swap3A_333 = tpu.vector_load %arg18[%swap3A_332] {strides = array<i32>} : memref<512xf32, #tpu.memory_space<vmem>>, vector<16xf32>,
    %swap3A_334 = vector.shape_cast %swap3A_333 : vector<16xf32> to vector<16xf32>
    %swap3A_335 = vector.shape_cast %broadcast_in_dim3A_6 : vector<16xf32> to vector<16xf32>
    tpu.vector_store %arg18[%swap3A_332], %swap3A_335 {strides = array<i32>} : memref<512xf32, #tpu.memory_space<vmem>>, vector<16xf32>,
    %swap3A_336 = arith.constant 256 : index
    %swap3A_337 = tpu.vector_load %arg19[%swap3A_336] {strides = array<i32>} : memref<512xf32, #tpu.memory_space<vmem>>, vector<16xf32>,
    %swap3A_338 = vector.shape_cast %swap3A_337 : vector<16xf32> to vector<16xf32>
    %swap3A_339 = vector.shape_cast %broadcast_in_dim3A_6 : vector<16xf32> to vector<16xf32>
    tpu.vector_store %arg19[%swap3A_336], %swap3A_339 {strides = array<i32>} : memref<512xf32, #tpu.memory_space<vmem>>, vector<16xf32>,
    %swap3A_340 = arith.constant 256 : index
    %swap3A_341 = tpu.vector_load %arg20[%swap3A_340] {strides = array<i32>} : memref<512xf32, #tpu.memory_space<vmem>>, vector<16xf32>,
    %swap3A_342 = vector.shape_cast %swap3A_341 : vector<16xf32> to vector<16xf32>
    %swap3A_343 = vector.shape_cast %broadcast_in_dim3A_6 : vector<16xf32> to vector<16xf32>
    tpu.vector_store %arg20[%swap3A_340], %swap3A_343 {strides = array<i32>} : memref<512xf32, #tpu.memory_space<vmem>>, vector<16xf32>,
    %swap3A_344 = arith.constant 256 : index
    %swap3A_345 = tpu.vector_load %arg21[%swap3A_344] {strides = array<i32>} : memref<512xi32, #tpu.memory_space<vmem>>, vector<16xi32>,
    %swap3A_346 = vector.shape_cast %swap3A_345 : vector<16xi32> to vector<16xi32>
    %swap3A_347 = vector.shape_cast %broadcast_in_dim3A_8 : vector<16xi32> to vector<16xi32>
    tpu.vector_store %arg21[%swap3A_344], %swap3A_347 {strides = array<i32>} : memref<512xi32, #tpu.memory_space<vmem>>, vector<16xi32>,
    %swap3A_348 = arith.constant 272 : index
    %swap3A_349 = tpu.vector_load %arg17[%swap3A_348] {strides = array<i32>} : memref<512xf32, #tpu.memory_space<vmem>>, vector<16xf32>,
    %swap3A_350 = vector.shape_cast %swap3A_349 : vector<16xf32> to vector<16xf32>
    %swap3A_351 = vector.shape_cast %broadcast_in_dim3A_4 : vector<16xf32> to vector<16xf32>
    tpu.vector_store %arg17[%swap3A_348], %swap3A_351 {strides = array<i32>} : memref<512xf32, #tpu.memory_space<vmem>>, vector<16xf32>,
    %swap3A_352 = arith.constant 272 : index
    %swap3A_353 = tpu.vector_load %arg18[%swap3A_352] {strides = array<i32>} : memref<512xf32, #tpu.memory_space<vmem>>, vector<16xf32>,
    %swap3A_354 = vector.shape_cast %swap3A_353 : vector<16xf32> to vector<16xf32>
    %swap3A_355 = vector.shape_cast %broadcast_in_dim3A_6 : vector<16xf32> to vector<16xf32>
    tpu.vector_store %arg18[%swap3A_352], %swap3A_355 {strides = array<i32>} : memref<512xf32, #tpu.memory_space<vmem>>, vector<16xf32>,
    %swap3A_356 = arith.constant 272 : index
    %swap3A_357 = tpu.vector_load %arg19[%swap3A_356] {strides = array<i32>} : memref<512xf32, #tpu.memory_space<vmem>>, vector<16xf32>,
    %swap3A_358 = vector.shape_cast %swap3A_357 : vector<16xf32> to vector<16xf32>
    %swap3A_359 = vector.shape_cast %broadcast_in_dim3A_6 : vector<16xf32> to vector<16xf32>
    tpu.vector_store %arg19[%swap3A_356], %swap3A_359 {strides = array<i32>} : memref<512xf32, #tpu.memory_space<vmem>>, vector<16xf32>,
    %swap3A_360 = arith.constant 272 : index
    %swap3A_361 = tpu.vector_load %arg20[%swap3A_360] {strides = array<i32>} : memref<512xf32, #tpu.memory_space<vmem>>, vector<16xf32>,
    %swap3A_362 = vector.shape_cast %swap3A_361 : vector<16xf32> to vector<16xf32>
    %swap3A_363 = vector.shape_cast %broadcast_in_dim3A_6 : vector<16xf32> to vector<16xf32>
    tpu.vector_store %arg20[%swap3A_360], %swap3A_363 {strides = array<i32>} : memref<512xf32, #tpu.memory_space<vmem>>, vector<16xf32>,
    %swap3A_364 = arith.constant 272 : index
    %swap3A_365 = tpu.vector_load %arg21[%swap3A_364] {strides = array<i32>} : memref<512xi32, #tpu.memory_space<vmem>>, vector<16xi32>,
    %swap3A_366 = vector.shape_cast %swap3A_365 : vector<16xi32> to vector<16xi32>
    %swap3A_367 = vector.shape_cast %broadcast_in_dim3A_8 : vector<16xi32> to vector<16xi32>
    tpu.vector_store %arg21[%swap3A_364], %swap3A_367 {strides = array<i32>} : memref<512xi32, #tpu.memory_space<vmem>>, vector<16xi32>,
    %swap3A_368 = arith.constant 288 : index
    %swap3A_369 = tpu.vector_load %arg17[%swap3A_368] {strides = array<i32>} : memref<512xf32, #tpu.memory_space<vmem>>, vector<16xf32>,
    %swap3A_370 = vector.shape_cast %swap3A_369 : vector<16xf32> to vector<16xf32>
    %swap3A_371 = vector.shape_cast %broadcast_in_dim3A_4 : vector<16xf32> to vector<16xf32>
    tpu.vector_store %arg17[%swap3A_368], %swap3A_371 {strides = array<i32>} : memref<512xf32, #tpu.memory_space<vmem>>, vector<16xf32>,
    %swap3A_372 = arith.constant 288 : index
    %swap3A_373 = tpu.vector_load %arg18[%swap3A_372] {strides = array<i32>} : memref<512xf32, #tpu.memory_space<vmem>>, vector<16xf32>,
    %swap3A_374 = vector.shape_cast %swap3A_373 : vector<16xf32> to vector<16xf32>
    %swap3A_375 = vector.shape_cast %broadcast_in_dim3A_6 : vector<16xf32> to vector<16xf32>
    tpu.vector_store %arg18[%swap3A_372], %swap3A_375 {strides = array<i32>} : memref<512xf32, #tpu.memory_space<vmem>>, vector<16xf32>,
    %swap3A_376 = arith.constant 288 : index
    %swap3A_377 = tpu.vector_load %arg19[%swap3A_376] {strides = array<i32>} : memref<512xf32, #tpu.memory_space<vmem>>, vector<16xf32>,
    %swap3A_378 = vector.shape_cast %swap3A_377 : vector<16xf32> to vector<16xf32>
    %swap3A_379 = vector.shape_cast %broadcast_in_dim3A_6 : vector<16xf32> to vector<16xf32>
    tpu.vector_store %arg19[%swap3A_376], %swap3A_379 {strides = array<i32>} : memref<512xf32, #tpu.memory_space<vmem>>, vector<16xf32>,
    %swap3A_380 = arith.constant 288 : index
    %swap3A_381 = tpu.vector_load %arg20[%swap3A_380] {strides = array<i32>} : memref<512xf32, #tpu.memory_space<vmem>>, vector<16xf32>,
    %swap3A_382 = vector.shape_cast %swap3A_381 : vector<16xf32> to vector<16xf32>
    %swap3A_383 = vector.shape_cast %broadcast_in_dim3A_6 : vector<16xf32> to vector<16xf32>
    tpu.vector_store %arg20[%swap3A_380], %swap3A_383 {strides = array<i32>} : memref<512xf32, #tpu.memory_space<vmem>>, vector<16xf32>,
    %swap3A_384 = arith.constant 288 : index
    %swap3A_385 = tpu.vector_load %arg21[%swap3A_384] {strides = array<i32>} : memref<512xi32, #tpu.memory_space<vmem>>, vector<16xi32>,
    %swap3A_386 = vector.shape_cast %swap3A_385 : vector<16xi32> to vector<16xi32>
    %swap3A_387 = vector.shape_cast %broadcast_in_dim3A_8 : vector<16xi32> to vector<16xi32>
    tpu.vector_store %arg21[%swap3A_384], %swap3A_387 {strides = array<i32>} : memref<512xi32, #tpu.memory_space<vmem>>, vector<16xi32>,
    %swap3A_388 = arith.constant 304 : index
    %swap3A_389 = tpu.vector_load %arg17[%swap3A_388] {strides = array<i32>} : memref<512xf32, #tpu.memory_space<vmem>>, vector<16xf32>,
    %swap3A_390 = vector.shape_cast %swap3A_389 : vector<16xf32> to vector<16xf32>
    %swap3A_391 = vector.shape_cast %broadcast_in_dim3A_4 : vector<16xf32> to vector<16xf32>
    tpu.vector_store %arg17[%swap3A_388], %swap3A_391 {strides = array<i32>} : memref<512xf32, #tpu.memory_space<vmem>>, vector<16xf32>,
    %swap3A_392 = arith.constant 304 : index
    %swap3A_393 = tpu.vector_load %arg18[%swap3A_392] {strides = array<i32>} : memref<512xf32, #tpu.memory_space<vmem>>, vector<16xf32>,
    %swap3A_394 = vector.shape_cast %swap3A_393 : vector<16xf32> to vector<16xf32>
    %swap3A_395 = vector.shape_cast %broadcast_in_dim3A_6 : vector<16xf32> to vector<16xf32>
    tpu.vector_store %arg18[%swap3A_392], %swap3A_395 {strides = array<i32>} : memref<512xf32, #tpu.memory_space<vmem>>, vector<16xf32>,
    %swap3A_396 = arith.constant 304 : index
    %swap3A_397 = tpu.vector_load %arg19[%swap3A_396] {strides = array<i32>} : memref<512xf32, #tpu.memory_space<vmem>>, vector<16xf32>,
    %swap3A_398 = vector.shape_cast %swap3A_397 : vector<16xf32> to vector<16xf32>
    %swap3A_399 = vector.shape_cast %broadcast_in_dim3A_6 : vector<16xf32> to vector<16xf32>
    tpu.vector_store %arg19[%swap3A_396], %swap3A_399 {strides = array<i32>} : memref<512xf32, #tpu.memory_space<vmem>>, vector<16xf32>,
    %swap3A_400 = arith.constant 304 : index
    %swap3A_401 = tpu.vector_load %arg20[%swap3A_400] {strides = array<i32>} : memref<512xf32, #tpu.memory_space<vmem>>, vector<16xf32>,
    %swap3A_402 = vector.shape_cast %swap3A_401 : vector<16xf32> to vector<16xf32>
    %swap3A_403 = vector.shape_cast %broadcast_in_dim3A_6 : vector<16xf32> to vector<16xf32>
    tpu.vector_store %arg20[%swap3A_400], %swap3A_403 {strides = array<i32>} : memref<512xf32, #tpu.memory_space<vmem>>, vector<16xf32>,
    %swap3A_404 = arith.constant 304 : index
    %swap3A_405 = tpu.vector_load %arg21[%swap3A_404] {strides = array<i32>} : memref<512xi32, #tpu.memory_space<vmem>>, vector<16xi32>,
    %swap3A_406 = vector.shape_cast %swap3A_405 : vector<16xi32> to vector<16xi32>
    %swap3A_407 = vector.shape_cast %broadcast_in_dim3A_8 : vector<16xi32> to vector<16xi32>
    tpu.vector_store %arg21[%swap3A_404], %swap3A_407 {strides = array<i32>} : memref<512xi32, #tpu.memory_space<vmem>>, vector<16xi32>,
    %swap3A_408 = arith.constant 320 : index
    %swap3A_409 = tpu.vector_load %arg17[%swap3A_408] {strides = array<i32>} : memref<512xf32, #tpu.memory_space<vmem>>, vector<16xf32>,
    %swap3A_410 = vector.shape_cast %swap3A_409 : vector<16xf32> to vector<16xf32>
    %swap3A_411 = vector.shape_cast %broadcast_in_dim3A_4 : vector<16xf32> to vector<16xf32>
    tpu.vector_store %arg17[%swap3A_408], %swap3A_411 {strides = array<i32>} : memref<512xf32, #tpu.memory_space<vmem>>, vector<16xf32>,
    %swap3A_412 = arith.constant 320 : index
    %swap3A_413 = tpu.vector_load %arg18[%swap3A_412] {strides = array<i32>} : memref<512xf32, #tpu.memory_space<vmem>>, vector<16xf32>,
    %swap3A_414 = vector.shape_cast %swap3A_413 : vector<16xf32> to vector<16xf32>
    %swap3A_415 = vector.shape_cast %broadcast_in_dim3A_6 : vector<16xf32> to vector<16xf32>
    tpu.vector_store %arg18[%swap3A_412], %swap3A_415 {strides = array<i32>} : memref<512xf32, #tpu.memory_space<vmem>>, vector<16xf32>,
    %swap3A_416 = arith.constant 320 : index
    %swap3A_417 = tpu.vector_load %arg19[%swap3A_416] {strides = array<i32>} : memref<512xf32, #tpu.memory_space<vmem>>, vector<16xf32>,
    %swap3A_418 = vector.shape_cast %swap3A_417 : vector<16xf32> to vector<16xf32>
    %swap3A_419 = vector.shape_cast %broadcast_in_dim3A_6 : vector<16xf32> to vector<16xf32>
    tpu.vector_store %arg19[%swap3A_416], %swap3A_419 {strides = array<i32>} : memref<512xf32, #tpu.memory_space<vmem>>, vector<16xf32>,
    %swap3A_420 = arith.constant 320 : index
    %swap3A_421 = tpu.vector_load %arg20[%swap3A_420] {strides = array<i32>} : memref<512xf32, #tpu.memory_space<vmem>>, vector<16xf32>,
    %swap3A_422 = vector.shape_cast %swap3A_421 : vector<16xf32> to vector<16xf32>
    %swap3A_423 = vector.shape_cast %broadcast_in_dim3A_6 : vector<16xf32> to vector<16xf32>
    tpu.vector_store %arg20[%swap3A_420], %swap3A_423 {strides = array<i32>} : memref<512xf32, #tpu.memory_space<vmem>>, vector<16xf32>,
    %swap3A_424 = arith.constant 320 : index
    %swap3A_425 = tpu.vector_load %arg21[%swap3A_424] {strides = array<i32>} : memref<512xi32, #tpu.memory_space<vmem>>, vector<16xi32>,
    %swap3A_426 = vector.shape_cast %swap3A_425 : vector<16xi32> to vector<16xi32>
    %swap3A_427 = vector.shape_cast %broadcast_in_dim3A_8 : vector<16xi32> to vector<16xi32>
    tpu.vector_store %arg21[%swap3A_424], %swap3A_427 {strides = array<i32>} : memref<512xi32, #tpu.memory_space<vmem>>, vector<16xi32>,
    %swap3A_428 = arith.constant 336 : index
    %swap3A_429 = tpu.vector_load %arg17[%swap3A_428] {strides = array<i32>} : memref<512xf32, #tpu.memory_space<vmem>>, vector<16xf32>,
    %swap3A_430 = vector.shape_cast %swap3A_429 : vector<16xf32> to vector<16xf32>
    %swap3A_431 = vector.shape_cast %broadcast_in_dim3A_4 : vector<16xf32> to vector<16xf32>
    tpu.vector_store %arg17[%swap3A_428], %swap3A_431 {strides = array<i32>} : memref<512xf32, #tpu.memory_space<vmem>>, vector<16xf32>,
    %swap3A_432 = arith.constant 336 : index
    %swap3A_433 = tpu.vector_load %arg18[%swap3A_432] {strides = array<i32>} : memref<512xf32, #tpu.memory_space<vmem>>, vector<16xf32>,
    %swap3A_434 = vector.shape_cast %swap3A_433 : vector<16xf32> to vector<16xf32>
    %swap3A_435 = vector.shape_cast %broadcast_in_dim3A_6 : vector<16xf32> to vector<16xf32>
    tpu.vector_store %arg18[%swap3A_432], %swap3A_435 {strides = array<i32>} : memref<512xf32, #tpu.memory_space<vmem>>, vector<16xf32>,
    %swap3A_436 = arith.constant 336 : index
    %swap3A_437 = tpu.vector_load %arg19[%swap3A_436] {strides = array<i32>} : memref<512xf32, #tpu.memory_space<vmem>>, vector<16xf32>,
    %swap3A_438 = vector.shape_cast %swap3A_437 : vector<16xf32> to vector<16xf32>
    %swap3A_439 = vector.shape_cast %broadcast_in_dim3A_6 : vector<16xf32> to vector<16xf32>
    tpu.vector_store %arg19[%swap3A_436], %swap3A_439 {strides = array<i32>} : memref<512xf32, #tpu.memory_space<vmem>>, vector<16xf32>,
    %swap3A_440 = arith.constant 336 : index
    %swap3A_441 = tpu.vector_load %arg20[%swap3A_440] {strides = array<i32>} : memref<512xf32, #tpu.memory_space<vmem>>, vector<16xf32>,
    %swap3A_442 = vector.shape_cast %swap3A_441 : vector<16xf32> to vector<16xf32>
    %swap3A_443 = vector.shape_cast %broadcast_in_dim3A_6 : vector<16xf32> to vector<16xf32>
    tpu.vector_store %arg20[%swap3A_440], %swap3A_443 {strides = array<i32>} : memref<512xf32, #tpu.memory_space<vmem>>, vector<16xf32>,
    %swap3A_444 = arith.constant 336 : index
    %swap3A_445 = tpu.vector_load %arg21[%swap3A_444] {strides = array<i32>} : memref<512xi32, #tpu.memory_space<vmem>>, vector<16xi32>,
    %swap3A_446 = vector.shape_cast %swap3A_445 : vector<16xi32> to vector<16xi32>
    %swap3A_447 = vector.shape_cast %broadcast_in_dim3A_8 : vector<16xi32> to vector<16xi32>
    tpu.vector_store %arg21[%swap3A_444], %swap3A_447 {strides = array<i32>} : memref<512xi32, #tpu.memory_space<vmem>>, vector<16xi32>,
    %swap3A_448 = arith.constant 352 : index
    %swap3A_449 = tpu.vector_load %arg17[%swap3A_448] {strides = array<i32>} : memref<512xf32, #tpu.memory_space<vmem>>, vector<16xf32>,
    %swap3A_450 = vector.shape_cast %swap3A_449 : vector<16xf32> to vector<16xf32>
    %swap3A_451 = vector.shape_cast %broadcast_in_dim3A_4 : vector<16xf32> to vector<16xf32>
    tpu.vector_store %arg17[%swap3A_448], %swap3A_451 {strides = array<i32>} : memref<512xf32, #tpu.memory_space<vmem>>, vector<16xf32>,
    %swap3A_452 = arith.constant 352 : index
    %swap3A_453 = tpu.vector_load %arg18[%swap3A_452] {strides = array<i32>} : memref<512xf32, #tpu.memory_space<vmem>>, vector<16xf32>,
    %swap3A_454 = vector.shape_cast %swap3A_453 : vector<16xf32> to vector<16xf32>
    %swap3A_455 = vector.shape_cast %broadcast_in_dim3A_6 : vector<16xf32> to vector<16xf32>
    tpu.vector_store %arg18[%swap3A_452], %swap3A_455 {strides = array<i32>} : memref<512xf32, #tpu.memory_space<vmem>>, vector<16xf32>,
    %swap3A_456 = arith.constant 352 : index
    %swap3A_457 = tpu.vector_load %arg19[%swap3A_456] {strides = array<i32>} : memref<512xf32, #tpu.memory_space<vmem>>, vector<16xf32>,
    %swap3A_458 = vector.shape_cast %swap3A_457 : vector<16xf32> to vector<16xf32>
    %swap3A_459 = vector.shape_cast %broadcast_in_dim3A_6 : vector<16xf32> to vector<16xf32>
    tpu.vector_store %arg19[%swap3A_456], %swap3A_459 {strides = array<i32>} : memref<512xf32, #tpu.memory_space<vmem>>, vector<16xf32>,
    %swap3A_460 = arith.constant 352 : index
    %swap3A_461 = tpu.vector_load %arg20[%swap3A_460] {strides = array<i32>} : memref<512xf32, #tpu.memory_space<vmem>>, vector<16xf32>,
    %swap3A_462 = vector.shape_cast %swap3A_461 : vector<16xf32> to vector<16xf32>
    %swap3A_463 = vector.shape_cast %broadcast_in_dim3A_6 : vector<16xf32> to vector<16xf32>
    tpu.vector_store %arg20[%swap3A_460], %swap3A_463 {strides = array<i32>} : memref<512xf32, #tpu.memory_space<vmem>>, vector<16xf32>,
    %swap3A_464 = arith.constant 352 : index
    %swap3A_465 = tpu.vector_load %arg21[%swap3A_464] {strides = array<i32>} : memref<512xi32, #tpu.memory_space<vmem>>, vector<16xi32>,
    %swap3A_466 = vector.shape_cast %swap3A_465 : vector<16xi32> to vector<16xi32>
    %swap3A_467 = vector.shape_cast %broadcast_in_dim3A_8 : vector<16xi32> to vector<16xi32>
    tpu.vector_store %arg21[%swap3A_464], %swap3A_467 {strides = array<i32>} : memref<512xi32, #tpu.memory_space<vmem>>, vector<16xi32>,
    %swap3A_468 = arith.constant 368 : index
    %swap3A_469 = tpu.vector_load %arg17[%swap3A_468] {strides = array<i32>} : memref<512xf32, #tpu.memory_space<vmem>>, vector<16xf32>,
    %swap3A_470 = vector.shape_cast %swap3A_469 : vector<16xf32> to vector<16xf32>
    %swap3A_471 = vector.shape_cast %broadcast_in_dim3A_4 : vector<16xf32> to vector<16xf32>
    tpu.vector_store %arg17[%swap3A_468], %swap3A_471 {strides = array<i32>} : memref<512xf32, #tpu.memory_space<vmem>>, vector<16xf32>,
    %swap3A_472 = arith.constant 368 : index
    %swap3A_473 = tpu.vector_load %arg18[%swap3A_472] {strides = array<i32>} : memref<512xf32, #tpu.memory_space<vmem>>, vector<16xf32>,
    %swap3A_474 = vector.shape_cast %swap3A_473 : vector<16xf32> to vector<16xf32>
    %swap3A_475 = vector.shape_cast %broadcast_in_dim3A_6 : vector<16xf32> to vector<16xf32>
    tpu.vector_store %arg18[%swap3A_472], %swap3A_475 {strides = array<i32>} : memref<512xf32, #tpu.memory_space<vmem>>, vector<16xf32>,
    %swap3A_476 = arith.constant 368 : index
    %swap3A_477 = tpu.vector_load %arg19[%swap3A_476] {strides = array<i32>} : memref<512xf32, #tpu.memory_space<vmem>>, vector<16xf32>,
    %swap3A_478 = vector.shape_cast %swap3A_477 : vector<16xf32> to vector<16xf32>
    %swap3A_479 = vector.shape_cast %broadcast_in_dim3A_6 : vector<16xf32> to vector<16xf32>
    tpu.vector_store %arg19[%swap3A_476], %swap3A_479 {strides = array<i32>} : memref<512xf32, #tpu.memory_space<vmem>>, vector<16xf32>,
    %swap3A_480 = arith.constant 368 : index
    %swap3A_481 = tpu.vector_load %arg20[%swap3A_480] {strides = array<i32>} : memref<512xf32, #tpu.memory_space<vmem>>, vector<16xf32>,
    %swap3A_482 = vector.shape_cast %swap3A_481 : vector<16xf32> to vector<16xf32>
    %swap3A_483 = vector.shape_cast %broadcast_in_dim3A_6 : vector<16xf32> to vector<16xf32>
    tpu.vector_store %arg20[%swap3A_480], %swap3A_483 {strides = array<i32>} : memref<512xf32, #tpu.memory_space<vmem>>, vector<16xf32>,
    %swap3A_484 = arith.constant 368 : index
    %swap3A_485 = tpu.vector_load %arg21[%swap3A_484] {strides = array<i32>} : memref<512xi32, #tpu.memory_space<vmem>>, vector<16xi32>,
    %swap3A_486 = vector.shape_cast %swap3A_485 : vector<16xi32> to vector<16xi32>
    %swap3A_487 = vector.shape_cast %broadcast_in_dim3A_8 : vector<16xi32> to vector<16xi32>
    tpu.vector_store %arg21[%swap3A_484], %swap3A_487 {strides = array<i32>} : memref<512xi32, #tpu.memory_space<vmem>>, vector<16xi32>,
    %swap3A_488 = arith.constant 384 : index
    %swap3A_489 = tpu.vector_load %arg17[%swap3A_488] {strides = array<i32>} : memref<512xf32, #tpu.memory_space<vmem>>, vector<16xf32>,
    %swap3A_490 = vector.shape_cast %swap3A_489 : vector<16xf32> to vector<16xf32>
    %swap3A_491 = vector.shape_cast %broadcast_in_dim3A_4 : vector<16xf32> to vector<16xf32>
    tpu.vector_store %arg17[%swap3A_488], %swap3A_491 {strides = array<i32>} : memref<512xf32, #tpu.memory_space<vmem>>, vector<16xf32>,
    %swap3A_492 = arith.constant 384 : index
    %swap3A_493 = tpu.vector_load %arg18[%swap3A_492] {strides = array<i32>} : memref<512xf32, #tpu.memory_space<vmem>>, vector<16xf32>,
    %swap3A_494 = vector.shape_cast %swap3A_493 : vector<16xf32> to vector<16xf32>
    %swap3A_495 = vector.shape_cast %broadcast_in_dim3A_6 : vector<16xf32> to vector<16xf32>
    tpu.vector_store %arg18[%swap3A_492], %swap3A_495 {strides = array<i32>} : memref<512xf32, #tpu.memory_space<vmem>>, vector<16xf32>,
    %swap3A_496 = arith.constant 384 : index
    %swap3A_497 = tpu.vector_load %arg19[%swap3A_496] {strides = array<i32>} : memref<512xf32, #tpu.memory_space<vmem>>, vector<16xf32>,
    %swap3A_498 = vector.shape_cast %swap3A_497 : vector<16xf32> to vector<16xf32>
    %swap3A_499 = vector.shape_cast %broadcast_in_dim3A_6 : vector<16xf32> to vector<16xf32>
    tpu.vector_store %arg19[%swap3A_496], %swap3A_499 {strides = array<i32>} : memref<512xf32, #tpu.memory_space<vmem>>, vector<16xf32>,
    %swap3A_500 = arith.constant 384 : index
    %swap3A_501 = tpu.vector_load %arg20[%swap3A_500] {strides = array<i32>} : memref<512xf32, #tpu.memory_space<vmem>>, vector<16xf32>,
    %swap3A_502 = vector.shape_cast %swap3A_501 : vector<16xf32> to vector<16xf32>
    %swap3A_503 = vector.shape_cast %broadcast_in_dim3A_6 : vector<16xf32> to vector<16xf32>
    tpu.vector_store %arg20[%swap3A_500], %swap3A_503 {strides = array<i32>} : memref<512xf32, #tpu.memory_space<vmem>>, vector<16xf32>,
    %swap3A_504 = arith.constant 384 : index
    %swap3A_505 = tpu.vector_load %arg21[%swap3A_504] {strides = array<i32>} : memref<512xi32, #tpu.memory_space<vmem>>, vector<16xi32>,
    %swap3A_506 = vector.shape_cast %swap3A_505 : vector<16xi32> to vector<16xi32>
    %swap3A_507 = vector.shape_cast %broadcast_in_dim3A_8 : vector<16xi32> to vector<16xi32>
    tpu.vector_store %arg21[%swap3A_504], %swap3A_507 {strides = array<i32>} : memref<512xi32, #tpu.memory_space<vmem>>, vector<16xi32>,
    %swap3A_508 = arith.constant 400 : index
    %swap3A_509 = tpu.vector_load %arg17[%swap3A_508] {strides = array<i32>} : memref<512xf32, #tpu.memory_space<vmem>>, vector<16xf32>,
    %swap3A_510 = vector.shape_cast %swap3A_509 : vector<16xf32> to vector<16xf32>
    %swap3A_511 = vector.shape_cast %broadcast_in_dim3A_4 : vector<16xf32> to vector<16xf32>
    tpu.vector_store %arg17[%swap3A_508], %swap3A_511 {strides = array<i32>} : memref<512xf32, #tpu.memory_space<vmem>>, vector<16xf32>,
    %swap3A_512 = arith.constant 400 : index
    %swap3A_513 = tpu.vector_load %arg18[%swap3A_512] {strides = array<i32>} : memref<512xf32, #tpu.memory_space<vmem>>, vector<16xf32>,
    %swap3A_514 = vector.shape_cast %swap3A_513 : vector<16xf32> to vector<16xf32>
    %swap3A_515 = vector.shape_cast %broadcast_in_dim3A_6 : vector<16xf32> to vector<16xf32>
    tpu.vector_store %arg18[%swap3A_512], %swap3A_515 {strides = array<i32>} : memref<512xf32, #tpu.memory_space<vmem>>, vector<16xf32>,
    %swap3A_516 = arith.constant 400 : index
    %swap3A_517 = tpu.vector_load %arg19[%swap3A_516] {strides = array<i32>} : memref<512xf32, #tpu.memory_space<vmem>>, vector<16xf32>,
    %swap3A_518 = vector.shape_cast %swap3A_517 : vector<16xf32> to vector<16xf32>
    %swap3A_519 = vector.shape_cast %broadcast_in_dim3A_6 : vector<16xf32> to vector<16xf32>
    tpu.vector_store %arg19[%swap3A_516], %swap3A_519 {strides = array<i32>} : memref<512xf32, #tpu.memory_space<vmem>>, vector<16xf32>,
    %swap3A_520 = arith.constant 400 : index
    %swap3A_521 = tpu.vector_load %arg20[%swap3A_520] {strides = array<i32>} : memref<512xf32, #tpu.memory_space<vmem>>, vector<16xf32>,
    %swap3A_522 = vector.shape_cast %swap3A_521 : vector<16xf32> to vector<16xf32>
    %swap3A_523 = vector.shape_cast %broadcast_in_dim3A_6 : vector<16xf32> to vector<16xf32>
    tpu.vector_store %arg20[%swap3A_520], %swap3A_523 {strides = array<i32>} : memref<512xf32, #tpu.memory_space<vmem>>, vector<16xf32>,
    %swap3A_524 = arith.constant 400 : index
    %swap3A_525 = tpu.vector_load %arg21[%swap3A_524] {strides = array<i32>} : memref<512xi32, #tpu.memory_space<vmem>>, vector<16xi32>,
    %swap3A_526 = vector.shape_cast %swap3A_525 : vector<16xi32> to vector<16xi32>
    %swap3A_527 = vector.shape_cast %broadcast_in_dim3A_8 : vector<16xi32> to vector<16xi32>
    tpu.vector_store %arg21[%swap3A_524], %swap3A_527 {strides = array<i32>} : memref<512xi32, #tpu.memory_space<vmem>>, vector<16xi32>,
    %swap3A_528 = arith.constant 416 : index
    %swap3A_529 = tpu.vector_load %arg17[%swap3A_528] {strides = array<i32>} : memref<512xf32, #tpu.memory_space<vmem>>, vector<16xf32>,
    %swap3A_530 = vector.shape_cast %swap3A_529 : vector<16xf32> to vector<16xf32>
    %swap3A_531 = vector.shape_cast %broadcast_in_dim3A_4 : vector<16xf32> to vector<16xf32>
    tpu.vector_store %arg17[%swap3A_528], %swap3A_531 {strides = array<i32>} : memref<512xf32, #tpu.memory_space<vmem>>, vector<16xf32>,
    %swap3A_532 = arith.constant 416 : index
    %swap3A_533 = tpu.vector_load %arg18[%swap3A_532] {strides = array<i32>} : memref<512xf32, #tpu.memory_space<vmem>>, vector<16xf32>,
    %swap3A_534 = vector.shape_cast %swap3A_533 : vector<16xf32> to vector<16xf32>
    %swap3A_535 = vector.shape_cast %broadcast_in_dim3A_6 : vector<16xf32> to vector<16xf32>
    tpu.vector_store %arg18[%swap3A_532], %swap3A_535 {strides = array<i32>} : memref<512xf32, #tpu.memory_space<vmem>>, vector<16xf32>,
    %swap3A_536 = arith.constant 416 : index
    %swap3A_537 = tpu.vector_load %arg19[%swap3A_536] {strides = array<i32>} : memref<512xf32, #tpu.memory_space<vmem>>, vector<16xf32>,
    %swap3A_538 = vector.shape_cast %swap3A_537 : vector<16xf32> to vector<16xf32>
    %swap3A_539 = vector.shape_cast %broadcast_in_dim3A_6 : vector<16xf32> to vector<16xf32>
    tpu.vector_store %arg19[%swap3A_536], %swap3A_539 {strides = array<i32>} : memref<512xf32, #tpu.memory_space<vmem>>, vector<16xf32>,
    %swap3A_540 = arith.constant 416 : index
    %swap3A_541 = tpu.vector_load %arg20[%swap3A_540] {strides = array<i32>} : memref<512xf32, #tpu.memory_space<vmem>>, vector<16xf32>,
    %swap3A_542 = vector.shape_cast %swap3A_541 : vector<16xf32> to vector<16xf32>
    %swap3A_543 = vector.shape_cast %broadcast_in_dim3A_6 : vector<16xf32> to vector<16xf32>
    tpu.vector_store %arg20[%swap3A_540], %swap3A_543 {strides = array<i32>} : memref<512xf32, #tpu.memory_space<vmem>>, vector<16xf32>,
    %swap3A_544 = arith.constant 416 : index
    %swap3A_545 = tpu.vector_load %arg21[%swap3A_544] {strides = array<i32>} : memref<512xi32, #tpu.memory_space<vmem>>, vector<16xi32>,
    %swap3A_546 = vector.shape_cast %swap3A_545 : vector<16xi32> to vector<16xi32>
    %swap3A_547 = vector.shape_cast %broadcast_in_dim3A_8 : vector<16xi32> to vector<16xi32>
    tpu.vector_store %arg21[%swap3A_544], %swap3A_547 {strides = array<i32>} : memref<512xi32, #tpu.memory_space<vmem>>, vector<16xi32>,
    %swap3A_548 = arith.constant 432 : index
    %swap3A_549 = tpu.vector_load %arg17[%swap3A_548] {strides = array<i32>} : memref<512xf32, #tpu.memory_space<vmem>>, vector<16xf32>,
    %swap3A_550 = vector.shape_cast %swap3A_549 : vector<16xf32> to vector<16xf32>
    %swap3A_551 = vector.shape_cast %broadcast_in_dim3A_4 : vector<16xf32> to vector<16xf32>
    tpu.vector_store %arg17[%swap3A_548], %swap3A_551 {strides = array<i32>} : memref<512xf32, #tpu.memory_space<vmem>>, vector<16xf32>,
    %swap3A_552 = arith.constant 432 : index
    %swap3A_553 = tpu.vector_load %arg18[%swap3A_552] {strides = array<i32>} : memref<512xf32, #tpu.memory_space<vmem>>, vector<16xf32>,
    %swap3A_554 = vector.shape_cast %swap3A_553 : vector<16xf32> to vector<16xf32>
    %swap3A_555 = vector.shape_cast %broadcast_in_dim3A_6 : vector<16xf32> to vector<16xf32>
    tpu.vector_store %arg18[%swap3A_552], %swap3A_555 {strides = array<i32>} : memref<512xf32, #tpu.memory_space<vmem>>, vector<16xf32>,
    %swap3A_556 = arith.constant 432 : index
    %swap3A_557 = tpu.vector_load %arg19[%swap3A_556] {strides = array<i32>} : memref<512xf32, #tpu.memory_space<vmem>>, vector<16xf32>,
    %swap3A_558 = vector.shape_cast %swap3A_557 : vector<16xf32> to vector<16xf32>
    %swap3A_559 = vector.shape_cast %broadcast_in_dim3A_6 : vector<16xf32> to vector<16xf32>
    tpu.vector_store %arg19[%swap3A_556], %swap3A_559 {strides = array<i32>} : memref<512xf32, #tpu.memory_space<vmem>>, vector<16xf32>,
    %swap3A_560 = arith.constant 432 : index
    %swap3A_561 = tpu.vector_load %arg20[%swap3A_560] {strides = array<i32>} : memref<512xf32, #tpu.memory_space<vmem>>, vector<16xf32>,
    %swap3A_562 = vector.shape_cast %swap3A_561 : vector<16xf32> to vector<16xf32>
    %swap3A_563 = vector.shape_cast %broadcast_in_dim3A_6 : vector<16xf32> to vector<16xf32>
    tpu.vector_store %arg20[%swap3A_560], %swap3A_563 {strides = array<i32>} : memref<512xf32, #tpu.memory_space<vmem>>, vector<16xf32>,
    %swap3A_564 = arith.constant 432 : index
    %swap3A_565 = tpu.vector_load %arg21[%swap3A_564] {strides = array<i32>} : memref<512xi32, #tpu.memory_space<vmem>>, vector<16xi32>,
    %swap3A_566 = vector.shape_cast %swap3A_565 : vector<16xi32> to vector<16xi32>
    %swap3A_567 = vector.shape_cast %broadcast_in_dim3A_8 : vector<16xi32> to vector<16xi32>
    tpu.vector_store %arg21[%swap3A_564], %swap3A_567 {strides = array<i32>} : memref<512xi32, #tpu.memory_space<vmem>>, vector<16xi32>,
    %swap3A_568 = arith.constant 448 : index
    %swap3A_569 = tpu.vector_load %arg17[%swap3A_568] {strides = array<i32>} : memref<512xf32, #tpu.memory_space<vmem>>, vector<16xf32>,
    %swap3A_570 = vector.shape_cast %swap3A_569 : vector<16xf32> to vector<16xf32>
    %swap3A_571 = vector.shape_cast %broadcast_in_dim3A_4 : vector<16xf32> to vector<16xf32>
    tpu.vector_store %arg17[%swap3A_568], %swap3A_571 {strides = array<i32>} : memref<512xf32, #tpu.memory_space<vmem>>, vector<16xf32>,
    %swap3A_572 = arith.constant 448 : index
    %swap3A_573 = tpu.vector_load %arg18[%swap3A_572] {strides = array<i32>} : memref<512xf32, #tpu.memory_space<vmem>>, vector<16xf32>,
    %swap3A_574 = vector.shape_cast %swap3A_573 : vector<16xf32> to vector<16xf32>
    %swap3A_575 = vector.shape_cast %broadcast_in_dim3A_6 : vector<16xf32> to vector<16xf32>
    tpu.vector_store %arg18[%swap3A_572], %swap3A_575 {strides = array<i32>} : memref<512xf32, #tpu.memory_space<vmem>>, vector<16xf32>,
    %swap3A_576 = arith.constant 448 : index
    %swap3A_577 = tpu.vector_load %arg19[%swap3A_576] {strides = array<i32>} : memref<512xf32, #tpu.memory_space<vmem>>, vector<16xf32>,
    %swap3A_578 = vector.shape_cast %swap3A_577 : vector<16xf32> to vector<16xf32>
    %swap3A_579 = vector.shape_cast %broadcast_in_dim3A_6 : vector<16xf32> to vector<16xf32>
    tpu.vector_store %arg19[%swap3A_576], %swap3A_579 {strides = array<i32>} : memref<512xf32, #tpu.memory_space<vmem>>, vector<16xf32>,
    %swap3A_580 = arith.constant 448 : index
    %swap3A_581 = tpu.vector_load %arg20[%swap3A_580] {strides = array<i32>} : memref<512xf32, #tpu.memory_space<vmem>>, vector<16xf32>,
    %swap3A_582 = vector.shape_cast %swap3A_581 : vector<16xf32> to vector<16xf32>
    %swap3A_583 = vector.shape_cast %broadcast_in_dim3A_6 : vector<16xf32> to vector<16xf32>
    tpu.vector_store %arg20[%swap3A_580], %swap3A_583 {strides = array<i32>} : memref<512xf32, #tpu.memory_space<vmem>>, vector<16xf32>,
    %swap3A_584 = arith.constant 448 : index
    %swap3A_585 = tpu.vector_load %arg21[%swap3A_584] {strides = array<i32>} : memref<512xi32, #tpu.memory_space<vmem>>, vector<16xi32>,
    %swap3A_586 = vector.shape_cast %swap3A_585 : vector<16xi32> to vector<16xi32>
    %swap3A_587 = vector.shape_cast %broadcast_in_dim3A_8 : vector<16xi32> to vector<16xi32>
    tpu.vector_store %arg21[%swap3A_584], %swap3A_587 {strides = array<i32>} : memref<512xi32, #tpu.memory_space<vmem>>, vector<16xi32>,
    %swap3A_588 = arith.constant 464 : index
    %swap3A_589 = tpu.vector_load %arg17[%swap3A_588] {strides = array<i32>} : memref<512xf32, #tpu.memory_space<vmem>>, vector<16xf32>,
    %swap3A_590 = vector.shape_cast %swap3A_589 : vector<16xf32> to vector<16xf32>
    %swap3A_591 = vector.shape_cast %broadcast_in_dim3A_4 : vector<16xf32> to vector<16xf32>
    tpu.vector_store %arg17[%swap3A_588], %swap3A_591 {strides = array<i32>} : memref<512xf32, #tpu.memory_space<vmem>>, vector<16xf32>,
    %swap3A_592 = arith.constant 464 : index
    %swap3A_593 = tpu.vector_load %arg18[%swap3A_592] {strides = array<i32>} : memref<512xf32, #tpu.memory_space<vmem>>, vector<16xf32>,
    %swap3A_594 = vector.shape_cast %swap3A_593 : vector<16xf32> to vector<16xf32>
    %swap3A_595 = vector.shape_cast %broadcast_in_dim3A_6 : vector<16xf32> to vector<16xf32>
    tpu.vector_store %arg18[%swap3A_592], %swap3A_595 {strides = array<i32>} : memref<512xf32, #tpu.memory_space<vmem>>, vector<16xf32>,
    %swap3A_596 = arith.constant 464 : index
    %swap3A_597 = tpu.vector_load %arg19[%swap3A_596] {strides = array<i32>} : memref<512xf32, #tpu.memory_space<vmem>>, vector<16xf32>,
    %swap3A_598 = vector.shape_cast %swap3A_597 : vector<16xf32> to vector<16xf32>
    %swap3A_599 = vector.shape_cast %broadcast_in_dim3A_6 : vector<16xf32> to vector<16xf32>
    tpu.vector_store %arg19[%swap3A_596], %swap3A_599 {strides = array<i32>} : memref<512xf32, #tpu.memory_space<vmem>>, vector<16xf32>,
    %swap3A_600 = arith.constant 464 : index
    %swap3A_601 = tpu.vector_load %arg20[%swap3A_600] {strides = array<i32>} : memref<512xf32, #tpu.memory_space<vmem>>, vector<16xf32>,
    %swap3A_602 = vector.shape_cast %swap3A_601 : vector<16xf32> to vector<16xf32>
    %swap3A_603 = vector.shape_cast %broadcast_in_dim3A_6 : vector<16xf32> to vector<16xf32>
    tpu.vector_store %arg20[%swap3A_600], %swap3A_603 {strides = array<i32>} : memref<512xf32, #tpu.memory_space<vmem>>, vector<16xf32>,
    %swap3A_604 = arith.constant 464 : index
    %swap3A_605 = tpu.vector_load %arg21[%swap3A_604] {strides = array<i32>} : memref<512xi32, #tpu.memory_space<vmem>>, vector<16xi32>,
    %swap3A_606 = vector.shape_cast %swap3A_605 : vector<16xi32> to vector<16xi32>
    %swap3A_607 = vector.shape_cast %broadcast_in_dim3A_8 : vector<16xi32> to vector<16xi32>
    tpu.vector_store %arg21[%swap3A_604], %swap3A_607 {strides = array<i32>} : memref<512xi32, #tpu.memory_space<vmem>>, vector<16xi32>,
    %swap3A_608 = arith.constant 480 : index
    %swap3A_609 = tpu.vector_load %arg17[%swap3A_608] {strides = array<i32>} : memref<512xf32, #tpu.memory_space<vmem>>, vector<16xf32>,
    %swap3A_610 = vector.shape_cast %swap3A_609 : vector<16xf32> to vector<16xf32>
    %swap3A_611 = vector.shape_cast %broadcast_in_dim3A_4 : vector<16xf32> to vector<16xf32>
    tpu.vector_store %arg17[%swap3A_608], %swap3A_611 {strides = array<i32>} : memref<512xf32, #tpu.memory_space<vmem>>, vector<16xf32>,
    %swap3A_612 = arith.constant 480 : index
    %swap3A_613 = tpu.vector_load %arg18[%swap3A_612] {strides = array<i32>} : memref<512xf32, #tpu.memory_space<vmem>>, vector<16xf32>,
    %swap3A_614 = vector.shape_cast %swap3A_613 : vector<16xf32> to vector<16xf32>
    %swap3A_615 = vector.shape_cast %broadcast_in_dim3A_6 : vector<16xf32> to vector<16xf32>
    tpu.vector_store %arg18[%swap3A_612], %swap3A_615 {strides = array<i32>} : memref<512xf32, #tpu.memory_space<vmem>>, vector<16xf32>,
    %swap3A_616 = arith.constant 480 : index
    %swap3A_617 = tpu.vector_load %arg19[%swap3A_616] {strides = array<i32>} : memref<512xf32, #tpu.memory_space<vmem>>, vector<16xf32>,
    %swap3A_618 = vector.shape_cast %swap3A_617 : vector<16xf32> to vector<16xf32>
    %swap3A_619 = vector.shape_cast %broadcast_in_dim3A_6 : vector<16xf32> to vector<16xf32>
    tpu.vector_store %arg19[%swap3A_616], %swap3A_619 {strides = array<i32>} : memref<512xf32, #tpu.memory_space<vmem>>, vector<16xf32>,
    %swap3A_620 = arith.constant 480 : index
    %swap3A_621 = tpu.vector_load %arg20[%swap3A_620] {strides = array<i32>} : memref<512xf32, #tpu.memory_space<vmem>>, vector<16xf32>,
    %swap3A_622 = vector.shape_cast %swap3A_621 : vector<16xf32> to vector<16xf32>
    %swap3A_623 = vector.shape_cast %broadcast_in_dim3A_6 : vector<16xf32> to vector<16xf32>
    tpu.vector_store %arg20[%swap3A_620], %swap3A_623 {strides = array<i32>} : memref<512xf32, #tpu.memory_space<vmem>>, vector<16xf32>,
    %swap3A_624 = arith.constant 480 : index
    %swap3A_625 = tpu.vector_load %arg21[%swap3A_624] {strides = array<i32>} : memref<512xi32, #tpu.memory_space<vmem>>, vector<16xi32>,
    %swap3A_626 = vector.shape_cast %swap3A_625 : vector<16xi32> to vector<16xi32>
    %swap3A_627 = vector.shape_cast %broadcast_in_dim3A_8 : vector<16xi32> to vector<16xi32>
    tpu.vector_store %arg21[%swap3A_624], %swap3A_627 {strides = array<i32>} : memref<512xi32, #tpu.memory_space<vmem>>, vector<16xi32>,
    %swap3A_628 = arith.constant 496 : index
    %swap3A_629 = tpu.vector_load %arg17[%swap3A_628] {strides = array<i32>} : memref<512xf32, #tpu.memory_space<vmem>>, vector<16xf32>,
    %swap3A_630 = vector.shape_cast %swap3A_629 : vector<16xf32> to vector<16xf32>
    %swap3A_631 = vector.shape_cast %broadcast_in_dim3A_4 : vector<16xf32> to vector<16xf32>
    tpu.vector_store %arg17[%swap3A_628], %swap3A_631 {strides = array<i32>} : memref<512xf32, #tpu.memory_space<vmem>>, vector<16xf32>,
    %swap3A_632 = arith.constant 496 : index
    %swap3A_633 = tpu.vector_load %arg18[%swap3A_632] {strides = array<i32>} : memref<512xf32, #tpu.memory_space<vmem>>, vector<16xf32>,
    %swap3A_634 = vector.shape_cast %swap3A_633 : vector<16xf32> to vector<16xf32>
    %swap3A_635 = vector.shape_cast %broadcast_in_dim3A_6 : vector<16xf32> to vector<16xf32>
    tpu.vector_store %arg18[%swap3A_632], %swap3A_635 {strides = array<i32>} : memref<512xf32, #tpu.memory_space<vmem>>, vector<16xf32>,
    %swap3A_636 = arith.constant 496 : index
    %swap3A_637 = tpu.vector_load %arg19[%swap3A_636] {strides = array<i32>} : memref<512xf32, #tpu.memory_space<vmem>>, vector<16xf32>,
    %swap3A_638 = vector.shape_cast %swap3A_637 : vector<16xf32> to vector<16xf32>
    %swap3A_639 = vector.shape_cast %broadcast_in_dim3A_6 : vector<16xf32> to vector<16xf32>
    tpu.vector_store %arg19[%swap3A_636], %swap3A_639 {strides = array<i32>} : memref<512xf32, #tpu.memory_space<vmem>>, vector<16xf32>,
    %swap3A_640 = arith.constant 496 : index
    %swap3A_641 = tpu.vector_load %arg20[%swap3A_640] {strides = array<i32>} : memref<512xf32, #tpu.memory_space<vmem>>, vector<16xf32>,
    %swap3A_642 = vector.shape_cast %swap3A_641 : vector<16xf32> to vector<16xf32>
    %swap3A_643 = vector.shape_cast %broadcast_in_dim3A_6 : vector<16xf32> to vector<16xf32>
    tpu.vector_store %arg20[%swap3A_640], %swap3A_643 {strides = array<i32>} : memref<512xf32, #tpu.memory_space<vmem>>, vector<16xf32>,
    %swap3A_644 = arith.constant 496 : index
    %swap3A_645 = tpu.vector_load %arg21[%swap3A_644] {strides = array<i32>} : memref<512xi32, #tpu.memory_space<vmem>>, vector<16xi32>,
    %swap3A_646 = vector.shape_cast %swap3A_645 : vector<16xi32> to vector<16xi32>
    %swap3A_647 = vector.shape_cast %broadcast_in_dim3A_8 : vector<16xi32> to vector<16xi32>
    tpu.vector_store %arg21[%swap3A_644], %swap3A_647 {strides = array<i32>} : memref<512xi32, #tpu.memory_space<vmem>>, vector<16xi32>,
    %swap3A_648 = arith.constant 0 : i32
    %swap3A_649 = arith.constant 0 : i32
    %swap3A_650 = arith.index_cast %swap3A_649 : i32 to index
    %swap3A_651 = memref.load %arg22[%swap3A_650] : memref<8xi32, #tpu.memory_space<smem>>
    memref.store %swap3A_648, %arg22[%swap3A_650] : memref<8xi32, #tpu.memory_space<smem>>
    %swap3A_652 = arith.constant 1.000000e+09 : f32
    %swap3A_653 = arith.constant 0 : i32
    %swap3A_654 = arith.index_cast %swap3A_653 : i32 to index
    %swap3A_655 = memref.load %arg23[%swap3A_654] : memref<8xf32, #tpu.memory_space<smem>>
    memref.store %swap3A_652, %arg23[%swap3A_654] : memref<8xf32, #tpu.memory_space<smem>>
    %swap3A_656 = arith.constant 1.000000e+09 : f32
    %swap3A_657 = arith.constant 1 : i32
    %swap3A_658 = arith.index_cast %swap3A_657 : i32 to index
    %swap3A_659 = memref.load %arg23[%swap3A_658] : memref<8xf32, #tpu.memory_space<smem>>
    memref.store %swap3A_656, %arg23[%swap3A_658] : memref<8xf32, #tpu.memory_space<smem>>
    %swap3A_660 = arith.constant 1.000000e+09 : f32
    %swap3A_661 = arith.constant 2 : i32
    %swap3A_662 = arith.index_cast %swap3A_661 : i32 to index
    %swap3A_663 = memref.load %arg23[%swap3A_662] : memref<8xf32, #tpu.memory_space<smem>>
    memref.store %swap3A_660, %arg23[%swap3A_662] : memref<8xf32, #tpu.memory_space<smem>>
    %swap3A_664 = arith.constant 1.000000e+09 : f32
    %swap3A_665 = arith.constant 3 : i32
    %swap3A_666 = arith.index_cast %swap3A_665 : i32 to index
    %swap3A_667 = memref.load %arg23[%swap3A_666] : memref<8xf32, #tpu.memory_space<smem>>
    memref.store %swap3A_664, %arg23[%swap3A_666] : memref<8xf32, #tpu.memory_space<smem>>
    %swap3A_668 = arith.constant 1.000000e+09 : f32
    %swap3A_669 = arith.constant 4 : i32
    %swap3A_670 = arith.index_cast %swap3A_669 : i32 to index
    %swap3A_671 = memref.load %arg23[%swap3A_670] : memref<8xf32, #tpu.memory_space<smem>>
    memref.store %swap3A_668, %arg23[%swap3A_670] : memref<8xf32, #tpu.memory_space<smem>>
    %swap3A_672 = arith.constant 1.000000e+09 : f32
    %swap3A_673 = arith.constant 5 : i32
    %swap3A_674 = arith.index_cast %swap3A_673 : i32 to index
    %swap3A_675 = memref.load %arg23[%swap3A_674] : memref<8xf32, #tpu.memory_space<smem>>
    memref.store %swap3A_672, %arg23[%swap3A_674] : memref<8xf32, #tpu.memory_space<smem>>
    %scan3A = arith.constant 0 : i32
    %scan3A_676 = arith.constant 1.000000e+09 : f32
    %scan3A_677 = arith.constant 0 : i32
    %scan3A_678 = arith.constant 512 : i32
    %scan3A_679 = arith.addi %scan3A_677, %scan3A_678 : i32
    %scan3A_680 = arith.constant 1 : i32
    scf.for %scan3A_685 = %scan3A_677 to %scan3A_679 step %scan3A_680  : i32 {
      %get3A = arith.constant 0 : i32
      %get3A_686 = arith.index_cast %get3A : i32 to index
      %get3A_687 = memref.load %arg22[%get3A_686] : memref<8xi32, #tpu.memory_space<smem>>
      %lt3A = arith.constant 512 : i32
      %lt3A_688 = arith.cmpi slt, %get3A_687, %lt3A : i32
      %convert_element_type3A_689 = arith.extui %lt3A_688 : i1 to i32
      %cond3A_690 = arith.constant 0 : i32
      %cond3A_691 = arith.cmpi ne, %convert_element_type3A_689, %cond3A_690 : i32
      scf.if %cond3A_691 {
        %get3A_692 = arith.constant 0 : i32
        %get3A_693 = arith.index_cast %get3A_692 : i32 to index
        %get3A_694 = memref.load %arg23[%get3A_693] : memref<8xf32, #tpu.memory_space<smem>>
        %get3A_695 = arith.constant 1 : i32
        %get3A_696 = arith.index_cast %get3A_695 : i32 to index
        %get3A_697 = memref.load %arg23[%get3A_696] : memref<8xf32, #tpu.memory_space<smem>>
        %get3A_698 = arith.constant 2 : i32
        %get3A_699 = arith.index_cast %get3A_698 : i32 to index
        %get3A_700 = memref.load %arg23[%get3A_699] : memref<8xf32, #tpu.memory_space<smem>>
        %get3A_701 = arith.constant 3 : i32
        %get3A_702 = arith.index_cast %get3A_701 : i32 to index
        %get3A_703 = memref.load %arg23[%get3A_702] : memref<8xf32, #tpu.memory_space<smem>>
        %get3A_704 = arith.constant 4 : i32
        %get3A_705 = arith.index_cast %get3A_704 : i32 to index
        %get3A_706 = memref.load %arg23[%get3A_705] : memref<8xf32, #tpu.memory_space<smem>>
        %get3A_707 = arith.constant 5 : i32
        %get3A_708 = arith.index_cast %get3A_707 : i32 to index
        %get3A_709 = memref.load %arg23[%get3A_708] : memref<8xf32, #tpu.memory_space<smem>>
        %scan3A_710 = arith.constant 0 : i32
        %scan3A_711 = arith.constant 84 : i32
        %scan3A_712 = arith.addi %scan3A_710, %scan3A_711 : i32
        %scan3A_713 = arith.constant 1 : i32
        %scan3A_714:10 = scf.for %scan3A_2528 = %scan3A_710 to %scan3A_712 step %scan3A_713 iter_args(%scan3A_2529 = %broadcast_in_dim3A_4, %scan3A_2530 = %broadcast_in_dim3A_6, %scan3A_2531 = %broadcast_in_dim3A_6, %scan3A_2532 = %broadcast_in_dim3A_6, %scan3A_2533 = %broadcast_in_dim3A_6, %scan3A_2534 = %broadcast_in_dim3A_4, %scan3A_2535 = %broadcast_in_dim3A_6, %scan3A_2536 = %broadcast_in_dim3A_6, %scan3A_2537 = %broadcast_in_dim3A_6, %scan3A_2538 = %broadcast_in_dim3A_6) -> (vector<16xf32>, vector<16xf32>, vector<16xf32>, vector<16xf32>, vector<16xf32>, vector<16xf32>, vector<16xf32>, vector<16xf32>, vector<16xf32>, vector<16xf32>)  : i32 {
          %mul3A_2539 = arith.constant 16 : i32
          %mul3A_2540 = arith.muli %scan3A_2528, %mul3A_2539 : i32
          %get3A_2541 = arith.index_cast %mul3A_2540 : i32 to index
          %get3A_2542 = tpu.vector_load %arg11[%get3A_2541] {strides = array<i32>} : memref<1344xf32, #tpu.memory_space<vmem>>, vector<16xf32>,
          %get3A_2543 = vector.shape_cast %get3A_2542 : vector<16xf32> to vector<16xf32>
          %get3A_2544 = arith.index_cast %mul3A_2540 : i32 to index
          %get3A_2545 = tpu.vector_load %arg12[%get3A_2544] {strides = array<i32>} : memref<1344xf32, #tpu.memory_space<vmem>>, vector<16xf32>,
          %get3A_2546 = vector.shape_cast %get3A_2545 : vector<16xf32> to vector<16xf32>
          %get3A_2547 = arith.index_cast %mul3A_2540 : i32 to index
          %get3A_2548 = tpu.vector_load %arg13[%get3A_2547] {strides = array<i32>} : memref<1344xf32, #tpu.memory_space<vmem>>, vector<16xf32>,
          %get3A_2549 = vector.shape_cast %get3A_2548 : vector<16xf32> to vector<16xf32>
          %get3A_2550 = arith.index_cast %mul3A_2540 : i32 to index
          %get3A_2551 = tpu.vector_load %arg14[%get3A_2550] {strides = array<i32>} : memref<1344xf32, #tpu.memory_space<vmem>>, vector<16xf32>,
          %get3A_2552 = vector.shape_cast %get3A_2551 : vector<16xf32> to vector<16xf32>
          %sub3A_2553 = vector.broadcast %get3A_694 : f32 to vector<16xf32>
          %sub3A_2554 = arith.subf %get3A_2546, %sub3A_2553 : vector<16xf32>
          %sub3A_2555 = vector.broadcast %get3A_697 : f32 to vector<16xf32>
          %sub3A_2556 = arith.subf %get3A_2549, %sub3A_2555 : vector<16xf32>
          %sub3A_2557 = vector.broadcast %get3A_700 : f32 to vector<16xf32>
          %sub3A_2558 = arith.subf %get3A_2552, %sub3A_2557 : vector<16xf32>
          %mul3A_2559 = arith.mulf %sub3A_2554, %sub3A_2554 : vector<16xf32>
          %mul3A_2560 = arith.mulf %sub3A_2556, %sub3A_2556 : vector<16xf32>
          %add3A_2561 = arith.addf %mul3A_2559, %mul3A_2560 : vector<16xf32>
          %mul3A_2562 = arith.mulf %sub3A_2558, %sub3A_2558 : vector<16xf32>
          %add3A_2563 = arith.addf %add3A_2561, %mul3A_2562 : vector<16xf32>
          %sub3A_2564 = vector.broadcast %get3A_703 : f32 to vector<16xf32>
          %sub3A_2565 = arith.subf %get3A_2546, %sub3A_2564 : vector<16xf32>
          %sub3A_2566 = vector.broadcast %get3A_706 : f32 to vector<16xf32>
          %sub3A_2567 = arith.subf %get3A_2549, %sub3A_2566 : vector<16xf32>
          %sub3A_2568 = vector.broadcast %get3A_709 : f32 to vector<16xf32>
          %sub3A_2569 = arith.subf %get3A_2552, %sub3A_2568 : vector<16xf32>
          %mul3A_2570 = arith.mulf %sub3A_2565, %sub3A_2565 : vector<16xf32>
          %mul3A_2571 = arith.mulf %sub3A_2567, %sub3A_2567 : vector<16xf32>
          %add3A_2572 = arith.addf %mul3A_2570, %mul3A_2571 : vector<16xf32>
          %mul3A_2573 = arith.mulf %sub3A_2569, %sub3A_2569 : vector<16xf32>
          %add3A_2574 = arith.addf %add3A_2572, %mul3A_2573 : vector<16xf32>
          %min3A = arith.minimumf %add3A_2563, %add3A_2574 : vector<16xf32>
          %lt3A_2575 = arith.constant 6.400000e+01 : f32
          %lt3A_2576 = vector.broadcast %lt3A_2575 : f32 to vector<16xf32>
          %lt3A_2577 = arith.cmpf olt, %min3A, %lt3A_2576 : vector<16xf32>
          %jit3A_2578 = arith.constant -1.000000e+00 : f32
          %broadcast_in_dim3A_2579 = vector.broadcast %jit3A_2578 : f32 to vector<16xf32>
          %select_n3A_2580 = arith.select %lt3A_2577, %broadcast_in_dim3A_2579, %get3A_2543 : vector<16xi1>, vector<16xf32>
          %swap3A_2581 = arith.index_cast %mul3A_2540 : i32 to index
          %swap3A_2582 = tpu.vector_load %arg11[%swap3A_2581] {strides = array<i32>} : memref<1344xf32, #tpu.memory_space<vmem>>, vector<16xf32>,
          %swap3A_2583 = vector.shape_cast %swap3A_2582 : vector<16xf32> to vector<16xf32>
          %swap3A_2584 = vector.shape_cast %select_n3A_2580 : vector<16xf32> to vector<16xf32>
          tpu.vector_store %arg11[%swap3A_2581], %swap3A_2584 {strides = array<i32>} : memref<1344xf32, #tpu.memory_space<vmem>>, vector<16xf32>,
          %convert_element_type3A_2585 = arith.sitofp %mul3A_2540 : i32 to f32
          %add3A_2586 = arith.addf %convert_element_type3A_3, %convert_element_type3A_2585 : f32
          %add3A_2587 = vector.broadcast %add3A_2586 : f32 to vector<16xf32>
          %add3A_2588 = arith.addf %add3A_2587, %convert_element_type3A : vector<16xf32>
          %gt3A_2589 = arith.cmpf ogt, %select_n3A_2580, %scan3A_2529 : vector<16xf32>
          %gt3A_2590 = arith.cmpf ogt, %select_n3A_2580, %scan3A_2534 : vector<16xf32>
          %select_n3A_2591 = arith.select %gt3A_2590, %select_n3A_2580, %scan3A_2534 : vector<16xi1>, vector<16xf32>
          %select_n3A_2592 = arith.select %gt3A_2589, %scan3A_2529, %select_n3A_2591 : vector<16xi1>, vector<16xf32>
          %select_n3A_2593 = arith.select %gt3A_2590, %add3A_2588, %scan3A_2535 : vector<16xi1>, vector<16xf32>
          %select_n3A_2594 = arith.select %gt3A_2589, %scan3A_2530, %select_n3A_2593 : vector<16xi1>, vector<16xf32>
          %select_n3A_2595 = arith.select %gt3A_2590, %get3A_2546, %scan3A_2536 : vector<16xi1>, vector<16xf32>
          %select_n3A_2596 = arith.select %gt3A_2589, %scan3A_2531, %select_n3A_2595 : vector<16xi1>, vector<16xf32>
          %select_n3A_2597 = arith.select %gt3A_2590, %get3A_2549, %scan3A_2537 : vector<16xi1>, vector<16xf32>
          %select_n3A_2598 = arith.select %gt3A_2589, %scan3A_2532, %select_n3A_2597 : vector<16xi1>, vector<16xf32>
          %select_n3A_2599 = arith.select %gt3A_2590, %get3A_2552, %scan3A_2538 : vector<16xi1>, vector<16xf32>
          %select_n3A_2600 = arith.select %gt3A_2589, %scan3A_2533, %select_n3A_2599 : vector<16xi1>, vector<16xf32>
          %select_n3A_2601 = arith.select %gt3A_2589, %select_n3A_2580, %scan3A_2529 : vector<16xi1>, vector<16xf32>
          %select_n3A_2602 = arith.select %gt3A_2589, %add3A_2588, %scan3A_2530 : vector<16xi1>, vector<16xf32>
          %select_n3A_2603 = arith.select %gt3A_2589, %get3A_2546, %scan3A_2531 : vector<16xi1>, vector<16xf32>
          %select_n3A_2604 = arith.select %gt3A_2589, %get3A_2549, %scan3A_2532 : vector<16xi1>, vector<16xf32>
          %select_n3A_2605 = arith.select %gt3A_2589, %get3A_2552, %scan3A_2533 : vector<16xi1>, vector<16xf32>
          scf.yield %select_n3A_2601, %select_n3A_2602, %select_n3A_2603, %select_n3A_2604, %select_n3A_2605, %select_n3A_2592, %select_n3A_2594, %select_n3A_2596, %select_n3A_2598, %select_n3A_2600 : vector<16xf32>, vector<16xf32>, vector<16xf32>, vector<16xf32>, vector<16xf32>, vector<16xf32>, vector<16xf32>, vector<16xf32>, vector<16xf32>, vector<16xf32>
        }
        %scan3A_715 = arith.constant 84 : i32
        %slice3A = vector.extract_strided_slice %scan3A_714#0 {offsets = [0], sizes = [1], strides = [1]} : vector<16xf32> to vector<1xf32>
        %squeeze3A = vector.extract %slice3A[0] : f32 from vector<1xf32>
        %slice3A_716 = vector.extract_strided_slice %scan3A_714#1 {offsets = [0], sizes = [1], strides = [1]} : vector<16xf32> to vector<1xf32>
        %squeeze3A_717 = vector.extract %slice3A_716[0] : f32 from vector<1xf32>
        %slice3A_718 = vector.extract_strided_slice %scan3A_714#2 {offsets = [0], sizes = [1], strides = [1]} : vector<16xf32> to vector<1xf32>
        %squeeze3A_719 = vector.extract %slice3A_718[0] : f32 from vector<1xf32>
        %slice3A_720 = vector.extract_strided_slice %scan3A_714#3 {offsets = [0], sizes = [1], strides = [1]} : vector<16xf32> to vector<1xf32>
        %squeeze3A_721 = vector.extract %slice3A_720[0] : f32 from vector<1xf32>
        %slice3A_722 = vector.extract_strided_slice %scan3A_714#4 {offsets = [0], sizes = [1], strides = [1]} : vector<16xf32> to vector<1xf32>
        %squeeze3A_723 = vector.extract %slice3A_722[0] : f32 from vector<1xf32>
        %slice3A_724 = vector.extract_strided_slice %scan3A_714#0 {offsets = [1], sizes = [1], strides = [1]} : vector<16xf32> to vector<1xf32>
        %squeeze3A_725 = vector.extract %slice3A_724[0] : f32 from vector<1xf32>
        %slice3A_726 = vector.extract_strided_slice %scan3A_714#1 {offsets = [1], sizes = [1], strides = [1]} : vector<16xf32> to vector<1xf32>
        %squeeze3A_727 = vector.extract %slice3A_726[0] : f32 from vector<1xf32>
        %slice3A_728 = vector.extract_strided_slice %scan3A_714#2 {offsets = [1], sizes = [1], strides = [1]} : vector<16xf32> to vector<1xf32>
        %squeeze3A_729 = vector.extract %slice3A_728[0] : f32 from vector<1xf32>
        %slice3A_730 = vector.extract_strided_slice %scan3A_714#3 {offsets = [1], sizes = [1], strides = [1]} : vector<16xf32> to vector<1xf32>
        %squeeze3A_731 = vector.extract %slice3A_730[0] : f32 from vector<1xf32>
        %slice3A_732 = vector.extract_strided_slice %scan3A_714#4 {offsets = [1], sizes = [1], strides = [1]} : vector<16xf32> to vector<1xf32>
        %squeeze3A_733 = vector.extract %slice3A_732[0] : f32 from vector<1xf32>
        %slice3A_734 = vector.extract_strided_slice %scan3A_714#0 {offsets = [2], sizes = [1], strides = [1]} : vector<16xf32> to vector<1xf32>
        %squeeze3A_735 = vector.extract %slice3A_734[0] : f32 from vector<1xf32>
        %slice3A_736 = vector.extract_strided_slice %scan3A_714#1 {offsets = [2], sizes = [1], strides = [1]} : vector<16xf32> to vector<1xf32>
        %squeeze3A_737 = vector.extract %slice3A_736[0] : f32 from vector<1xf32>
        %slice3A_738 = vector.extract_strided_slice %scan3A_714#2 {offsets = [2], sizes = [1], strides = [1]} : vector<16xf32> to vector<1xf32>
        %squeeze3A_739 = vector.extract %slice3A_738[0] : f32 from vector<1xf32>
        %slice3A_740 = vector.extract_strided_slice %scan3A_714#3 {offsets = [2], sizes = [1], strides = [1]} : vector<16xf32> to vector<1xf32>
        %squeeze3A_741 = vector.extract %slice3A_740[0] : f32 from vector<1xf32>
        %slice3A_742 = vector.extract_strided_slice %scan3A_714#4 {offsets = [2], sizes = [1], strides = [1]} : vector<16xf32> to vector<1xf32>
        %squeeze3A_743 = vector.extract %slice3A_742[0] : f32 from vector<1xf32>
        %slice3A_744 = vector.extract_strided_slice %scan3A_714#0 {offsets = [3], sizes = [1], strides = [1]} : vector<16xf32> to vector<1xf32>
        %squeeze3A_745 = vector.extract %slice3A_744[0] : f32 from vector<1xf32>
        %slice3A_746 = vector.extract_strided_slice %scan3A_714#1 {offsets = [3], sizes = [1], strides = [1]} : vector<16xf32> to vector<1xf32>
        %squeeze3A_747 = vector.extract %slice3A_746[0] : f32 from vector<1xf32>
        %slice3A_748 = vector.extract_strided_slice %scan3A_714#2 {offsets = [3], sizes = [1], strides = [1]} : vector<16xf32> to vector<1xf32>
        %squeeze3A_749 = vector.extract %slice3A_748[0] : f32 from vector<1xf32>
        %slice3A_750 = vector.extract_strided_slice %scan3A_714#3 {offsets = [3], sizes = [1], strides = [1]} : vector<16xf32> to vector<1xf32>
        %squeeze3A_751 = vector.extract %slice3A_750[0] : f32 from vector<1xf32>
        %slice3A_752 = vector.extract_strided_slice %scan3A_714#4 {offsets = [3], sizes = [1], strides = [1]} : vector<16xf32> to vector<1xf32>
        %squeeze3A_753 = vector.extract %slice3A_752[0] : f32 from vector<1xf32>
        %slice3A_754 = vector.extract_strided_slice %scan3A_714#0 {offsets = [4], sizes = [1], strides = [1]} : vector<16xf32> to vector<1xf32>
        %squeeze3A_755 = vector.extract %slice3A_754[0] : f32 from vector<1xf32>
        %slice3A_756 = vector.extract_strided_slice %scan3A_714#1 {offsets = [4], sizes = [1], strides = [1]} : vector<16xf32> to vector<1xf32>
        %squeeze3A_757 = vector.extract %slice3A_756[0] : f32 from vector<1xf32>
        %slice3A_758 = vector.extract_strided_slice %scan3A_714#2 {offsets = [4], sizes = [1], strides = [1]} : vector<16xf32> to vector<1xf32>
        %squeeze3A_759 = vector.extract %slice3A_758[0] : f32 from vector<1xf32>
        %slice3A_760 = vector.extract_strided_slice %scan3A_714#3 {offsets = [4], sizes = [1], strides = [1]} : vector<16xf32> to vector<1xf32>
        %squeeze3A_761 = vector.extract %slice3A_760[0] : f32 from vector<1xf32>
        %slice3A_762 = vector.extract_strided_slice %scan3A_714#4 {offsets = [4], sizes = [1], strides = [1]} : vector<16xf32> to vector<1xf32>
        %squeeze3A_763 = vector.extract %slice3A_762[0] : f32 from vector<1xf32>
        %slice3A_764 = vector.extract_strided_slice %scan3A_714#0 {offsets = [5], sizes = [1], strides = [1]} : vector<16xf32> to vector<1xf32>
        %squeeze3A_765 = vector.extract %slice3A_764[0] : f32 from vector<1xf32>
        %slice3A_766 = vector.extract_strided_slice %scan3A_714#1 {offsets = [5], sizes = [1], strides = [1]} : vector<16xf32> to vector<1xf32>
        %squeeze3A_767 = vector.extract %slice3A_766[0] : f32 from vector<1xf32>
        %slice3A_768 = vector.extract_strided_slice %scan3A_714#2 {offsets = [5], sizes = [1], strides = [1]} : vector<16xf32> to vector<1xf32>
        %squeeze3A_769 = vector.extract %slice3A_768[0] : f32 from vector<1xf32>
        %slice3A_770 = vector.extract_strided_slice %scan3A_714#3 {offsets = [5], sizes = [1], strides = [1]} : vector<16xf32> to vector<1xf32>
        %squeeze3A_771 = vector.extract %slice3A_770[0] : f32 from vector<1xf32>
        %slice3A_772 = vector.extract_strided_slice %scan3A_714#4 {offsets = [5], sizes = [1], strides = [1]} : vector<16xf32> to vector<1xf32>
        %squeeze3A_773 = vector.extract %slice3A_772[0] : f32 from vector<1xf32>
        %slice3A_774 = vector.extract_strided_slice %scan3A_714#0 {offsets = [6], sizes = [1], strides = [1]} : vector<16xf32> to vector<1xf32>
        %squeeze3A_775 = vector.extract %slice3A_774[0] : f32 from vector<1xf32>
        %slice3A_776 = vector.extract_strided_slice %scan3A_714#1 {offsets = [6], sizes = [1], strides = [1]} : vector<16xf32> to vector<1xf32>
        %squeeze3A_777 = vector.extract %slice3A_776[0] : f32 from vector<1xf32>
        %slice3A_778 = vector.extract_strided_slice %scan3A_714#2 {offsets = [6], sizes = [1], strides = [1]} : vector<16xf32> to vector<1xf32>
        %squeeze3A_779 = vector.extract %slice3A_778[0] : f32 from vector<1xf32>
        %slice3A_780 = vector.extract_strided_slice %scan3A_714#3 {offsets = [6], sizes = [1], strides = [1]} : vector<16xf32> to vector<1xf32>
        %squeeze3A_781 = vector.extract %slice3A_780[0] : f32 from vector<1xf32>
        %slice3A_782 = vector.extract_strided_slice %scan3A_714#4 {offsets = [6], sizes = [1], strides = [1]} : vector<16xf32> to vector<1xf32>
        %squeeze3A_783 = vector.extract %slice3A_782[0] : f32 from vector<1xf32>
        %slice3A_784 = vector.extract_strided_slice %scan3A_714#0 {offsets = [7], sizes = [1], strides = [1]} : vector<16xf32> to vector<1xf32>
        %squeeze3A_785 = vector.extract %slice3A_784[0] : f32 from vector<1xf32>
        %slice3A_786 = vector.extract_strided_slice %scan3A_714#1 {offsets = [7], sizes = [1], strides = [1]} : vector<16xf32> to vector<1xf32>
        %squeeze3A_787 = vector.extract %slice3A_786[0] : f32 from vector<1xf32>
        %slice3A_788 = vector.extract_strided_slice %scan3A_714#2 {offsets = [7], sizes = [1], strides = [1]} : vector<16xf32> to vector<1xf32>
        %squeeze3A_789 = vector.extract %slice3A_788[0] : f32 from vector<1xf32>
        %slice3A_790 = vector.extract_strided_slice %scan3A_714#3 {offsets = [7], sizes = [1], strides = [1]} : vector<16xf32> to vector<1xf32>
        %squeeze3A_791 = vector.extract %slice3A_790[0] : f32 from vector<1xf32>
        %slice3A_792 = vector.extract_strided_slice %scan3A_714#4 {offsets = [7], sizes = [1], strides = [1]} : vector<16xf32> to vector<1xf32>
        %squeeze3A_793 = vector.extract %slice3A_792[0] : f32 from vector<1xf32>
        %slice3A_794 = vector.extract_strided_slice %scan3A_714#0 {offsets = [8], sizes = [1], strides = [1]} : vector<16xf32> to vector<1xf32>
        %squeeze3A_795 = vector.extract %slice3A_794[0] : f32 from vector<1xf32>
        %slice3A_796 = vector.extract_strided_slice %scan3A_714#1 {offsets = [8], sizes = [1], strides = [1]} : vector<16xf32> to vector<1xf32>
        %squeeze3A_797 = vector.extract %slice3A_796[0] : f32 from vector<1xf32>
        %slice3A_798 = vector.extract_strided_slice %scan3A_714#2 {offsets = [8], sizes = [1], strides = [1]} : vector<16xf32> to vector<1xf32>
        %squeeze3A_799 = vector.extract %slice3A_798[0] : f32 from vector<1xf32>
        %slice3A_800 = vector.extract_strided_slice %scan3A_714#3 {offsets = [8], sizes = [1], strides = [1]} : vector<16xf32> to vector<1xf32>
        %squeeze3A_801 = vector.extract %slice3A_800[0] : f32 from vector<1xf32>
        %slice3A_802 = vector.extract_strided_slice %scan3A_714#4 {offsets = [8], sizes = [1], strides = [1]} : vector<16xf32> to vector<1xf32>
        %squeeze3A_803 = vector.extract %slice3A_802[0] : f32 from vector<1xf32>
        %slice3A_804 = vector.extract_strided_slice %scan3A_714#0 {offsets = [9], sizes = [1], strides = [1]} : vector<16xf32> to vector<1xf32>
        %squeeze3A_805 = vector.extract %slice3A_804[0] : f32 from vector<1xf32>
        %slice3A_806 = vector.extract_strided_slice %scan3A_714#1 {offsets = [9], sizes = [1], strides = [1]} : vector<16xf32> to vector<1xf32>
        %squeeze3A_807 = vector.extract %slice3A_806[0] : f32 from vector<1xf32>
        %slice3A_808 = vector.extract_strided_slice %scan3A_714#2 {offsets = [9], sizes = [1], strides = [1]} : vector<16xf32> to vector<1xf32>
        %squeeze3A_809 = vector.extract %slice3A_808[0] : f32 from vector<1xf32>
        %slice3A_810 = vector.extract_strided_slice %scan3A_714#3 {offsets = [9], sizes = [1], strides = [1]} : vector<16xf32> to vector<1xf32>
        %squeeze3A_811 = vector.extract %slice3A_810[0] : f32 from vector<1xf32>
        %slice3A_812 = vector.extract_strided_slice %scan3A_714#4 {offsets = [9], sizes = [1], strides = [1]} : vector<16xf32> to vector<1xf32>
        %squeeze3A_813 = vector.extract %slice3A_812[0] : f32 from vector<1xf32>
        %slice3A_814 = vector.extract_strided_slice %scan3A_714#0 {offsets = [10], sizes = [1], strides = [1]} : vector<16xf32> to vector<1xf32>
        %squeeze3A_815 = vector.extract %slice3A_814[0] : f32 from vector<1xf32>
        %slice3A_816 = vector.extract_strided_slice %scan3A_714#1 {offsets = [10], sizes = [1], strides = [1]} : vector<16xf32> to vector<1xf32>
        %squeeze3A_817 = vector.extract %slice3A_816[0] : f32 from vector<1xf32>
        %slice3A_818 = vector.extract_strided_slice %scan3A_714#2 {offsets = [10], sizes = [1], strides = [1]} : vector<16xf32> to vector<1xf32>
        %squeeze3A_819 = vector.extract %slice3A_818[0] : f32 from vector<1xf32>
        %slice3A_820 = vector.extract_strided_slice %scan3A_714#3 {offsets = [10], sizes = [1], strides = [1]} : vector<16xf32> to vector<1xf32>
        %squeeze3A_821 = vector.extract %slice3A_820[0] : f32 from vector<1xf32>
        %slice3A_822 = vector.extract_strided_slice %scan3A_714#4 {offsets = [10], sizes = [1], strides = [1]} : vector<16xf32> to vector<1xf32>
        %squeeze3A_823 = vector.extract %slice3A_822[0] : f32 from vector<1xf32>
        %slice3A_824 = vector.extract_strided_slice %scan3A_714#0 {offsets = [11], sizes = [1], strides = [1]} : vector<16xf32> to vector<1xf32>
        %squeeze3A_825 = vector.extract %slice3A_824[0] : f32 from vector<1xf32>
        %slice3A_826 = vector.extract_strided_slice %scan3A_714#1 {offsets = [11], sizes = [1], strides = [1]} : vector<16xf32> to vector<1xf32>
        %squeeze3A_827 = vector.extract %slice3A_826[0] : f32 from vector<1xf32>
        %slice3A_828 = vector.extract_strided_slice %scan3A_714#2 {offsets = [11], sizes = [1], strides = [1]} : vector<16xf32> to vector<1xf32>
        %squeeze3A_829 = vector.extract %slice3A_828[0] : f32 from vector<1xf32>
        %slice3A_830 = vector.extract_strided_slice %scan3A_714#3 {offsets = [11], sizes = [1], strides = [1]} : vector<16xf32> to vector<1xf32>
        %squeeze3A_831 = vector.extract %slice3A_830[0] : f32 from vector<1xf32>
        %slice3A_832 = vector.extract_strided_slice %scan3A_714#4 {offsets = [11], sizes = [1], strides = [1]} : vector<16xf32> to vector<1xf32>
        %squeeze3A_833 = vector.extract %slice3A_832[0] : f32 from vector<1xf32>
        %slice3A_834 = vector.extract_strided_slice %scan3A_714#0 {offsets = [12], sizes = [1], strides = [1]} : vector<16xf32> to vector<1xf32>
        %squeeze3A_835 = vector.extract %slice3A_834[0] : f32 from vector<1xf32>
        %slice3A_836 = vector.extract_strided_slice %scan3A_714#1 {offsets = [12], sizes = [1], strides = [1]} : vector<16xf32> to vector<1xf32>
        %squeeze3A_837 = vector.extract %slice3A_836[0] : f32 from vector<1xf32>
        %slice3A_838 = vector.extract_strided_slice %scan3A_714#2 {offsets = [12], sizes = [1], strides = [1]} : vector<16xf32> to vector<1xf32>
        %squeeze3A_839 = vector.extract %slice3A_838[0] : f32 from vector<1xf32>
        %slice3A_840 = vector.extract_strided_slice %scan3A_714#3 {offsets = [12], sizes = [1], strides = [1]} : vector<16xf32> to vector<1xf32>
        %squeeze3A_841 = vector.extract %slice3A_840[0] : f32 from vector<1xf32>
        %slice3A_842 = vector.extract_strided_slice %scan3A_714#4 {offsets = [12], sizes = [1], strides = [1]} : vector<16xf32> to vector<1xf32>
        %squeeze3A_843 = vector.extract %slice3A_842[0] : f32 from vector<1xf32>
        %slice3A_844 = vector.extract_strided_slice %scan3A_714#0 {offsets = [13], sizes = [1], strides = [1]} : vector<16xf32> to vector<1xf32>
        %squeeze3A_845 = vector.extract %slice3A_844[0] : f32 from vector<1xf32>
        %slice3A_846 = vector.extract_strided_slice %scan3A_714#1 {offsets = [13], sizes = [1], strides = [1]} : vector<16xf32> to vector<1xf32>
        %squeeze3A_847 = vector.extract %slice3A_846[0] : f32 from vector<1xf32>
        %slice3A_848 = vector.extract_strided_slice %scan3A_714#2 {offsets = [13], sizes = [1], strides = [1]} : vector<16xf32> to vector<1xf32>
        %squeeze3A_849 = vector.extract %slice3A_848[0] : f32 from vector<1xf32>
        %slice3A_850 = vector.extract_strided_slice %scan3A_714#3 {offsets = [13], sizes = [1], strides = [1]} : vector<16xf32> to vector<1xf32>
        %squeeze3A_851 = vector.extract %slice3A_850[0] : f32 from vector<1xf32>
        %slice3A_852 = vector.extract_strided_slice %scan3A_714#4 {offsets = [13], sizes = [1], strides = [1]} : vector<16xf32> to vector<1xf32>
        %squeeze3A_853 = vector.extract %slice3A_852[0] : f32 from vector<1xf32>
        %slice3A_854 = vector.extract_strided_slice %scan3A_714#0 {offsets = [14], sizes = [1], strides = [1]} : vector<16xf32> to vector<1xf32>
        %squeeze3A_855 = vector.extract %slice3A_854[0] : f32 from vector<1xf32>
        %slice3A_856 = vector.extract_strided_slice %scan3A_714#1 {offsets = [14], sizes = [1], strides = [1]} : vector<16xf32> to vector<1xf32>
        %squeeze3A_857 = vector.extract %slice3A_856[0] : f32 from vector<1xf32>
        %slice3A_858 = vector.extract_strided_slice %scan3A_714#2 {offsets = [14], sizes = [1], strides = [1]} : vector<16xf32> to vector<1xf32>
        %squeeze3A_859 = vector.extract %slice3A_858[0] : f32 from vector<1xf32>
        %slice3A_860 = vector.extract_strided_slice %scan3A_714#3 {offsets = [14], sizes = [1], strides = [1]} : vector<16xf32> to vector<1xf32>
        %squeeze3A_861 = vector.extract %slice3A_860[0] : f32 from vector<1xf32>
        %slice3A_862 = vector.extract_strided_slice %scan3A_714#4 {offsets = [14], sizes = [1], strides = [1]} : vector<16xf32> to vector<1xf32>
        %squeeze3A_863 = vector.extract %slice3A_862[0] : f32 from vector<1xf32>
        %slice3A_864 = vector.extract_strided_slice %scan3A_714#0 {offsets = [15], sizes = [1], strides = [1]} : vector<16xf32> to vector<1xf32>
        %squeeze3A_865 = vector.extract %slice3A_864[0] : f32 from vector<1xf32>
        %slice3A_866 = vector.extract_strided_slice %scan3A_714#1 {offsets = [15], sizes = [1], strides = [1]} : vector<16xf32> to vector<1xf32>
        %squeeze3A_867 = vector.extract %slice3A_866[0] : f32 from vector<1xf32>
        %slice3A_868 = vector.extract_strided_slice %scan3A_714#2 {offsets = [15], sizes = [1], strides = [1]} : vector<16xf32> to vector<1xf32>
        %squeeze3A_869 = vector.extract %slice3A_868[0] : f32 from vector<1xf32>
        %slice3A_870 = vector.extract_strided_slice %scan3A_714#3 {offsets = [15], sizes = [1], strides = [1]} : vector<16xf32> to vector<1xf32>
        %squeeze3A_871 = vector.extract %slice3A_870[0] : f32 from vector<1xf32>
        %slice3A_872 = vector.extract_strided_slice %scan3A_714#4 {offsets = [15], sizes = [1], strides = [1]} : vector<16xf32> to vector<1xf32>
        %squeeze3A_873 = vector.extract %slice3A_872[0] : f32 from vector<1xf32>
        %slice3A_874 = vector.extract_strided_slice %scan3A_714#5 {offsets = [0], sizes = [1], strides = [1]} : vector<16xf32> to vector<1xf32>
        %squeeze3A_875 = vector.extract %slice3A_874[0] : f32 from vector<1xf32>
        %slice3A_876 = vector.extract_strided_slice %scan3A_714#6 {offsets = [0], sizes = [1], strides = [1]} : vector<16xf32> to vector<1xf32>
        %squeeze3A_877 = vector.extract %slice3A_876[0] : f32 from vector<1xf32>
        %slice3A_878 = vector.extract_strided_slice %scan3A_714#7 {offsets = [0], sizes = [1], strides = [1]} : vector<16xf32> to vector<1xf32>
        %squeeze3A_879 = vector.extract %slice3A_878[0] : f32 from vector<1xf32>
        %slice3A_880 = vector.extract_strided_slice %scan3A_714#8 {offsets = [0], sizes = [1], strides = [1]} : vector<16xf32> to vector<1xf32>
        %squeeze3A_881 = vector.extract %slice3A_880[0] : f32 from vector<1xf32>
        %slice3A_882 = vector.extract_strided_slice %scan3A_714#9 {offsets = [0], sizes = [1], strides = [1]} : vector<16xf32> to vector<1xf32>
        %squeeze3A_883 = vector.extract %slice3A_882[0] : f32 from vector<1xf32>
        %slice3A_884 = vector.extract_strided_slice %scan3A_714#5 {offsets = [1], sizes = [1], strides = [1]} : vector<16xf32> to vector<1xf32>
        %squeeze3A_885 = vector.extract %slice3A_884[0] : f32 from vector<1xf32>
        %slice3A_886 = vector.extract_strided_slice %scan3A_714#6 {offsets = [1], sizes = [1], strides = [1]} : vector<16xf32> to vector<1xf32>
        %squeeze3A_887 = vector.extract %slice3A_886[0] : f32 from vector<1xf32>
        %slice3A_888 = vector.extract_strided_slice %scan3A_714#7 {offsets = [1], sizes = [1], strides = [1]} : vector<16xf32> to vector<1xf32>
        %squeeze3A_889 = vector.extract %slice3A_888[0] : f32 from vector<1xf32>
        %slice3A_890 = vector.extract_strided_slice %scan3A_714#8 {offsets = [1], sizes = [1], strides = [1]} : vector<16xf32> to vector<1xf32>
        %squeeze3A_891 = vector.extract %slice3A_890[0] : f32 from vector<1xf32>
        %slice3A_892 = vector.extract_strided_slice %scan3A_714#9 {offsets = [1], sizes = [1], strides = [1]} : vector<16xf32> to vector<1xf32>
        %squeeze3A_893 = vector.extract %slice3A_892[0] : f32 from vector<1xf32>
        %slice3A_894 = vector.extract_strided_slice %scan3A_714#5 {offsets = [2], sizes = [1], strides = [1]} : vector<16xf32> to vector<1xf32>
        %squeeze3A_895 = vector.extract %slice3A_894[0] : f32 from vector<1xf32>
        %slice3A_896 = vector.extract_strided_slice %scan3A_714#6 {offsets = [2], sizes = [1], strides = [1]} : vector<16xf32> to vector<1xf32>
        %squeeze3A_897 = vector.extract %slice3A_896[0] : f32 from vector<1xf32>
        %slice3A_898 = vector.extract_strided_slice %scan3A_714#7 {offsets = [2], sizes = [1], strides = [1]} : vector<16xf32> to vector<1xf32>
        %squeeze3A_899 = vector.extract %slice3A_898[0] : f32 from vector<1xf32>
        %slice3A_900 = vector.extract_strided_slice %scan3A_714#8 {offsets = [2], sizes = [1], strides = [1]} : vector<16xf32> to vector<1xf32>
        %squeeze3A_901 = vector.extract %slice3A_900[0] : f32 from vector<1xf32>
        %slice3A_902 = vector.extract_strided_slice %scan3A_714#9 {offsets = [2], sizes = [1], strides = [1]} : vector<16xf32> to vector<1xf32>
        %squeeze3A_903 = vector.extract %slice3A_902[0] : f32 from vector<1xf32>
        %slice3A_904 = vector.extract_strided_slice %scan3A_714#5 {offsets = [3], sizes = [1], strides = [1]} : vector<16xf32> to vector<1xf32>
        %squeeze3A_905 = vector.extract %slice3A_904[0] : f32 from vector<1xf32>
        %slice3A_906 = vector.extract_strided_slice %scan3A_714#6 {offsets = [3], sizes = [1], strides = [1]} : vector<16xf32> to vector<1xf32>
        %squeeze3A_907 = vector.extract %slice3A_906[0] : f32 from vector<1xf32>
        %slice3A_908 = vector.extract_strided_slice %scan3A_714#7 {offsets = [3], sizes = [1], strides = [1]} : vector<16xf32> to vector<1xf32>
        %squeeze3A_909 = vector.extract %slice3A_908[0] : f32 from vector<1xf32>
        %slice3A_910 = vector.extract_strided_slice %scan3A_714#8 {offsets = [3], sizes = [1], strides = [1]} : vector<16xf32> to vector<1xf32>
        %squeeze3A_911 = vector.extract %slice3A_910[0] : f32 from vector<1xf32>
        %slice3A_912 = vector.extract_strided_slice %scan3A_714#9 {offsets = [3], sizes = [1], strides = [1]} : vector<16xf32> to vector<1xf32>
        %squeeze3A_913 = vector.extract %slice3A_912[0] : f32 from vector<1xf32>
        %slice3A_914 = vector.extract_strided_slice %scan3A_714#5 {offsets = [4], sizes = [1], strides = [1]} : vector<16xf32> to vector<1xf32>
        %squeeze3A_915 = vector.extract %slice3A_914[0] : f32 from vector<1xf32>
        %slice3A_916 = vector.extract_strided_slice %scan3A_714#6 {offsets = [4], sizes = [1], strides = [1]} : vector<16xf32> to vector<1xf32>
        %squeeze3A_917 = vector.extract %slice3A_916[0] : f32 from vector<1xf32>
        %slice3A_918 = vector.extract_strided_slice %scan3A_714#7 {offsets = [4], sizes = [1], strides = [1]} : vector<16xf32> to vector<1xf32>
        %squeeze3A_919 = vector.extract %slice3A_918[0] : f32 from vector<1xf32>
        %slice3A_920 = vector.extract_strided_slice %scan3A_714#8 {offsets = [4], sizes = [1], strides = [1]} : vector<16xf32> to vector<1xf32>
        %squeeze3A_921 = vector.extract %slice3A_920[0] : f32 from vector<1xf32>
        %slice3A_922 = vector.extract_strided_slice %scan3A_714#9 {offsets = [4], sizes = [1], strides = [1]} : vector<16xf32> to vector<1xf32>
        %squeeze3A_923 = vector.extract %slice3A_922[0] : f32 from vector<1xf32>
        %slice3A_924 = vector.extract_strided_slice %scan3A_714#5 {offsets = [5], sizes = [1], strides = [1]} : vector<16xf32> to vector<1xf32>
        %squeeze3A_925 = vector.extract %slice3A_924[0] : f32 from vector<1xf32>
        %slice3A_926 = vector.extract_strided_slice %scan3A_714#6 {offsets = [5], sizes = [1], strides = [1]} : vector<16xf32> to vector<1xf32>
        %squeeze3A_927 = vector.extract %slice3A_926[0] : f32 from vector<1xf32>
        %slice3A_928 = vector.extract_strided_slice %scan3A_714#7 {offsets = [5], sizes = [1], strides = [1]} : vector<16xf32> to vector<1xf32>
        %squeeze3A_929 = vector.extract %slice3A_928[0] : f32 from vector<1xf32>
        %slice3A_930 = vector.extract_strided_slice %scan3A_714#8 {offsets = [5], sizes = [1], strides = [1]} : vector<16xf32> to vector<1xf32>
        %squeeze3A_931 = vector.extract %slice3A_930[0] : f32 from vector<1xf32>
        %slice3A_932 = vector.extract_strided_slice %scan3A_714#9 {offsets = [5], sizes = [1], strides = [1]} : vector<16xf32> to vector<1xf32>
        %squeeze3A_933 = vector.extract %slice3A_932[0] : f32 from vector<1xf32>
        %slice3A_934 = vector.extract_strided_slice %scan3A_714#5 {offsets = [6], sizes = [1], strides = [1]} : vector<16xf32> to vector<1xf32>
        %squeeze3A_935 = vector.extract %slice3A_934[0] : f32 from vector<1xf32>
        %slice3A_936 = vector.extract_strided_slice %scan3A_714#6 {offsets = [6], sizes = [1], strides = [1]} : vector<16xf32> to vector<1xf32>
        %squeeze3A_937 = vector.extract %slice3A_936[0] : f32 from vector<1xf32>
        %slice3A_938 = vector.extract_strided_slice %scan3A_714#7 {offsets = [6], sizes = [1], strides = [1]} : vector<16xf32> to vector<1xf32>
        %squeeze3A_939 = vector.extract %slice3A_938[0] : f32 from vector<1xf32>
        %slice3A_940 = vector.extract_strided_slice %scan3A_714#8 {offsets = [6], sizes = [1], strides = [1]} : vector<16xf32> to vector<1xf32>
        %squeeze3A_941 = vector.extract %slice3A_940[0] : f32 from vector<1xf32>
        %slice3A_942 = vector.extract_strided_slice %scan3A_714#9 {offsets = [6], sizes = [1], strides = [1]} : vector<16xf32> to vector<1xf32>
        %squeeze3A_943 = vector.extract %slice3A_942[0] : f32 from vector<1xf32>
        %slice3A_944 = vector.extract_strided_slice %scan3A_714#5 {offsets = [7], sizes = [1], strides = [1]} : vector<16xf32> to vector<1xf32>
        %squeeze3A_945 = vector.extract %slice3A_944[0] : f32 from vector<1xf32>
        %slice3A_946 = vector.extract_strided_slice %scan3A_714#6 {offsets = [7], sizes = [1], strides = [1]} : vector<16xf32> to vector<1xf32>
        %squeeze3A_947 = vector.extract %slice3A_946[0] : f32 from vector<1xf32>
        %slice3A_948 = vector.extract_strided_slice %scan3A_714#7 {offsets = [7], sizes = [1], strides = [1]} : vector<16xf32> to vector<1xf32>
        %squeeze3A_949 = vector.extract %slice3A_948[0] : f32 from vector<1xf32>
        %slice3A_950 = vector.extract_strided_slice %scan3A_714#8 {offsets = [7], sizes = [1], strides = [1]} : vector<16xf32> to vector<1xf32>
        %squeeze3A_951 = vector.extract %slice3A_950[0] : f32 from vector<1xf32>
        %slice3A_952 = vector.extract_strided_slice %scan3A_714#9 {offsets = [7], sizes = [1], strides = [1]} : vector<16xf32> to vector<1xf32>
        %squeeze3A_953 = vector.extract %slice3A_952[0] : f32 from vector<1xf32>
        %slice3A_954 = vector.extract_strided_slice %scan3A_714#5 {offsets = [8], sizes = [1], strides = [1]} : vector<16xf32> to vector<1xf32>
        %squeeze3A_955 = vector.extract %slice3A_954[0] : f32 from vector<1xf32>
        %slice3A_956 = vector.extract_strided_slice %scan3A_714#6 {offsets = [8], sizes = [1], strides = [1]} : vector<16xf32> to vector<1xf32>
        %squeeze3A_957 = vector.extract %slice3A_956[0] : f32 from vector<1xf32>
        %slice3A_958 = vector.extract_strided_slice %scan3A_714#7 {offsets = [8], sizes = [1], strides = [1]} : vector<16xf32> to vector<1xf32>
        %squeeze3A_959 = vector.extract %slice3A_958[0] : f32 from vector<1xf32>
        %slice3A_960 = vector.extract_strided_slice %scan3A_714#8 {offsets = [8], sizes = [1], strides = [1]} : vector<16xf32> to vector<1xf32>
        %squeeze3A_961 = vector.extract %slice3A_960[0] : f32 from vector<1xf32>
        %slice3A_962 = vector.extract_strided_slice %scan3A_714#9 {offsets = [8], sizes = [1], strides = [1]} : vector<16xf32> to vector<1xf32>
        %squeeze3A_963 = vector.extract %slice3A_962[0] : f32 from vector<1xf32>
        %slice3A_964 = vector.extract_strided_slice %scan3A_714#5 {offsets = [9], sizes = [1], strides = [1]} : vector<16xf32> to vector<1xf32>
        %squeeze3A_965 = vector.extract %slice3A_964[0] : f32 from vector<1xf32>
        %slice3A_966 = vector.extract_strided_slice %scan3A_714#6 {offsets = [9], sizes = [1], strides = [1]} : vector<16xf32> to vector<1xf32>
        %squeeze3A_967 = vector.extract %slice3A_966[0] : f32 from vector<1xf32>
        %slice3A_968 = vector.extract_strided_slice %scan3A_714#7 {offsets = [9], sizes = [1], strides = [1]} : vector<16xf32> to vector<1xf32>
        %squeeze3A_969 = vector.extract %slice3A_968[0] : f32 from vector<1xf32>
        %slice3A_970 = vector.extract_strided_slice %scan3A_714#8 {offsets = [9], sizes = [1], strides = [1]} : vector<16xf32> to vector<1xf32>
        %squeeze3A_971 = vector.extract %slice3A_970[0] : f32 from vector<1xf32>
        %slice3A_972 = vector.extract_strided_slice %scan3A_714#9 {offsets = [9], sizes = [1], strides = [1]} : vector<16xf32> to vector<1xf32>
        %squeeze3A_973 = vector.extract %slice3A_972[0] : f32 from vector<1xf32>
        %slice3A_974 = vector.extract_strided_slice %scan3A_714#5 {offsets = [10], sizes = [1], strides = [1]} : vector<16xf32> to vector<1xf32>
        %squeeze3A_975 = vector.extract %slice3A_974[0] : f32 from vector<1xf32>
        %slice3A_976 = vector.extract_strided_slice %scan3A_714#6 {offsets = [10], sizes = [1], strides = [1]} : vector<16xf32> to vector<1xf32>
        %squeeze3A_977 = vector.extract %slice3A_976[0] : f32 from vector<1xf32>
        %slice3A_978 = vector.extract_strided_slice %scan3A_714#7 {offsets = [10], sizes = [1], strides = [1]} : vector<16xf32> to vector<1xf32>
        %squeeze3A_979 = vector.extract %slice3A_978[0] : f32 from vector<1xf32>
        %slice3A_980 = vector.extract_strided_slice %scan3A_714#8 {offsets = [10], sizes = [1], strides = [1]} : vector<16xf32> to vector<1xf32>
        %squeeze3A_981 = vector.extract %slice3A_980[0] : f32 from vector<1xf32>
        %slice3A_982 = vector.extract_strided_slice %scan3A_714#9 {offsets = [10], sizes = [1], strides = [1]} : vector<16xf32> to vector<1xf32>
        %squeeze3A_983 = vector.extract %slice3A_982[0] : f32 from vector<1xf32>
        %slice3A_984 = vector.extract_strided_slice %scan3A_714#5 {offsets = [11], sizes = [1], strides = [1]} : vector<16xf32> to vector<1xf32>
        %squeeze3A_985 = vector.extract %slice3A_984[0] : f32 from vector<1xf32>
        %slice3A_986 = vector.extract_strided_slice %scan3A_714#6 {offsets = [11], sizes = [1], strides = [1]} : vector<16xf32> to vector<1xf32>
        %squeeze3A_987 = vector.extract %slice3A_986[0] : f32 from vector<1xf32>
        %slice3A_988 = vector.extract_strided_slice %scan3A_714#7 {offsets = [11], sizes = [1], strides = [1]} : vector<16xf32> to vector<1xf32>
        %squeeze3A_989 = vector.extract %slice3A_988[0] : f32 from vector<1xf32>
        %slice3A_990 = vector.extract_strided_slice %scan3A_714#8 {offsets = [11], sizes = [1], strides = [1]} : vector<16xf32> to vector<1xf32>
        %squeeze3A_991 = vector.extract %slice3A_990[0] : f32 from vector<1xf32>
        %slice3A_992 = vector.extract_strided_slice %scan3A_714#9 {offsets = [11], sizes = [1], strides = [1]} : vector<16xf32> to vector<1xf32>
        %squeeze3A_993 = vector.extract %slice3A_992[0] : f32 from vector<1xf32>
        %slice3A_994 = vector.extract_strided_slice %scan3A_714#5 {offsets = [12], sizes = [1], strides = [1]} : vector<16xf32> to vector<1xf32>
        %squeeze3A_995 = vector.extract %slice3A_994[0] : f32 from vector<1xf32>
        %slice3A_996 = vector.extract_strided_slice %scan3A_714#6 {offsets = [12], sizes = [1], strides = [1]} : vector<16xf32> to vector<1xf32>
        %squeeze3A_997 = vector.extract %slice3A_996[0] : f32 from vector<1xf32>
        %slice3A_998 = vector.extract_strided_slice %scan3A_714#7 {offsets = [12], sizes = [1], strides = [1]} : vector<16xf32> to vector<1xf32>
        %squeeze3A_999 = vector.extract %slice3A_998[0] : f32 from vector<1xf32>
        %slice3A_1000 = vector.extract_strided_slice %scan3A_714#8 {offsets = [12], sizes = [1], strides = [1]} : vector<16xf32> to vector<1xf32>
        %squeeze3A_1001 = vector.extract %slice3A_1000[0] : f32 from vector<1xf32>
        %slice3A_1002 = vector.extract_strided_slice %scan3A_714#9 {offsets = [12], sizes = [1], strides = [1]} : vector<16xf32> to vector<1xf32>
        %squeeze3A_1003 = vector.extract %slice3A_1002[0] : f32 from vector<1xf32>
        %slice3A_1004 = vector.extract_strided_slice %scan3A_714#5 {offsets = [13], sizes = [1], strides = [1]} : vector<16xf32> to vector<1xf32>
        %squeeze3A_1005 = vector.extract %slice3A_1004[0] : f32 from vector<1xf32>
        %slice3A_1006 = vector.extract_strided_slice %scan3A_714#6 {offsets = [13], sizes = [1], strides = [1]} : vector<16xf32> to vector<1xf32>
        %squeeze3A_1007 = vector.extract %slice3A_1006[0] : f32 from vector<1xf32>
        %slice3A_1008 = vector.extract_strided_slice %scan3A_714#7 {offsets = [13], sizes = [1], strides = [1]} : vector<16xf32> to vector<1xf32>
        %squeeze3A_1009 = vector.extract %slice3A_1008[0] : f32 from vector<1xf32>
        %slice3A_1010 = vector.extract_strided_slice %scan3A_714#8 {offsets = [13], sizes = [1], strides = [1]} : vector<16xf32> to vector<1xf32>
        %squeeze3A_1011 = vector.extract %slice3A_1010[0] : f32 from vector<1xf32>
        %slice3A_1012 = vector.extract_strided_slice %scan3A_714#9 {offsets = [13], sizes = [1], strides = [1]} : vector<16xf32> to vector<1xf32>
        %squeeze3A_1013 = vector.extract %slice3A_1012[0] : f32 from vector<1xf32>
        %slice3A_1014 = vector.extract_strided_slice %scan3A_714#5 {offsets = [14], sizes = [1], strides = [1]} : vector<16xf32> to vector<1xf32>
        %squeeze3A_1015 = vector.extract %slice3A_1014[0] : f32 from vector<1xf32>
        %slice3A_1016 = vector.extract_strided_slice %scan3A_714#6 {offsets = [14], sizes = [1], strides = [1]} : vector<16xf32> to vector<1xf32>
        %squeeze3A_1017 = vector.extract %slice3A_1016[0] : f32 from vector<1xf32>
        %slice3A_1018 = vector.extract_strided_slice %scan3A_714#7 {offsets = [14], sizes = [1], strides = [1]} : vector<16xf32> to vector<1xf32>
        %squeeze3A_1019 = vector.extract %slice3A_1018[0] : f32 from vector<1xf32>
        %slice3A_1020 = vector.extract_strided_slice %scan3A_714#8 {offsets = [14], sizes = [1], strides = [1]} : vector<16xf32> to vector<1xf32>
        %squeeze3A_1021 = vector.extract %slice3A_1020[0] : f32 from vector<1xf32>
        %slice3A_1022 = vector.extract_strided_slice %scan3A_714#9 {offsets = [14], sizes = [1], strides = [1]} : vector<16xf32> to vector<1xf32>
        %squeeze3A_1023 = vector.extract %slice3A_1022[0] : f32 from vector<1xf32>
        %slice3A_1024 = vector.extract_strided_slice %scan3A_714#5 {offsets = [15], sizes = [1], strides = [1]} : vector<16xf32> to vector<1xf32>
        %squeeze3A_1025 = vector.extract %slice3A_1024[0] : f32 from vector<1xf32>
        %slice3A_1026 = vector.extract_strided_slice %scan3A_714#6 {offsets = [15], sizes = [1], strides = [1]} : vector<16xf32> to vector<1xf32>
        %squeeze3A_1027 = vector.extract %slice3A_1026[0] : f32 from vector<1xf32>
        %slice3A_1028 = vector.extract_strided_slice %scan3A_714#7 {offsets = [15], sizes = [1], strides = [1]} : vector<16xf32> to vector<1xf32>
        %squeeze3A_1029 = vector.extract %slice3A_1028[0] : f32 from vector<1xf32>
        %slice3A_1030 = vector.extract_strided_slice %scan3A_714#8 {offsets = [15], sizes = [1], strides = [1]} : vector<16xf32> to vector<1xf32>
        %squeeze3A_1031 = vector.extract %slice3A_1030[0] : f32 from vector<1xf32>
        %slice3A_1032 = vector.extract_strided_slice %scan3A_714#9 {offsets = [15], sizes = [1], strides = [1]} : vector<16xf32> to vector<1xf32>
        %squeeze3A_1033 = vector.extract %slice3A_1032[0] : f32 from vector<1xf32>
        %gt3A = arith.cmpf ogt, %squeeze3A_725, %squeeze3A : f32
        %eq3A_1034 = arith.cmpf oeq, %squeeze3A_725, %squeeze3A : f32
        %lt3A_1035 = arith.cmpf olt, %squeeze3A_727, %squeeze3A_717 : f32
        %and3A = arith.andi %eq3A_1034, %lt3A_1035 : i1
        %or3A = arith.ori %gt3A, %and3A : i1
        %select_n3A = arith.select %or3A, %squeeze3A, %squeeze3A_725 : f32
        %select_n3A_1036 = arith.select %or3A, %squeeze3A_717, %squeeze3A_727 : f32
        %select_n3A_1037 = arith.select %or3A, %squeeze3A_719, %squeeze3A_729 : f32
        %select_n3A_1038 = arith.select %or3A, %squeeze3A_721, %squeeze3A_731 : f32
        %select_n3A_1039 = arith.select %or3A, %squeeze3A_723, %squeeze3A_733 : f32
        %select_n3A_1040 = arith.select %or3A, %squeeze3A_725, %squeeze3A : f32
        %select_n3A_1041 = arith.select %or3A, %squeeze3A_727, %squeeze3A_717 : f32
        %select_n3A_1042 = arith.select %or3A, %squeeze3A_729, %squeeze3A_719 : f32
        %select_n3A_1043 = arith.select %or3A, %squeeze3A_731, %squeeze3A_721 : f32
        %select_n3A_1044 = arith.select %or3A, %squeeze3A_733, %squeeze3A_723 : f32
        %select_n3A_1045 = arith.select %or3A, %squeeze3A_885, %squeeze3A_875 : f32
        %select_n3A_1046 = arith.select %or3A, %squeeze3A_887, %squeeze3A_877 : f32
        %select_n3A_1047 = arith.select %or3A, %squeeze3A_889, %squeeze3A_879 : f32
        %select_n3A_1048 = arith.select %or3A, %squeeze3A_891, %squeeze3A_881 : f32
        %select_n3A_1049 = arith.select %or3A, %squeeze3A_893, %squeeze3A_883 : f32
        %gt3A_1050 = arith.constant -1.000000e+00 : f32
        %gt3A_1051 = arith.cmpf ogt, %gt3A_1050, %select_n3A : f32
        %eq3A_1052 = arith.constant -1.000000e+00 : f32
        %eq3A_1053 = arith.cmpf oeq, %eq3A_1052, %select_n3A : f32
        %lt3A_1054 = arith.constant 0.000000e+00 : f32
        %lt3A_1055 = arith.cmpf olt, %lt3A_1054, %select_n3A_1036 : f32
        %and3A_1056 = arith.andi %eq3A_1053, %lt3A_1055 : i1
        %or3A_1057 = arith.ori %gt3A_1051, %and3A_1056 : i1
        %jit3A = arith.constant -1.000000e+00 : f32
        %select_n3A_1058 = arith.select %or3A_1057, %jit3A, %select_n3A : f32
        %jit3A_1059 = arith.constant 0.000000e+00 : f32
        %select_n3A_1060 = arith.select %or3A_1057, %jit3A_1059, %select_n3A_1036 : f32
        %jit3A_1061 = arith.constant 0.000000e+00 : f32
        %select_n3A_1062 = arith.select %or3A_1057, %jit3A_1061, %select_n3A_1037 : f32
        %jit3A_1063 = arith.constant 0.000000e+00 : f32
        %select_n3A_1064 = arith.select %or3A_1057, %jit3A_1063, %select_n3A_1038 : f32
        %jit3A_1065 = arith.constant 0.000000e+00 : f32
        %select_n3A_1066 = arith.select %or3A_1057, %jit3A_1065, %select_n3A_1039 : f32
        %gt3A_1067 = arith.cmpf ogt, %squeeze3A_735, %select_n3A_1040 : f32
        %eq3A_1068 = arith.cmpf oeq, %squeeze3A_735, %select_n3A_1040 : f32
        %lt3A_1069 = arith.cmpf olt, %squeeze3A_737, %select_n3A_1041 : f32
        %and3A_1070 = arith.andi %eq3A_1068, %lt3A_1069 : i1
        %or3A_1071 = arith.ori %gt3A_1067, %and3A_1070 : i1
        %select_n3A_1072 = arith.select %or3A_1071, %select_n3A_1040, %squeeze3A_735 : f32
        %select_n3A_1073 = arith.select %or3A_1071, %select_n3A_1041, %squeeze3A_737 : f32
        %select_n3A_1074 = arith.select %or3A_1071, %select_n3A_1042, %squeeze3A_739 : f32
        %select_n3A_1075 = arith.select %or3A_1071, %select_n3A_1043, %squeeze3A_741 : f32
        %select_n3A_1076 = arith.select %or3A_1071, %select_n3A_1044, %squeeze3A_743 : f32
        %select_n3A_1077 = arith.select %or3A_1071, %squeeze3A_735, %select_n3A_1040 : f32
        %select_n3A_1078 = arith.select %or3A_1071, %squeeze3A_737, %select_n3A_1041 : f32
        %select_n3A_1079 = arith.select %or3A_1071, %squeeze3A_739, %select_n3A_1042 : f32
        %select_n3A_1080 = arith.select %or3A_1071, %squeeze3A_741, %select_n3A_1043 : f32
        %select_n3A_1081 = arith.select %or3A_1071, %squeeze3A_743, %select_n3A_1044 : f32
        %select_n3A_1082 = arith.select %or3A_1071, %squeeze3A_895, %select_n3A_1045 : f32
        %select_n3A_1083 = arith.select %or3A_1071, %squeeze3A_897, %select_n3A_1046 : f32
        %select_n3A_1084 = arith.select %or3A_1071, %squeeze3A_899, %select_n3A_1047 : f32
        %select_n3A_1085 = arith.select %or3A_1071, %squeeze3A_901, %select_n3A_1048 : f32
        %select_n3A_1086 = arith.select %or3A_1071, %squeeze3A_903, %select_n3A_1049 : f32
        %gt3A_1087 = arith.cmpf ogt, %select_n3A_1058, %select_n3A_1072 : f32
        %eq3A_1088 = arith.cmpf oeq, %select_n3A_1058, %select_n3A_1072 : f32
        %lt3A_1089 = arith.cmpf olt, %select_n3A_1060, %select_n3A_1073 : f32
        %and3A_1090 = arith.andi %eq3A_1088, %lt3A_1089 : i1
        %or3A_1091 = arith.ori %gt3A_1087, %and3A_1090 : i1
        %select_n3A_1092 = arith.select %or3A_1091, %select_n3A_1058, %select_n3A_1072 : f32
        %select_n3A_1093 = arith.select %or3A_1091, %select_n3A_1060, %select_n3A_1073 : f32
        %select_n3A_1094 = arith.select %or3A_1091, %select_n3A_1062, %select_n3A_1074 : f32
        %select_n3A_1095 = arith.select %or3A_1091, %select_n3A_1064, %select_n3A_1075 : f32
        %select_n3A_1096 = arith.select %or3A_1091, %select_n3A_1066, %select_n3A_1076 : f32
        %gt3A_1097 = arith.cmpf ogt, %squeeze3A_745, %select_n3A_1077 : f32
        %eq3A_1098 = arith.cmpf oeq, %squeeze3A_745, %select_n3A_1077 : f32
        %lt3A_1099 = arith.cmpf olt, %squeeze3A_747, %select_n3A_1078 : f32
        %and3A_1100 = arith.andi %eq3A_1098, %lt3A_1099 : i1
        %or3A_1101 = arith.ori %gt3A_1097, %and3A_1100 : i1
        %select_n3A_1102 = arith.select %or3A_1101, %select_n3A_1077, %squeeze3A_745 : f32
        %select_n3A_1103 = arith.select %or3A_1101, %select_n3A_1078, %squeeze3A_747 : f32
        %select_n3A_1104 = arith.select %or3A_1101, %select_n3A_1079, %squeeze3A_749 : f32
        %select_n3A_1105 = arith.select %or3A_1101, %select_n3A_1080, %squeeze3A_751 : f32
        %select_n3A_1106 = arith.select %or3A_1101, %select_n3A_1081, %squeeze3A_753 : f32
        %select_n3A_1107 = arith.select %or3A_1101, %squeeze3A_745, %select_n3A_1077 : f32
        %select_n3A_1108 = arith.select %or3A_1101, %squeeze3A_747, %select_n3A_1078 : f32
        %select_n3A_1109 = arith.select %or3A_1101, %squeeze3A_749, %select_n3A_1079 : f32
        %select_n3A_1110 = arith.select %or3A_1101, %squeeze3A_751, %select_n3A_1080 : f32
        %select_n3A_1111 = arith.select %or3A_1101, %squeeze3A_753, %select_n3A_1081 : f32
        %select_n3A_1112 = arith.select %or3A_1101, %squeeze3A_905, %select_n3A_1082 : f32
        %select_n3A_1113 = arith.select %or3A_1101, %squeeze3A_907, %select_n3A_1083 : f32
        %select_n3A_1114 = arith.select %or3A_1101, %squeeze3A_909, %select_n3A_1084 : f32
        %select_n3A_1115 = arith.select %or3A_1101, %squeeze3A_911, %select_n3A_1085 : f32
        %select_n3A_1116 = arith.select %or3A_1101, %squeeze3A_913, %select_n3A_1086 : f32
        %gt3A_1117 = arith.cmpf ogt, %select_n3A_1092, %select_n3A_1102 : f32
        %eq3A_1118 = arith.cmpf oeq, %select_n3A_1092, %select_n3A_1102 : f32
        %lt3A_1119 = arith.cmpf olt, %select_n3A_1093, %select_n3A_1103 : f32
        %and3A_1120 = arith.andi %eq3A_1118, %lt3A_1119 : i1
        %or3A_1121 = arith.ori %gt3A_1117, %and3A_1120 : i1
        %select_n3A_1122 = arith.select %or3A_1121, %select_n3A_1092, %select_n3A_1102 : f32
        %select_n3A_1123 = arith.select %or3A_1121, %select_n3A_1093, %select_n3A_1103 : f32
        %select_n3A_1124 = arith.select %or3A_1121, %select_n3A_1094, %select_n3A_1104 : f32
        %select_n3A_1125 = arith.select %or3A_1121, %select_n3A_1095, %select_n3A_1105 : f32
        %select_n3A_1126 = arith.select %or3A_1121, %select_n3A_1096, %select_n3A_1106 : f32
        %gt3A_1127 = arith.cmpf ogt, %squeeze3A_755, %select_n3A_1107 : f32
        %eq3A_1128 = arith.cmpf oeq, %squeeze3A_755, %select_n3A_1107 : f32
        %lt3A_1129 = arith.cmpf olt, %squeeze3A_757, %select_n3A_1108 : f32
        %and3A_1130 = arith.andi %eq3A_1128, %lt3A_1129 : i1
        %or3A_1131 = arith.ori %gt3A_1127, %and3A_1130 : i1
        %select_n3A_1132 = arith.select %or3A_1131, %select_n3A_1107, %squeeze3A_755 : f32
        %select_n3A_1133 = arith.select %or3A_1131, %select_n3A_1108, %squeeze3A_757 : f32
        %select_n3A_1134 = arith.select %or3A_1131, %select_n3A_1109, %squeeze3A_759 : f32
        %select_n3A_1135 = arith.select %or3A_1131, %select_n3A_1110, %squeeze3A_761 : f32
        %select_n3A_1136 = arith.select %or3A_1131, %select_n3A_1111, %squeeze3A_763 : f32
        %select_n3A_1137 = arith.select %or3A_1131, %squeeze3A_755, %select_n3A_1107 : f32
        %select_n3A_1138 = arith.select %or3A_1131, %squeeze3A_757, %select_n3A_1108 : f32
        %select_n3A_1139 = arith.select %or3A_1131, %squeeze3A_759, %select_n3A_1109 : f32
        %select_n3A_1140 = arith.select %or3A_1131, %squeeze3A_761, %select_n3A_1110 : f32
        %select_n3A_1141 = arith.select %or3A_1131, %squeeze3A_763, %select_n3A_1111 : f32
        %select_n3A_1142 = arith.select %or3A_1131, %squeeze3A_915, %select_n3A_1112 : f32
        %select_n3A_1143 = arith.select %or3A_1131, %squeeze3A_917, %select_n3A_1113 : f32
        %select_n3A_1144 = arith.select %or3A_1131, %squeeze3A_919, %select_n3A_1114 : f32
        %select_n3A_1145 = arith.select %or3A_1131, %squeeze3A_921, %select_n3A_1115 : f32
        %select_n3A_1146 = arith.select %or3A_1131, %squeeze3A_923, %select_n3A_1116 : f32
        %gt3A_1147 = arith.cmpf ogt, %select_n3A_1122, %select_n3A_1132 : f32
        %eq3A_1148 = arith.cmpf oeq, %select_n3A_1122, %select_n3A_1132 : f32
        %lt3A_1149 = arith.cmpf olt, %select_n3A_1123, %select_n3A_1133 : f32
        %and3A_1150 = arith.andi %eq3A_1148, %lt3A_1149 : i1
        %or3A_1151 = arith.ori %gt3A_1147, %and3A_1150 : i1
        %select_n3A_1152 = arith.select %or3A_1151, %select_n3A_1122, %select_n3A_1132 : f32
        %select_n3A_1153 = arith.select %or3A_1151, %select_n3A_1123, %select_n3A_1133 : f32
        %select_n3A_1154 = arith.select %or3A_1151, %select_n3A_1124, %select_n3A_1134 : f32
        %select_n3A_1155 = arith.select %or3A_1151, %select_n3A_1125, %select_n3A_1135 : f32
        %select_n3A_1156 = arith.select %or3A_1151, %select_n3A_1126, %select_n3A_1136 : f32
        %gt3A_1157 = arith.cmpf ogt, %squeeze3A_765, %select_n3A_1137 : f32
        %eq3A_1158 = arith.cmpf oeq, %squeeze3A_765, %select_n3A_1137 : f32
        %lt3A_1159 = arith.cmpf olt, %squeeze3A_767, %select_n3A_1138 : f32
        %and3A_1160 = arith.andi %eq3A_1158, %lt3A_1159 : i1
        %or3A_1161 = arith.ori %gt3A_1157, %and3A_1160 : i1
        %select_n3A_1162 = arith.select %or3A_1161, %select_n3A_1137, %squeeze3A_765 : f32
        %select_n3A_1163 = arith.select %or3A_1161, %select_n3A_1138, %squeeze3A_767 : f32
        %select_n3A_1164 = arith.select %or3A_1161, %select_n3A_1139, %squeeze3A_769 : f32
        %select_n3A_1165 = arith.select %or3A_1161, %select_n3A_1140, %squeeze3A_771 : f32
        %select_n3A_1166 = arith.select %or3A_1161, %select_n3A_1141, %squeeze3A_773 : f32
        %select_n3A_1167 = arith.select %or3A_1161, %squeeze3A_765, %select_n3A_1137 : f32
        %select_n3A_1168 = arith.select %or3A_1161, %squeeze3A_767, %select_n3A_1138 : f32
        %select_n3A_1169 = arith.select %or3A_1161, %squeeze3A_769, %select_n3A_1139 : f32
        %select_n3A_1170 = arith.select %or3A_1161, %squeeze3A_771, %select_n3A_1140 : f32
        %select_n3A_1171 = arith.select %or3A_1161, %squeeze3A_773, %select_n3A_1141 : f32
        %select_n3A_1172 = arith.select %or3A_1161, %squeeze3A_925, %select_n3A_1142 : f32
        %select_n3A_1173 = arith.select %or3A_1161, %squeeze3A_927, %select_n3A_1143 : f32
        %select_n3A_1174 = arith.select %or3A_1161, %squeeze3A_929, %select_n3A_1144 : f32
        %select_n3A_1175 = arith.select %or3A_1161, %squeeze3A_931, %select_n3A_1145 : f32
        %select_n3A_1176 = arith.select %or3A_1161, %squeeze3A_933, %select_n3A_1146 : f32
        %gt3A_1177 = arith.cmpf ogt, %select_n3A_1152, %select_n3A_1162 : f32
        %eq3A_1178 = arith.cmpf oeq, %select_n3A_1152, %select_n3A_1162 : f32
        %lt3A_1179 = arith.cmpf olt, %select_n3A_1153, %select_n3A_1163 : f32
        %and3A_1180 = arith.andi %eq3A_1178, %lt3A_1179 : i1
        %or3A_1181 = arith.ori %gt3A_1177, %and3A_1180 : i1
        %select_n3A_1182 = arith.select %or3A_1181, %select_n3A_1152, %select_n3A_1162 : f32
        %select_n3A_1183 = arith.select %or3A_1181, %select_n3A_1153, %select_n3A_1163 : f32
        %select_n3A_1184 = arith.select %or3A_1181, %select_n3A_1154, %select_n3A_1164 : f32
        %select_n3A_1185 = arith.select %or3A_1181, %select_n3A_1155, %select_n3A_1165 : f32
        %select_n3A_1186 = arith.select %or3A_1181, %select_n3A_1156, %select_n3A_1166 : f32
        %gt3A_1187 = arith.cmpf ogt, %squeeze3A_775, %select_n3A_1167 : f32
        %eq3A_1188 = arith.cmpf oeq, %squeeze3A_775, %select_n3A_1167 : f32
        %lt3A_1189 = arith.cmpf olt, %squeeze3A_777, %select_n3A_1168 : f32
        %and3A_1190 = arith.andi %eq3A_1188, %lt3A_1189 : i1
        %or3A_1191 = arith.ori %gt3A_1187, %and3A_1190 : i1
        %select_n3A_1192 = arith.select %or3A_1191, %select_n3A_1167, %squeeze3A_775 : f32
        %select_n3A_1193 = arith.select %or3A_1191, %select_n3A_1168, %squeeze3A_777 : f32
        %select_n3A_1194 = arith.select %or3A_1191, %select_n3A_1169, %squeeze3A_779 : f32
        %select_n3A_1195 = arith.select %or3A_1191, %select_n3A_1170, %squeeze3A_781 : f32
        %select_n3A_1196 = arith.select %or3A_1191, %select_n3A_1171, %squeeze3A_783 : f32
        %select_n3A_1197 = arith.select %or3A_1191, %squeeze3A_775, %select_n3A_1167 : f32
        %select_n3A_1198 = arith.select %or3A_1191, %squeeze3A_777, %select_n3A_1168 : f32
        %select_n3A_1199 = arith.select %or3A_1191, %squeeze3A_779, %select_n3A_1169 : f32
        %select_n3A_1200 = arith.select %or3A_1191, %squeeze3A_781, %select_n3A_1170 : f32
        %select_n3A_1201 = arith.select %or3A_1191, %squeeze3A_783, %select_n3A_1171 : f32
        %select_n3A_1202 = arith.select %or3A_1191, %squeeze3A_935, %select_n3A_1172 : f32
        %select_n3A_1203 = arith.select %or3A_1191, %squeeze3A_937, %select_n3A_1173 : f32
        %select_n3A_1204 = arith.select %or3A_1191, %squeeze3A_939, %select_n3A_1174 : f32
        %select_n3A_1205 = arith.select %or3A_1191, %squeeze3A_941, %select_n3A_1175 : f32
        %select_n3A_1206 = arith.select %or3A_1191, %squeeze3A_943, %select_n3A_1176 : f32
        %gt3A_1207 = arith.cmpf ogt, %select_n3A_1182, %select_n3A_1192 : f32
        %eq3A_1208 = arith.cmpf oeq, %select_n3A_1182, %select_n3A_1192 : f32
        %lt3A_1209 = arith.cmpf olt, %select_n3A_1183, %select_n3A_1193 : f32
        %and3A_1210 = arith.andi %eq3A_1208, %lt3A_1209 : i1
        %or3A_1211 = arith.ori %gt3A_1207, %and3A_1210 : i1
        %select_n3A_1212 = arith.select %or3A_1211, %select_n3A_1182, %select_n3A_1192 : f32
        %select_n3A_1213 = arith.select %or3A_1211, %select_n3A_1183, %select_n3A_1193 : f32
        %select_n3A_1214 = arith.select %or3A_1211, %select_n3A_1184, %select_n3A_1194 : f32
        %select_n3A_1215 = arith.select %or3A_1211, %select_n3A_1185, %select_n3A_1195 : f32
        %select_n3A_1216 = arith.select %or3A_1211, %select_n3A_1186, %select_n3A_1196 : f32
        %gt3A_1217 = arith.cmpf ogt, %squeeze3A_785, %select_n3A_1197 : f32
        %eq3A_1218 = arith.cmpf oeq, %squeeze3A_785, %select_n3A_1197 : f32
        %lt3A_1219 = arith.cmpf olt, %squeeze3A_787, %select_n3A_1198 : f32
        %and3A_1220 = arith.andi %eq3A_1218, %lt3A_1219 : i1
        %or3A_1221 = arith.ori %gt3A_1217, %and3A_1220 : i1
        %select_n3A_1222 = arith.select %or3A_1221, %select_n3A_1197, %squeeze3A_785 : f32
        %select_n3A_1223 = arith.select %or3A_1221, %select_n3A_1198, %squeeze3A_787 : f32
        %select_n3A_1224 = arith.select %or3A_1221, %select_n3A_1199, %squeeze3A_789 : f32
        %select_n3A_1225 = arith.select %or3A_1221, %select_n3A_1200, %squeeze3A_791 : f32
        %select_n3A_1226 = arith.select %or3A_1221, %select_n3A_1201, %squeeze3A_793 : f32
        %select_n3A_1227 = arith.select %or3A_1221, %squeeze3A_785, %select_n3A_1197 : f32
        %select_n3A_1228 = arith.select %or3A_1221, %squeeze3A_787, %select_n3A_1198 : f32
        %select_n3A_1229 = arith.select %or3A_1221, %squeeze3A_789, %select_n3A_1199 : f32
        %select_n3A_1230 = arith.select %or3A_1221, %squeeze3A_791, %select_n3A_1200 : f32
        %select_n3A_1231 = arith.select %or3A_1221, %squeeze3A_793, %select_n3A_1201 : f32
        %select_n3A_1232 = arith.select %or3A_1221, %squeeze3A_945, %select_n3A_1202 : f32
        %select_n3A_1233 = arith.select %or3A_1221, %squeeze3A_947, %select_n3A_1203 : f32
        %select_n3A_1234 = arith.select %or3A_1221, %squeeze3A_949, %select_n3A_1204 : f32
        %select_n3A_1235 = arith.select %or3A_1221, %squeeze3A_951, %select_n3A_1205 : f32
        %select_n3A_1236 = arith.select %or3A_1221, %squeeze3A_953, %select_n3A_1206 : f32
        %gt3A_1237 = arith.cmpf ogt, %select_n3A_1212, %select_n3A_1222 : f32
        %eq3A_1238 = arith.cmpf oeq, %select_n3A_1212, %select_n3A_1222 : f32
        %lt3A_1239 = arith.cmpf olt, %select_n3A_1213, %select_n3A_1223 : f32
        %and3A_1240 = arith.andi %eq3A_1238, %lt3A_1239 : i1
        %or3A_1241 = arith.ori %gt3A_1237, %and3A_1240 : i1
        %select_n3A_1242 = arith.select %or3A_1241, %select_n3A_1212, %select_n3A_1222 : f32
        %select_n3A_1243 = arith.select %or3A_1241, %select_n3A_1213, %select_n3A_1223 : f32
        %select_n3A_1244 = arith.select %or3A_1241, %select_n3A_1214, %select_n3A_1224 : f32
        %select_n3A_1245 = arith.select %or3A_1241, %select_n3A_1215, %select_n3A_1225 : f32
        %select_n3A_1246 = arith.select %or3A_1241, %select_n3A_1216, %select_n3A_1226 : f32
        %gt3A_1247 = arith.cmpf ogt, %squeeze3A_795, %select_n3A_1227 : f32
        %eq3A_1248 = arith.cmpf oeq, %squeeze3A_795, %select_n3A_1227 : f32
        %lt3A_1249 = arith.cmpf olt, %squeeze3A_797, %select_n3A_1228 : f32
        %and3A_1250 = arith.andi %eq3A_1248, %lt3A_1249 : i1
        %or3A_1251 = arith.ori %gt3A_1247, %and3A_1250 : i1
        %select_n3A_1252 = arith.select %or3A_1251, %select_n3A_1227, %squeeze3A_795 : f32
        %select_n3A_1253 = arith.select %or3A_1251, %select_n3A_1228, %squeeze3A_797 : f32
        %select_n3A_1254 = arith.select %or3A_1251, %select_n3A_1229, %squeeze3A_799 : f32
        %select_n3A_1255 = arith.select %or3A_1251, %select_n3A_1230, %squeeze3A_801 : f32
        %select_n3A_1256 = arith.select %or3A_1251, %select_n3A_1231, %squeeze3A_803 : f32
        %select_n3A_1257 = arith.select %or3A_1251, %squeeze3A_795, %select_n3A_1227 : f32
        %select_n3A_1258 = arith.select %or3A_1251, %squeeze3A_797, %select_n3A_1228 : f32
        %select_n3A_1259 = arith.select %or3A_1251, %squeeze3A_799, %select_n3A_1229 : f32
        %select_n3A_1260 = arith.select %or3A_1251, %squeeze3A_801, %select_n3A_1230 : f32
        %select_n3A_1261 = arith.select %or3A_1251, %squeeze3A_803, %select_n3A_1231 : f32
        %select_n3A_1262 = arith.select %or3A_1251, %squeeze3A_955, %select_n3A_1232 : f32
        %select_n3A_1263 = arith.select %or3A_1251, %squeeze3A_957, %select_n3A_1233 : f32
        %select_n3A_1264 = arith.select %or3A_1251, %squeeze3A_959, %select_n3A_1234 : f32
        %select_n3A_1265 = arith.select %or3A_1251, %squeeze3A_961, %select_n3A_1235 : f32
        %select_n3A_1266 = arith.select %or3A_1251, %squeeze3A_963, %select_n3A_1236 : f32
        %gt3A_1267 = arith.cmpf ogt, %select_n3A_1242, %select_n3A_1252 : f32
        %eq3A_1268 = arith.cmpf oeq, %select_n3A_1242, %select_n3A_1252 : f32
        %lt3A_1269 = arith.cmpf olt, %select_n3A_1243, %select_n3A_1253 : f32
        %and3A_1270 = arith.andi %eq3A_1268, %lt3A_1269 : i1
        %or3A_1271 = arith.ori %gt3A_1267, %and3A_1270 : i1
        %select_n3A_1272 = arith.select %or3A_1271, %select_n3A_1242, %select_n3A_1252 : f32
        %select_n3A_1273 = arith.select %or3A_1271, %select_n3A_1243, %select_n3A_1253 : f32
        %select_n3A_1274 = arith.select %or3A_1271, %select_n3A_1244, %select_n3A_1254 : f32
        %select_n3A_1275 = arith.select %or3A_1271, %select_n3A_1245, %select_n3A_1255 : f32
        %select_n3A_1276 = arith.select %or3A_1271, %select_n3A_1246, %select_n3A_1256 : f32
        %gt3A_1277 = arith.cmpf ogt, %squeeze3A_805, %select_n3A_1257 : f32
        %eq3A_1278 = arith.cmpf oeq, %squeeze3A_805, %select_n3A_1257 : f32
        %lt3A_1279 = arith.cmpf olt, %squeeze3A_807, %select_n3A_1258 : f32
        %and3A_1280 = arith.andi %eq3A_1278, %lt3A_1279 : i1
        %or3A_1281 = arith.ori %gt3A_1277, %and3A_1280 : i1
        %select_n3A_1282 = arith.select %or3A_1281, %select_n3A_1257, %squeeze3A_805 : f32
        %select_n3A_1283 = arith.select %or3A_1281, %select_n3A_1258, %squeeze3A_807 : f32
        %select_n3A_1284 = arith.select %or3A_1281, %select_n3A_1259, %squeeze3A_809 : f32
        %select_n3A_1285 = arith.select %or3A_1281, %select_n3A_1260, %squeeze3A_811 : f32
        %select_n3A_1286 = arith.select %or3A_1281, %select_n3A_1261, %squeeze3A_813 : f32
        %select_n3A_1287 = arith.select %or3A_1281, %squeeze3A_805, %select_n3A_1257 : f32
        %select_n3A_1288 = arith.select %or3A_1281, %squeeze3A_807, %select_n3A_1258 : f32
        %select_n3A_1289 = arith.select %or3A_1281, %squeeze3A_809, %select_n3A_1259 : f32
        %select_n3A_1290 = arith.select %or3A_1281, %squeeze3A_811, %select_n3A_1260 : f32
        %select_n3A_1291 = arith.select %or3A_1281, %squeeze3A_813, %select_n3A_1261 : f32
        %select_n3A_1292 = arith.select %or3A_1281, %squeeze3A_965, %select_n3A_1262 : f32
        %select_n3A_1293 = arith.select %or3A_1281, %squeeze3A_967, %select_n3A_1263 : f32
        %select_n3A_1294 = arith.select %or3A_1281, %squeeze3A_969, %select_n3A_1264 : f32
        %select_n3A_1295 = arith.select %or3A_1281, %squeeze3A_971, %select_n3A_1265 : f32
        %select_n3A_1296 = arith.select %or3A_1281, %squeeze3A_973, %select_n3A_1266 : f32
        %gt3A_1297 = arith.cmpf ogt, %select_n3A_1272, %select_n3A_1282 : f32
        %eq3A_1298 = arith.cmpf oeq, %select_n3A_1272, %select_n3A_1282 : f32
        %lt3A_1299 = arith.cmpf olt, %select_n3A_1273, %select_n3A_1283 : f32
        %and3A_1300 = arith.andi %eq3A_1298, %lt3A_1299 : i1
        %or3A_1301 = arith.ori %gt3A_1297, %and3A_1300 : i1
        %select_n3A_1302 = arith.select %or3A_1301, %select_n3A_1272, %select_n3A_1282 : f32
        %select_n3A_1303 = arith.select %or3A_1301, %select_n3A_1273, %select_n3A_1283 : f32
        %select_n3A_1304 = arith.select %or3A_1301, %select_n3A_1274, %select_n3A_1284 : f32
        %select_n3A_1305 = arith.select %or3A_1301, %select_n3A_1275, %select_n3A_1285 : f32
        %select_n3A_1306 = arith.select %or3A_1301, %select_n3A_1276, %select_n3A_1286 : f32
        %gt3A_1307 = arith.cmpf ogt, %squeeze3A_815, %select_n3A_1287 : f32
        %eq3A_1308 = arith.cmpf oeq, %squeeze3A_815, %select_n3A_1287 : f32
        %lt3A_1309 = arith.cmpf olt, %squeeze3A_817, %select_n3A_1288 : f32
        %and3A_1310 = arith.andi %eq3A_1308, %lt3A_1309 : i1
        %or3A_1311 = arith.ori %gt3A_1307, %and3A_1310 : i1
        %select_n3A_1312 = arith.select %or3A_1311, %select_n3A_1287, %squeeze3A_815 : f32
        %select_n3A_1313 = arith.select %or3A_1311, %select_n3A_1288, %squeeze3A_817 : f32
        %select_n3A_1314 = arith.select %or3A_1311, %select_n3A_1289, %squeeze3A_819 : f32
        %select_n3A_1315 = arith.select %or3A_1311, %select_n3A_1290, %squeeze3A_821 : f32
        %select_n3A_1316 = arith.select %or3A_1311, %select_n3A_1291, %squeeze3A_823 : f32
        %select_n3A_1317 = arith.select %or3A_1311, %squeeze3A_815, %select_n3A_1287 : f32
        %select_n3A_1318 = arith.select %or3A_1311, %squeeze3A_817, %select_n3A_1288 : f32
        %select_n3A_1319 = arith.select %or3A_1311, %squeeze3A_819, %select_n3A_1289 : f32
        %select_n3A_1320 = arith.select %or3A_1311, %squeeze3A_821, %select_n3A_1290 : f32
        %select_n3A_1321 = arith.select %or3A_1311, %squeeze3A_823, %select_n3A_1291 : f32
        %select_n3A_1322 = arith.select %or3A_1311, %squeeze3A_975, %select_n3A_1292 : f32
        %select_n3A_1323 = arith.select %or3A_1311, %squeeze3A_977, %select_n3A_1293 : f32
        %select_n3A_1324 = arith.select %or3A_1311, %squeeze3A_979, %select_n3A_1294 : f32
        %select_n3A_1325 = arith.select %or3A_1311, %squeeze3A_981, %select_n3A_1295 : f32
        %select_n3A_1326 = arith.select %or3A_1311, %squeeze3A_983, %select_n3A_1296 : f32
        %gt3A_1327 = arith.cmpf ogt, %select_n3A_1302, %select_n3A_1312 : f32
        %eq3A_1328 = arith.cmpf oeq, %select_n3A_1302, %select_n3A_1312 : f32
        %lt3A_1329 = arith.cmpf olt, %select_n3A_1303, %select_n3A_1313 : f32
        %and3A_1330 = arith.andi %eq3A_1328, %lt3A_1329 : i1
        %or3A_1331 = arith.ori %gt3A_1327, %and3A_1330 : i1
        %select_n3A_1332 = arith.select %or3A_1331, %select_n3A_1302, %select_n3A_1312 : f32
        %select_n3A_1333 = arith.select %or3A_1331, %select_n3A_1303, %select_n3A_1313 : f32
        %select_n3A_1334 = arith.select %or3A_1331, %select_n3A_1304, %select_n3A_1314 : f32
        %select_n3A_1335 = arith.select %or3A_1331, %select_n3A_1305, %select_n3A_1315 : f32
        %select_n3A_1336 = arith.select %or3A_1331, %select_n3A_1306, %select_n3A_1316 : f32
        %gt3A_1337 = arith.cmpf ogt, %squeeze3A_825, %select_n3A_1317 : f32
        %eq3A_1338 = arith.cmpf oeq, %squeeze3A_825, %select_n3A_1317 : f32
        %lt3A_1339 = arith.cmpf olt, %squeeze3A_827, %select_n3A_1318 : f32
        %and3A_1340 = arith.andi %eq3A_1338, %lt3A_1339 : i1
        %or3A_1341 = arith.ori %gt3A_1337, %and3A_1340 : i1
        %select_n3A_1342 = arith.select %or3A_1341, %select_n3A_1317, %squeeze3A_825 : f32
        %select_n3A_1343 = arith.select %or3A_1341, %select_n3A_1318, %squeeze3A_827 : f32
        %select_n3A_1344 = arith.select %or3A_1341, %select_n3A_1319, %squeeze3A_829 : f32
        %select_n3A_1345 = arith.select %or3A_1341, %select_n3A_1320, %squeeze3A_831 : f32
        %select_n3A_1346 = arith.select %or3A_1341, %select_n3A_1321, %squeeze3A_833 : f32
        %select_n3A_1347 = arith.select %or3A_1341, %squeeze3A_825, %select_n3A_1317 : f32
        %select_n3A_1348 = arith.select %or3A_1341, %squeeze3A_827, %select_n3A_1318 : f32
        %select_n3A_1349 = arith.select %or3A_1341, %squeeze3A_829, %select_n3A_1319 : f32
        %select_n3A_1350 = arith.select %or3A_1341, %squeeze3A_831, %select_n3A_1320 : f32
        %select_n3A_1351 = arith.select %or3A_1341, %squeeze3A_833, %select_n3A_1321 : f32
        %select_n3A_1352 = arith.select %or3A_1341, %squeeze3A_985, %select_n3A_1322 : f32
        %select_n3A_1353 = arith.select %or3A_1341, %squeeze3A_987, %select_n3A_1323 : f32
        %select_n3A_1354 = arith.select %or3A_1341, %squeeze3A_989, %select_n3A_1324 : f32
        %select_n3A_1355 = arith.select %or3A_1341, %squeeze3A_991, %select_n3A_1325 : f32
        %select_n3A_1356 = arith.select %or3A_1341, %squeeze3A_993, %select_n3A_1326 : f32
        %gt3A_1357 = arith.cmpf ogt, %select_n3A_1332, %select_n3A_1342 : f32
        %eq3A_1358 = arith.cmpf oeq, %select_n3A_1332, %select_n3A_1342 : f32
        %lt3A_1359 = arith.cmpf olt, %select_n3A_1333, %select_n3A_1343 : f32
        %and3A_1360 = arith.andi %eq3A_1358, %lt3A_1359 : i1
        %or3A_1361 = arith.ori %gt3A_1357, %and3A_1360 : i1
        %select_n3A_1362 = arith.select %or3A_1361, %select_n3A_1332, %select_n3A_1342 : f32
        %select_n3A_1363 = arith.select %or3A_1361, %select_n3A_1333, %select_n3A_1343 : f32
        %select_n3A_1364 = arith.select %or3A_1361, %select_n3A_1334, %select_n3A_1344 : f32
        %select_n3A_1365 = arith.select %or3A_1361, %select_n3A_1335, %select_n3A_1345 : f32
        %select_n3A_1366 = arith.select %or3A_1361, %select_n3A_1336, %select_n3A_1346 : f32
        %gt3A_1367 = arith.cmpf ogt, %squeeze3A_835, %select_n3A_1347 : f32
        %eq3A_1368 = arith.cmpf oeq, %squeeze3A_835, %select_n3A_1347 : f32
        %lt3A_1369 = arith.cmpf olt, %squeeze3A_837, %select_n3A_1348 : f32
        %and3A_1370 = arith.andi %eq3A_1368, %lt3A_1369 : i1
        %or3A_1371 = arith.ori %gt3A_1367, %and3A_1370 : i1
        %select_n3A_1372 = arith.select %or3A_1371, %select_n3A_1347, %squeeze3A_835 : f32
        %select_n3A_1373 = arith.select %or3A_1371, %select_n3A_1348, %squeeze3A_837 : f32
        %select_n3A_1374 = arith.select %or3A_1371, %select_n3A_1349, %squeeze3A_839 : f32
        %select_n3A_1375 = arith.select %or3A_1371, %select_n3A_1350, %squeeze3A_841 : f32
        %select_n3A_1376 = arith.select %or3A_1371, %select_n3A_1351, %squeeze3A_843 : f32
        %select_n3A_1377 = arith.select %or3A_1371, %squeeze3A_835, %select_n3A_1347 : f32
        %select_n3A_1378 = arith.select %or3A_1371, %squeeze3A_837, %select_n3A_1348 : f32
        %select_n3A_1379 = arith.select %or3A_1371, %squeeze3A_839, %select_n3A_1349 : f32
        %select_n3A_1380 = arith.select %or3A_1371, %squeeze3A_841, %select_n3A_1350 : f32
        %select_n3A_1381 = arith.select %or3A_1371, %squeeze3A_843, %select_n3A_1351 : f32
        %select_n3A_1382 = arith.select %or3A_1371, %squeeze3A_995, %select_n3A_1352 : f32
        %select_n3A_1383 = arith.select %or3A_1371, %squeeze3A_997, %select_n3A_1353 : f32
        %select_n3A_1384 = arith.select %or3A_1371, %squeeze3A_999, %select_n3A_1354 : f32
        %select_n3A_1385 = arith.select %or3A_1371, %squeeze3A_1001, %select_n3A_1355 : f32
        %select_n3A_1386 = arith.select %or3A_1371, %squeeze3A_1003, %select_n3A_1356 : f32
        %gt3A_1387 = arith.cmpf ogt, %select_n3A_1362, %select_n3A_1372 : f32
        %eq3A_1388 = arith.cmpf oeq, %select_n3A_1362, %select_n3A_1372 : f32
        %lt3A_1389 = arith.cmpf olt, %select_n3A_1363, %select_n3A_1373 : f32
        %and3A_1390 = arith.andi %eq3A_1388, %lt3A_1389 : i1
        %or3A_1391 = arith.ori %gt3A_1387, %and3A_1390 : i1
        %select_n3A_1392 = arith.select %or3A_1391, %select_n3A_1362, %select_n3A_1372 : f32
        %select_n3A_1393 = arith.select %or3A_1391, %select_n3A_1363, %select_n3A_1373 : f32
        %select_n3A_1394 = arith.select %or3A_1391, %select_n3A_1364, %select_n3A_1374 : f32
        %select_n3A_1395 = arith.select %or3A_1391, %select_n3A_1365, %select_n3A_1375 : f32
        %select_n3A_1396 = arith.select %or3A_1391, %select_n3A_1366, %select_n3A_1376 : f32
        %gt3A_1397 = arith.cmpf ogt, %squeeze3A_845, %select_n3A_1377 : f32
        %eq3A_1398 = arith.cmpf oeq, %squeeze3A_845, %select_n3A_1377 : f32
        %lt3A_1399 = arith.cmpf olt, %squeeze3A_847, %select_n3A_1378 : f32
        %and3A_1400 = arith.andi %eq3A_1398, %lt3A_1399 : i1
        %or3A_1401 = arith.ori %gt3A_1397, %and3A_1400 : i1
        %select_n3A_1402 = arith.select %or3A_1401, %select_n3A_1377, %squeeze3A_845 : f32
        %select_n3A_1403 = arith.select %or3A_1401, %select_n3A_1378, %squeeze3A_847 : f32
        %select_n3A_1404 = arith.select %or3A_1401, %select_n3A_1379, %squeeze3A_849 : f32
        %select_n3A_1405 = arith.select %or3A_1401, %select_n3A_1380, %squeeze3A_851 : f32
        %select_n3A_1406 = arith.select %or3A_1401, %select_n3A_1381, %squeeze3A_853 : f32
        %select_n3A_1407 = arith.select %or3A_1401, %squeeze3A_845, %select_n3A_1377 : f32
        %select_n3A_1408 = arith.select %or3A_1401, %squeeze3A_847, %select_n3A_1378 : f32
        %select_n3A_1409 = arith.select %or3A_1401, %squeeze3A_849, %select_n3A_1379 : f32
        %select_n3A_1410 = arith.select %or3A_1401, %squeeze3A_851, %select_n3A_1380 : f32
        %select_n3A_1411 = arith.select %or3A_1401, %squeeze3A_853, %select_n3A_1381 : f32
        %select_n3A_1412 = arith.select %or3A_1401, %squeeze3A_1005, %select_n3A_1382 : f32
        %select_n3A_1413 = arith.select %or3A_1401, %squeeze3A_1007, %select_n3A_1383 : f32
        %select_n3A_1414 = arith.select %or3A_1401, %squeeze3A_1009, %select_n3A_1384 : f32
        %select_n3A_1415 = arith.select %or3A_1401, %squeeze3A_1011, %select_n3A_1385 : f32
        %select_n3A_1416 = arith.select %or3A_1401, %squeeze3A_1013, %select_n3A_1386 : f32
        %gt3A_1417 = arith.cmpf ogt, %select_n3A_1392, %select_n3A_1402 : f32
        %eq3A_1418 = arith.cmpf oeq, %select_n3A_1392, %select_n3A_1402 : f32
        %lt3A_1419 = arith.cmpf olt, %select_n3A_1393, %select_n3A_1403 : f32
        %and3A_1420 = arith.andi %eq3A_1418, %lt3A_1419 : i1
        %or3A_1421 = arith.ori %gt3A_1417, %and3A_1420 : i1
        %select_n3A_1422 = arith.select %or3A_1421, %select_n3A_1392, %select_n3A_1402 : f32
        %select_n3A_1423 = arith.select %or3A_1421, %select_n3A_1393, %select_n3A_1403 : f32
        %select_n3A_1424 = arith.select %or3A_1421, %select_n3A_1394, %select_n3A_1404 : f32
        %select_n3A_1425 = arith.select %or3A_1421, %select_n3A_1395, %select_n3A_1405 : f32
        %select_n3A_1426 = arith.select %or3A_1421, %select_n3A_1396, %select_n3A_1406 : f32
        %gt3A_1427 = arith.cmpf ogt, %squeeze3A_855, %select_n3A_1407 : f32
        %eq3A_1428 = arith.cmpf oeq, %squeeze3A_855, %select_n3A_1407 : f32
        %lt3A_1429 = arith.cmpf olt, %squeeze3A_857, %select_n3A_1408 : f32
        %and3A_1430 = arith.andi %eq3A_1428, %lt3A_1429 : i1
        %or3A_1431 = arith.ori %gt3A_1427, %and3A_1430 : i1
        %select_n3A_1432 = arith.select %or3A_1431, %select_n3A_1407, %squeeze3A_855 : f32
        %select_n3A_1433 = arith.select %or3A_1431, %select_n3A_1408, %squeeze3A_857 : f32
        %select_n3A_1434 = arith.select %or3A_1431, %select_n3A_1409, %squeeze3A_859 : f32
        %select_n3A_1435 = arith.select %or3A_1431, %select_n3A_1410, %squeeze3A_861 : f32
        %select_n3A_1436 = arith.select %or3A_1431, %select_n3A_1411, %squeeze3A_863 : f32
        %select_n3A_1437 = arith.select %or3A_1431, %squeeze3A_855, %select_n3A_1407 : f32
        %select_n3A_1438 = arith.select %or3A_1431, %squeeze3A_857, %select_n3A_1408 : f32
        %select_n3A_1439 = arith.select %or3A_1431, %squeeze3A_859, %select_n3A_1409 : f32
        %select_n3A_1440 = arith.select %or3A_1431, %squeeze3A_861, %select_n3A_1410 : f32
        %select_n3A_1441 = arith.select %or3A_1431, %squeeze3A_863, %select_n3A_1411 : f32
        %select_n3A_1442 = arith.select %or3A_1431, %squeeze3A_1015, %select_n3A_1412 : f32
        %select_n3A_1443 = arith.select %or3A_1431, %squeeze3A_1017, %select_n3A_1413 : f32
        %select_n3A_1444 = arith.select %or3A_1431, %squeeze3A_1019, %select_n3A_1414 : f32
        %select_n3A_1445 = arith.select %or3A_1431, %squeeze3A_1021, %select_n3A_1415 : f32
        %select_n3A_1446 = arith.select %or3A_1431, %squeeze3A_1023, %select_n3A_1416 : f32
        %gt3A_1447 = arith.cmpf ogt, %select_n3A_1422, %select_n3A_1432 : f32
        %eq3A_1448 = arith.cmpf oeq, %select_n3A_1422, %select_n3A_1432 : f32
        %lt3A_1449 = arith.cmpf olt, %select_n3A_1423, %select_n3A_1433 : f32
        %and3A_1450 = arith.andi %eq3A_1448, %lt3A_1449 : i1
        %or3A_1451 = arith.ori %gt3A_1447, %and3A_1450 : i1
        %select_n3A_1452 = arith.select %or3A_1451, %select_n3A_1422, %select_n3A_1432 : f32
        %select_n3A_1453 = arith.select %or3A_1451, %select_n3A_1423, %select_n3A_1433 : f32
        %select_n3A_1454 = arith.select %or3A_1451, %select_n3A_1424, %select_n3A_1434 : f32
        %select_n3A_1455 = arith.select %or3A_1451, %select_n3A_1425, %select_n3A_1435 : f32
        %select_n3A_1456 = arith.select %or3A_1451, %select_n3A_1426, %select_n3A_1436 : f32
        %gt3A_1457 = arith.cmpf ogt, %squeeze3A_865, %select_n3A_1437 : f32
        %eq3A_1458 = arith.cmpf oeq, %squeeze3A_865, %select_n3A_1437 : f32
        %lt3A_1459 = arith.cmpf olt, %squeeze3A_867, %select_n3A_1438 : f32
        %and3A_1460 = arith.andi %eq3A_1458, %lt3A_1459 : i1
        %or3A_1461 = arith.ori %gt3A_1457, %and3A_1460 : i1
        %select_n3A_1462 = arith.select %or3A_1461, %select_n3A_1437, %squeeze3A_865 : f32
        %select_n3A_1463 = arith.select %or3A_1461, %select_n3A_1438, %squeeze3A_867 : f32
        %select_n3A_1464 = arith.select %or3A_1461, %select_n3A_1439, %squeeze3A_869 : f32
        %select_n3A_1465 = arith.select %or3A_1461, %select_n3A_1440, %squeeze3A_871 : f32
        %select_n3A_1466 = arith.select %or3A_1461, %select_n3A_1441, %squeeze3A_873 : f32
        %select_n3A_1467 = arith.select %or3A_1461, %squeeze3A_865, %select_n3A_1437 : f32
        %select_n3A_1468 = arith.select %or3A_1461, %squeeze3A_867, %select_n3A_1438 : f32
        %select_n3A_1469 = arith.select %or3A_1461, %squeeze3A_869, %select_n3A_1439 : f32
        %select_n3A_1470 = arith.select %or3A_1461, %squeeze3A_871, %select_n3A_1440 : f32
        %select_n3A_1471 = arith.select %or3A_1461, %squeeze3A_873, %select_n3A_1441 : f32
        %select_n3A_1472 = arith.select %or3A_1461, %squeeze3A_1025, %select_n3A_1442 : f32
        %select_n3A_1473 = arith.select %or3A_1461, %squeeze3A_1027, %select_n3A_1443 : f32
        %select_n3A_1474 = arith.select %or3A_1461, %squeeze3A_1029, %select_n3A_1444 : f32
        %select_n3A_1475 = arith.select %or3A_1461, %squeeze3A_1031, %select_n3A_1445 : f32
        %select_n3A_1476 = arith.select %or3A_1461, %squeeze3A_1033, %select_n3A_1446 : f32
        %gt3A_1477 = arith.cmpf ogt, %select_n3A_1452, %select_n3A_1462 : f32
        %eq3A_1478 = arith.cmpf oeq, %select_n3A_1452, %select_n3A_1462 : f32
        %lt3A_1479 = arith.cmpf olt, %select_n3A_1453, %select_n3A_1463 : f32
        %and3A_1480 = arith.andi %eq3A_1478, %lt3A_1479 : i1
        %or3A_1481 = arith.ori %gt3A_1477, %and3A_1480 : i1
        %select_n3A_1482 = arith.select %or3A_1481, %select_n3A_1452, %select_n3A_1462 : f32
        %select_n3A_1483 = arith.select %or3A_1481, %select_n3A_1453, %select_n3A_1463 : f32
        %select_n3A_1484 = arith.select %or3A_1481, %select_n3A_1454, %select_n3A_1464 : f32
        %select_n3A_1485 = arith.select %or3A_1481, %select_n3A_1455, %select_n3A_1465 : f32
        %select_n3A_1486 = arith.select %or3A_1481, %select_n3A_1456, %select_n3A_1466 : f32
        %gt3A_1487 = arith.cmpf ogt, %select_n3A_1482, %select_n3A_1472 : f32
        %eq3A_1488 = arith.cmpf oeq, %select_n3A_1482, %select_n3A_1472 : f32
        %lt3A_1489 = arith.cmpf olt, %select_n3A_1483, %select_n3A_1473 : f32
        %and3A_1490 = arith.andi %eq3A_1488, %lt3A_1489 : i1
        %or3A_1491 = arith.ori %gt3A_1487, %and3A_1490 : i1
        %select_n3A_1492 = arith.select %or3A_1491, %select_n3A_1482, %select_n3A_1472 : f32
        %select_n3A_1493 = arith.select %or3A_1491, %select_n3A_1483, %select_n3A_1473 : f32
        %select_n3A_1494 = arith.select %or3A_1491, %select_n3A_1484, %select_n3A_1474 : f32
        %select_n3A_1495 = arith.select %or3A_1491, %select_n3A_1485, %select_n3A_1475 : f32
        %select_n3A_1496 = arith.select %or3A_1491, %select_n3A_1486, %select_n3A_1476 : f32
        %eq3A_1497 = arith.constant 0 : i32
        %eq3A_1498 = vector.broadcast %eq3A_1497 : i32 to vector<16xi32>
        %eq3A_1499 = arith.cmpi eq, %iota3A, %eq3A_1498 : vector<16xi32>
        %jit3A_1500 = arith.constant 0.000000e+00 : f32
        %broadcast_in_dim3A_1501 = vector.broadcast %select_n3A_1467 : f32 to vector<16xf32>
        %broadcast_in_dim3A_1502 = vector.broadcast %jit3A_1500 : f32 to vector<16xf32>
        %select_n3A_1503 = arith.select %eq3A_1499, %broadcast_in_dim3A_1501, %broadcast_in_dim3A_1502 : vector<16xi1>, vector<16xf32>
        %eq3A_1504 = arith.constant 1 : i32
        %eq3A_1505 = vector.broadcast %eq3A_1504 : i32 to vector<16xi32>
        %eq3A_1506 = arith.cmpi eq, %iota3A, %eq3A_1505 : vector<16xi32>
        %broadcast_in_dim3A_1507 = vector.broadcast %select_n3A_1468 : f32 to vector<16xf32>
        %select_n3A_1508 = arith.select %eq3A_1506, %broadcast_in_dim3A_1507, %select_n3A_1503 : vector<16xi1>, vector<16xf32>
        %eq3A_1509 = arith.constant 2 : i32
        %eq3A_1510 = vector.broadcast %eq3A_1509 : i32 to vector<16xi32>
        %eq3A_1511 = arith.cmpi eq, %iota3A, %eq3A_1510 : vector<16xi32>
        %broadcast_in_dim3A_1512 = vector.broadcast %select_n3A_1469 : f32 to vector<16xf32>
        %select_n3A_1513 = arith.select %eq3A_1511, %broadcast_in_dim3A_1512, %select_n3A_1508 : vector<16xi1>, vector<16xf32>
        %eq3A_1514 = arith.constant 3 : i32
        %eq3A_1515 = vector.broadcast %eq3A_1514 : i32 to vector<16xi32>
        %eq3A_1516 = arith.cmpi eq, %iota3A, %eq3A_1515 : vector<16xi32>
        %broadcast_in_dim3A_1517 = vector.broadcast %select_n3A_1470 : f32 to vector<16xf32>
        %select_n3A_1518 = arith.select %eq3A_1516, %broadcast_in_dim3A_1517, %select_n3A_1513 : vector<16xi1>, vector<16xf32>
        %eq3A_1519 = arith.constant 4 : i32
        %eq3A_1520 = vector.broadcast %eq3A_1519 : i32 to vector<16xi32>
        %eq3A_1521 = arith.cmpi eq, %iota3A, %eq3A_1520 : vector<16xi32>
        %broadcast_in_dim3A_1522 = vector.broadcast %select_n3A_1471 : f32 to vector<16xf32>
        %select_n3A_1523 = arith.select %eq3A_1521, %broadcast_in_dim3A_1522, %select_n3A_1518 : vector<16xi1>, vector<16xf32>
        %eq3A_1524 = arith.constant 5 : i32
        %eq3A_1525 = vector.broadcast %eq3A_1524 : i32 to vector<16xi32>
        %eq3A_1526 = arith.cmpi eq, %iota3A, %eq3A_1525 : vector<16xi32>
        %broadcast_in_dim3A_1527 = vector.broadcast %select_n3A_1492 : f32 to vector<16xf32>
        %select_n3A_1528 = arith.select %eq3A_1526, %broadcast_in_dim3A_1527, %select_n3A_1523 : vector<16xi1>, vector<16xf32>
        %eq3A_1529 = arith.constant 6 : i32
        %eq3A_1530 = vector.broadcast %eq3A_1529 : i32 to vector<16xi32>
        %eq3A_1531 = arith.cmpi eq, %iota3A, %eq3A_1530 : vector<16xi32>
        %broadcast_in_dim3A_1532 = vector.broadcast %select_n3A_1493 : f32 to vector<16xf32>
        %select_n3A_1533 = arith.select %eq3A_1531, %broadcast_in_dim3A_1532, %select_n3A_1528 : vector<16xi1>, vector<16xf32>
        %eq3A_1534 = arith.constant 7 : i32
        %eq3A_1535 = vector.broadcast %eq3A_1534 : i32 to vector<16xi32>
        %eq3A_1536 = arith.cmpi eq, %iota3A, %eq3A_1535 : vector<16xi32>
        %broadcast_in_dim3A_1537 = vector.broadcast %select_n3A_1494 : f32 to vector<16xf32>
        %select_n3A_1538 = arith.select %eq3A_1536, %broadcast_in_dim3A_1537, %select_n3A_1533 : vector<16xi1>, vector<16xf32>
        %eq3A_1539 = arith.constant 8 : i32
        %eq3A_1540 = vector.broadcast %eq3A_1539 : i32 to vector<16xi32>
        %eq3A_1541 = arith.cmpi eq, %iota3A, %eq3A_1540 : vector<16xi32>
        %broadcast_in_dim3A_1542 = vector.broadcast %select_n3A_1495 : f32 to vector<16xf32>
        %select_n3A_1543 = arith.select %eq3A_1541, %broadcast_in_dim3A_1542, %select_n3A_1538 : vector<16xi1>, vector<16xf32>
        %eq3A_1544 = arith.constant 9 : i32
        %eq3A_1545 = vector.broadcast %eq3A_1544 : i32 to vector<16xi32>
        %eq3A_1546 = arith.cmpi eq, %iota3A, %eq3A_1545 : vector<16xi32>
        %broadcast_in_dim3A_1547 = vector.broadcast %select_n3A_1496 : f32 to vector<16xf32>
        %select_n3A_1548 = arith.select %eq3A_1546, %broadcast_in_dim3A_1547, %select_n3A_1543 : vector<16xi1>, vector<16xf32>
        %swap3A_1549 = arith.constant 0 : index
        %swap3A_1550 = tpu.vector_load %arg15[%swap3A_1549] {strides = array<i32>} : memref<16xf32, #tpu.memory_space<vmem>>, vector<16xf32>,
        %swap3A_1551 = vector.shape_cast %swap3A_1550 : vector<16xf32> to vector<16xf32>
        %swap3A_1552 = vector.shape_cast %select_n3A_1548 : vector<16xf32> to vector<16xf32>
        tpu.vector_store %arg15[%swap3A_1549], %swap3A_1552 {strides = array<i32>} : memref<16xf32, #tpu.memory_space<vmem>>, vector<16xf32>,
        %rem3A = arith.constant 2 : i32
        %rem3A_1553 = arith.remsi %scan3A_685, %rem3A : i32
        %eq3A_1554 = arith.constant 0 : i32
        %eq3A_1555 = arith.cmpi eq, %rem3A_1553, %eq3A_1554 : i32
        %convert_element_type3A_1556 = arith.extui %eq3A_1555 : i1 to i32
        %cond3A_1557 = arith.constant 0 : i32
        %cond3A_1558 = arith.cmpi ne, %convert_element_type3A_1556, %cond3A_1557 : i32
        scf.if %cond3A_1558 {
          %mul3A_2528 = arith.constant 16 : i32
          %mul3A_2529 = arith.muli %arg1, %mul3A_2528 : i32
          "tpu.region"() ({
            %run_scoped3A = tpu.sem_alloc : memref<!tpu.dma_semaphore, #tpu.memory_space<semaphore_mem>>
            %dma_start3A = arith.constant 0 : i32
            %dma_start3A_2530 = tpu.memref_slice %arg15[%dma_start3A] : memref<16xf32, #tpu.memory_space<vmem>> -> memref<16xf32, #tpu.memory_space<vmem>>
            %dma_start3A_2531 = tpu.memref_slice %arg24[%mul3A_2529] : memref<512xf32, #tpu.memory_space<vmem_shared>> -> memref<16xf32, #tpu.memory_space<vmem_shared>>
            %dma_start3A_2532 = tpu.memref_slice %arg24[%mul3A_2529] : memref<512xf32, #tpu.memory_space<vmem_shared>> -> memref<16xf32, #tpu.memory_space<vmem_shared>>
            %dma_start3A_2533 = arith.constant 0 : i32
            %dma_start3A_2534 = tpu.memref_slice %arg15[%dma_start3A_2533] : memref<16xf32, #tpu.memory_space<vmem>> -> memref<16xf32, #tpu.memory_space<vmem>>
            tpu.enqueue_dma source(%dma_start3A_2534 : memref<16xf32, #tpu.memory_space<vmem>>) target(%dma_start3A_2532 : memref<16xf32, #tpu.memory_space<vmem_shared>>) target_semaphore(%run_scoped3A : memref<!tpu.dma_semaphore, #tpu.memory_space<semaphore_mem>>)
            %dma_wait3A = arith.constant 0 : i32
            %dma_wait3A_2535 = tpu.memref_slice %arg15[%dma_wait3A] : memref<16xf32, #tpu.memory_space<vmem>> -> memref<16xf32, #tpu.memory_space<vmem>>
            %dma_wait3A_2536 = tpu.memref_slice %arg24[%mul3A_2529] : memref<512xf32, #tpu.memory_space<vmem_shared>> -> memref<16xf32, #tpu.memory_space<vmem_shared>>
            %dma_wait3A_2537 = tpu.memref_slice %arg24[%mul3A_2529] : memref<512xf32, #tpu.memory_space<vmem_shared>> -> memref<16xf32, #tpu.memory_space<vmem_shared>>
            %dma_wait3A_2538 = arith.constant 0 : i32
            %dma_wait3A_2539 = tpu.memref_slice %arg15[%dma_wait3A_2538] : memref<16xf32, #tpu.memory_space<vmem>> -> memref<16xf32, #tpu.memory_space<vmem>>
            tpu.wait_dma2 semaphore(%run_scoped3A : memref<!tpu.dma_semaphore, #tpu.memory_space<semaphore_mem>>) src(%dma_wait3A_2539 : memref<16xf32, #tpu.memory_space<vmem>>) dst(%dma_wait3A_2537 : memref<16xf32, #tpu.memory_space<vmem_shared>>)
            tpu.yield
          }) : () -> ()
        } else {
        }
        %not3A = arith.constant true
        %not3A_1559 = arith.xori %eq3A_1555, %not3A : i1
        %convert_element_type3A_1560 = arith.extui %not3A_1559 : i1 to i32
        %cond3A_1561 = arith.constant 0 : i32
        %cond3A_1562 = arith.cmpi ne, %convert_element_type3A_1560, %cond3A_1561 : i32
        scf.if %cond3A_1562 {
          %mul3A_2528 = arith.constant 16 : i32
          %mul3A_2529 = arith.muli %arg1, %mul3A_2528 : i32
          %add3A_2530 = arith.constant 256 : i32
          %add3A_2531 = arith.addi %add3A_2530, %mul3A_2529 : i32
          "tpu.region"() ({
            %run_scoped3A = tpu.sem_alloc : memref<!tpu.dma_semaphore, #tpu.memory_space<semaphore_mem>>
            %dma_start3A = arith.constant 0 : i32
            %dma_start3A_2532 = tpu.memref_slice %arg15[%dma_start3A] : memref<16xf32, #tpu.memory_space<vmem>> -> memref<16xf32, #tpu.memory_space<vmem>>
            %dma_start3A_2533 = tpu.memref_slice %arg24[%add3A_2531] : memref<512xf32, #tpu.memory_space<vmem_shared>> -> memref<16xf32, #tpu.memory_space<vmem_shared>>
            %dma_start3A_2534 = tpu.memref_slice %arg24[%add3A_2531] : memref<512xf32, #tpu.memory_space<vmem_shared>> -> memref<16xf32, #tpu.memory_space<vmem_shared>>
            %dma_start3A_2535 = arith.constant 0 : i32
            %dma_start3A_2536 = tpu.memref_slice %arg15[%dma_start3A_2535] : memref<16xf32, #tpu.memory_space<vmem>> -> memref<16xf32, #tpu.memory_space<vmem>>
            tpu.enqueue_dma source(%dma_start3A_2536 : memref<16xf32, #tpu.memory_space<vmem>>) target(%dma_start3A_2534 : memref<16xf32, #tpu.memory_space<vmem_shared>>) target_semaphore(%run_scoped3A : memref<!tpu.dma_semaphore, #tpu.memory_space<semaphore_mem>>)
            %dma_wait3A = arith.constant 0 : i32
            %dma_wait3A_2537 = tpu.memref_slice %arg15[%dma_wait3A] : memref<16xf32, #tpu.memory_space<vmem>> -> memref<16xf32, #tpu.memory_space<vmem>>
            %dma_wait3A_2538 = tpu.memref_slice %arg24[%add3A_2531] : memref<512xf32, #tpu.memory_space<vmem_shared>> -> memref<16xf32, #tpu.memory_space<vmem_shared>>
            %dma_wait3A_2539 = tpu.memref_slice %arg24[%add3A_2531] : memref<512xf32, #tpu.memory_space<vmem_shared>> -> memref<16xf32, #tpu.memory_space<vmem_shared>>
            %dma_wait3A_2540 = arith.constant 0 : i32
            %dma_wait3A_2541 = tpu.memref_slice %arg15[%dma_wait3A_2540] : memref<16xf32, #tpu.memory_space<vmem>> -> memref<16xf32, #tpu.memory_space<vmem>>
            tpu.wait_dma2 semaphore(%run_scoped3A : memref<!tpu.dma_semaphore, #tpu.memory_space<semaphore_mem>>) src(%dma_wait3A_2541 : memref<16xf32, #tpu.memory_space<vmem>>) dst(%dma_wait3A_2539 : memref<16xf32, #tpu.memory_space<vmem_shared>>)
            tpu.yield
          }) : () -> ()
        } else {
        }
        %barrier3A = arith.constant 0 : index
        tpu.barrier barrier_id(%barrier3A)
        %convert_element_type3A_1563 = arith.extui %eq3A_1555 : i1 to i32
        %cond3A_1564 = arith.constant 0 : i32
        %cond3A_1565 = arith.cmpi ne, %convert_element_type3A_1563, %cond3A_1564 : i32
        scf.if %cond3A_1565 {
          "tpu.region"() ({
            %run_scoped3A = tpu.sem_alloc : memref<!tpu.dma_semaphore, #tpu.memory_space<semaphore_mem>>
            %dma_start3A = arith.constant 0 : i32
            %dma_start3A_2528 = tpu.memref_slice %arg24[%dma_start3A] : memref<512xf32, #tpu.memory_space<vmem_shared>> -> memref<256xf32, #tpu.memory_space<vmem_shared>>
            %dma_start3A_2529 = arith.constant 0 : i32
            %dma_start3A_2530 = tpu.memref_slice %arg24[%dma_start3A_2529] : memref<512xf32, #tpu.memory_space<vmem_shared>> -> memref<256xf32, #tpu.memory_space<vmem_shared>>
            tpu.enqueue_dma source(%dma_start3A_2530 : memref<256xf32, #tpu.memory_space<vmem_shared>>) target(%arg16 : memref<256xf32, #tpu.memory_space<vmem>>) target_semaphore(%run_scoped3A : memref<!tpu.dma_semaphore, #tpu.memory_space<semaphore_mem>>)
            %dma_wait3A = arith.constant 0 : i32
            %dma_wait3A_2531 = tpu.memref_slice %arg24[%dma_wait3A] : memref<512xf32, #tpu.memory_space<vmem_shared>> -> memref<256xf32, #tpu.memory_space<vmem_shared>>
            %dma_wait3A_2532 = arith.constant 0 : i32
            %dma_wait3A_2533 = tpu.memref_slice %arg24[%dma_wait3A_2532] : memref<512xf32, #tpu.memory_space<vmem_shared>> -> memref<256xf32, #tpu.memory_space<vmem_shared>>
            tpu.wait_dma2 semaphore(%run_scoped3A : memref<!tpu.dma_semaphore, #tpu.memory_space<semaphore_mem>>) src(%dma_wait3A_2533 : memref<256xf32, #tpu.memory_space<vmem_shared>>) dst(%arg16 : memref<256xf32, #tpu.memory_space<vmem>>)
            tpu.yield
          }) : () -> ()
        } else {
        }
        %not3A_1566 = arith.constant true
        %not3A_1567 = arith.xori %eq3A_1555, %not3A_1566 : i1
        %convert_element_type3A_1568 = arith.extui %not3A_1567 : i1 to i32
        %cond3A_1569 = arith.constant 0 : i32
        %cond3A_1570 = arith.cmpi ne, %convert_element_type3A_1568, %cond3A_1569 : i32
        scf.if %cond3A_1570 {
          "tpu.region"() ({
            %run_scoped3A = tpu.sem_alloc : memref<!tpu.dma_semaphore, #tpu.memory_space<semaphore_mem>>
            %dma_start3A = arith.constant 256 : i32
            %dma_start3A_2528 = tpu.memref_slice %arg24[%dma_start3A] : memref<512xf32, #tpu.memory_space<vmem_shared>> -> memref<256xf32, #tpu.memory_space<vmem_shared>>
            %dma_start3A_2529 = arith.constant 256 : i32
            %dma_start3A_2530 = tpu.memref_slice %arg24[%dma_start3A_2529] : memref<512xf32, #tpu.memory_space<vmem_shared>> -> memref<256xf32, #tpu.memory_space<vmem_shared>>
            tpu.enqueue_dma source(%dma_start3A_2530 : memref<256xf32, #tpu.memory_space<vmem_shared>>) target(%arg16 : memref<256xf32, #tpu.memory_space<vmem>>) target_semaphore(%run_scoped3A : memref<!tpu.dma_semaphore, #tpu.memory_space<semaphore_mem>>)
            %dma_wait3A = arith.constant 256 : i32
            %dma_wait3A_2531 = tpu.memref_slice %arg24[%dma_wait3A] : memref<512xf32, #tpu.memory_space<vmem_shared>> -> memref<256xf32, #tpu.memory_space<vmem_shared>>
            %dma_wait3A_2532 = arith.constant 256 : i32
            %dma_wait3A_2533 = tpu.memref_slice %arg24[%dma_wait3A_2532] : memref<512xf32, #tpu.memory_space<vmem_shared>> -> memref<256xf32, #tpu.memory_space<vmem_shared>>
            tpu.wait_dma2 semaphore(%run_scoped3A : memref<!tpu.dma_semaphore, #tpu.memory_space<semaphore_mem>>) src(%dma_wait3A_2533 : memref<256xf32, #tpu.memory_space<vmem_shared>>) dst(%arg16 : memref<256xf32, #tpu.memory_space<vmem>>)
            tpu.yield
          }) : () -> ()
        } else {
        }
        %get3A_1571 = arith.constant 0 : index
        %get3A_1572 = tpu.vector_load %arg16[%get3A_1571] {strides = array<i32>} : memref<256xf32, #tpu.memory_space<vmem>>, vector<16xf32>,
        %get3A_1573 = vector.shape_cast %get3A_1572 : vector<16xf32> to vector<16xf32>
        %slice3A_1574 = vector.extract_strided_slice %get3A_1573 {offsets = [0], sizes = [1], strides = [1]} : vector<16xf32> to vector<1xf32>
        %squeeze3A_1575 = vector.extract %slice3A_1574[0] : f32 from vector<1xf32>
        %slice3A_1576 = vector.extract_strided_slice %get3A_1573 {offsets = [1], sizes = [1], strides = [1]} : vector<16xf32> to vector<1xf32>
        %squeeze3A_1577 = vector.extract %slice3A_1576[0] : f32 from vector<1xf32>
        %slice3A_1578 = vector.extract_strided_slice %get3A_1573 {offsets = [2], sizes = [1], strides = [1]} : vector<16xf32> to vector<1xf32>
        %squeeze3A_1579 = vector.extract %slice3A_1578[0] : f32 from vector<1xf32>
        %slice3A_1580 = vector.extract_strided_slice %get3A_1573 {offsets = [3], sizes = [1], strides = [1]} : vector<16xf32> to vector<1xf32>
        %squeeze3A_1581 = vector.extract %slice3A_1580[0] : f32 from vector<1xf32>
        %slice3A_1582 = vector.extract_strided_slice %get3A_1573 {offsets = [4], sizes = [1], strides = [1]} : vector<16xf32> to vector<1xf32>
        %squeeze3A_1583 = vector.extract %slice3A_1582[0] : f32 from vector<1xf32>
        %slice3A_1584 = vector.extract_strided_slice %get3A_1573 {offsets = [5], sizes = [1], strides = [1]} : vector<16xf32> to vector<1xf32>
        %squeeze3A_1585 = vector.extract %slice3A_1584[0] : f32 from vector<1xf32>
        %slice3A_1586 = vector.extract_strided_slice %get3A_1573 {offsets = [6], sizes = [1], strides = [1]} : vector<16xf32> to vector<1xf32>
        %squeeze3A_1587 = vector.extract %slice3A_1586[0] : f32 from vector<1xf32>
        %slice3A_1588 = vector.extract_strided_slice %get3A_1573 {offsets = [7], sizes = [1], strides = [1]} : vector<16xf32> to vector<1xf32>
        %squeeze3A_1589 = vector.extract %slice3A_1588[0] : f32 from vector<1xf32>
        %slice3A_1590 = vector.extract_strided_slice %get3A_1573 {offsets = [8], sizes = [1], strides = [1]} : vector<16xf32> to vector<1xf32>
        %squeeze3A_1591 = vector.extract %slice3A_1590[0] : f32 from vector<1xf32>
        %slice3A_1592 = vector.extract_strided_slice %get3A_1573 {offsets = [9], sizes = [1], strides = [1]} : vector<16xf32> to vector<1xf32>
        %squeeze3A_1593 = vector.extract %slice3A_1592[0] : f32 from vector<1xf32>
        %get3A_1594 = arith.constant 16 : index
        %get3A_1595 = tpu.vector_load %arg16[%get3A_1594] {strides = array<i32>} : memref<256xf32, #tpu.memory_space<vmem>>, vector<16xf32>,
        %get3A_1596 = vector.shape_cast %get3A_1595 : vector<16xf32> to vector<16xf32>
        %slice3A_1597 = vector.extract_strided_slice %get3A_1596 {offsets = [0], sizes = [1], strides = [1]} : vector<16xf32> to vector<1xf32>
        %squeeze3A_1598 = vector.extract %slice3A_1597[0] : f32 from vector<1xf32>
        %slice3A_1599 = vector.extract_strided_slice %get3A_1596 {offsets = [1], sizes = [1], strides = [1]} : vector<16xf32> to vector<1xf32>
        %squeeze3A_1600 = vector.extract %slice3A_1599[0] : f32 from vector<1xf32>
        %slice3A_1601 = vector.extract_strided_slice %get3A_1596 {offsets = [2], sizes = [1], strides = [1]} : vector<16xf32> to vector<1xf32>
        %squeeze3A_1602 = vector.extract %slice3A_1601[0] : f32 from vector<1xf32>
        %slice3A_1603 = vector.extract_strided_slice %get3A_1596 {offsets = [3], sizes = [1], strides = [1]} : vector<16xf32> to vector<1xf32>
        %squeeze3A_1604 = vector.extract %slice3A_1603[0] : f32 from vector<1xf32>
        %slice3A_1605 = vector.extract_strided_slice %get3A_1596 {offsets = [4], sizes = [1], strides = [1]} : vector<16xf32> to vector<1xf32>
        %squeeze3A_1606 = vector.extract %slice3A_1605[0] : f32 from vector<1xf32>
        %slice3A_1607 = vector.extract_strided_slice %get3A_1596 {offsets = [5], sizes = [1], strides = [1]} : vector<16xf32> to vector<1xf32>
        %squeeze3A_1608 = vector.extract %slice3A_1607[0] : f32 from vector<1xf32>
        %slice3A_1609 = vector.extract_strided_slice %get3A_1596 {offsets = [6], sizes = [1], strides = [1]} : vector<16xf32> to vector<1xf32>
        %squeeze3A_1610 = vector.extract %slice3A_1609[0] : f32 from vector<1xf32>
        %slice3A_1611 = vector.extract_strided_slice %get3A_1596 {offsets = [7], sizes = [1], strides = [1]} : vector<16xf32> to vector<1xf32>
        %squeeze3A_1612 = vector.extract %slice3A_1611[0] : f32 from vector<1xf32>
        %slice3A_1613 = vector.extract_strided_slice %get3A_1596 {offsets = [8], sizes = [1], strides = [1]} : vector<16xf32> to vector<1xf32>
        %squeeze3A_1614 = vector.extract %slice3A_1613[0] : f32 from vector<1xf32>
        %slice3A_1615 = vector.extract_strided_slice %get3A_1596 {offsets = [9], sizes = [1], strides = [1]} : vector<16xf32> to vector<1xf32>
        %squeeze3A_1616 = vector.extract %slice3A_1615[0] : f32 from vector<1xf32>
        %gt3A_1617 = arith.cmpf ogt, %squeeze3A_1598, %squeeze3A_1575 : f32
        %eq3A_1618 = arith.cmpf oeq, %squeeze3A_1598, %squeeze3A_1575 : f32
        %lt3A_1619 = arith.cmpf olt, %squeeze3A_1600, %squeeze3A_1577 : f32
        %and3A_1620 = arith.andi %eq3A_1618, %lt3A_1619 : i1
        %or3A_1621 = arith.ori %gt3A_1617, %and3A_1620 : i1
        %gt3A_1622 = arith.cmpf ogt, %squeeze3A_1575, %squeeze3A_1608 : f32
        %eq3A_1623 = arith.cmpf oeq, %squeeze3A_1575, %squeeze3A_1608 : f32
        %lt3A_1624 = arith.cmpf olt, %squeeze3A_1577, %squeeze3A_1610 : f32
        %and3A_1625 = arith.andi %eq3A_1623, %lt3A_1624 : i1
        %or3A_1626 = arith.ori %gt3A_1622, %and3A_1625 : i1
        %select_n3A_1627 = arith.select %or3A_1626, %squeeze3A_1575, %squeeze3A_1608 : f32
        %select_n3A_1628 = arith.select %or3A_1626, %squeeze3A_1577, %squeeze3A_1610 : f32
        %select_n3A_1629 = arith.select %or3A_1626, %squeeze3A_1579, %squeeze3A_1612 : f32
        %select_n3A_1630 = arith.select %or3A_1626, %squeeze3A_1581, %squeeze3A_1614 : f32
        %select_n3A_1631 = arith.select %or3A_1626, %squeeze3A_1583, %squeeze3A_1616 : f32
        %gt3A_1632 = arith.cmpf ogt, %squeeze3A_1585, %squeeze3A_1598 : f32
        %eq3A_1633 = arith.cmpf oeq, %squeeze3A_1585, %squeeze3A_1598 : f32
        %lt3A_1634 = arith.cmpf olt, %squeeze3A_1587, %squeeze3A_1600 : f32
        %and3A_1635 = arith.andi %eq3A_1633, %lt3A_1634 : i1
        %or3A_1636 = arith.ori %gt3A_1632, %and3A_1635 : i1
        %select_n3A_1637 = arith.select %or3A_1636, %squeeze3A_1585, %squeeze3A_1598 : f32
        %select_n3A_1638 = arith.select %or3A_1636, %squeeze3A_1587, %squeeze3A_1600 : f32
        %select_n3A_1639 = arith.select %or3A_1636, %squeeze3A_1589, %squeeze3A_1602 : f32
        %select_n3A_1640 = arith.select %or3A_1636, %squeeze3A_1591, %squeeze3A_1604 : f32
        %select_n3A_1641 = arith.select %or3A_1636, %squeeze3A_1593, %squeeze3A_1606 : f32
        %select_n3A_1642 = arith.select %or3A_1621, %select_n3A_1627, %select_n3A_1637 : f32
        %select_n3A_1643 = arith.select %or3A_1621, %select_n3A_1628, %select_n3A_1638 : f32
        %select_n3A_1644 = arith.select %or3A_1621, %select_n3A_1629, %select_n3A_1639 : f32
        %select_n3A_1645 = arith.select %or3A_1621, %select_n3A_1630, %select_n3A_1640 : f32
        %select_n3A_1646 = arith.select %or3A_1621, %select_n3A_1631, %select_n3A_1641 : f32
        %select_n3A_1647 = arith.select %or3A_1621, %squeeze3A_1598, %squeeze3A_1575 : f32
        %select_n3A_1648 = arith.select %or3A_1621, %squeeze3A_1600, %squeeze3A_1577 : f32
        %select_n3A_1649 = arith.select %or3A_1621, %squeeze3A_1602, %squeeze3A_1579 : f32
        %select_n3A_1650 = arith.select %or3A_1621, %squeeze3A_1604, %squeeze3A_1581 : f32
        %select_n3A_1651 = arith.select %or3A_1621, %squeeze3A_1606, %squeeze3A_1583 : f32
        %get3A_1652 = arith.constant 32 : index
        %get3A_1653 = tpu.vector_load %arg16[%get3A_1652] {strides = array<i32>} : memref<256xf32, #tpu.memory_space<vmem>>, vector<16xf32>,
        %get3A_1654 = vector.shape_cast %get3A_1653 : vector<16xf32> to vector<16xf32>
        %slice3A_1655 = vector.extract_strided_slice %get3A_1654 {offsets = [0], sizes = [1], strides = [1]} : vector<16xf32> to vector<1xf32>
        %squeeze3A_1656 = vector.extract %slice3A_1655[0] : f32 from vector<1xf32>
        %slice3A_1657 = vector.extract_strided_slice %get3A_1654 {offsets = [1], sizes = [1], strides = [1]} : vector<16xf32> to vector<1xf32>
        %squeeze3A_1658 = vector.extract %slice3A_1657[0] : f32 from vector<1xf32>
        %slice3A_1659 = vector.extract_strided_slice %get3A_1654 {offsets = [2], sizes = [1], strides = [1]} : vector<16xf32> to vector<1xf32>
        %squeeze3A_1660 = vector.extract %slice3A_1659[0] : f32 from vector<1xf32>
        %slice3A_1661 = vector.extract_strided_slice %get3A_1654 {offsets = [3], sizes = [1], strides = [1]} : vector<16xf32> to vector<1xf32>
        %squeeze3A_1662 = vector.extract %slice3A_1661[0] : f32 from vector<1xf32>
        %slice3A_1663 = vector.extract_strided_slice %get3A_1654 {offsets = [4], sizes = [1], strides = [1]} : vector<16xf32> to vector<1xf32>
        %squeeze3A_1664 = vector.extract %slice3A_1663[0] : f32 from vector<1xf32>
        %slice3A_1665 = vector.extract_strided_slice %get3A_1654 {offsets = [5], sizes = [1], strides = [1]} : vector<16xf32> to vector<1xf32>
        %squeeze3A_1666 = vector.extract %slice3A_1665[0] : f32 from vector<1xf32>
        %slice3A_1667 = vector.extract_strided_slice %get3A_1654 {offsets = [6], sizes = [1], strides = [1]} : vector<16xf32> to vector<1xf32>
        %squeeze3A_1668 = vector.extract %slice3A_1667[0] : f32 from vector<1xf32>
        %slice3A_1669 = vector.extract_strided_slice %get3A_1654 {offsets = [7], sizes = [1], strides = [1]} : vector<16xf32> to vector<1xf32>
        %squeeze3A_1670 = vector.extract %slice3A_1669[0] : f32 from vector<1xf32>
        %slice3A_1671 = vector.extract_strided_slice %get3A_1654 {offsets = [8], sizes = [1], strides = [1]} : vector<16xf32> to vector<1xf32>
        %squeeze3A_1672 = vector.extract %slice3A_1671[0] : f32 from vector<1xf32>
        %slice3A_1673 = vector.extract_strided_slice %get3A_1654 {offsets = [9], sizes = [1], strides = [1]} : vector<16xf32> to vector<1xf32>
        %squeeze3A_1674 = vector.extract %slice3A_1673[0] : f32 from vector<1xf32>
        %gt3A_1675 = arith.cmpf ogt, %squeeze3A_1656, %select_n3A_1647 : f32
        %eq3A_1676 = arith.cmpf oeq, %squeeze3A_1656, %select_n3A_1647 : f32
        %lt3A_1677 = arith.cmpf olt, %squeeze3A_1658, %select_n3A_1648 : f32
        %and3A_1678 = arith.andi %eq3A_1676, %lt3A_1677 : i1
        %or3A_1679 = arith.ori %gt3A_1675, %and3A_1678 : i1
        %gt3A_1680 = arith.cmpf ogt, %select_n3A_1647, %squeeze3A_1666 : f32
        %eq3A_1681 = arith.cmpf oeq, %select_n3A_1647, %squeeze3A_1666 : f32
        %lt3A_1682 = arith.cmpf olt, %select_n3A_1648, %squeeze3A_1668 : f32
        %and3A_1683 = arith.andi %eq3A_1681, %lt3A_1682 : i1
        %or3A_1684 = arith.ori %gt3A_1680, %and3A_1683 : i1
        %select_n3A_1685 = arith.select %or3A_1684, %select_n3A_1647, %squeeze3A_1666 : f32
        %select_n3A_1686 = arith.select %or3A_1684, %select_n3A_1648, %squeeze3A_1668 : f32
        %select_n3A_1687 = arith.select %or3A_1684, %select_n3A_1649, %squeeze3A_1670 : f32
        %select_n3A_1688 = arith.select %or3A_1684, %select_n3A_1650, %squeeze3A_1672 : f32
        %select_n3A_1689 = arith.select %or3A_1684, %select_n3A_1651, %squeeze3A_1674 : f32
        %gt3A_1690 = arith.cmpf ogt, %select_n3A_1642, %squeeze3A_1656 : f32
        %eq3A_1691 = arith.cmpf oeq, %select_n3A_1642, %squeeze3A_1656 : f32
        %lt3A_1692 = arith.cmpf olt, %select_n3A_1643, %squeeze3A_1658 : f32
        %and3A_1693 = arith.andi %eq3A_1691, %lt3A_1692 : i1
        %or3A_1694 = arith.ori %gt3A_1690, %and3A_1693 : i1
        %select_n3A_1695 = arith.select %or3A_1694, %select_n3A_1642, %squeeze3A_1656 : f32
        %select_n3A_1696 = arith.select %or3A_1694, %select_n3A_1643, %squeeze3A_1658 : f32
        %select_n3A_1697 = arith.select %or3A_1694, %select_n3A_1644, %squeeze3A_1660 : f32
        %select_n3A_1698 = arith.select %or3A_1694, %select_n3A_1645, %squeeze3A_1662 : f32
        %select_n3A_1699 = arith.select %or3A_1694, %select_n3A_1646, %squeeze3A_1664 : f32
        %select_n3A_1700 = arith.select %or3A_1679, %select_n3A_1685, %select_n3A_1695 : f32
        %select_n3A_1701 = arith.select %or3A_1679, %select_n3A_1686, %select_n3A_1696 : f32
        %select_n3A_1702 = arith.select %or3A_1679, %select_n3A_1687, %select_n3A_1697 : f32
        %select_n3A_1703 = arith.select %or3A_1679, %select_n3A_1688, %select_n3A_1698 : f32
        %select_n3A_1704 = arith.select %or3A_1679, %select_n3A_1689, %select_n3A_1699 : f32
        %select_n3A_1705 = arith.select %or3A_1679, %squeeze3A_1656, %select_n3A_1647 : f32
        %select_n3A_1706 = arith.select %or3A_1679, %squeeze3A_1658, %select_n3A_1648 : f32
        %select_n3A_1707 = arith.select %or3A_1679, %squeeze3A_1660, %select_n3A_1649 : f32
        %select_n3A_1708 = arith.select %or3A_1679, %squeeze3A_1662, %select_n3A_1650 : f32
        %select_n3A_1709 = arith.select %or3A_1679, %squeeze3A_1664, %select_n3A_1651 : f32
        %get3A_1710 = arith.constant 48 : index
        %get3A_1711 = tpu.vector_load %arg16[%get3A_1710] {strides = array<i32>} : memref<256xf32, #tpu.memory_space<vmem>>, vector<16xf32>,
        %get3A_1712 = vector.shape_cast %get3A_1711 : vector<16xf32> to vector<16xf32>
        %slice3A_1713 = vector.extract_strided_slice %get3A_1712 {offsets = [0], sizes = [1], strides = [1]} : vector<16xf32> to vector<1xf32>
        %squeeze3A_1714 = vector.extract %slice3A_1713[0] : f32 from vector<1xf32>
        %slice3A_1715 = vector.extract_strided_slice %get3A_1712 {offsets = [1], sizes = [1], strides = [1]} : vector<16xf32> to vector<1xf32>
        %squeeze3A_1716 = vector.extract %slice3A_1715[0] : f32 from vector<1xf32>
        %slice3A_1717 = vector.extract_strided_slice %get3A_1712 {offsets = [2], sizes = [1], strides = [1]} : vector<16xf32> to vector<1xf32>
        %squeeze3A_1718 = vector.extract %slice3A_1717[0] : f32 from vector<1xf32>
        %slice3A_1719 = vector.extract_strided_slice %get3A_1712 {offsets = [3], sizes = [1], strides = [1]} : vector<16xf32> to vector<1xf32>
        %squeeze3A_1720 = vector.extract %slice3A_1719[0] : f32 from vector<1xf32>
        %slice3A_1721 = vector.extract_strided_slice %get3A_1712 {offsets = [4], sizes = [1], strides = [1]} : vector<16xf32> to vector<1xf32>
        %squeeze3A_1722 = vector.extract %slice3A_1721[0] : f32 from vector<1xf32>
        %slice3A_1723 = vector.extract_strided_slice %get3A_1712 {offsets = [5], sizes = [1], strides = [1]} : vector<16xf32> to vector<1xf32>
        %squeeze3A_1724 = vector.extract %slice3A_1723[0] : f32 from vector<1xf32>
        %slice3A_1725 = vector.extract_strided_slice %get3A_1712 {offsets = [6], sizes = [1], strides = [1]} : vector<16xf32> to vector<1xf32>
        %squeeze3A_1726 = vector.extract %slice3A_1725[0] : f32 from vector<1xf32>
        %slice3A_1727 = vector.extract_strided_slice %get3A_1712 {offsets = [7], sizes = [1], strides = [1]} : vector<16xf32> to vector<1xf32>
        %squeeze3A_1728 = vector.extract %slice3A_1727[0] : f32 from vector<1xf32>
        %slice3A_1729 = vector.extract_strided_slice %get3A_1712 {offsets = [8], sizes = [1], strides = [1]} : vector<16xf32> to vector<1xf32>
        %squeeze3A_1730 = vector.extract %slice3A_1729[0] : f32 from vector<1xf32>
        %slice3A_1731 = vector.extract_strided_slice %get3A_1712 {offsets = [9], sizes = [1], strides = [1]} : vector<16xf32> to vector<1xf32>
        %squeeze3A_1732 = vector.extract %slice3A_1731[0] : f32 from vector<1xf32>
        %gt3A_1733 = arith.cmpf ogt, %squeeze3A_1714, %select_n3A_1705 : f32
        %eq3A_1734 = arith.cmpf oeq, %squeeze3A_1714, %select_n3A_1705 : f32
        %lt3A_1735 = arith.cmpf olt, %squeeze3A_1716, %select_n3A_1706 : f32
        %and3A_1736 = arith.andi %eq3A_1734, %lt3A_1735 : i1
        %or3A_1737 = arith.ori %gt3A_1733, %and3A_1736 : i1
        %gt3A_1738 = arith.cmpf ogt, %select_n3A_1705, %squeeze3A_1724 : f32
        %eq3A_1739 = arith.cmpf oeq, %select_n3A_1705, %squeeze3A_1724 : f32
        %lt3A_1740 = arith.cmpf olt, %select_n3A_1706, %squeeze3A_1726 : f32
        %and3A_1741 = arith.andi %eq3A_1739, %lt3A_1740 : i1
        %or3A_1742 = arith.ori %gt3A_1738, %and3A_1741 : i1
        %select_n3A_1743 = arith.select %or3A_1742, %select_n3A_1705, %squeeze3A_1724 : f32
        %select_n3A_1744 = arith.select %or3A_1742, %select_n3A_1706, %squeeze3A_1726 : f32
        %select_n3A_1745 = arith.select %or3A_1742, %select_n3A_1707, %squeeze3A_1728 : f32
        %select_n3A_1746 = arith.select %or3A_1742, %select_n3A_1708, %squeeze3A_1730 : f32
        %select_n3A_1747 = arith.select %or3A_1742, %select_n3A_1709, %squeeze3A_1732 : f32
        %gt3A_1748 = arith.cmpf ogt, %select_n3A_1700, %squeeze3A_1714 : f32
        %eq3A_1749 = arith.cmpf oeq, %select_n3A_1700, %squeeze3A_1714 : f32
        %lt3A_1750 = arith.cmpf olt, %select_n3A_1701, %squeeze3A_1716 : f32
        %and3A_1751 = arith.andi %eq3A_1749, %lt3A_1750 : i1
        %or3A_1752 = arith.ori %gt3A_1748, %and3A_1751 : i1
        %select_n3A_1753 = arith.select %or3A_1752, %select_n3A_1700, %squeeze3A_1714 : f32
        %select_n3A_1754 = arith.select %or3A_1752, %select_n3A_1701, %squeeze3A_1716 : f32
        %select_n3A_1755 = arith.select %or3A_1752, %select_n3A_1702, %squeeze3A_1718 : f32
        %select_n3A_1756 = arith.select %or3A_1752, %select_n3A_1703, %squeeze3A_1720 : f32
        %select_n3A_1757 = arith.select %or3A_1752, %select_n3A_1704, %squeeze3A_1722 : f32
        %select_n3A_1758 = arith.select %or3A_1737, %select_n3A_1743, %select_n3A_1753 : f32
        %select_n3A_1759 = arith.select %or3A_1737, %select_n3A_1744, %select_n3A_1754 : f32
        %select_n3A_1760 = arith.select %or3A_1737, %select_n3A_1745, %select_n3A_1755 : f32
        %select_n3A_1761 = arith.select %or3A_1737, %select_n3A_1746, %select_n3A_1756 : f32
        %select_n3A_1762 = arith.select %or3A_1737, %select_n3A_1747, %select_n3A_1757 : f32
        %select_n3A_1763 = arith.select %or3A_1737, %squeeze3A_1714, %select_n3A_1705 : f32
        %select_n3A_1764 = arith.select %or3A_1737, %squeeze3A_1716, %select_n3A_1706 : f32
        %select_n3A_1765 = arith.select %or3A_1737, %squeeze3A_1718, %select_n3A_1707 : f32
        %select_n3A_1766 = arith.select %or3A_1737, %squeeze3A_1720, %select_n3A_1708 : f32
        %select_n3A_1767 = arith.select %or3A_1737, %squeeze3A_1722, %select_n3A_1709 : f32
        %get3A_1768 = arith.constant 64 : index
        %get3A_1769 = tpu.vector_load %arg16[%get3A_1768] {strides = array<i32>} : memref<256xf32, #tpu.memory_space<vmem>>, vector<16xf32>,
        %get3A_1770 = vector.shape_cast %get3A_1769 : vector<16xf32> to vector<16xf32>
        %slice3A_1771 = vector.extract_strided_slice %get3A_1770 {offsets = [0], sizes = [1], strides = [1]} : vector<16xf32> to vector<1xf32>
        %squeeze3A_1772 = vector.extract %slice3A_1771[0] : f32 from vector<1xf32>
        %slice3A_1773 = vector.extract_strided_slice %get3A_1770 {offsets = [1], sizes = [1], strides = [1]} : vector<16xf32> to vector<1xf32>
        %squeeze3A_1774 = vector.extract %slice3A_1773[0] : f32 from vector<1xf32>
        %slice3A_1775 = vector.extract_strided_slice %get3A_1770 {offsets = [2], sizes = [1], strides = [1]} : vector<16xf32> to vector<1xf32>
        %squeeze3A_1776 = vector.extract %slice3A_1775[0] : f32 from vector<1xf32>
        %slice3A_1777 = vector.extract_strided_slice %get3A_1770 {offsets = [3], sizes = [1], strides = [1]} : vector<16xf32> to vector<1xf32>
        %squeeze3A_1778 = vector.extract %slice3A_1777[0] : f32 from vector<1xf32>
        %slice3A_1779 = vector.extract_strided_slice %get3A_1770 {offsets = [4], sizes = [1], strides = [1]} : vector<16xf32> to vector<1xf32>
        %squeeze3A_1780 = vector.extract %slice3A_1779[0] : f32 from vector<1xf32>
        %slice3A_1781 = vector.extract_strided_slice %get3A_1770 {offsets = [5], sizes = [1], strides = [1]} : vector<16xf32> to vector<1xf32>
        %squeeze3A_1782 = vector.extract %slice3A_1781[0] : f32 from vector<1xf32>
        %slice3A_1783 = vector.extract_strided_slice %get3A_1770 {offsets = [6], sizes = [1], strides = [1]} : vector<16xf32> to vector<1xf32>
        %squeeze3A_1784 = vector.extract %slice3A_1783[0] : f32 from vector<1xf32>
        %slice3A_1785 = vector.extract_strided_slice %get3A_1770 {offsets = [7], sizes = [1], strides = [1]} : vector<16xf32> to vector<1xf32>
        %squeeze3A_1786 = vector.extract %slice3A_1785[0] : f32 from vector<1xf32>
        %slice3A_1787 = vector.extract_strided_slice %get3A_1770 {offsets = [8], sizes = [1], strides = [1]} : vector<16xf32> to vector<1xf32>
        %squeeze3A_1788 = vector.extract %slice3A_1787[0] : f32 from vector<1xf32>
        %slice3A_1789 = vector.extract_strided_slice %get3A_1770 {offsets = [9], sizes = [1], strides = [1]} : vector<16xf32> to vector<1xf32>
        %squeeze3A_1790 = vector.extract %slice3A_1789[0] : f32 from vector<1xf32>
        %gt3A_1791 = arith.cmpf ogt, %squeeze3A_1772, %select_n3A_1763 : f32
        %eq3A_1792 = arith.cmpf oeq, %squeeze3A_1772, %select_n3A_1763 : f32
        %lt3A_1793 = arith.cmpf olt, %squeeze3A_1774, %select_n3A_1764 : f32
        %and3A_1794 = arith.andi %eq3A_1792, %lt3A_1793 : i1
        %or3A_1795 = arith.ori %gt3A_1791, %and3A_1794 : i1
        %gt3A_1796 = arith.cmpf ogt, %select_n3A_1763, %squeeze3A_1782 : f32
        %eq3A_1797 = arith.cmpf oeq, %select_n3A_1763, %squeeze3A_1782 : f32
        %lt3A_1798 = arith.cmpf olt, %select_n3A_1764, %squeeze3A_1784 : f32
        %and3A_1799 = arith.andi %eq3A_1797, %lt3A_1798 : i1
        %or3A_1800 = arith.ori %gt3A_1796, %and3A_1799 : i1
        %select_n3A_1801 = arith.select %or3A_1800, %select_n3A_1763, %squeeze3A_1782 : f32
        %select_n3A_1802 = arith.select %or3A_1800, %select_n3A_1764, %squeeze3A_1784 : f32
        %select_n3A_1803 = arith.select %or3A_1800, %select_n3A_1765, %squeeze3A_1786 : f32
        %select_n3A_1804 = arith.select %or3A_1800, %select_n3A_1766, %squeeze3A_1788 : f32
        %select_n3A_1805 = arith.select %or3A_1800, %select_n3A_1767, %squeeze3A_1790 : f32
        %gt3A_1806 = arith.cmpf ogt, %select_n3A_1758, %squeeze3A_1772 : f32
        %eq3A_1807 = arith.cmpf oeq, %select_n3A_1758, %squeeze3A_1772 : f32
        %lt3A_1808 = arith.cmpf olt, %select_n3A_1759, %squeeze3A_1774 : f32
        %and3A_1809 = arith.andi %eq3A_1807, %lt3A_1808 : i1
        %or3A_1810 = arith.ori %gt3A_1806, %and3A_1809 : i1
        %select_n3A_1811 = arith.select %or3A_1810, %select_n3A_1758, %squeeze3A_1772 : f32
        %select_n3A_1812 = arith.select %or3A_1810, %select_n3A_1759, %squeeze3A_1774 : f32
        %select_n3A_1813 = arith.select %or3A_1810, %select_n3A_1760, %squeeze3A_1776 : f32
        %select_n3A_1814 = arith.select %or3A_1810, %select_n3A_1761, %squeeze3A_1778 : f32
        %select_n3A_1815 = arith.select %or3A_1810, %select_n3A_1762, %squeeze3A_1780 : f32
        %select_n3A_1816 = arith.select %or3A_1795, %select_n3A_1801, %select_n3A_1811 : f32
        %select_n3A_1817 = arith.select %or3A_1795, %select_n3A_1802, %select_n3A_1812 : f32
        %select_n3A_1818 = arith.select %or3A_1795, %select_n3A_1803, %select_n3A_1813 : f32
        %select_n3A_1819 = arith.select %or3A_1795, %select_n3A_1804, %select_n3A_1814 : f32
        %select_n3A_1820 = arith.select %or3A_1795, %select_n3A_1805, %select_n3A_1815 : f32
        %select_n3A_1821 = arith.select %or3A_1795, %squeeze3A_1772, %select_n3A_1763 : f32
        %select_n3A_1822 = arith.select %or3A_1795, %squeeze3A_1774, %select_n3A_1764 : f32
        %select_n3A_1823 = arith.select %or3A_1795, %squeeze3A_1776, %select_n3A_1765 : f32
        %select_n3A_1824 = arith.select %or3A_1795, %squeeze3A_1778, %select_n3A_1766 : f32
        %select_n3A_1825 = arith.select %or3A_1795, %squeeze3A_1780, %select_n3A_1767 : f32
        %get3A_1826 = arith.constant 80 : index
        %get3A_1827 = tpu.vector_load %arg16[%get3A_1826] {strides = array<i32>} : memref<256xf32, #tpu.memory_space<vmem>>, vector<16xf32>,
        %get3A_1828 = vector.shape_cast %get3A_1827 : vector<16xf32> to vector<16xf32>
        %slice3A_1829 = vector.extract_strided_slice %get3A_1828 {offsets = [0], sizes = [1], strides = [1]} : vector<16xf32> to vector<1xf32>
        %squeeze3A_1830 = vector.extract %slice3A_1829[0] : f32 from vector<1xf32>
        %slice3A_1831 = vector.extract_strided_slice %get3A_1828 {offsets = [1], sizes = [1], strides = [1]} : vector<16xf32> to vector<1xf32>
        %squeeze3A_1832 = vector.extract %slice3A_1831[0] : f32 from vector<1xf32>
        %slice3A_1833 = vector.extract_strided_slice %get3A_1828 {offsets = [2], sizes = [1], strides = [1]} : vector<16xf32> to vector<1xf32>
        %squeeze3A_1834 = vector.extract %slice3A_1833[0] : f32 from vector<1xf32>
        %slice3A_1835 = vector.extract_strided_slice %get3A_1828 {offsets = [3], sizes = [1], strides = [1]} : vector<16xf32> to vector<1xf32>
        %squeeze3A_1836 = vector.extract %slice3A_1835[0] : f32 from vector<1xf32>
        %slice3A_1837 = vector.extract_strided_slice %get3A_1828 {offsets = [4], sizes = [1], strides = [1]} : vector<16xf32> to vector<1xf32>
        %squeeze3A_1838 = vector.extract %slice3A_1837[0] : f32 from vector<1xf32>
        %slice3A_1839 = vector.extract_strided_slice %get3A_1828 {offsets = [5], sizes = [1], strides = [1]} : vector<16xf32> to vector<1xf32>
        %squeeze3A_1840 = vector.extract %slice3A_1839[0] : f32 from vector<1xf32>
        %slice3A_1841 = vector.extract_strided_slice %get3A_1828 {offsets = [6], sizes = [1], strides = [1]} : vector<16xf32> to vector<1xf32>
        %squeeze3A_1842 = vector.extract %slice3A_1841[0] : f32 from vector<1xf32>
        %slice3A_1843 = vector.extract_strided_slice %get3A_1828 {offsets = [7], sizes = [1], strides = [1]} : vector<16xf32> to vector<1xf32>
        %squeeze3A_1844 = vector.extract %slice3A_1843[0] : f32 from vector<1xf32>
        %slice3A_1845 = vector.extract_strided_slice %get3A_1828 {offsets = [8], sizes = [1], strides = [1]} : vector<16xf32> to vector<1xf32>
        %squeeze3A_1846 = vector.extract %slice3A_1845[0] : f32 from vector<1xf32>
        %slice3A_1847 = vector.extract_strided_slice %get3A_1828 {offsets = [9], sizes = [1], strides = [1]} : vector<16xf32> to vector<1xf32>
        %squeeze3A_1848 = vector.extract %slice3A_1847[0] : f32 from vector<1xf32>
        %gt3A_1849 = arith.cmpf ogt, %squeeze3A_1830, %select_n3A_1821 : f32
        %eq3A_1850 = arith.cmpf oeq, %squeeze3A_1830, %select_n3A_1821 : f32
        %lt3A_1851 = arith.cmpf olt, %squeeze3A_1832, %select_n3A_1822 : f32
        %and3A_1852 = arith.andi %eq3A_1850, %lt3A_1851 : i1
        %or3A_1853 = arith.ori %gt3A_1849, %and3A_1852 : i1
        %gt3A_1854 = arith.cmpf ogt, %select_n3A_1821, %squeeze3A_1840 : f32
        %eq3A_1855 = arith.cmpf oeq, %select_n3A_1821, %squeeze3A_1840 : f32
        %lt3A_1856 = arith.cmpf olt, %select_n3A_1822, %squeeze3A_1842 : f32
        %and3A_1857 = arith.andi %eq3A_1855, %lt3A_1856 : i1
        %or3A_1858 = arith.ori %gt3A_1854, %and3A_1857 : i1
        %select_n3A_1859 = arith.select %or3A_1858, %select_n3A_1821, %squeeze3A_1840 : f32
        %select_n3A_1860 = arith.select %or3A_1858, %select_n3A_1822, %squeeze3A_1842 : f32
        %select_n3A_1861 = arith.select %or3A_1858, %select_n3A_1823, %squeeze3A_1844 : f32
        %select_n3A_1862 = arith.select %or3A_1858, %select_n3A_1824, %squeeze3A_1846 : f32
        %select_n3A_1863 = arith.select %or3A_1858, %select_n3A_1825, %squeeze3A_1848 : f32
        %gt3A_1864 = arith.cmpf ogt, %select_n3A_1816, %squeeze3A_1830 : f32
        %eq3A_1865 = arith.cmpf oeq, %select_n3A_1816, %squeeze3A_1830 : f32
        %lt3A_1866 = arith.cmpf olt, %select_n3A_1817, %squeeze3A_1832 : f32
        %and3A_1867 = arith.andi %eq3A_1865, %lt3A_1866 : i1
        %or3A_1868 = arith.ori %gt3A_1864, %and3A_1867 : i1
        %select_n3A_1869 = arith.select %or3A_1868, %select_n3A_1816, %squeeze3A_1830 : f32
        %select_n3A_1870 = arith.select %or3A_1868, %select_n3A_1817, %squeeze3A_1832 : f32
        %select_n3A_1871 = arith.select %or3A_1868, %select_n3A_1818, %squeeze3A_1834 : f32
        %select_n3A_1872 = arith.select %or3A_1868, %select_n3A_1819, %squeeze3A_1836 : f32
        %select_n3A_1873 = arith.select %or3A_1868, %select_n3A_1820, %squeeze3A_1838 : f32
        %select_n3A_1874 = arith.select %or3A_1853, %select_n3A_1859, %select_n3A_1869 : f32
        %select_n3A_1875 = arith.select %or3A_1853, %select_n3A_1860, %select_n3A_1870 : f32
        %select_n3A_1876 = arith.select %or3A_1853, %select_n3A_1861, %select_n3A_1871 : f32
        %select_n3A_1877 = arith.select %or3A_1853, %select_n3A_1862, %select_n3A_1872 : f32
        %select_n3A_1878 = arith.select %or3A_1853, %select_n3A_1863, %select_n3A_1873 : f32
        %select_n3A_1879 = arith.select %or3A_1853, %squeeze3A_1830, %select_n3A_1821 : f32
        %select_n3A_1880 = arith.select %or3A_1853, %squeeze3A_1832, %select_n3A_1822 : f32
        %select_n3A_1881 = arith.select %or3A_1853, %squeeze3A_1834, %select_n3A_1823 : f32
        %select_n3A_1882 = arith.select %or3A_1853, %squeeze3A_1836, %select_n3A_1824 : f32
        %select_n3A_1883 = arith.select %or3A_1853, %squeeze3A_1838, %select_n3A_1825 : f32
        %get3A_1884 = arith.constant 96 : index
        %get3A_1885 = tpu.vector_load %arg16[%get3A_1884] {strides = array<i32>} : memref<256xf32, #tpu.memory_space<vmem>>, vector<16xf32>,
        %get3A_1886 = vector.shape_cast %get3A_1885 : vector<16xf32> to vector<16xf32>
        %slice3A_1887 = vector.extract_strided_slice %get3A_1886 {offsets = [0], sizes = [1], strides = [1]} : vector<16xf32> to vector<1xf32>
        %squeeze3A_1888 = vector.extract %slice3A_1887[0] : f32 from vector<1xf32>
        %slice3A_1889 = vector.extract_strided_slice %get3A_1886 {offsets = [1], sizes = [1], strides = [1]} : vector<16xf32> to vector<1xf32>
        %squeeze3A_1890 = vector.extract %slice3A_1889[0] : f32 from vector<1xf32>
        %slice3A_1891 = vector.extract_strided_slice %get3A_1886 {offsets = [2], sizes = [1], strides = [1]} : vector<16xf32> to vector<1xf32>
        %squeeze3A_1892 = vector.extract %slice3A_1891[0] : f32 from vector<1xf32>
        %slice3A_1893 = vector.extract_strided_slice %get3A_1886 {offsets = [3], sizes = [1], strides = [1]} : vector<16xf32> to vector<1xf32>
        %squeeze3A_1894 = vector.extract %slice3A_1893[0] : f32 from vector<1xf32>
        %slice3A_1895 = vector.extract_strided_slice %get3A_1886 {offsets = [4], sizes = [1], strides = [1]} : vector<16xf32> to vector<1xf32>
        %squeeze3A_1896 = vector.extract %slice3A_1895[0] : f32 from vector<1xf32>
        %slice3A_1897 = vector.extract_strided_slice %get3A_1886 {offsets = [5], sizes = [1], strides = [1]} : vector<16xf32> to vector<1xf32>
        %squeeze3A_1898 = vector.extract %slice3A_1897[0] : f32 from vector<1xf32>
        %slice3A_1899 = vector.extract_strided_slice %get3A_1886 {offsets = [6], sizes = [1], strides = [1]} : vector<16xf32> to vector<1xf32>
        %squeeze3A_1900 = vector.extract %slice3A_1899[0] : f32 from vector<1xf32>
        %slice3A_1901 = vector.extract_strided_slice %get3A_1886 {offsets = [7], sizes = [1], strides = [1]} : vector<16xf32> to vector<1xf32>
        %squeeze3A_1902 = vector.extract %slice3A_1901[0] : f32 from vector<1xf32>
        %slice3A_1903 = vector.extract_strided_slice %get3A_1886 {offsets = [8], sizes = [1], strides = [1]} : vector<16xf32> to vector<1xf32>
        %squeeze3A_1904 = vector.extract %slice3A_1903[0] : f32 from vector<1xf32>
        %slice3A_1905 = vector.extract_strided_slice %get3A_1886 {offsets = [9], sizes = [1], strides = [1]} : vector<16xf32> to vector<1xf32>
        %squeeze3A_1906 = vector.extract %slice3A_1905[0] : f32 from vector<1xf32>
        %gt3A_1907 = arith.cmpf ogt, %squeeze3A_1888, %select_n3A_1879 : f32
        %eq3A_1908 = arith.cmpf oeq, %squeeze3A_1888, %select_n3A_1879 : f32
        %lt3A_1909 = arith.cmpf olt, %squeeze3A_1890, %select_n3A_1880 : f32
        %and3A_1910 = arith.andi %eq3A_1908, %lt3A_1909 : i1
        %or3A_1911 = arith.ori %gt3A_1907, %and3A_1910 : i1
        %gt3A_1912 = arith.cmpf ogt, %select_n3A_1879, %squeeze3A_1898 : f32
        %eq3A_1913 = arith.cmpf oeq, %select_n3A_1879, %squeeze3A_1898 : f32
        %lt3A_1914 = arith.cmpf olt, %select_n3A_1880, %squeeze3A_1900 : f32
        %and3A_1915 = arith.andi %eq3A_1913, %lt3A_1914 : i1
        %or3A_1916 = arith.ori %gt3A_1912, %and3A_1915 : i1
        %select_n3A_1917 = arith.select %or3A_1916, %select_n3A_1879, %squeeze3A_1898 : f32
        %select_n3A_1918 = arith.select %or3A_1916, %select_n3A_1880, %squeeze3A_1900 : f32
        %select_n3A_1919 = arith.select %or3A_1916, %select_n3A_1881, %squeeze3A_1902 : f32
        %select_n3A_1920 = arith.select %or3A_1916, %select_n3A_1882, %squeeze3A_1904 : f32
        %select_n3A_1921 = arith.select %or3A_1916, %select_n3A_1883, %squeeze3A_1906 : f32
        %gt3A_1922 = arith.cmpf ogt, %select_n3A_1874, %squeeze3A_1888 : f32
        %eq3A_1923 = arith.cmpf oeq, %select_n3A_1874, %squeeze3A_1888 : f32
        %lt3A_1924 = arith.cmpf olt, %select_n3A_1875, %squeeze3A_1890 : f32
        %and3A_1925 = arith.andi %eq3A_1923, %lt3A_1924 : i1
        %or3A_1926 = arith.ori %gt3A_1922, %and3A_1925 : i1
        %select_n3A_1927 = arith.select %or3A_1926, %select_n3A_1874, %squeeze3A_1888 : f32
        %select_n3A_1928 = arith.select %or3A_1926, %select_n3A_1875, %squeeze3A_1890 : f32
        %select_n3A_1929 = arith.select %or3A_1926, %select_n3A_1876, %squeeze3A_1892 : f32
        %select_n3A_1930 = arith.select %or3A_1926, %select_n3A_1877, %squeeze3A_1894 : f32
        %select_n3A_1931 = arith.select %or3A_1926, %select_n3A_1878, %squeeze3A_1896 : f32
        %select_n3A_1932 = arith.select %or3A_1911, %select_n3A_1917, %select_n3A_1927 : f32
        %select_n3A_1933 = arith.select %or3A_1911, %select_n3A_1918, %select_n3A_1928 : f32
        %select_n3A_1934 = arith.select %or3A_1911, %select_n3A_1919, %select_n3A_1929 : f32
        %select_n3A_1935 = arith.select %or3A_1911, %select_n3A_1920, %select_n3A_1930 : f32
        %select_n3A_1936 = arith.select %or3A_1911, %select_n3A_1921, %select_n3A_1931 : f32
        %select_n3A_1937 = arith.select %or3A_1911, %squeeze3A_1888, %select_n3A_1879 : f32
        %select_n3A_1938 = arith.select %or3A_1911, %squeeze3A_1890, %select_n3A_1880 : f32
        %select_n3A_1939 = arith.select %or3A_1911, %squeeze3A_1892, %select_n3A_1881 : f32
        %select_n3A_1940 = arith.select %or3A_1911, %squeeze3A_1894, %select_n3A_1882 : f32
        %select_n3A_1941 = arith.select %or3A_1911, %squeeze3A_1896, %select_n3A_1883 : f32
        %get3A_1942 = arith.constant 112 : index
        %get3A_1943 = tpu.vector_load %arg16[%get3A_1942] {strides = array<i32>} : memref<256xf32, #tpu.memory_space<vmem>>, vector<16xf32>,
        %get3A_1944 = vector.shape_cast %get3A_1943 : vector<16xf32> to vector<16xf32>
        %slice3A_1945 = vector.extract_strided_slice %get3A_1944 {offsets = [0], sizes = [1], strides = [1]} : vector<16xf32> to vector<1xf32>
        %squeeze3A_1946 = vector.extract %slice3A_1945[0] : f32 from vector<1xf32>
        %slice3A_1947 = vector.extract_strided_slice %get3A_1944 {offsets = [1], sizes = [1], strides = [1]} : vector<16xf32> to vector<1xf32>
        %squeeze3A_1948 = vector.extract %slice3A_1947[0] : f32 from vector<1xf32>
        %slice3A_1949 = vector.extract_strided_slice %get3A_1944 {offsets = [2], sizes = [1], strides = [1]} : vector<16xf32> to vector<1xf32>
        %squeeze3A_1950 = vector.extract %slice3A_1949[0] : f32 from vector<1xf32>
        %slice3A_1951 = vector.extract_strided_slice %get3A_1944 {offsets = [3], sizes = [1], strides = [1]} : vector<16xf32> to vector<1xf32>
        %squeeze3A_1952 = vector.extract %slice3A_1951[0] : f32 from vector<1xf32>
        %slice3A_1953 = vector.extract_strided_slice %get3A_1944 {offsets = [4], sizes = [1], strides = [1]} : vector<16xf32> to vector<1xf32>
        %squeeze3A_1954 = vector.extract %slice3A_1953[0] : f32 from vector<1xf32>
        %slice3A_1955 = vector.extract_strided_slice %get3A_1944 {offsets = [5], sizes = [1], strides = [1]} : vector<16xf32> to vector<1xf32>
        %squeeze3A_1956 = vector.extract %slice3A_1955[0] : f32 from vector<1xf32>
        %slice3A_1957 = vector.extract_strided_slice %get3A_1944 {offsets = [6], sizes = [1], strides = [1]} : vector<16xf32> to vector<1xf32>
        %squeeze3A_1958 = vector.extract %slice3A_1957[0] : f32 from vector<1xf32>
        %slice3A_1959 = vector.extract_strided_slice %get3A_1944 {offsets = [7], sizes = [1], strides = [1]} : vector<16xf32> to vector<1xf32>
        %squeeze3A_1960 = vector.extract %slice3A_1959[0] : f32 from vector<1xf32>
        %slice3A_1961 = vector.extract_strided_slice %get3A_1944 {offsets = [8], sizes = [1], strides = [1]} : vector<16xf32> to vector<1xf32>
        %squeeze3A_1962 = vector.extract %slice3A_1961[0] : f32 from vector<1xf32>
        %slice3A_1963 = vector.extract_strided_slice %get3A_1944 {offsets = [9], sizes = [1], strides = [1]} : vector<16xf32> to vector<1xf32>
        %squeeze3A_1964 = vector.extract %slice3A_1963[0] : f32 from vector<1xf32>
        %gt3A_1965 = arith.cmpf ogt, %squeeze3A_1946, %select_n3A_1937 : f32
        %eq3A_1966 = arith.cmpf oeq, %squeeze3A_1946, %select_n3A_1937 : f32
        %lt3A_1967 = arith.cmpf olt, %squeeze3A_1948, %select_n3A_1938 : f32
        %and3A_1968 = arith.andi %eq3A_1966, %lt3A_1967 : i1
        %or3A_1969 = arith.ori %gt3A_1965, %and3A_1968 : i1
        %gt3A_1970 = arith.cmpf ogt, %select_n3A_1937, %squeeze3A_1956 : f32
        %eq3A_1971 = arith.cmpf oeq, %select_n3A_1937, %squeeze3A_1956 : f32
        %lt3A_1972 = arith.cmpf olt, %select_n3A_1938, %squeeze3A_1958 : f32
        %and3A_1973 = arith.andi %eq3A_1971, %lt3A_1972 : i1
        %or3A_1974 = arith.ori %gt3A_1970, %and3A_1973 : i1
        %select_n3A_1975 = arith.select %or3A_1974, %select_n3A_1937, %squeeze3A_1956 : f32
        %select_n3A_1976 = arith.select %or3A_1974, %select_n3A_1938, %squeeze3A_1958 : f32
        %select_n3A_1977 = arith.select %or3A_1974, %select_n3A_1939, %squeeze3A_1960 : f32
        %select_n3A_1978 = arith.select %or3A_1974, %select_n3A_1940, %squeeze3A_1962 : f32
        %select_n3A_1979 = arith.select %or3A_1974, %select_n3A_1941, %squeeze3A_1964 : f32
        %gt3A_1980 = arith.cmpf ogt, %select_n3A_1932, %squeeze3A_1946 : f32
        %eq3A_1981 = arith.cmpf oeq, %select_n3A_1932, %squeeze3A_1946 : f32
        %lt3A_1982 = arith.cmpf olt, %select_n3A_1933, %squeeze3A_1948 : f32
        %and3A_1983 = arith.andi %eq3A_1981, %lt3A_1982 : i1
        %or3A_1984 = arith.ori %gt3A_1980, %and3A_1983 : i1
        %select_n3A_1985 = arith.select %or3A_1984, %select_n3A_1932, %squeeze3A_1946 : f32
        %select_n3A_1986 = arith.select %or3A_1984, %select_n3A_1933, %squeeze3A_1948 : f32
        %select_n3A_1987 = arith.select %or3A_1984, %select_n3A_1934, %squeeze3A_1950 : f32
        %select_n3A_1988 = arith.select %or3A_1984, %select_n3A_1935, %squeeze3A_1952 : f32
        %select_n3A_1989 = arith.select %or3A_1984, %select_n3A_1936, %squeeze3A_1954 : f32
        %select_n3A_1990 = arith.select %or3A_1969, %select_n3A_1975, %select_n3A_1985 : f32
        %select_n3A_1991 = arith.select %or3A_1969, %select_n3A_1976, %select_n3A_1986 : f32
        %select_n3A_1992 = arith.select %or3A_1969, %select_n3A_1977, %select_n3A_1987 : f32
        %select_n3A_1993 = arith.select %or3A_1969, %select_n3A_1978, %select_n3A_1988 : f32
        %select_n3A_1994 = arith.select %or3A_1969, %select_n3A_1979, %select_n3A_1989 : f32
        %select_n3A_1995 = arith.select %or3A_1969, %squeeze3A_1946, %select_n3A_1937 : f32
        %select_n3A_1996 = arith.select %or3A_1969, %squeeze3A_1948, %select_n3A_1938 : f32
        %select_n3A_1997 = arith.select %or3A_1969, %squeeze3A_1950, %select_n3A_1939 : f32
        %select_n3A_1998 = arith.select %or3A_1969, %squeeze3A_1952, %select_n3A_1940 : f32
        %select_n3A_1999 = arith.select %or3A_1969, %squeeze3A_1954, %select_n3A_1941 : f32
        %get3A_2000 = arith.constant 128 : index
        %get3A_2001 = tpu.vector_load %arg16[%get3A_2000] {strides = array<i32>} : memref<256xf32, #tpu.memory_space<vmem>>, vector<16xf32>,
        %get3A_2002 = vector.shape_cast %get3A_2001 : vector<16xf32> to vector<16xf32>
        %slice3A_2003 = vector.extract_strided_slice %get3A_2002 {offsets = [0], sizes = [1], strides = [1]} : vector<16xf32> to vector<1xf32>
        %squeeze3A_2004 = vector.extract %slice3A_2003[0] : f32 from vector<1xf32>
        %slice3A_2005 = vector.extract_strided_slice %get3A_2002 {offsets = [1], sizes = [1], strides = [1]} : vector<16xf32> to vector<1xf32>
        %squeeze3A_2006 = vector.extract %slice3A_2005[0] : f32 from vector<1xf32>
        %slice3A_2007 = vector.extract_strided_slice %get3A_2002 {offsets = [2], sizes = [1], strides = [1]} : vector<16xf32> to vector<1xf32>
        %squeeze3A_2008 = vector.extract %slice3A_2007[0] : f32 from vector<1xf32>
        %slice3A_2009 = vector.extract_strided_slice %get3A_2002 {offsets = [3], sizes = [1], strides = [1]} : vector<16xf32> to vector<1xf32>
        %squeeze3A_2010 = vector.extract %slice3A_2009[0] : f32 from vector<1xf32>
        %slice3A_2011 = vector.extract_strided_slice %get3A_2002 {offsets = [4], sizes = [1], strides = [1]} : vector<16xf32> to vector<1xf32>
        %squeeze3A_2012 = vector.extract %slice3A_2011[0] : f32 from vector<1xf32>
        %slice3A_2013 = vector.extract_strided_slice %get3A_2002 {offsets = [5], sizes = [1], strides = [1]} : vector<16xf32> to vector<1xf32>
        %squeeze3A_2014 = vector.extract %slice3A_2013[0] : f32 from vector<1xf32>
        %slice3A_2015 = vector.extract_strided_slice %get3A_2002 {offsets = [6], sizes = [1], strides = [1]} : vector<16xf32> to vector<1xf32>
        %squeeze3A_2016 = vector.extract %slice3A_2015[0] : f32 from vector<1xf32>
        %slice3A_2017 = vector.extract_strided_slice %get3A_2002 {offsets = [7], sizes = [1], strides = [1]} : vector<16xf32> to vector<1xf32>
        %squeeze3A_2018 = vector.extract %slice3A_2017[0] : f32 from vector<1xf32>
        %slice3A_2019 = vector.extract_strided_slice %get3A_2002 {offsets = [8], sizes = [1], strides = [1]} : vector<16xf32> to vector<1xf32>
        %squeeze3A_2020 = vector.extract %slice3A_2019[0] : f32 from vector<1xf32>
        %slice3A_2021 = vector.extract_strided_slice %get3A_2002 {offsets = [9], sizes = [1], strides = [1]} : vector<16xf32> to vector<1xf32>
        %squeeze3A_2022 = vector.extract %slice3A_2021[0] : f32 from vector<1xf32>
        %gt3A_2023 = arith.cmpf ogt, %squeeze3A_2004, %select_n3A_1995 : f32
        %eq3A_2024 = arith.cmpf oeq, %squeeze3A_2004, %select_n3A_1995 : f32
        %lt3A_2025 = arith.cmpf olt, %squeeze3A_2006, %select_n3A_1996 : f32
        %and3A_2026 = arith.andi %eq3A_2024, %lt3A_2025 : i1
        %or3A_2027 = arith.ori %gt3A_2023, %and3A_2026 : i1
        %gt3A_2028 = arith.cmpf ogt, %select_n3A_1995, %squeeze3A_2014 : f32
        %eq3A_2029 = arith.cmpf oeq, %select_n3A_1995, %squeeze3A_2014 : f32
        %lt3A_2030 = arith.cmpf olt, %select_n3A_1996, %squeeze3A_2016 : f32
        %and3A_2031 = arith.andi %eq3A_2029, %lt3A_2030 : i1
        %or3A_2032 = arith.ori %gt3A_2028, %and3A_2031 : i1
        %select_n3A_2033 = arith.select %or3A_2032, %select_n3A_1995, %squeeze3A_2014 : f32
        %select_n3A_2034 = arith.select %or3A_2032, %select_n3A_1996, %squeeze3A_2016 : f32
        %select_n3A_2035 = arith.select %or3A_2032, %select_n3A_1997, %squeeze3A_2018 : f32
        %select_n3A_2036 = arith.select %or3A_2032, %select_n3A_1998, %squeeze3A_2020 : f32
        %select_n3A_2037 = arith.select %or3A_2032, %select_n3A_1999, %squeeze3A_2022 : f32
        %gt3A_2038 = arith.cmpf ogt, %select_n3A_1990, %squeeze3A_2004 : f32
        %eq3A_2039 = arith.cmpf oeq, %select_n3A_1990, %squeeze3A_2004 : f32
        %lt3A_2040 = arith.cmpf olt, %select_n3A_1991, %squeeze3A_2006 : f32
        %and3A_2041 = arith.andi %eq3A_2039, %lt3A_2040 : i1
        %or3A_2042 = arith.ori %gt3A_2038, %and3A_2041 : i1
        %select_n3A_2043 = arith.select %or3A_2042, %select_n3A_1990, %squeeze3A_2004 : f32
        %select_n3A_2044 = arith.select %or3A_2042, %select_n3A_1991, %squeeze3A_2006 : f32
        %select_n3A_2045 = arith.select %or3A_2042, %select_n3A_1992, %squeeze3A_2008 : f32
        %select_n3A_2046 = arith.select %or3A_2042, %select_n3A_1993, %squeeze3A_2010 : f32
        %select_n3A_2047 = arith.select %or3A_2042, %select_n3A_1994, %squeeze3A_2012 : f32
        %select_n3A_2048 = arith.select %or3A_2027, %select_n3A_2033, %select_n3A_2043 : f32
        %select_n3A_2049 = arith.select %or3A_2027, %select_n3A_2034, %select_n3A_2044 : f32
        %select_n3A_2050 = arith.select %or3A_2027, %select_n3A_2035, %select_n3A_2045 : f32
        %select_n3A_2051 = arith.select %or3A_2027, %select_n3A_2036, %select_n3A_2046 : f32
        %select_n3A_2052 = arith.select %or3A_2027, %select_n3A_2037, %select_n3A_2047 : f32
        %select_n3A_2053 = arith.select %or3A_2027, %squeeze3A_2004, %select_n3A_1995 : f32
        %select_n3A_2054 = arith.select %or3A_2027, %squeeze3A_2006, %select_n3A_1996 : f32
        %select_n3A_2055 = arith.select %or3A_2027, %squeeze3A_2008, %select_n3A_1997 : f32
        %select_n3A_2056 = arith.select %or3A_2027, %squeeze3A_2010, %select_n3A_1998 : f32
        %select_n3A_2057 = arith.select %or3A_2027, %squeeze3A_2012, %select_n3A_1999 : f32
        %get3A_2058 = arith.constant 144 : index
        %get3A_2059 = tpu.vector_load %arg16[%get3A_2058] {strides = array<i32>} : memref<256xf32, #tpu.memory_space<vmem>>, vector<16xf32>,
        %get3A_2060 = vector.shape_cast %get3A_2059 : vector<16xf32> to vector<16xf32>
        %slice3A_2061 = vector.extract_strided_slice %get3A_2060 {offsets = [0], sizes = [1], strides = [1]} : vector<16xf32> to vector<1xf32>
        %squeeze3A_2062 = vector.extract %slice3A_2061[0] : f32 from vector<1xf32>
        %slice3A_2063 = vector.extract_strided_slice %get3A_2060 {offsets = [1], sizes = [1], strides = [1]} : vector<16xf32> to vector<1xf32>
        %squeeze3A_2064 = vector.extract %slice3A_2063[0] : f32 from vector<1xf32>
        %slice3A_2065 = vector.extract_strided_slice %get3A_2060 {offsets = [2], sizes = [1], strides = [1]} : vector<16xf32> to vector<1xf32>
        %squeeze3A_2066 = vector.extract %slice3A_2065[0] : f32 from vector<1xf32>
        %slice3A_2067 = vector.extract_strided_slice %get3A_2060 {offsets = [3], sizes = [1], strides = [1]} : vector<16xf32> to vector<1xf32>
        %squeeze3A_2068 = vector.extract %slice3A_2067[0] : f32 from vector<1xf32>
        %slice3A_2069 = vector.extract_strided_slice %get3A_2060 {offsets = [4], sizes = [1], strides = [1]} : vector<16xf32> to vector<1xf32>
        %squeeze3A_2070 = vector.extract %slice3A_2069[0] : f32 from vector<1xf32>
        %slice3A_2071 = vector.extract_strided_slice %get3A_2060 {offsets = [5], sizes = [1], strides = [1]} : vector<16xf32> to vector<1xf32>
        %squeeze3A_2072 = vector.extract %slice3A_2071[0] : f32 from vector<1xf32>
        %slice3A_2073 = vector.extract_strided_slice %get3A_2060 {offsets = [6], sizes = [1], strides = [1]} : vector<16xf32> to vector<1xf32>
        %squeeze3A_2074 = vector.extract %slice3A_2073[0] : f32 from vector<1xf32>
        %slice3A_2075 = vector.extract_strided_slice %get3A_2060 {offsets = [7], sizes = [1], strides = [1]} : vector<16xf32> to vector<1xf32>
        %squeeze3A_2076 = vector.extract %slice3A_2075[0] : f32 from vector<1xf32>
        %slice3A_2077 = vector.extract_strided_slice %get3A_2060 {offsets = [8], sizes = [1], strides = [1]} : vector<16xf32> to vector<1xf32>
        %squeeze3A_2078 = vector.extract %slice3A_2077[0] : f32 from vector<1xf32>
        %slice3A_2079 = vector.extract_strided_slice %get3A_2060 {offsets = [9], sizes = [1], strides = [1]} : vector<16xf32> to vector<1xf32>
        %squeeze3A_2080 = vector.extract %slice3A_2079[0] : f32 from vector<1xf32>
        %gt3A_2081 = arith.cmpf ogt, %squeeze3A_2062, %select_n3A_2053 : f32
        %eq3A_2082 = arith.cmpf oeq, %squeeze3A_2062, %select_n3A_2053 : f32
        %lt3A_2083 = arith.cmpf olt, %squeeze3A_2064, %select_n3A_2054 : f32
        %and3A_2084 = arith.andi %eq3A_2082, %lt3A_2083 : i1
        %or3A_2085 = arith.ori %gt3A_2081, %and3A_2084 : i1
        %gt3A_2086 = arith.cmpf ogt, %select_n3A_2053, %squeeze3A_2072 : f32
        %eq3A_2087 = arith.cmpf oeq, %select_n3A_2053, %squeeze3A_2072 : f32
        %lt3A_2088 = arith.cmpf olt, %select_n3A_2054, %squeeze3A_2074 : f32
        %and3A_2089 = arith.andi %eq3A_2087, %lt3A_2088 : i1
        %or3A_2090 = arith.ori %gt3A_2086, %and3A_2089 : i1
        %select_n3A_2091 = arith.select %or3A_2090, %select_n3A_2053, %squeeze3A_2072 : f32
        %select_n3A_2092 = arith.select %or3A_2090, %select_n3A_2054, %squeeze3A_2074 : f32
        %select_n3A_2093 = arith.select %or3A_2090, %select_n3A_2055, %squeeze3A_2076 : f32
        %select_n3A_2094 = arith.select %or3A_2090, %select_n3A_2056, %squeeze3A_2078 : f32
        %select_n3A_2095 = arith.select %or3A_2090, %select_n3A_2057, %squeeze3A_2080 : f32
        %gt3A_2096 = arith.cmpf ogt, %select_n3A_2048, %squeeze3A_2062 : f32
        %eq3A_2097 = arith.cmpf oeq, %select_n3A_2048, %squeeze3A_2062 : f32
        %lt3A_2098 = arith.cmpf olt, %select_n3A_2049, %squeeze3A_2064 : f32
        %and3A_2099 = arith.andi %eq3A_2097, %lt3A_2098 : i1
        %or3A_2100 = arith.ori %gt3A_2096, %and3A_2099 : i1
        %select_n3A_2101 = arith.select %or3A_2100, %select_n3A_2048, %squeeze3A_2062 : f32
        %select_n3A_2102 = arith.select %or3A_2100, %select_n3A_2049, %squeeze3A_2064 : f32
        %select_n3A_2103 = arith.select %or3A_2100, %select_n3A_2050, %squeeze3A_2066 : f32
        %select_n3A_2104 = arith.select %or3A_2100, %select_n3A_2051, %squeeze3A_2068 : f32
        %select_n3A_2105 = arith.select %or3A_2100, %select_n3A_2052, %squeeze3A_2070 : f32
        %select_n3A_2106 = arith.select %or3A_2085, %select_n3A_2091, %select_n3A_2101 : f32
        %select_n3A_2107 = arith.select %or3A_2085, %select_n3A_2092, %select_n3A_2102 : f32
        %select_n3A_2108 = arith.select %or3A_2085, %select_n3A_2093, %select_n3A_2103 : f32
        %select_n3A_2109 = arith.select %or3A_2085, %select_n3A_2094, %select_n3A_2104 : f32
        %select_n3A_2110 = arith.select %or3A_2085, %select_n3A_2095, %select_n3A_2105 : f32
        %select_n3A_2111 = arith.select %or3A_2085, %squeeze3A_2062, %select_n3A_2053 : f32
        %select_n3A_2112 = arith.select %or3A_2085, %squeeze3A_2064, %select_n3A_2054 : f32
        %select_n3A_2113 = arith.select %or3A_2085, %squeeze3A_2066, %select_n3A_2055 : f32
        %select_n3A_2114 = arith.select %or3A_2085, %squeeze3A_2068, %select_n3A_2056 : f32
        %select_n3A_2115 = arith.select %or3A_2085, %squeeze3A_2070, %select_n3A_2057 : f32
        %get3A_2116 = arith.constant 160 : index
        %get3A_2117 = tpu.vector_load %arg16[%get3A_2116] {strides = array<i32>} : memref<256xf32, #tpu.memory_space<vmem>>, vector<16xf32>,
        %get3A_2118 = vector.shape_cast %get3A_2117 : vector<16xf32> to vector<16xf32>
        %slice3A_2119 = vector.extract_strided_slice %get3A_2118 {offsets = [0], sizes = [1], strides = [1]} : vector<16xf32> to vector<1xf32>
        %squeeze3A_2120 = vector.extract %slice3A_2119[0] : f32 from vector<1xf32>
        %slice3A_2121 = vector.extract_strided_slice %get3A_2118 {offsets = [1], sizes = [1], strides = [1]} : vector<16xf32> to vector<1xf32>
        %squeeze3A_2122 = vector.extract %slice3A_2121[0] : f32 from vector<1xf32>
        %slice3A_2123 = vector.extract_strided_slice %get3A_2118 {offsets = [2], sizes = [1], strides = [1]} : vector<16xf32> to vector<1xf32>
        %squeeze3A_2124 = vector.extract %slice3A_2123[0] : f32 from vector<1xf32>
        %slice3A_2125 = vector.extract_strided_slice %get3A_2118 {offsets = [3], sizes = [1], strides = [1]} : vector<16xf32> to vector<1xf32>
        %squeeze3A_2126 = vector.extract %slice3A_2125[0] : f32 from vector<1xf32>
        %slice3A_2127 = vector.extract_strided_slice %get3A_2118 {offsets = [4], sizes = [1], strides = [1]} : vector<16xf32> to vector<1xf32>
        %squeeze3A_2128 = vector.extract %slice3A_2127[0] : f32 from vector<1xf32>
        %slice3A_2129 = vector.extract_strided_slice %get3A_2118 {offsets = [5], sizes = [1], strides = [1]} : vector<16xf32> to vector<1xf32>
        %squeeze3A_2130 = vector.extract %slice3A_2129[0] : f32 from vector<1xf32>
        %slice3A_2131 = vector.extract_strided_slice %get3A_2118 {offsets = [6], sizes = [1], strides = [1]} : vector<16xf32> to vector<1xf32>
        %squeeze3A_2132 = vector.extract %slice3A_2131[0] : f32 from vector<1xf32>
        %slice3A_2133 = vector.extract_strided_slice %get3A_2118 {offsets = [7], sizes = [1], strides = [1]} : vector<16xf32> to vector<1xf32>
        %squeeze3A_2134 = vector.extract %slice3A_2133[0] : f32 from vector<1xf32>
        %slice3A_2135 = vector.extract_strided_slice %get3A_2118 {offsets = [8], sizes = [1], strides = [1]} : vector<16xf32> to vector<1xf32>
        %squeeze3A_2136 = vector.extract %slice3A_2135[0] : f32 from vector<1xf32>
        %slice3A_2137 = vector.extract_strided_slice %get3A_2118 {offsets = [9], sizes = [1], strides = [1]} : vector<16xf32> to vector<1xf32>
        %squeeze3A_2138 = vector.extract %slice3A_2137[0] : f32 from vector<1xf32>
        %gt3A_2139 = arith.cmpf ogt, %squeeze3A_2120, %select_n3A_2111 : f32
        %eq3A_2140 = arith.cmpf oeq, %squeeze3A_2120, %select_n3A_2111 : f32
        %lt3A_2141 = arith.cmpf olt, %squeeze3A_2122, %select_n3A_2112 : f32
        %and3A_2142 = arith.andi %eq3A_2140, %lt3A_2141 : i1
        %or3A_2143 = arith.ori %gt3A_2139, %and3A_2142 : i1
        %gt3A_2144 = arith.cmpf ogt, %select_n3A_2111, %squeeze3A_2130 : f32
        %eq3A_2145 = arith.cmpf oeq, %select_n3A_2111, %squeeze3A_2130 : f32
        %lt3A_2146 = arith.cmpf olt, %select_n3A_2112, %squeeze3A_2132 : f32
        %and3A_2147 = arith.andi %eq3A_2145, %lt3A_2146 : i1
        %or3A_2148 = arith.ori %gt3A_2144, %and3A_2147 : i1
        %select_n3A_2149 = arith.select %or3A_2148, %select_n3A_2111, %squeeze3A_2130 : f32
        %select_n3A_2150 = arith.select %or3A_2148, %select_n3A_2112, %squeeze3A_2132 : f32
        %select_n3A_2151 = arith.select %or3A_2148, %select_n3A_2113, %squeeze3A_2134 : f32
        %select_n3A_2152 = arith.select %or3A_2148, %select_n3A_2114, %squeeze3A_2136 : f32
        %select_n3A_2153 = arith.select %or3A_2148, %select_n3A_2115, %squeeze3A_2138 : f32
        %gt3A_2154 = arith.cmpf ogt, %select_n3A_2106, %squeeze3A_2120 : f32
        %eq3A_2155 = arith.cmpf oeq, %select_n3A_2106, %squeeze3A_2120 : f32
        %lt3A_2156 = arith.cmpf olt, %select_n3A_2107, %squeeze3A_2122 : f32
        %and3A_2157 = arith.andi %eq3A_2155, %lt3A_2156 : i1
        %or3A_2158 = arith.ori %gt3A_2154, %and3A_2157 : i1
        %select_n3A_2159 = arith.select %or3A_2158, %select_n3A_2106, %squeeze3A_2120 : f32
        %select_n3A_2160 = arith.select %or3A_2158, %select_n3A_2107, %squeeze3A_2122 : f32
        %select_n3A_2161 = arith.select %or3A_2158, %select_n3A_2108, %squeeze3A_2124 : f32
        %select_n3A_2162 = arith.select %or3A_2158, %select_n3A_2109, %squeeze3A_2126 : f32
        %select_n3A_2163 = arith.select %or3A_2158, %select_n3A_2110, %squeeze3A_2128 : f32
        %select_n3A_2164 = arith.select %or3A_2143, %select_n3A_2149, %select_n3A_2159 : f32
        %select_n3A_2165 = arith.select %or3A_2143, %select_n3A_2150, %select_n3A_2160 : f32
        %select_n3A_2166 = arith.select %or3A_2143, %select_n3A_2151, %select_n3A_2161 : f32
        %select_n3A_2167 = arith.select %or3A_2143, %select_n3A_2152, %select_n3A_2162 : f32
        %select_n3A_2168 = arith.select %or3A_2143, %select_n3A_2153, %select_n3A_2163 : f32
        %select_n3A_2169 = arith.select %or3A_2143, %squeeze3A_2120, %select_n3A_2111 : f32
        %select_n3A_2170 = arith.select %or3A_2143, %squeeze3A_2122, %select_n3A_2112 : f32
        %select_n3A_2171 = arith.select %or3A_2143, %squeeze3A_2124, %select_n3A_2113 : f32
        %select_n3A_2172 = arith.select %or3A_2143, %squeeze3A_2126, %select_n3A_2114 : f32
        %select_n3A_2173 = arith.select %or3A_2143, %squeeze3A_2128, %select_n3A_2115 : f32
        %get3A_2174 = arith.constant 176 : index
        %get3A_2175 = tpu.vector_load %arg16[%get3A_2174] {strides = array<i32>} : memref<256xf32, #tpu.memory_space<vmem>>, vector<16xf32>,
        %get3A_2176 = vector.shape_cast %get3A_2175 : vector<16xf32> to vector<16xf32>
        %slice3A_2177 = vector.extract_strided_slice %get3A_2176 {offsets = [0], sizes = [1], strides = [1]} : vector<16xf32> to vector<1xf32>
        %squeeze3A_2178 = vector.extract %slice3A_2177[0] : f32 from vector<1xf32>
        %slice3A_2179 = vector.extract_strided_slice %get3A_2176 {offsets = [1], sizes = [1], strides = [1]} : vector<16xf32> to vector<1xf32>
        %squeeze3A_2180 = vector.extract %slice3A_2179[0] : f32 from vector<1xf32>
        %slice3A_2181 = vector.extract_strided_slice %get3A_2176 {offsets = [2], sizes = [1], strides = [1]} : vector<16xf32> to vector<1xf32>
        %squeeze3A_2182 = vector.extract %slice3A_2181[0] : f32 from vector<1xf32>
        %slice3A_2183 = vector.extract_strided_slice %get3A_2176 {offsets = [3], sizes = [1], strides = [1]} : vector<16xf32> to vector<1xf32>
        %squeeze3A_2184 = vector.extract %slice3A_2183[0] : f32 from vector<1xf32>
        %slice3A_2185 = vector.extract_strided_slice %get3A_2176 {offsets = [4], sizes = [1], strides = [1]} : vector<16xf32> to vector<1xf32>
        %squeeze3A_2186 = vector.extract %slice3A_2185[0] : f32 from vector<1xf32>
        %slice3A_2187 = vector.extract_strided_slice %get3A_2176 {offsets = [5], sizes = [1], strides = [1]} : vector<16xf32> to vector<1xf32>
        %squeeze3A_2188 = vector.extract %slice3A_2187[0] : f32 from vector<1xf32>
        %slice3A_2189 = vector.extract_strided_slice %get3A_2176 {offsets = [6], sizes = [1], strides = [1]} : vector<16xf32> to vector<1xf32>
        %squeeze3A_2190 = vector.extract %slice3A_2189[0] : f32 from vector<1xf32>
        %slice3A_2191 = vector.extract_strided_slice %get3A_2176 {offsets = [7], sizes = [1], strides = [1]} : vector<16xf32> to vector<1xf32>
        %squeeze3A_2192 = vector.extract %slice3A_2191[0] : f32 from vector<1xf32>
        %slice3A_2193 = vector.extract_strided_slice %get3A_2176 {offsets = [8], sizes = [1], strides = [1]} : vector<16xf32> to vector<1xf32>
        %squeeze3A_2194 = vector.extract %slice3A_2193[0] : f32 from vector<1xf32>
        %slice3A_2195 = vector.extract_strided_slice %get3A_2176 {offsets = [9], sizes = [1], strides = [1]} : vector<16xf32> to vector<1xf32>
        %squeeze3A_2196 = vector.extract %slice3A_2195[0] : f32 from vector<1xf32>
        %gt3A_2197 = arith.cmpf ogt, %squeeze3A_2178, %select_n3A_2169 : f32
        %eq3A_2198 = arith.cmpf oeq, %squeeze3A_2178, %select_n3A_2169 : f32
        %lt3A_2199 = arith.cmpf olt, %squeeze3A_2180, %select_n3A_2170 : f32
        %and3A_2200 = arith.andi %eq3A_2198, %lt3A_2199 : i1
        %or3A_2201 = arith.ori %gt3A_2197, %and3A_2200 : i1
        %gt3A_2202 = arith.cmpf ogt, %select_n3A_2169, %squeeze3A_2188 : f32
        %eq3A_2203 = arith.cmpf oeq, %select_n3A_2169, %squeeze3A_2188 : f32
        %lt3A_2204 = arith.cmpf olt, %select_n3A_2170, %squeeze3A_2190 : f32
        %and3A_2205 = arith.andi %eq3A_2203, %lt3A_2204 : i1
        %or3A_2206 = arith.ori %gt3A_2202, %and3A_2205 : i1
        %select_n3A_2207 = arith.select %or3A_2206, %select_n3A_2169, %squeeze3A_2188 : f32
        %select_n3A_2208 = arith.select %or3A_2206, %select_n3A_2170, %squeeze3A_2190 : f32
        %select_n3A_2209 = arith.select %or3A_2206, %select_n3A_2171, %squeeze3A_2192 : f32
        %select_n3A_2210 = arith.select %or3A_2206, %select_n3A_2172, %squeeze3A_2194 : f32
        %select_n3A_2211 = arith.select %or3A_2206, %select_n3A_2173, %squeeze3A_2196 : f32
        %gt3A_2212 = arith.cmpf ogt, %select_n3A_2164, %squeeze3A_2178 : f32
        %eq3A_2213 = arith.cmpf oeq, %select_n3A_2164, %squeeze3A_2178 : f32
        %lt3A_2214 = arith.cmpf olt, %select_n3A_2165, %squeeze3A_2180 : f32
        %and3A_2215 = arith.andi %eq3A_2213, %lt3A_2214 : i1
        %or3A_2216 = arith.ori %gt3A_2212, %and3A_2215 : i1
        %select_n3A_2217 = arith.select %or3A_2216, %select_n3A_2164, %squeeze3A_2178 : f32
        %select_n3A_2218 = arith.select %or3A_2216, %select_n3A_2165, %squeeze3A_2180 : f32
        %select_n3A_2219 = arith.select %or3A_2216, %select_n3A_2166, %squeeze3A_2182 : f32
        %select_n3A_2220 = arith.select %or3A_2216, %select_n3A_2167, %squeeze3A_2184 : f32
        %select_n3A_2221 = arith.select %or3A_2216, %select_n3A_2168, %squeeze3A_2186 : f32
        %select_n3A_2222 = arith.select %or3A_2201, %select_n3A_2207, %select_n3A_2217 : f32
        %select_n3A_2223 = arith.select %or3A_2201, %select_n3A_2208, %select_n3A_2218 : f32
        %select_n3A_2224 = arith.select %or3A_2201, %select_n3A_2209, %select_n3A_2219 : f32
        %select_n3A_2225 = arith.select %or3A_2201, %select_n3A_2210, %select_n3A_2220 : f32
        %select_n3A_2226 = arith.select %or3A_2201, %select_n3A_2211, %select_n3A_2221 : f32
        %select_n3A_2227 = arith.select %or3A_2201, %squeeze3A_2178, %select_n3A_2169 : f32
        %select_n3A_2228 = arith.select %or3A_2201, %squeeze3A_2180, %select_n3A_2170 : f32
        %select_n3A_2229 = arith.select %or3A_2201, %squeeze3A_2182, %select_n3A_2171 : f32
        %select_n3A_2230 = arith.select %or3A_2201, %squeeze3A_2184, %select_n3A_2172 : f32
        %select_n3A_2231 = arith.select %or3A_2201, %squeeze3A_2186, %select_n3A_2173 : f32
        %get3A_2232 = arith.constant 192 : index
        %get3A_2233 = tpu.vector_load %arg16[%get3A_2232] {strides = array<i32>} : memref<256xf32, #tpu.memory_space<vmem>>, vector<16xf32>,
        %get3A_2234 = vector.shape_cast %get3A_2233 : vector<16xf32> to vector<16xf32>
        %slice3A_2235 = vector.extract_strided_slice %get3A_2234 {offsets = [0], sizes = [1], strides = [1]} : vector<16xf32> to vector<1xf32>
        %squeeze3A_2236 = vector.extract %slice3A_2235[0] : f32 from vector<1xf32>
        %slice3A_2237 = vector.extract_strided_slice %get3A_2234 {offsets = [1], sizes = [1], strides = [1]} : vector<16xf32> to vector<1xf32>
        %squeeze3A_2238 = vector.extract %slice3A_2237[0] : f32 from vector<1xf32>
        %slice3A_2239 = vector.extract_strided_slice %get3A_2234 {offsets = [2], sizes = [1], strides = [1]} : vector<16xf32> to vector<1xf32>
        %squeeze3A_2240 = vector.extract %slice3A_2239[0] : f32 from vector<1xf32>
        %slice3A_2241 = vector.extract_strided_slice %get3A_2234 {offsets = [3], sizes = [1], strides = [1]} : vector<16xf32> to vector<1xf32>
        %squeeze3A_2242 = vector.extract %slice3A_2241[0] : f32 from vector<1xf32>
        %slice3A_2243 = vector.extract_strided_slice %get3A_2234 {offsets = [4], sizes = [1], strides = [1]} : vector<16xf32> to vector<1xf32>
        %squeeze3A_2244 = vector.extract %slice3A_2243[0] : f32 from vector<1xf32>
        %slice3A_2245 = vector.extract_strided_slice %get3A_2234 {offsets = [5], sizes = [1], strides = [1]} : vector<16xf32> to vector<1xf32>
        %squeeze3A_2246 = vector.extract %slice3A_2245[0] : f32 from vector<1xf32>
        %slice3A_2247 = vector.extract_strided_slice %get3A_2234 {offsets = [6], sizes = [1], strides = [1]} : vector<16xf32> to vector<1xf32>
        %squeeze3A_2248 = vector.extract %slice3A_2247[0] : f32 from vector<1xf32>
        %slice3A_2249 = vector.extract_strided_slice %get3A_2234 {offsets = [7], sizes = [1], strides = [1]} : vector<16xf32> to vector<1xf32>
        %squeeze3A_2250 = vector.extract %slice3A_2249[0] : f32 from vector<1xf32>
        %slice3A_2251 = vector.extract_strided_slice %get3A_2234 {offsets = [8], sizes = [1], strides = [1]} : vector<16xf32> to vector<1xf32>
        %squeeze3A_2252 = vector.extract %slice3A_2251[0] : f32 from vector<1xf32>
        %slice3A_2253 = vector.extract_strided_slice %get3A_2234 {offsets = [9], sizes = [1], strides = [1]} : vector<16xf32> to vector<1xf32>
        %squeeze3A_2254 = vector.extract %slice3A_2253[0] : f32 from vector<1xf32>
        %gt3A_2255 = arith.cmpf ogt, %squeeze3A_2236, %select_n3A_2227 : f32
        %eq3A_2256 = arith.cmpf oeq, %squeeze3A_2236, %select_n3A_2227 : f32
        %lt3A_2257 = arith.cmpf olt, %squeeze3A_2238, %select_n3A_2228 : f32
        %and3A_2258 = arith.andi %eq3A_2256, %lt3A_2257 : i1
        %or3A_2259 = arith.ori %gt3A_2255, %and3A_2258 : i1
        %gt3A_2260 = arith.cmpf ogt, %select_n3A_2227, %squeeze3A_2246 : f32
        %eq3A_2261 = arith.cmpf oeq, %select_n3A_2227, %squeeze3A_2246 : f32
        %lt3A_2262 = arith.cmpf olt, %select_n3A_2228, %squeeze3A_2248 : f32
        %and3A_2263 = arith.andi %eq3A_2261, %lt3A_2262 : i1
        %or3A_2264 = arith.ori %gt3A_2260, %and3A_2263 : i1
        %select_n3A_2265 = arith.select %or3A_2264, %select_n3A_2227, %squeeze3A_2246 : f32
        %select_n3A_2266 = arith.select %or3A_2264, %select_n3A_2228, %squeeze3A_2248 : f32
        %select_n3A_2267 = arith.select %or3A_2264, %select_n3A_2229, %squeeze3A_2250 : f32
        %select_n3A_2268 = arith.select %or3A_2264, %select_n3A_2230, %squeeze3A_2252 : f32
        %select_n3A_2269 = arith.select %or3A_2264, %select_n3A_2231, %squeeze3A_2254 : f32
        %gt3A_2270 = arith.cmpf ogt, %select_n3A_2222, %squeeze3A_2236 : f32
        %eq3A_2271 = arith.cmpf oeq, %select_n3A_2222, %squeeze3A_2236 : f32
        %lt3A_2272 = arith.cmpf olt, %select_n3A_2223, %squeeze3A_2238 : f32
        %and3A_2273 = arith.andi %eq3A_2271, %lt3A_2272 : i1
        %or3A_2274 = arith.ori %gt3A_2270, %and3A_2273 : i1
        %select_n3A_2275 = arith.select %or3A_2274, %select_n3A_2222, %squeeze3A_2236 : f32
        %select_n3A_2276 = arith.select %or3A_2274, %select_n3A_2223, %squeeze3A_2238 : f32
        %select_n3A_2277 = arith.select %or3A_2274, %select_n3A_2224, %squeeze3A_2240 : f32
        %select_n3A_2278 = arith.select %or3A_2274, %select_n3A_2225, %squeeze3A_2242 : f32
        %select_n3A_2279 = arith.select %or3A_2274, %select_n3A_2226, %squeeze3A_2244 : f32
        %select_n3A_2280 = arith.select %or3A_2259, %select_n3A_2265, %select_n3A_2275 : f32
        %select_n3A_2281 = arith.select %or3A_2259, %select_n3A_2266, %select_n3A_2276 : f32
        %select_n3A_2282 = arith.select %or3A_2259, %select_n3A_2267, %select_n3A_2277 : f32
        %select_n3A_2283 = arith.select %or3A_2259, %select_n3A_2268, %select_n3A_2278 : f32
        %select_n3A_2284 = arith.select %or3A_2259, %select_n3A_2269, %select_n3A_2279 : f32
        %select_n3A_2285 = arith.select %or3A_2259, %squeeze3A_2236, %select_n3A_2227 : f32
        %select_n3A_2286 = arith.select %or3A_2259, %squeeze3A_2238, %select_n3A_2228 : f32
        %select_n3A_2287 = arith.select %or3A_2259, %squeeze3A_2240, %select_n3A_2229 : f32
        %select_n3A_2288 = arith.select %or3A_2259, %squeeze3A_2242, %select_n3A_2230 : f32
        %select_n3A_2289 = arith.select %or3A_2259, %squeeze3A_2244, %select_n3A_2231 : f32
        %get3A_2290 = arith.constant 208 : index
        %get3A_2291 = tpu.vector_load %arg16[%get3A_2290] {strides = array<i32>} : memref<256xf32, #tpu.memory_space<vmem>>, vector<16xf32>,
        %get3A_2292 = vector.shape_cast %get3A_2291 : vector<16xf32> to vector<16xf32>
        %slice3A_2293 = vector.extract_strided_slice %get3A_2292 {offsets = [0], sizes = [1], strides = [1]} : vector<16xf32> to vector<1xf32>
        %squeeze3A_2294 = vector.extract %slice3A_2293[0] : f32 from vector<1xf32>
        %slice3A_2295 = vector.extract_strided_slice %get3A_2292 {offsets = [1], sizes = [1], strides = [1]} : vector<16xf32> to vector<1xf32>
        %squeeze3A_2296 = vector.extract %slice3A_2295[0] : f32 from vector<1xf32>
        %slice3A_2297 = vector.extract_strided_slice %get3A_2292 {offsets = [2], sizes = [1], strides = [1]} : vector<16xf32> to vector<1xf32>
        %squeeze3A_2298 = vector.extract %slice3A_2297[0] : f32 from vector<1xf32>
        %slice3A_2299 = vector.extract_strided_slice %get3A_2292 {offsets = [3], sizes = [1], strides = [1]} : vector<16xf32> to vector<1xf32>
        %squeeze3A_2300 = vector.extract %slice3A_2299[0] : f32 from vector<1xf32>
        %slice3A_2301 = vector.extract_strided_slice %get3A_2292 {offsets = [4], sizes = [1], strides = [1]} : vector<16xf32> to vector<1xf32>
        %squeeze3A_2302 = vector.extract %slice3A_2301[0] : f32 from vector<1xf32>
        %slice3A_2303 = vector.extract_strided_slice %get3A_2292 {offsets = [5], sizes = [1], strides = [1]} : vector<16xf32> to vector<1xf32>
        %squeeze3A_2304 = vector.extract %slice3A_2303[0] : f32 from vector<1xf32>
        %slice3A_2305 = vector.extract_strided_slice %get3A_2292 {offsets = [6], sizes = [1], strides = [1]} : vector<16xf32> to vector<1xf32>
        %squeeze3A_2306 = vector.extract %slice3A_2305[0] : f32 from vector<1xf32>
        %slice3A_2307 = vector.extract_strided_slice %get3A_2292 {offsets = [7], sizes = [1], strides = [1]} : vector<16xf32> to vector<1xf32>
        %squeeze3A_2308 = vector.extract %slice3A_2307[0] : f32 from vector<1xf32>
        %slice3A_2309 = vector.extract_strided_slice %get3A_2292 {offsets = [8], sizes = [1], strides = [1]} : vector<16xf32> to vector<1xf32>
        %squeeze3A_2310 = vector.extract %slice3A_2309[0] : f32 from vector<1xf32>
        %slice3A_2311 = vector.extract_strided_slice %get3A_2292 {offsets = [9], sizes = [1], strides = [1]} : vector<16xf32> to vector<1xf32>
        %squeeze3A_2312 = vector.extract %slice3A_2311[0] : f32 from vector<1xf32>
        %gt3A_2313 = arith.cmpf ogt, %squeeze3A_2294, %select_n3A_2285 : f32
        %eq3A_2314 = arith.cmpf oeq, %squeeze3A_2294, %select_n3A_2285 : f32
        %lt3A_2315 = arith.cmpf olt, %squeeze3A_2296, %select_n3A_2286 : f32
        %and3A_2316 = arith.andi %eq3A_2314, %lt3A_2315 : i1
        %or3A_2317 = arith.ori %gt3A_2313, %and3A_2316 : i1
        %gt3A_2318 = arith.cmpf ogt, %select_n3A_2285, %squeeze3A_2304 : f32
        %eq3A_2319 = arith.cmpf oeq, %select_n3A_2285, %squeeze3A_2304 : f32
        %lt3A_2320 = arith.cmpf olt, %select_n3A_2286, %squeeze3A_2306 : f32
        %and3A_2321 = arith.andi %eq3A_2319, %lt3A_2320 : i1
        %or3A_2322 = arith.ori %gt3A_2318, %and3A_2321 : i1
        %select_n3A_2323 = arith.select %or3A_2322, %select_n3A_2285, %squeeze3A_2304 : f32
        %select_n3A_2324 = arith.select %or3A_2322, %select_n3A_2286, %squeeze3A_2306 : f32
        %select_n3A_2325 = arith.select %or3A_2322, %select_n3A_2287, %squeeze3A_2308 : f32
        %select_n3A_2326 = arith.select %or3A_2322, %select_n3A_2288, %squeeze3A_2310 : f32
        %select_n3A_2327 = arith.select %or3A_2322, %select_n3A_2289, %squeeze3A_2312 : f32
        %gt3A_2328 = arith.cmpf ogt, %select_n3A_2280, %squeeze3A_2294 : f32
        %eq3A_2329 = arith.cmpf oeq, %select_n3A_2280, %squeeze3A_2294 : f32
        %lt3A_2330 = arith.cmpf olt, %select_n3A_2281, %squeeze3A_2296 : f32
        %and3A_2331 = arith.andi %eq3A_2329, %lt3A_2330 : i1
        %or3A_2332 = arith.ori %gt3A_2328, %and3A_2331 : i1
        %select_n3A_2333 = arith.select %or3A_2332, %select_n3A_2280, %squeeze3A_2294 : f32
        %select_n3A_2334 = arith.select %or3A_2332, %select_n3A_2281, %squeeze3A_2296 : f32
        %select_n3A_2335 = arith.select %or3A_2332, %select_n3A_2282, %squeeze3A_2298 : f32
        %select_n3A_2336 = arith.select %or3A_2332, %select_n3A_2283, %squeeze3A_2300 : f32
        %select_n3A_2337 = arith.select %or3A_2332, %select_n3A_2284, %squeeze3A_2302 : f32
        %select_n3A_2338 = arith.select %or3A_2317, %select_n3A_2323, %select_n3A_2333 : f32
        %select_n3A_2339 = arith.select %or3A_2317, %select_n3A_2324, %select_n3A_2334 : f32
        %select_n3A_2340 = arith.select %or3A_2317, %select_n3A_2325, %select_n3A_2335 : f32
        %select_n3A_2341 = arith.select %or3A_2317, %select_n3A_2326, %select_n3A_2336 : f32
        %select_n3A_2342 = arith.select %or3A_2317, %select_n3A_2327, %select_n3A_2337 : f32
        %select_n3A_2343 = arith.select %or3A_2317, %squeeze3A_2294, %select_n3A_2285 : f32
        %select_n3A_2344 = arith.select %or3A_2317, %squeeze3A_2296, %select_n3A_2286 : f32
        %select_n3A_2345 = arith.select %or3A_2317, %squeeze3A_2298, %select_n3A_2287 : f32
        %select_n3A_2346 = arith.select %or3A_2317, %squeeze3A_2300, %select_n3A_2288 : f32
        %select_n3A_2347 = arith.select %or3A_2317, %squeeze3A_2302, %select_n3A_2289 : f32
        %get3A_2348 = arith.constant 224 : index
        %get3A_2349 = tpu.vector_load %arg16[%get3A_2348] {strides = array<i32>} : memref<256xf32, #tpu.memory_space<vmem>>, vector<16xf32>,
        %get3A_2350 = vector.shape_cast %get3A_2349 : vector<16xf32> to vector<16xf32>
        %slice3A_2351 = vector.extract_strided_slice %get3A_2350 {offsets = [0], sizes = [1], strides = [1]} : vector<16xf32> to vector<1xf32>
        %squeeze3A_2352 = vector.extract %slice3A_2351[0] : f32 from vector<1xf32>
        %slice3A_2353 = vector.extract_strided_slice %get3A_2350 {offsets = [1], sizes = [1], strides = [1]} : vector<16xf32> to vector<1xf32>
        %squeeze3A_2354 = vector.extract %slice3A_2353[0] : f32 from vector<1xf32>
        %slice3A_2355 = vector.extract_strided_slice %get3A_2350 {offsets = [2], sizes = [1], strides = [1]} : vector<16xf32> to vector<1xf32>
        %squeeze3A_2356 = vector.extract %slice3A_2355[0] : f32 from vector<1xf32>
        %slice3A_2357 = vector.extract_strided_slice %get3A_2350 {offsets = [3], sizes = [1], strides = [1]} : vector<16xf32> to vector<1xf32>
        %squeeze3A_2358 = vector.extract %slice3A_2357[0] : f32 from vector<1xf32>
        %slice3A_2359 = vector.extract_strided_slice %get3A_2350 {offsets = [4], sizes = [1], strides = [1]} : vector<16xf32> to vector<1xf32>
        %squeeze3A_2360 = vector.extract %slice3A_2359[0] : f32 from vector<1xf32>
        %slice3A_2361 = vector.extract_strided_slice %get3A_2350 {offsets = [5], sizes = [1], strides = [1]} : vector<16xf32> to vector<1xf32>
        %squeeze3A_2362 = vector.extract %slice3A_2361[0] : f32 from vector<1xf32>
        %slice3A_2363 = vector.extract_strided_slice %get3A_2350 {offsets = [6], sizes = [1], strides = [1]} : vector<16xf32> to vector<1xf32>
        %squeeze3A_2364 = vector.extract %slice3A_2363[0] : f32 from vector<1xf32>
        %slice3A_2365 = vector.extract_strided_slice %get3A_2350 {offsets = [7], sizes = [1], strides = [1]} : vector<16xf32> to vector<1xf32>
        %squeeze3A_2366 = vector.extract %slice3A_2365[0] : f32 from vector<1xf32>
        %slice3A_2367 = vector.extract_strided_slice %get3A_2350 {offsets = [8], sizes = [1], strides = [1]} : vector<16xf32> to vector<1xf32>
        %squeeze3A_2368 = vector.extract %slice3A_2367[0] : f32 from vector<1xf32>
        %slice3A_2369 = vector.extract_strided_slice %get3A_2350 {offsets = [9], sizes = [1], strides = [1]} : vector<16xf32> to vector<1xf32>
        %squeeze3A_2370 = vector.extract %slice3A_2369[0] : f32 from vector<1xf32>
        %gt3A_2371 = arith.cmpf ogt, %squeeze3A_2352, %select_n3A_2343 : f32
        %eq3A_2372 = arith.cmpf oeq, %squeeze3A_2352, %select_n3A_2343 : f32
        %lt3A_2373 = arith.cmpf olt, %squeeze3A_2354, %select_n3A_2344 : f32
        %and3A_2374 = arith.andi %eq3A_2372, %lt3A_2373 : i1
        %or3A_2375 = arith.ori %gt3A_2371, %and3A_2374 : i1
        %gt3A_2376 = arith.cmpf ogt, %select_n3A_2343, %squeeze3A_2362 : f32
        %eq3A_2377 = arith.cmpf oeq, %select_n3A_2343, %squeeze3A_2362 : f32
        %lt3A_2378 = arith.cmpf olt, %select_n3A_2344, %squeeze3A_2364 : f32
        %and3A_2379 = arith.andi %eq3A_2377, %lt3A_2378 : i1
        %or3A_2380 = arith.ori %gt3A_2376, %and3A_2379 : i1
        %select_n3A_2381 = arith.select %or3A_2380, %select_n3A_2343, %squeeze3A_2362 : f32
        %select_n3A_2382 = arith.select %or3A_2380, %select_n3A_2344, %squeeze3A_2364 : f32
        %select_n3A_2383 = arith.select %or3A_2380, %select_n3A_2345, %squeeze3A_2366 : f32
        %select_n3A_2384 = arith.select %or3A_2380, %select_n3A_2346, %squeeze3A_2368 : f32
        %select_n3A_2385 = arith.select %or3A_2380, %select_n3A_2347, %squeeze3A_2370 : f32
        %gt3A_2386 = arith.cmpf ogt, %select_n3A_2338, %squeeze3A_2352 : f32
        %eq3A_2387 = arith.cmpf oeq, %select_n3A_2338, %squeeze3A_2352 : f32
        %lt3A_2388 = arith.cmpf olt, %select_n3A_2339, %squeeze3A_2354 : f32
        %and3A_2389 = arith.andi %eq3A_2387, %lt3A_2388 : i1
        %or3A_2390 = arith.ori %gt3A_2386, %and3A_2389 : i1
        %select_n3A_2391 = arith.select %or3A_2390, %select_n3A_2338, %squeeze3A_2352 : f32
        %select_n3A_2392 = arith.select %or3A_2390, %select_n3A_2339, %squeeze3A_2354 : f32
        %select_n3A_2393 = arith.select %or3A_2390, %select_n3A_2340, %squeeze3A_2356 : f32
        %select_n3A_2394 = arith.select %or3A_2390, %select_n3A_2341, %squeeze3A_2358 : f32
        %select_n3A_2395 = arith.select %or3A_2390, %select_n3A_2342, %squeeze3A_2360 : f32
        %select_n3A_2396 = arith.select %or3A_2375, %select_n3A_2381, %select_n3A_2391 : f32
        %select_n3A_2397 = arith.select %or3A_2375, %select_n3A_2382, %select_n3A_2392 : f32
        %select_n3A_2398 = arith.select %or3A_2375, %select_n3A_2383, %select_n3A_2393 : f32
        %select_n3A_2399 = arith.select %or3A_2375, %select_n3A_2384, %select_n3A_2394 : f32
        %select_n3A_2400 = arith.select %or3A_2375, %select_n3A_2385, %select_n3A_2395 : f32
        %select_n3A_2401 = arith.select %or3A_2375, %squeeze3A_2352, %select_n3A_2343 : f32
        %select_n3A_2402 = arith.select %or3A_2375, %squeeze3A_2354, %select_n3A_2344 : f32
        %select_n3A_2403 = arith.select %or3A_2375, %squeeze3A_2356, %select_n3A_2345 : f32
        %select_n3A_2404 = arith.select %or3A_2375, %squeeze3A_2358, %select_n3A_2346 : f32
        %select_n3A_2405 = arith.select %or3A_2375, %squeeze3A_2360, %select_n3A_2347 : f32
        %get3A_2406 = arith.constant 240 : index
        %get3A_2407 = tpu.vector_load %arg16[%get3A_2406] {strides = array<i32>} : memref<256xf32, #tpu.memory_space<vmem>>, vector<16xf32>,
        %get3A_2408 = vector.shape_cast %get3A_2407 : vector<16xf32> to vector<16xf32>
        %slice3A_2409 = vector.extract_strided_slice %get3A_2408 {offsets = [0], sizes = [1], strides = [1]} : vector<16xf32> to vector<1xf32>
        %squeeze3A_2410 = vector.extract %slice3A_2409[0] : f32 from vector<1xf32>
        %slice3A_2411 = vector.extract_strided_slice %get3A_2408 {offsets = [1], sizes = [1], strides = [1]} : vector<16xf32> to vector<1xf32>
        %squeeze3A_2412 = vector.extract %slice3A_2411[0] : f32 from vector<1xf32>
        %slice3A_2413 = vector.extract_strided_slice %get3A_2408 {offsets = [2], sizes = [1], strides = [1]} : vector<16xf32> to vector<1xf32>
        %squeeze3A_2414 = vector.extract %slice3A_2413[0] : f32 from vector<1xf32>
        %slice3A_2415 = vector.extract_strided_slice %get3A_2408 {offsets = [3], sizes = [1], strides = [1]} : vector<16xf32> to vector<1xf32>
        %squeeze3A_2416 = vector.extract %slice3A_2415[0] : f32 from vector<1xf32>
        %slice3A_2417 = vector.extract_strided_slice %get3A_2408 {offsets = [4], sizes = [1], strides = [1]} : vector<16xf32> to vector<1xf32>
        %squeeze3A_2418 = vector.extract %slice3A_2417[0] : f32 from vector<1xf32>
        %slice3A_2419 = vector.extract_strided_slice %get3A_2408 {offsets = [5], sizes = [1], strides = [1]} : vector<16xf32> to vector<1xf32>
        %squeeze3A_2420 = vector.extract %slice3A_2419[0] : f32 from vector<1xf32>
        %slice3A_2421 = vector.extract_strided_slice %get3A_2408 {offsets = [6], sizes = [1], strides = [1]} : vector<16xf32> to vector<1xf32>
        %squeeze3A_2422 = vector.extract %slice3A_2421[0] : f32 from vector<1xf32>
        %slice3A_2423 = vector.extract_strided_slice %get3A_2408 {offsets = [7], sizes = [1], strides = [1]} : vector<16xf32> to vector<1xf32>
        %squeeze3A_2424 = vector.extract %slice3A_2423[0] : f32 from vector<1xf32>
        %slice3A_2425 = vector.extract_strided_slice %get3A_2408 {offsets = [8], sizes = [1], strides = [1]} : vector<16xf32> to vector<1xf32>
        %squeeze3A_2426 = vector.extract %slice3A_2425[0] : f32 from vector<1xf32>
        %slice3A_2427 = vector.extract_strided_slice %get3A_2408 {offsets = [9], sizes = [1], strides = [1]} : vector<16xf32> to vector<1xf32>
        %squeeze3A_2428 = vector.extract %slice3A_2427[0] : f32 from vector<1xf32>
        %gt3A_2429 = arith.cmpf ogt, %squeeze3A_2410, %select_n3A_2401 : f32
        %eq3A_2430 = arith.cmpf oeq, %squeeze3A_2410, %select_n3A_2401 : f32
        %lt3A_2431 = arith.cmpf olt, %squeeze3A_2412, %select_n3A_2402 : f32
        %and3A_2432 = arith.andi %eq3A_2430, %lt3A_2431 : i1
        %or3A_2433 = arith.ori %gt3A_2429, %and3A_2432 : i1
        %gt3A_2434 = arith.cmpf ogt, %select_n3A_2401, %squeeze3A_2420 : f32
        %eq3A_2435 = arith.cmpf oeq, %select_n3A_2401, %squeeze3A_2420 : f32
        %lt3A_2436 = arith.cmpf olt, %select_n3A_2402, %squeeze3A_2422 : f32
        %and3A_2437 = arith.andi %eq3A_2435, %lt3A_2436 : i1
        %or3A_2438 = arith.ori %gt3A_2434, %and3A_2437 : i1
        %select_n3A_2439 = arith.select %or3A_2438, %select_n3A_2401, %squeeze3A_2420 : f32
        %select_n3A_2440 = arith.select %or3A_2438, %select_n3A_2402, %squeeze3A_2422 : f32
        %select_n3A_2441 = arith.select %or3A_2438, %select_n3A_2403, %squeeze3A_2424 : f32
        %select_n3A_2442 = arith.select %or3A_2438, %select_n3A_2404, %squeeze3A_2426 : f32
        %select_n3A_2443 = arith.select %or3A_2438, %select_n3A_2405, %squeeze3A_2428 : f32
        %gt3A_2444 = arith.cmpf ogt, %select_n3A_2396, %squeeze3A_2410 : f32
        %eq3A_2445 = arith.cmpf oeq, %select_n3A_2396, %squeeze3A_2410 : f32
        %lt3A_2446 = arith.cmpf olt, %select_n3A_2397, %squeeze3A_2412 : f32
        %and3A_2447 = arith.andi %eq3A_2445, %lt3A_2446 : i1
        %or3A_2448 = arith.ori %gt3A_2444, %and3A_2447 : i1
        %select_n3A_2449 = arith.select %or3A_2448, %select_n3A_2396, %squeeze3A_2410 : f32
        %select_n3A_2450 = arith.select %or3A_2448, %select_n3A_2397, %squeeze3A_2412 : f32
        %select_n3A_2451 = arith.select %or3A_2448, %select_n3A_2398, %squeeze3A_2414 : f32
        %select_n3A_2452 = arith.select %or3A_2448, %select_n3A_2399, %squeeze3A_2416 : f32
        %select_n3A_2453 = arith.select %or3A_2448, %select_n3A_2400, %squeeze3A_2418 : f32
        %select_n3A_2454 = arith.select %or3A_2433, %select_n3A_2439, %select_n3A_2449 : f32
        %select_n3A_2455 = arith.select %or3A_2433, %select_n3A_2440, %select_n3A_2450 : f32
        %select_n3A_2456 = arith.select %or3A_2433, %select_n3A_2441, %select_n3A_2451 : f32
        %select_n3A_2457 = arith.select %or3A_2433, %select_n3A_2442, %select_n3A_2452 : f32
        %select_n3A_2458 = arith.select %or3A_2433, %select_n3A_2443, %select_n3A_2453 : f32
        %select_n3A_2459 = arith.select %or3A_2433, %squeeze3A_2410, %select_n3A_2401 : f32
        %select_n3A_2460 = arith.select %or3A_2433, %squeeze3A_2412, %select_n3A_2402 : f32
        %select_n3A_2461 = arith.select %or3A_2433, %squeeze3A_2414, %select_n3A_2403 : f32
        %select_n3A_2462 = arith.select %or3A_2433, %squeeze3A_2416, %select_n3A_2404 : f32
        %select_n3A_2463 = arith.select %or3A_2433, %squeeze3A_2418, %select_n3A_2405 : f32
        %gt3A_2464 = arith.constant 0.000000e+00 : f32
        %gt3A_2465 = arith.cmpf ogt, %select_n3A_2459, %gt3A_2464 : f32
        %sub3A = arith.subf %select_n3A_2461, %select_n3A_2456 : f32
        %sub3A_2466 = arith.subf %select_n3A_2462, %select_n3A_2457 : f32
        %sub3A_2467 = arith.subf %select_n3A_2463, %select_n3A_2458 : f32
        %mul3A_2468 = arith.mulf %sub3A, %sub3A : f32
        %mul3A_2469 = arith.mulf %sub3A_2466, %sub3A_2466 : f32
        %add3A = arith.addf %mul3A_2468, %mul3A_2469 : f32
        %mul3A_2470 = arith.mulf %sub3A_2467, %sub3A_2467 : f32
        %add3A_2471 = arith.addf %add3A, %mul3A_2470 : f32
        %gt3A_2472 = arith.constant 0.000000e+00 : f32
        %gt3A_2473 = arith.cmpf ogt, %select_n3A_2454, %gt3A_2472 : f32
        %and3A_2474 = arith.andi %gt3A_2465, %gt3A_2473 : i1
        %lt3A_2475 = arith.constant 6.400000e+01 : f32
        %lt3A_2476 = arith.cmpf olt, %add3A_2471, %lt3A_2475 : f32
        %not3A_2477 = arith.constant true
        %not3A_2478 = arith.xori %lt3A_2476, %not3A_2477 : i1
        %and3A_2479 = arith.andi %and3A_2474, %not3A_2478 : i1
        %convert_element_type3A_2480 = arith.extui %gt3A_2465 : i1 to i32
        %cond3A_2481 = arith.constant 0 : i32
        %cond3A_2482 = arith.cmpi ne, %convert_element_type3A_2480, %cond3A_2481 : i32
        scf.if %cond3A_2482 {
          %jit3A_2528 = arith.constant 16 : i32
          %div3A = arith.divsi %get3A_687, %jit3A_2528 : i32
          %sign3A = arith.constant 0 : i32
          %sign3A_2529 = arith.cmpi sgt, %get3A_687, %sign3A : i32
          %sign3A_2530 = arith.extui %sign3A_2529 : i1 to i32
          %sign3A_2531 = arith.constant 0 : i32
          %sign3A_2532 = arith.cmpi slt, %get3A_687, %sign3A_2531 : i32
          %sign3A_2533 = arith.extui %sign3A_2532 : i1 to i32
          %sign3A_2534 = arith.subi %sign3A_2530, %sign3A_2533 : i32
          %sign3A_2535 = arith.constant 0 : i32
          %sign3A_2536 = arith.cmpi sgt, %jit3A_2528, %sign3A_2535 : i32
          %sign3A_2537 = arith.extui %sign3A_2536 : i1 to i32
          %sign3A_2538 = arith.constant 0 : i32
          %sign3A_2539 = arith.cmpi slt, %jit3A_2528, %sign3A_2538 : i32
          %sign3A_2540 = arith.extui %sign3A_2539 : i1 to i32
          %sign3A_2541 = arith.subi %sign3A_2537, %sign3A_2540 : i32
          %ne3A = arith.cmpi ne, %sign3A_2534, %sign3A_2541 : i32
          %rem3A_2542 = arith.remsi %get3A_687, %jit3A_2528 : i32
          %ne3A_2543 = arith.constant 0 : i32
          %ne3A_2544 = arith.cmpi ne, %rem3A_2542, %ne3A_2543 : i32
          %and3A_2545 = arith.andi %ne3A, %ne3A_2544 : i1
          %sub3A_2546 = arith.constant 1 : i32
          %sub3A_2547 = arith.subi %div3A, %sub3A_2546 : i32
          %select_n3A_2548 = arith.select %and3A_2545, %sub3A_2547, %div3A : i32
          %mul3A_2549 = arith.constant 16 : i32
          %mul3A_2550 = arith.muli %select_n3A_2548, %mul3A_2549 : i32
          %rem3A_2551 = arith.constant 16 : i32
          %rem3A_2552 = arith.remsi %get3A_687, %rem3A_2551 : i32
          %eq3A_2553 = vector.broadcast %rem3A_2552 : i32 to vector<16xi32>
          %eq3A_2554 = arith.cmpi eq, %iota3A, %eq3A_2553 : vector<16xi32>
          %get3A_2555 = arith.index_cast %mul3A_2550 : i32 to index
          %get3A_2556 = tpu.vector_load %arg17[%get3A_2555] {strides = array<i32>} : memref<512xf32, #tpu.memory_space<vmem>>, vector<16xf32>,
          %get3A_2557 = vector.shape_cast %get3A_2556 : vector<16xf32> to vector<16xf32>
          %broadcast_in_dim3A_2558 = vector.broadcast %select_n3A_2459 : f32 to vector<16xf32>
          %select_n3A_2559 = arith.select %eq3A_2554, %broadcast_in_dim3A_2558, %get3A_2557 : vector<16xi1>, vector<16xf32>
          %swap3A_2560 = arith.index_cast %mul3A_2550 : i32 to index
          %swap3A_2561 = tpu.vector_load %arg17[%swap3A_2560] {strides = array<i32>} : memref<512xf32, #tpu.memory_space<vmem>>, vector<16xf32>,
          %swap3A_2562 = vector.shape_cast %swap3A_2561 : vector<16xf32> to vector<16xf32>
          %swap3A_2563 = vector.shape_cast %select_n3A_2559 : vector<16xf32> to vector<16xf32>
          tpu.vector_store %arg17[%swap3A_2560], %swap3A_2563 {strides = array<i32>} : memref<512xf32, #tpu.memory_space<vmem>>, vector<16xf32>,
          %mul3A_2564 = arith.constant 2.000000e-01 : f32
          %mul3A_2565 = arith.mulf %select_n3A_2461, %mul3A_2564 : f32
          %get3A_2566 = arith.index_cast %mul3A_2550 : i32 to index
          %get3A_2567 = tpu.vector_load %arg18[%get3A_2566] {strides = array<i32>} : memref<512xf32, #tpu.memory_space<vmem>>, vector<16xf32>,
          %get3A_2568 = vector.shape_cast %get3A_2567 : vector<16xf32> to vector<16xf32>
          %broadcast_in_dim3A_2569 = vector.broadcast %mul3A_2565 : f32 to vector<16xf32>
          %select_n3A_2570 = arith.select %eq3A_2554, %broadcast_in_dim3A_2569, %get3A_2568 : vector<16xi1>, vector<16xf32>
          %swap3A_2571 = arith.index_cast %mul3A_2550 : i32 to index
          %swap3A_2572 = tpu.vector_load %arg18[%swap3A_2571] {strides = array<i32>} : memref<512xf32, #tpu.memory_space<vmem>>, vector<16xf32>,
          %swap3A_2573 = vector.shape_cast %swap3A_2572 : vector<16xf32> to vector<16xf32>
          %swap3A_2574 = vector.shape_cast %select_n3A_2570 : vector<16xf32> to vector<16xf32>
          tpu.vector_store %arg18[%swap3A_2571], %swap3A_2574 {strides = array<i32>} : memref<512xf32, #tpu.memory_space<vmem>>, vector<16xf32>,
          %get3A_2575 = arith.index_cast %mul3A_2550 : i32 to index
          %get3A_2576 = tpu.vector_load %arg19[%get3A_2575] {strides = array<i32>} : memref<512xf32, #tpu.memory_space<vmem>>, vector<16xf32>,
          %get3A_2577 = vector.shape_cast %get3A_2576 : vector<16xf32> to vector<16xf32>
          %broadcast_in_dim3A_2578 = vector.broadcast %select_n3A_2462 : f32 to vector<16xf32>
          %select_n3A_2579 = arith.select %eq3A_2554, %broadcast_in_dim3A_2578, %get3A_2577 : vector<16xi1>, vector<16xf32>
          %swap3A_2580 = arith.index_cast %mul3A_2550 : i32 to index
          %swap3A_2581 = tpu.vector_load %arg19[%swap3A_2580] {strides = array<i32>} : memref<512xf32, #tpu.memory_space<vmem>>, vector<16xf32>,
          %swap3A_2582 = vector.shape_cast %swap3A_2581 : vector<16xf32> to vector<16xf32>
          %swap3A_2583 = vector.shape_cast %select_n3A_2579 : vector<16xf32> to vector<16xf32>
          tpu.vector_store %arg19[%swap3A_2580], %swap3A_2583 {strides = array<i32>} : memref<512xf32, #tpu.memory_space<vmem>>, vector<16xf32>,
          %get3A_2584 = arith.index_cast %mul3A_2550 : i32 to index
          %get3A_2585 = tpu.vector_load %arg20[%get3A_2584] {strides = array<i32>} : memref<512xf32, #tpu.memory_space<vmem>>, vector<16xf32>,
          %get3A_2586 = vector.shape_cast %get3A_2585 : vector<16xf32> to vector<16xf32>
          %broadcast_in_dim3A_2587 = vector.broadcast %select_n3A_2463 : f32 to vector<16xf32>
          %select_n3A_2588 = arith.select %eq3A_2554, %broadcast_in_dim3A_2587, %get3A_2586 : vector<16xi1>, vector<16xf32>
          %swap3A_2589 = arith.index_cast %mul3A_2550 : i32 to index
          %swap3A_2590 = tpu.vector_load %arg20[%swap3A_2589] {strides = array<i32>} : memref<512xf32, #tpu.memory_space<vmem>>, vector<16xf32>,
          %swap3A_2591 = vector.shape_cast %swap3A_2590 : vector<16xf32> to vector<16xf32>
          %swap3A_2592 = vector.shape_cast %select_n3A_2588 : vector<16xf32> to vector<16xf32>
          tpu.vector_store %arg20[%swap3A_2589], %swap3A_2592 {strides = array<i32>} : memref<512xf32, #tpu.memory_space<vmem>>, vector<16xf32>,
          %get3A_2593 = arith.index_cast %mul3A_2550 : i32 to index
          %get3A_2594 = tpu.vector_load %arg21[%get3A_2593] {strides = array<i32>} : memref<512xi32, #tpu.memory_space<vmem>>, vector<16xi32>,
          %get3A_2595 = vector.shape_cast %get3A_2594 : vector<16xi32> to vector<16xi32>
          %jit3A_2596 = arith.constant 0 : i32
          %broadcast_in_dim3A_2597 = vector.broadcast %jit3A_2596 : i32 to vector<16xi32>
          %select_n3A_2598 = arith.select %eq3A_2554, %broadcast_in_dim3A_2597, %get3A_2595 : vector<16xi1>, vector<16xi32>
          %swap3A_2599 = arith.index_cast %mul3A_2550 : i32 to index
          %swap3A_2600 = tpu.vector_load %arg21[%swap3A_2599] {strides = array<i32>} : memref<512xi32, #tpu.memory_space<vmem>>, vector<16xi32>,
          %swap3A_2601 = vector.shape_cast %swap3A_2600 : vector<16xi32> to vector<16xi32>
          %swap3A_2602 = vector.shape_cast %select_n3A_2598 : vector<16xi32> to vector<16xi32>
          tpu.vector_store %arg21[%swap3A_2599], %swap3A_2602 {strides = array<i32>} : memref<512xi32, #tpu.memory_space<vmem>>, vector<16xi32>,
        } else {
        }
        %add3A_2483 = arith.constant 1 : i32
        %add3A_2484 = arith.addi %get3A_687, %add3A_2483 : i32
        %lt3A_2485 = arith.constant 512 : i32
        %lt3A_2486 = arith.cmpi slt, %add3A_2484, %lt3A_2485 : i32
        %and3A_2487 = arith.andi %and3A_2479, %lt3A_2486 : i1
        %convert_element_type3A_2488 = arith.extui %and3A_2487 : i1 to i32
        %cond3A_2489 = arith.constant 0 : i32
        %cond3A_2490 = arith.cmpi ne, %convert_element_type3A_2488, %cond3A_2489 : i32
        scf.if %cond3A_2490 {
          %add3A_2528 = arith.constant 1 : i32
          %add3A_2529 = arith.addi %get3A_687, %add3A_2528 : i32
          %jit3A_2530 = arith.constant 16 : i32
          %div3A = arith.divsi %add3A_2529, %jit3A_2530 : i32
          %sign3A = arith.constant 0 : i32
          %sign3A_2531 = arith.cmpi sgt, %add3A_2529, %sign3A : i32
          %sign3A_2532 = arith.extui %sign3A_2531 : i1 to i32
          %sign3A_2533 = arith.constant 0 : i32
          %sign3A_2534 = arith.cmpi slt, %add3A_2529, %sign3A_2533 : i32
          %sign3A_2535 = arith.extui %sign3A_2534 : i1 to i32
          %sign3A_2536 = arith.subi %sign3A_2532, %sign3A_2535 : i32
          %sign3A_2537 = arith.constant 0 : i32
          %sign3A_2538 = arith.cmpi sgt, %jit3A_2530, %sign3A_2537 : i32
          %sign3A_2539 = arith.extui %sign3A_2538 : i1 to i32
          %sign3A_2540 = arith.constant 0 : i32
          %sign3A_2541 = arith.cmpi slt, %jit3A_2530, %sign3A_2540 : i32
          %sign3A_2542 = arith.extui %sign3A_2541 : i1 to i32
          %sign3A_2543 = arith.subi %sign3A_2539, %sign3A_2542 : i32
          %ne3A = arith.cmpi ne, %sign3A_2536, %sign3A_2543 : i32
          %rem3A_2544 = arith.remsi %add3A_2529, %jit3A_2530 : i32
          %ne3A_2545 = arith.constant 0 : i32
          %ne3A_2546 = arith.cmpi ne, %rem3A_2544, %ne3A_2545 : i32
          %and3A_2547 = arith.andi %ne3A, %ne3A_2546 : i1
          %sub3A_2548 = arith.constant 1 : i32
          %sub3A_2549 = arith.subi %div3A, %sub3A_2548 : i32
          %select_n3A_2550 = arith.select %and3A_2547, %sub3A_2549, %div3A : i32
          %mul3A_2551 = arith.constant 16 : i32
          %mul3A_2552 = arith.muli %select_n3A_2550, %mul3A_2551 : i32
          %rem3A_2553 = arith.constant 16 : i32
          %rem3A_2554 = arith.remsi %add3A_2529, %rem3A_2553 : i32
          %eq3A_2555 = vector.broadcast %rem3A_2554 : i32 to vector<16xi32>
          %eq3A_2556 = arith.cmpi eq, %iota3A, %eq3A_2555 : vector<16xi32>
          %get3A_2557 = arith.index_cast %mul3A_2552 : i32 to index
          %get3A_2558 = tpu.vector_load %arg17[%get3A_2557] {strides = array<i32>} : memref<512xf32, #tpu.memory_space<vmem>>, vector<16xf32>,
          %get3A_2559 = vector.shape_cast %get3A_2558 : vector<16xf32> to vector<16xf32>
          %broadcast_in_dim3A_2560 = vector.broadcast %select_n3A_2454 : f32 to vector<16xf32>
          %select_n3A_2561 = arith.select %eq3A_2556, %broadcast_in_dim3A_2560, %get3A_2559 : vector<16xi1>, vector<16xf32>
          %swap3A_2562 = arith.index_cast %mul3A_2552 : i32 to index
          %swap3A_2563 = tpu.vector_load %arg17[%swap3A_2562] {strides = array<i32>} : memref<512xf32, #tpu.memory_space<vmem>>, vector<16xf32>,
          %swap3A_2564 = vector.shape_cast %swap3A_2563 : vector<16xf32> to vector<16xf32>
          %swap3A_2565 = vector.shape_cast %select_n3A_2561 : vector<16xf32> to vector<16xf32>
          tpu.vector_store %arg17[%swap3A_2562], %swap3A_2565 {strides = array<i32>} : memref<512xf32, #tpu.memory_space<vmem>>, vector<16xf32>,
          %mul3A_2566 = arith.constant 2.000000e-01 : f32
          %mul3A_2567 = arith.mulf %select_n3A_2456, %mul3A_2566 : f32
          %get3A_2568 = arith.index_cast %mul3A_2552 : i32 to index
          %get3A_2569 = tpu.vector_load %arg18[%get3A_2568] {strides = array<i32>} : memref<512xf32, #tpu.memory_space<vmem>>, vector<16xf32>,
          %get3A_2570 = vector.shape_cast %get3A_2569 : vector<16xf32> to vector<16xf32>
          %broadcast_in_dim3A_2571 = vector.broadcast %mul3A_2567 : f32 to vector<16xf32>
          %select_n3A_2572 = arith.select %eq3A_2556, %broadcast_in_dim3A_2571, %get3A_2570 : vector<16xi1>, vector<16xf32>
          %swap3A_2573 = arith.index_cast %mul3A_2552 : i32 to index
          %swap3A_2574 = tpu.vector_load %arg18[%swap3A_2573] {strides = array<i32>} : memref<512xf32, #tpu.memory_space<vmem>>, vector<16xf32>,
          %swap3A_2575 = vector.shape_cast %swap3A_2574 : vector<16xf32> to vector<16xf32>
          %swap3A_2576 = vector.shape_cast %select_n3A_2572 : vector<16xf32> to vector<16xf32>
          tpu.vector_store %arg18[%swap3A_2573], %swap3A_2576 {strides = array<i32>} : memref<512xf32, #tpu.memory_space<vmem>>, vector<16xf32>,
          %get3A_2577 = arith.index_cast %mul3A_2552 : i32 to index
          %get3A_2578 = tpu.vector_load %arg19[%get3A_2577] {strides = array<i32>} : memref<512xf32, #tpu.memory_space<vmem>>, vector<16xf32>,
          %get3A_2579 = vector.shape_cast %get3A_2578 : vector<16xf32> to vector<16xf32>
          %broadcast_in_dim3A_2580 = vector.broadcast %select_n3A_2457 : f32 to vector<16xf32>
          %select_n3A_2581 = arith.select %eq3A_2556, %broadcast_in_dim3A_2580, %get3A_2579 : vector<16xi1>, vector<16xf32>
          %swap3A_2582 = arith.index_cast %mul3A_2552 : i32 to index
          %swap3A_2583 = tpu.vector_load %arg19[%swap3A_2582] {strides = array<i32>} : memref<512xf32, #tpu.memory_space<vmem>>, vector<16xf32>,
          %swap3A_2584 = vector.shape_cast %swap3A_2583 : vector<16xf32> to vector<16xf32>
          %swap3A_2585 = vector.shape_cast %select_n3A_2581 : vector<16xf32> to vector<16xf32>
          tpu.vector_store %arg19[%swap3A_2582], %swap3A_2585 {strides = array<i32>} : memref<512xf32, #tpu.memory_space<vmem>>, vector<16xf32>,
          %get3A_2586 = arith.index_cast %mul3A_2552 : i32 to index
          %get3A_2587 = tpu.vector_load %arg20[%get3A_2586] {strides = array<i32>} : memref<512xf32, #tpu.memory_space<vmem>>, vector<16xf32>,
          %get3A_2588 = vector.shape_cast %get3A_2587 : vector<16xf32> to vector<16xf32>
          %broadcast_in_dim3A_2589 = vector.broadcast %select_n3A_2458 : f32 to vector<16xf32>
          %select_n3A_2590 = arith.select %eq3A_2556, %broadcast_in_dim3A_2589, %get3A_2588 : vector<16xi1>, vector<16xf32>
          %swap3A_2591 = arith.index_cast %mul3A_2552 : i32 to index
          %swap3A_2592 = tpu.vector_load %arg20[%swap3A_2591] {strides = array<i32>} : memref<512xf32, #tpu.memory_space<vmem>>, vector<16xf32>,
          %swap3A_2593 = vector.shape_cast %swap3A_2592 : vector<16xf32> to vector<16xf32>
          %swap3A_2594 = vector.shape_cast %select_n3A_2590 : vector<16xf32> to vector<16xf32>
          tpu.vector_store %arg20[%swap3A_2591], %swap3A_2594 {strides = array<i32>} : memref<512xf32, #tpu.memory_space<vmem>>, vector<16xf32>,
          %get3A_2595 = arith.index_cast %mul3A_2552 : i32 to index
          %get3A_2596 = tpu.vector_load %arg21[%get3A_2595] {strides = array<i32>} : memref<512xi32, #tpu.memory_space<vmem>>, vector<16xi32>,
          %get3A_2597 = vector.shape_cast %get3A_2596 : vector<16xi32> to vector<16xi32>
          %jit3A_2598 = arith.constant 0 : i32
          %broadcast_in_dim3A_2599 = vector.broadcast %jit3A_2598 : i32 to vector<16xi32>
          %select_n3A_2600 = arith.select %eq3A_2556, %broadcast_in_dim3A_2599, %get3A_2597 : vector<16xi1>, vector<16xi32>
          %swap3A_2601 = arith.index_cast %mul3A_2552 : i32 to index
          %swap3A_2602 = tpu.vector_load %arg21[%swap3A_2601] {strides = array<i32>} : memref<512xi32, #tpu.memory_space<vmem>>, vector<16xi32>,
          %swap3A_2603 = vector.shape_cast %swap3A_2602 : vector<16xi32> to vector<16xi32>
          %swap3A_2604 = vector.shape_cast %select_n3A_2600 : vector<16xi32> to vector<16xi32>
          tpu.vector_store %arg21[%swap3A_2601], %swap3A_2604 {strides = array<i32>} : memref<512xi32, #tpu.memory_space<vmem>>, vector<16xi32>,
        } else {
        }
        %jit3A_2491 = arith.constant 2 : i32
        %jit3A_2492 = arith.constant 1 : i32
        %select_n3A_2493 = arith.select %and3A_2479, %jit3A_2491, %jit3A_2492 : i32
        %jit3A_2494 = arith.constant 0 : i32
        %select_n3A_2495 = arith.select %gt3A_2465, %select_n3A_2493, %jit3A_2494 : i32
        %add3A_2496 = arith.addi %get3A_687, %select_n3A_2495 : i32
        %lt3A_2497 = arith.constant 512 : i32
        %lt3A_2498 = arith.cmpi slt, %add3A_2496, %lt3A_2497 : i32
        %jit3A_2499 = arith.constant 512 : i32
        %select_n3A_2500 = arith.select %lt3A_2498, %add3A_2496, %jit3A_2499 : i32
        %swap3A_2501 = arith.constant 0 : i32
        %swap3A_2502 = arith.index_cast %swap3A_2501 : i32 to index
        %swap3A_2503 = memref.load %arg22[%swap3A_2502] : memref<8xi32, #tpu.memory_space<smem>>
        memref.store %select_n3A_2500, %arg22[%swap3A_2502] : memref<8xi32, #tpu.memory_space<smem>>
        %select_n3A_2504 = arith.select %gt3A_2465, %select_n3A_2461, %scan3A_676 : f32
        %swap3A_2505 = arith.constant 0 : i32
        %swap3A_2506 = arith.index_cast %swap3A_2505 : i32 to index
        %swap3A_2507 = memref.load %arg23[%swap3A_2506] : memref<8xf32, #tpu.memory_space<smem>>
        memref.store %select_n3A_2504, %arg23[%swap3A_2506] : memref<8xf32, #tpu.memory_space<smem>>
        %select_n3A_2508 = arith.select %gt3A_2465, %select_n3A_2462, %scan3A_676 : f32
        %swap3A_2509 = arith.constant 1 : i32
        %swap3A_2510 = arith.index_cast %swap3A_2509 : i32 to index
        %swap3A_2511 = memref.load %arg23[%swap3A_2510] : memref<8xf32, #tpu.memory_space<smem>>
        memref.store %select_n3A_2508, %arg23[%swap3A_2510] : memref<8xf32, #tpu.memory_space<smem>>
        %select_n3A_2512 = arith.select %gt3A_2465, %select_n3A_2463, %scan3A_676 : f32
        %swap3A_2513 = arith.constant 2 : i32
        %swap3A_2514 = arith.index_cast %swap3A_2513 : i32 to index
        %swap3A_2515 = memref.load %arg23[%swap3A_2514] : memref<8xf32, #tpu.memory_space<smem>>
        memref.store %select_n3A_2512, %arg23[%swap3A_2514] : memref<8xf32, #tpu.memory_space<smem>>
        %select_n3A_2516 = arith.select %and3A_2479, %select_n3A_2456, %scan3A_676 : f32
        %swap3A_2517 = arith.constant 3 : i32
        %swap3A_2518 = arith.index_cast %swap3A_2517 : i32 to index
        %swap3A_2519 = memref.load %arg23[%swap3A_2518] : memref<8xf32, #tpu.memory_space<smem>>
        memref.store %select_n3A_2516, %arg23[%swap3A_2518] : memref<8xf32, #tpu.memory_space<smem>>
        %select_n3A_2520 = arith.select %and3A_2479, %select_n3A_2457, %scan3A_676 : f32
        %swap3A_2521 = arith.constant 4 : i32
        %swap3A_2522 = arith.index_cast %swap3A_2521 : i32 to index
        %swap3A_2523 = memref.load %arg23[%swap3A_2522] : memref<8xf32, #tpu.memory_space<smem>>
        memref.store %select_n3A_2520, %arg23[%swap3A_2522] : memref<8xf32, #tpu.memory_space<smem>>
        %select_n3A_2524 = arith.select %and3A_2479, %select_n3A_2458, %scan3A_676 : f32
        %swap3A_2525 = arith.constant 5 : i32
        %swap3A_2526 = arith.index_cast %swap3A_2525 : i32 to index
        %swap3A_2527 = memref.load %arg23[%swap3A_2526] : memref<8xf32, #tpu.memory_space<smem>>
        memref.store %select_n3A_2524, %arg23[%swap3A_2526] : memref<8xf32, #tpu.memory_space<smem>>
      } else {
      }
    }
    %scan3A_681 = arith.constant 512 : i32
    %eq3A = arith.constant 0 : i32
    %eq3A_682 = arith.cmpi eq, %arg1, %eq3A : i32
    %convert_element_type3A_683 = arith.extui %eq3A_682 : i1 to i32
    %cond3A = arith.constant 0 : i32
    %cond3A_684 = arith.cmpi ne, %convert_element_type3A_683, %cond3A : i32
    scf.if %cond3A_684 {
      "tpu.region"() ({
        %run_scoped3A = tpu.sem_alloc : memref<!tpu.dma_semaphore, #tpu.memory_space<semaphore_mem>>
        tpu.enqueue_dma source(%arg17 : memref<512xf32, #tpu.memory_space<vmem>>) target(%arg6 : memref<512xf32, #tpu.memory_space<hbm>>) target_semaphore(%run_scoped3A : memref<!tpu.dma_semaphore, #tpu.memory_space<semaphore_mem>>)
        tpu.wait_dma2 semaphore(%run_scoped3A : memref<!tpu.dma_semaphore, #tpu.memory_space<semaphore_mem>>) src(%arg17 : memref<512xf32, #tpu.memory_space<vmem>>) dst(%arg6 : memref<512xf32, #tpu.memory_space<hbm>>)
        tpu.yield
      }) : () -> ()
      "tpu.region"() ({
        %run_scoped3A = tpu.sem_alloc : memref<!tpu.dma_semaphore, #tpu.memory_space<semaphore_mem>>
        tpu.enqueue_dma source(%arg18 : memref<512xf32, #tpu.memory_space<vmem>>) target(%arg7 : memref<512xf32, #tpu.memory_space<hbm>>) target_semaphore(%run_scoped3A : memref<!tpu.dma_semaphore, #tpu.memory_space<semaphore_mem>>)
        tpu.wait_dma2 semaphore(%run_scoped3A : memref<!tpu.dma_semaphore, #tpu.memory_space<semaphore_mem>>) src(%arg18 : memref<512xf32, #tpu.memory_space<vmem>>) dst(%arg7 : memref<512xf32, #tpu.memory_space<hbm>>)
        tpu.yield
      }) : () -> ()
      "tpu.region"() ({
        %run_scoped3A = tpu.sem_alloc : memref<!tpu.dma_semaphore, #tpu.memory_space<semaphore_mem>>
        tpu.enqueue_dma source(%arg19 : memref<512xf32, #tpu.memory_space<vmem>>) target(%arg8 : memref<512xf32, #tpu.memory_space<hbm>>) target_semaphore(%run_scoped3A : memref<!tpu.dma_semaphore, #tpu.memory_space<semaphore_mem>>)
        tpu.wait_dma2 semaphore(%run_scoped3A : memref<!tpu.dma_semaphore, #tpu.memory_space<semaphore_mem>>) src(%arg19 : memref<512xf32, #tpu.memory_space<vmem>>) dst(%arg8 : memref<512xf32, #tpu.memory_space<hbm>>)
        tpu.yield
      }) : () -> ()
      "tpu.region"() ({
        %run_scoped3A = tpu.sem_alloc : memref<!tpu.dma_semaphore, #tpu.memory_space<semaphore_mem>>
        tpu.enqueue_dma source(%arg20 : memref<512xf32, #tpu.memory_space<vmem>>) target(%arg9 : memref<512xf32, #tpu.memory_space<hbm>>) target_semaphore(%run_scoped3A : memref<!tpu.dma_semaphore, #tpu.memory_space<semaphore_mem>>)
        tpu.wait_dma2 semaphore(%run_scoped3A : memref<!tpu.dma_semaphore, #tpu.memory_space<semaphore_mem>>) src(%arg20 : memref<512xf32, #tpu.memory_space<vmem>>) dst(%arg9 : memref<512xf32, #tpu.memory_space<hbm>>)
        tpu.yield
      }) : () -> ()
      "tpu.region"() ({
        %run_scoped3A = tpu.sem_alloc : memref<!tpu.dma_semaphore, #tpu.memory_space<semaphore_mem>>
        tpu.enqueue_dma source(%arg21 : memref<512xi32, #tpu.memory_space<vmem>>) target(%arg10 : memref<512xi32, #tpu.memory_space<hbm>>) target_semaphore(%run_scoped3A : memref<!tpu.dma_semaphore, #tpu.memory_space<semaphore_mem>>)
        tpu.wait_dma2 semaphore(%run_scoped3A : memref<!tpu.dma_semaphore, #tpu.memory_space<semaphore_mem>>) src(%arg21 : memref<512xi32, #tpu.memory_space<vmem>>) dst(%arg10 : memref<512xi32, #tpu.memory_space<hbm>>)
        tpu.yield
      }) : () -> ()
    } else {
    }
    return
  }
}

module attributes {stable_mosaic.version = 14 : i64} {
  func.func @_pre_body(%arg0: memref<168x128xf32, #tpu.memory_space<vmem>>, %arg1: memref<168x128xf32, #tpu.memory_space<vmem>>, %arg2: memref<168x128xf32, #tpu.memory_space<vmem>>, %arg3: memref<168x128xf32, #tpu.memory_space<vmem>>, %arg4: memref<168x128xf32, #tpu.memory_space<vmem>>, %arg5: memref<168x128xf32, #tpu.memory_space<vmem>>, %arg6: memref<168x128xf32, #tpu.memory_space<vmem>>, %arg7: memref<168x128xf32, #tpu.memory_space<vmem>>, %arg8: memref<168x128xf32, #tpu.memory_space<vmem>>, %arg9: memref<168x128xf32, #tpu.memory_space<vmem>>, %arg10: memref<168x128xf32, #tpu.memory_space<vmem>>, %arg11: memref<168x128xf32, #tpu.memory_space<vmem>>, %arg12: memref<168x128xf32, #tpu.memory_space<vmem>>, %arg13: memref<168x128xf32, #tpu.memory_space<vmem>>) attributes {dimension_semantics = [], scalar_prefetch = 0 : i64, scratch_operands = 0 : i64, tpu.core_type = #tpu.core_type<tc>} {
    %get3A = arith.constant 0 : index
    %get3A_0 = arith.constant 0 : index
    %get3A_1 = vector.load %arg0[%get3A, %get3A_0] : memref<168x128xf32, #tpu.memory_space<vmem>>, vector<168x128xf32>
    %get3A_2 = arith.constant 0 : index
    %get3A_3 = arith.constant 0 : index
    %get3A_4 = vector.load %arg1[%get3A_2, %get3A_3] : memref<168x128xf32, #tpu.memory_space<vmem>>, vector<168x128xf32>
    %max3A = arith.maximumf %get3A_1, %get3A_4 : vector<168x128xf32>
    %sub3A = arith.subf %get3A_1, %max3A : vector<168x128xf32>
    %exp3A = math.exp %sub3A : vector<168x128xf32>
    %sub3A_5 = arith.subf %get3A_4, %max3A : vector<168x128xf32>
    %exp3A_6 = math.exp %sub3A_5 : vector<168x128xf32>
    %add3A = arith.addf %exp3A, %exp3A_6 : vector<168x128xf32>
    %div3A = arith.divf %exp3A, %add3A : vector<168x128xf32>
    %get3A_7 = arith.constant 0 : index
    %get3A_8 = arith.constant 0 : index
    %get3A_9 = vector.load %arg2[%get3A_7, %get3A_8] : memref<168x128xf32, #tpu.memory_space<vmem>>, vector<168x128xf32>
    %add3A_10 = arith.constant 5.000000e-01 : f32
    %add3A_11 = vector.broadcast %add3A_10 : f32 to vector<168x128xf32>
    %add3A_12 = arith.addf %add3A_11, %get3A_9 : vector<168x128xf32>
    %get3A_13 = arith.constant 0 : index
    %get3A_14 = arith.constant 0 : index
    %get3A_15 = vector.load %arg5[%get3A_13, %get3A_14] : memref<168x128xf32, #tpu.memory_space<vmem>>, vector<168x128xf32>
    %get3A_16 = arith.constant 0 : index
    %get3A_17 = arith.constant 0 : index
    %get3A_18 = vector.load %arg3[%get3A_16, %get3A_17] : memref<168x128xf32, #tpu.memory_space<vmem>>, vector<168x128xf32>
    %add3A_19 = arith.addf %get3A_15, %get3A_18 : vector<168x128xf32>
    %get3A_20 = arith.constant 0 : index
    %get3A_21 = arith.constant 0 : index
    %get3A_22 = vector.load %arg6[%get3A_20, %get3A_21] : memref<168x128xf32, #tpu.memory_space<vmem>>, vector<168x128xf32>
    %get3A_23 = arith.constant 0 : index
    %get3A_24 = arith.constant 0 : index
    %get3A_25 = vector.load %arg4[%get3A_23, %get3A_24] : memref<168x128xf32, #tpu.memory_space<vmem>>, vector<168x128xf32>
    %add3A_26 = arith.addf %get3A_22, %get3A_25 : vector<168x128xf32>
    %gt3A = arith.constant 0.000000e+00 : f32
    %gt3A_27 = vector.broadcast %gt3A : f32 to vector<168x128xf32>
    %gt3A_28 = arith.cmpf ogt, %add3A_12, %gt3A_27 : vector<168x128xf32>
    %lt3A = arith.constant 1.000000e+00 : f32
    %lt3A_29 = vector.broadcast %lt3A : f32 to vector<168x128xf32>
    %lt3A_30 = arith.cmpf olt, %add3A_12, %lt3A_29 : vector<168x128xf32>
    %and3A = arith.andi %gt3A_28, %lt3A_30 : vector<168x128xi1>
    %gt3A_31 = arith.constant 0.000000e+00 : f32
    %gt3A_32 = vector.broadcast %gt3A_31 : f32 to vector<168x128xf32>
    %gt3A_33 = arith.cmpf ogt, %add3A_19, %gt3A_32 : vector<168x128xf32>
    %and3A_34 = arith.andi %and3A, %gt3A_33 : vector<168x128xi1>
    %get3A_35 = arith.constant 0 : index
    %get3A_36 = arith.constant 0 : index
    %get3A_37 = vector.load %arg7[%get3A_35, %get3A_36] : memref<168x128xf32, #tpu.memory_space<vmem>>, vector<168x128xf32>
    %lt3A_38 = arith.cmpf olt, %add3A_19, %get3A_37 : vector<168x128xf32>
    %and3A_39 = arith.andi %and3A_34, %lt3A_38 : vector<168x128xi1>
    %gt3A_40 = arith.constant 0.000000e+00 : f32
    %gt3A_41 = vector.broadcast %gt3A_40 : f32 to vector<168x128xf32>
    %gt3A_42 = arith.cmpf ogt, %add3A_26, %gt3A_41 : vector<168x128xf32>
    %and3A_43 = arith.andi %and3A_39, %gt3A_42 : vector<168x128xi1>
    %get3A_44 = arith.constant 0 : index
    %get3A_45 = arith.constant 0 : index
    %get3A_46 = vector.load %arg8[%get3A_44, %get3A_45] : memref<168x128xf32, #tpu.memory_space<vmem>>, vector<168x128xf32>
    %lt3A_47 = arith.cmpf olt, %add3A_26, %get3A_46 : vector<168x128xf32>
    %and3A_48 = arith.andi %and3A_43, %lt3A_47 : vector<168x128xi1>
    %gt3A_49 = arith.constant 2.000000e-01 : f32
    %gt3A_50 = vector.broadcast %gt3A_49 : f32 to vector<168x128xf32>
    %gt3A_51 = arith.cmpf ogt, %div3A, %gt3A_50 : vector<168x128xf32>
    %and3A_52 = arith.andi %and3A_48, %gt3A_51 : vector<168x128xi1>
    %jit3A = arith.constant -1.000000e+00 : f32
    %broadcast_in_dim3A = vector.broadcast %jit3A : f32 to vector<168x128xf32>
    %select_n3A = arith.select %and3A_52, %div3A, %broadcast_in_dim3A : vector<168x128xi1>, vector<168x128xf32>
    %swap3A = arith.constant 0 : index
    %swap3A_53 = arith.constant 0 : index
    %swap3A_54 = vector.load %arg10[%swap3A, %swap3A_53] : memref<168x128xf32, #tpu.memory_space<vmem>>, vector<168x128xf32>
    tpu.vector_store %arg10[%swap3A, %swap3A_53], %select_n3A {strides = array<i32>} : memref<168x128xf32, #tpu.memory_space<vmem>>, vector<168x128xf32>,
    %mul3A = arith.constant 5.000000e+00 : f32
    %mul3A_55 = vector.broadcast %mul3A : f32 to vector<168x128xf32>
    %mul3A_56 = arith.mulf %add3A_12, %mul3A_55 : vector<168x128xf32>
    %swap3A_57 = arith.constant 0 : index
    %swap3A_58 = arith.constant 0 : index
    %swap3A_59 = vector.load %arg11[%swap3A_57, %swap3A_58] : memref<168x128xf32, #tpu.memory_space<vmem>>, vector<168x128xf32>
    tpu.vector_store %arg11[%swap3A_57, %swap3A_58], %mul3A_56 {strides = array<i32>} : memref<168x128xf32, #tpu.memory_space<vmem>>, vector<168x128xf32>,
    %get3A_60 = arith.constant 0 : index
    %get3A_61 = arith.constant 0 : index
    %get3A_62 = vector.load %arg9[%get3A_60, %get3A_61] : memref<168x128xf32, #tpu.memory_space<vmem>>, vector<168x128xf32>
    %mul3A_63 = arith.mulf %add3A_19, %get3A_62 : vector<168x128xf32>
    %swap3A_64 = arith.constant 0 : index
    %swap3A_65 = arith.constant 0 : index
    %swap3A_66 = vector.load %arg12[%swap3A_64, %swap3A_65] : memref<168x128xf32, #tpu.memory_space<vmem>>, vector<168x128xf32>
    tpu.vector_store %arg12[%swap3A_64, %swap3A_65], %mul3A_63 {strides = array<i32>} : memref<168x128xf32, #tpu.memory_space<vmem>>, vector<168x128xf32>,
    %get3A_67 = arith.constant 0 : index
    %get3A_68 = arith.constant 0 : index
    %get3A_69 = vector.load %arg9[%get3A_67, %get3A_68] : memref<168x128xf32, #tpu.memory_space<vmem>>, vector<168x128xf32>
    %mul3A_70 = arith.mulf %add3A_26, %get3A_69 : vector<168x128xf32>
    %swap3A_71 = arith.constant 0 : index
    %swap3A_72 = arith.constant 0 : index
    %swap3A_73 = vector.load %arg13[%swap3A_71, %swap3A_72] : memref<168x128xf32, #tpu.memory_space<vmem>>, vector<168x128xf32>
    tpu.vector_store %arg13[%swap3A_71, %swap3A_72], %mul3A_70 {strides = array<i32>} : memref<168x128xf32, #tpu.memory_space<vmem>>, vector<168x128xf32>,
    return
  }
}

</mosaic_0001>

<sc_bundles>
// kernel: kernel.4.cloned.1.call-start
scs
__scs_entry_jumppad:
0x0: {  	(pc) =	sbr.rel $0x88, $3  }
0x1: {  	(tag) =	ssettag $0x0;
	lr =	simm.s32 $0x1  }
0x2: {  	[smem:$0x3F9B] =	sst lr;
	_ =	strace $0xD0000000  }
0x3: {  	_ = 	snop  }
0x4: {  	_ = 	snop  }
0x5: {  	_ = 	snop  }
0x6: {  	_ = 	snop  }
0x7: {  	_ = 	snop  }
__scs_overlays_trampoline_lowered:
0x8: {  	[smem:$0x3FAA] =	sst s0  }
0x9: {  	[smem:$0x3FAB] =	sst s1  }
0xa: {  	[smem:$0x3FAC] =	sst s2  }
0xb: {  	[smem:$0x3FAD] =	sst s3  }
0xc: {  	[smem:$0x3FAE] =	sst s4  }
0xd: {  	[smem:$0x3FAF] =	sst s5  }
0xe: {  	[smem:$0x3FB0] =	sst s6  }
0xf: {  	[smem:$0x3FB1] =	sst s7  }
0x10: {  	[smem:$0x3FB2] =	sst s8  }
0x11: {  	[smem:$0x3FB3] =	sst s9;
	s0 =	simm.s32 @!p0 $0x0  }
0x12: {  	s1 =	sld [smem:$0x3F99];
	s0 =	simm.s32 @p0 $0x1  }
0x13: {  	[smem:$0x3FB4] =	sst s0;
	s0 =	simm.s32 @!p1 $0x0  }
0x14: {  	s2 =	sld [smem:$0x3F98];
	s0 =	simm.s32 @p1 $0x1  }
0x15: {  	[smem:$0x3FB5] =	sst s0;
	s0 =	simm.s32 @!p2 $0x0  }
0x16: {  	s3 =	sld [smem:$0x3FDB];
	s0 =	simm.s32 @p2 $0x1  }
0x17: {  	s4 =	simm.s32 $0x1BF5;
	[smem:$0x3FB7] =	sst s0  }
0x18: {  	s0 =	sld [smem:$0x3F9A];
	_ =	swait.ge [sflag:s4], $0x0  }
0x19: {  	s7 =	sld [smem:$0x3F9B]  }
0x1a: {  	s8 =	sadd.s32 $0xFFFFE003, lr  }
0x1b: {  	s9 =	sadd.s32 $0xFFFFFEF7, lr;
	s5 =	simm.s32 $0xFFFFFFFF;
	p2 =	slt.u32 s8, $0xFFFFF086  }
0x1c: {  	p1 =	slt.u32 s9, $0xF7A;
	s5 =	simm.s32 @!p2 $0x0  }
0x1d: {  	s5 =	simm.s32 @p1 $0x1;
	p0 =	seq.s32 s7, s2  }
0x1e: {  	s7 =	smul.u32 @!p0 $0xF7A, s2;
	p2 =	seq.s32 @!p0 s5, $0x0  }
0x1f: {  	s9 =	smul.u32 $0xF7A, s1;
	s8 =	simm.s32 @!p0 $0x1BF5;
	p2 =	por !p2, p0  }
0x20: {  	[sflag:s8] =	ssyncset.s32 @!p0 $0xFFFFF086;
	s6 =	sadd.s32 @!p0 s3, s7;
	s7 =	simm.s32 @!p0 $0x108  }
0x21: {  	s3 =	sadd.s32 s3, s9;
	s6 =	sadd.s32 @!p0 $0x88, s6;
	s7 =	simm.s32 @p2 $0x1082  }
0x22: {  	[simem:s7], [sflag:s8] =	dma.local @!p0 [hbm:s6], $0xF7A  }
0x23: {  	s9 =	sor.u32 $0xD0000000, s2;
	s6 =	simm.s32 $0x108;
	_ =	swait.ge @!p0 [sflag:s8], $0x0  }
0x24: {  	s3 =	sadd.s32 $0x88, s3;
	s6 =	simm.s32 @!p1 $0x1082;
	[sflag:s4] =	ssyncset.s32 $0xFFFFF086  }
0x25: {  	[simem:s6], [sflag:s4] =	dma.local [hbm:s3], $0xF7A  }
0x26: {  	[smem:$0x3F9B] =	sst s1;
	(tag) =	ssettag s2;
	_ =	strace s9  }
0x27: {  	s1 =	sld [smem:$0x3FAB]  }
0x28: {  	s2 =	sld [smem:$0x3FAC]  }
0x29: {  	s4 =	sld [smem:$0x3FAE]  }
0x2a: {  	p0 =	seq.s32 s5, $0x0;
	s5 =	sld [smem:$0x3FAF]  }
0x2b: {  	s6 =	sld [smem:$0x3FB0]  }
0x2c: {  	s7 =	sld [smem:$0x3FB1]  }
0x2d: {  	s3 =	simm.s32 $0x108;
	s8 =	sld [smem:$0x3FB2]  }
0x2e: {  	s3 =	simm.s32 @!p0 $0x1082;
	s9 =	sld [smem:$0x3FB3]  }
0x2f: {  	lr =	sadd.s32 s0, s3;
	s0 =	sld [smem:$0x3FAA]  }
0x30: {  	s3 =	sld [smem:$0x3FAD]  }
0x31: {  	[smem:$0x3FB6] =	sst s10  }
0x32: {  	s10 =	sld [smem:$0x3FB4];
	_ =	sdelay $0x3  }
0x33: {  	p0 =	seq.s32 s10, $0x1;
	s10 =	sld [smem:$0x3FB6];
	_ =	sdelay $0x3  }
0x34: {  	[smem:$0x3FB6] =	sst s10  }
0x35: {  	s10 =	sld [smem:$0x3FB5];
	_ =	sdelay $0x3  }
0x36: {  	p1 =	seq.s32 s10, $0x1;
	s10 =	sld [smem:$0x3FB6];
	_ =	sdelay $0x3  }
0x37: {  	[smem:$0x3FB6] =	sst s10  }
0x38: {  	s10 =	sld [smem:$0x3FB7]  }
0x39: {  	_ = 	snop;
	(pc) =	sbr.ind lr, $3  }
0x3a: {  	_ = 	snop  }
0x3b: {  	_ = 	snop  }
0x3c: {  	p2 =	seq.s32 s10, $0x1;
	s10 =	sld [smem:$0x3FB6]  }
0x3d: {  	_ =	shalt  }
0x3e: {  	_ =	shalt  }
0x3f: {  	_ =	shalt  }
0x40: {  	_ =	shalt  }
0x41: {  	_ =	shalt  }
0x42: {  	_ =	shalt  }
0x43: {  	_ =	shalt  }
0x44: {  	_ =	shalt  }
0x45: {  	_ =	shalt  }
0x46: {  	_ =	shalt  }
0x47: {  	_ =	shalt  }
0x48: {  	_ =	shalt  }
0x49: {  	_ =	shalt  }
0x4a: {  	_ =	shalt  }
0x4b: {  	_ =	shalt  }
0x4c: {  	_ =	shalt  }
0x4d: {  	_ =	shalt  }
0x4e: {  	_ =	shalt  }
0x4f: {  	_ =	shalt  }
0x50: {  	_ =	shalt  }
0x51: {  	_ =	shalt  }
0x52: {  	_ =	shalt  }
0x53: {  	_ =	shalt  }
0x54: {  	_ =	shalt  }
0x55: {  	_ =	shalt  }
0x56: {  	_ =	shalt  }
0x57: {  	_ =	shalt  }
0x58: {  	_ =	shalt  }
0x59: {  	_ =	shalt  }
0x5a: {  	_ =	shalt  }
0x5b: {  	_ =	shalt  }
0x5c: {  	_ =	shalt  }
0x5d: {  	_ =	shalt  }
0x5e: {  	_ =	shalt  }
0x5f: {  	_ =	shalt  }
0x60: {  	_ =	shalt  }
0x61: {  	_ =	shalt  }
0x62: {  	_ =	shalt  }
0x63: {  	_ =	shalt  }
0x64: {  	_ =	shalt  }
0x65: {  	_ =	shalt  }
0x66: {  	_ =	shalt  }
0x67: {  	_ =	shalt  }
0x68: {  	_ =	shalt  }
0x69: {  	_ =	shalt  }
0x6a: {  	_ =	shalt  }
0x6b: {  	_ =	shalt  }
0x6c: {  	_ =	shalt  }
0x6d: {  	_ =	shalt  }
0x6e: {  	_ =	shalt  }
0x6f: {  	_ =	shalt  }
0x70: {  	_ =	shalt  }
0x71: {  	_ =	shalt  }
0x72: {  	_ =	shalt  }
0x73: {  	_ =	shalt  }
0x74: {  	_ =	shalt  }
0x75: {  	_ =	shalt  }
0x76: {  	_ =	shalt  }
0x77: {  	_ =	shalt  }
0x78: {  	_ =	shalt  }
0x79: {  	_ =	shalt  }
0x7a: {  	_ =	shalt  }
0x7b: {  	_ =	shalt  }
0x7c: {  	_ =	shalt  }
0x7d: {  	_ =	shalt  }
0x7e: {  	_ =	shalt  }
0x7f: {  	_ =	shalt  }
0x80: {  	_ =	shalt  }
0x81: {  	_ =	shalt  }
0x82: {  	_ =	shalt  }
0x83: {  	_ =	shalt  }
0x84: {  	_ =	shalt  }
0x85: {  	_ =	shalt  }
0x86: {  	_ =	shalt  }
0x87: {  	_ =	shalt  }
.Lfunc_end0:
.L_simem_size_0:
called_computation_lowered:
.L_overlay_start_0:
0x88: {  	s0 =	sld [smem:$0x3FD9]  }
0x89: {  	s1 =	sld [smem:$0x3FFE];
	_ =	sdelay $0x3  }
0x8a: {  	s0 =	sadd.s32 s1, s0  }
0x8b: {  	[smem:$0x3FC2] =	sst s0  }
0x8c: {  	_ = 	snop  }
0x8d: {  	s0 =	sld [smem:$0x3FD0];
	_ =	sdelay $0x2  }
0x8e: {  	s13 =	simm.s32 $0xA;
	s2 =	simm.s32 $0x10  }
0x8f: {  	[smem:s2], [sflag:s13] =	dma.local [hbm:s0], $0x1  }
0x90: {  	_ =	swait.eq [sflag:s13], $0x1  }
0x91: {  	s14 =	sld [smem:$0x10];
	[sflag:s13] =	ssyncset.done $0x0  }
0x92: {  	s15 =	sld [smem:$0x11];
	[sflag:s13] =	ssyncadd.s32 $0xFFFFFFFF  }
0x93: {  	s16 =	sld [smem:$0x12];
	(tm) =	ssettm $0x1  }
0x94: {  	s3 =	sld [smem:$0x3FFB];
	_ =	sdelay $0x3  }
0x95: {  	_ =	strace s3  }
0x96: {  	s3 =	sld [smem:$0x3FFC];
	_ =	sdelay $0x3  }
0x97: {  	_ =	strace s3  }
0x98: {  	s3 =	sld [smem:$0x3FFD];
	_ =	sdelay $0x3  }
0x99: {  	_ =	strace s3  }
0x9a: {  	_ =	strace $0x8FFFFFFF  }
0x9b: {  	s17 =	sld [smem:$0x3FDB];
	_ =	sdelay $0x1  }
0x9c: {  	s4 =	simm.s32 $_scs_section_size  }
0x9d: {  	s5 =	simm.s32 $_size__tile_overlayer_lowered;
	s6 =	simm.s32 $_tile_overlayer_lowered  }
0x9e: {  	s20 =	simm.s32 $0x1BFF;
	s19 =	sshll.u32 s6, $0x1;
	s3 =	sadd.s32 s4, s17  }
0x9f: {  	s7 =	simm.s32 $0x0;
	s18 =	sshll.u32 s5, $0x1;
	s5 =	sadd.s32 s19, s3  }
0xa0: {  	[timem:s7], [sflag:s20] =	dma.local [hbm:s5], s18  }
0xa1: {  	_ =	swait.ge [sflag:s20], s18  }
0xa2: {  	s4 =	ssub.s32 $0x0, s18;
	[sflag:s20] =	ssyncset.done $0x0  }
0xa3: {  	[sflag:s20] =	ssyncadd.s32 s4;
	_ =	sdelay $0x1  }
0xa4: {  	s21 =	simm.s32 $0x1B8B  }
0xa5: {  	_ =	swait.ge [sflag:s21], $0x1  }
0xa6: {  	[sflag:s21] =	ssyncset.done $0x0  }
0xa7: {  	s23 =	simm.s32 $0x1B8E;
	s22 =	sld [smem:$0x3FFE];
	[sflag:s21] =	ssyncadd.s32 $0xFFFFFFFF  }
0xa8: {  	s24 =	simm.s32 $execute0_lowered;
	[smem:$0x3FD2] =	sst s23  }
0xa9: {  	s5 =	sshll.u32 s24, $0x1;
	_ =	strace $0x80000046;
	[dreg:$0x1] =	wrdreg $0xFFFFFFFF  }
0xaa: {  	s25 =	simm.s32 $_size_execute0_lowered;
	s3 =	sadd.s32 s3, s5;
	[dreg:$0x0] =	wrdreg $0x0  }
0xab: {  	s5 =	sshll.u32 s25, $0x1;
	[dreg:$0x2] =	wrdreg s3  }
0xac: {  	[dreg:$0x3] =	wrdreg s5  }
0xad: {  	[dreg:$0x4] =	wrdreg $0xC0  }
0xae: {  	_ =	task [dreg:s7], $0x5FFFF  }
0xaf: {  	[dreg:$0x1] =	wrdreg $0xFFFFFFFF  }
0xb0: {  	[dreg:$0x0] =	wrdreg $0x60  }
0xb1: {  	[dreg:$0x2] =	wrdreg s22  }
0xb2: {  	[dreg:$0x3] =	wrdreg s14  }
0xb3: {  	[dreg:$0x4] =	wrdreg s15  }
0xb4: {  	[dreg:$0x5] =	wrdreg s16  }
0xb5: {  	[dreg:$0x6] =	wrdreg $0x21800  }
0xb6: {  	[dreg:$0x7] =	wrdreg $0x9  }
0xb7: {  	_ =	task.clear_ibuf [dreg:s7], $0x8FFFF;
	_ =	strace $0x90000046  }
0xb8: {  	s26 =	simm.s32 $0x9;
	_ =	strace $0x80000048  }
0xb9: {  	_ =	swait.ge [sflag:s26], $0x1  }
0xba: {  	[sflag:s26] =	ssyncadd.s32 $0xFFFFFFFF  }
0xbb: {  	_ =	strace $0x90000048  }
0xbc: {  	_ =	sfence  }
0xbd: {  	s28 =	sld [smem:$0x0];
	_ =	sdelay $0x1  }
0xbe: {  	s29 =	srdreg.scid  }
0xbf: {  	s30 =	sshll.u32 s29, $0xD;
	s31 =	sshrl.u32 s29, $0x2  }
0xc0: {  	s1 =	sand.u32 $0x1, s29;
	s2 =	sand.u32 $0x4000, s30;
	s0 =	sadd.s32 s31, s28  }
0xc1: {  	s1 =	sor.u32 s2, s1;
	s0 =	sshll.u32 s0, $0x11  }
0xc2: {  	s0 =	sor.u32 s0, s1  }
0xc3: {  	s0 =	sadd.s32 $0x8F2B, s0  }
0xc4: {  	[sflag:s0] =	ssyncadd.remote.s32 $0x1  }
0xc5: {  	_ =	sfence.sel $0xFFFF  }
0xc6: {  	[dreg:$0x0] =	wrdreg $0xFFFFFFFF;
	(pc) =	sbr.abs _section_cstart, $3  }
0xc7: {  	[dreg:$0x1] =	wrdreg $0xFFFFFFFF  }
0xc8: {  	_ =	task.clear_ibuf [dreg:s7], $0x2FFFF;
	_ =	strace $0x9FFFFFFF  }
0xc9: {  	(tm) =	ssettm $0x7FFFFFFF  }
tec
execute0_lowered:
.L_overlay_start_1:
0x0: {  	(tag) =	ssettag $0x1  }
0x1: {  	s4 =	stileid.u32  }
0x2: {  	s0 =	rddreg [dreg:$0x0];
	s1 =	smul.u32 $0x540, s4  }
0x3: {  	s5 =	rddreg [dreg:$0x4]  }
0x4: {  	s6 =	simm.s32 $0x0;
	[dreg:$0x6] =	wrdreg s1;
	s1 =	sshrl.u32 s1, $0x3  }
0x5: {  	[smem:$0x7FF] =	sst s6;
	s1 =	sadd.s32 s1, s0  }
0x6: {  	s7 =	simm.s32 $0x1;
	_ =	strace $0x80000047;
	s2 =	sadd.s32 $0x2400, s1  }
0x7: {  	[tilespmem:s6], [sflag:$0x1] =	stream.linear.gather [hbm4b:s2+s6], $0x540, $0x38;
	[tilespmem:$0x21A0] =	vst v63  }
0x8: {  	_ =	swait.ge [sflag:s7], $0x540  }
0x9: {  	[sflag:s7] =	ssyncset.done $0x0  }
0xa: {  	s3 =	simm.s32 $0x580;
	s22 =	sadd.s32 $0x3000, s1;
	[sflag:s7] =	ssyncadd.s32 $0xFFFFFAC0  }
0xb: {  	[tilespmem:s3], [sflag:$0x1] =	stream.linear.gather [hbm4b:s22+s6], $0x540, $0x38;
	[tilespmem:$0x21A0] =	vst v63  }
0xc: {  	_ =	swait.ge [sflag:s7], $0x540  }
0xd: {  	[sflag:s7] =	ssyncset.done $0x0  }
0xe: {  	s24 =	simm.s32 $0xB00;
	s23 =	sadd.s32 $0x3C00, s1;
	[sflag:s7] =	ssyncadd.s32 $0xFFFFFAC0  }
0xf: {  	[tilespmem:s24], [sflag:$0x1] =	stream.linear.gather [hbm4b:s23+s6], $0x540, $0x38;
	[tilespmem:$0x21A0] =	vst v63  }
0x10: {  	_ =	swait.ge [sflag:s7], $0x540  }
0x11: {  	[sflag:s7] =	ssyncset.done $0x0  }
0x12: {  	s25 =	simm.s32 $0x1080;
	s1 =	sadd.s32 $0x4800, s1;
	[sflag:s7] =	ssyncadd.s32 $0xFFFFFAC0  }
0x13: {  	[tilespmem:s25], [sflag:$0x1] =	stream.linear.gather [hbm4b:s1+s6], $0x540, $0x38;
	[tilespmem:$0x21A0] =	vst v63  }
0x14: {  	_ =	swait.ge [sflag:s7], $0x540  }
0x15: {  	[sflag:s7] =	ssyncset.done $0x0  }
0x16: {  	v2 =	vimm.f32 $-1.000000000e+00;
	[sflag:s7] =	ssyncadd.s32 $0xFFFFFAC0  }
0x17: {  	v1 =	vimm.f32 $0.0e+00;
	[tilespmem:$0x1780] =	vst v2  }
0x18: {  	[tilespmem:$0x1980] =	vst v1  }
0x19: {  	[tilespmem:$0x1B80] =	vst v1  }
0x1a: {  	v0 =	vimm.s32 $0xFFFFFFFF;
	[tilespmem:$0x1D80] =	vst v1  }
0x1b: {  	[tilespmem:$0x1F80] =	vst v0  }
0x1c: {  	[tilespmem:$0x1790] =	vst v2  }
0x1d: {  	[tilespmem:$0x1990] =	vst v1  }
0x1e: {  	[tilespmem:$0x1B90] =	vst v1  }
0x1f: {  	[tilespmem:$0x1D90] =	vst v1  }
0x20: {  	[tilespmem:$0x1F90] =	vst v0  }
0x21: {  	[tilespmem:$0x17A0] =	vst v2  }
0x22: {  	[tilespmem:$0x19A0] =	vst v1  }
0x23: {  	[tilespmem:$0x1BA0] =	vst v1  }
0x24: {  	[tilespmem:$0x1DA0] =	vst v1  }
0x25: {  	[tilespmem:$0x1FA0] =	vst v0  }
0x26: {  	[tilespmem:$0x17B0] =	vst v2  }
0x27: {  	[tilespmem:$0x19B0] =	vst v1  }
0x28: {  	[tilespmem:$0x1BB0] =	vst v1  }
0x29: {  	[tilespmem:$0x1DB0] =	vst v1  }
0x2a: {  	[tilespmem:$0x1FB0] =	vst v0  }
0x2b: {  	[tilespmem:$0x17C0] =	vst v2  }
0x2c: {  	[tilespmem:$0x19C0] =	vst v1  }
0x2d: {  	[tilespmem:$0x1BC0] =	vst v1  }
0x2e: {  	[tilespmem:$0x1DC0] =	vst v1  }
0x2f: {  	[tilespmem:$0x1FC0] =	vst v0  }
0x30: {  	[tilespmem:$0x17D0] =	vst v2  }
0x31: {  	[tilespmem:$0x19D0] =	vst v1  }
0x32: {  	[tilespmem:$0x1BD0] =	vst v1  }
0x33: {  	[tilespmem:$0x1DD0] =	vst v1  }
0x34: {  	[tilespmem:$0x1FD0] =	vst v0  }
0x35: {  	[tilespmem:$0x17E0] =	vst v2  }
0x36: {  	[tilespmem:$0x19E0] =	vst v1  }
0x37: {  	[tilespmem:$0x1BE0] =	vst v1  }
0x38: {  	[tilespmem:$0x1DE0] =	vst v1  }
0x39: {  	[tilespmem:$0x1FE0] =	vst v0  }
0x3a: {  	[tilespmem:$0x17F0] =	vst v2  }
0x3b: {  	[tilespmem:$0x19F0] =	vst v1  }
0x3c: {  	[tilespmem:$0x1BF0] =	vst v1  }
0x3d: {  	[tilespmem:$0x1DF0] =	vst v1  }
0x3e: {  	[tilespmem:$0x1FF0] =	vst v0  }
0x3f: {  	[tilespmem:$0x1800] =	vst v2  }
0x40: {  	[tilespmem:$0x1A00] =	vst v1  }
0x41: {  	[tilespmem:$0x1C00] =	vst v1  }
0x42: {  	[tilespmem:$0x1E00] =	vst v1  }
0x43: {  	[tilespmem:$0x2000] =	vst v0  }
0x44: {  	[tilespmem:$0x1810] =	vst v2  }
0x45: {  	[tilespmem:$0x1A10] =	vst v1  }
0x46: {  	[tilespmem:$0x1C10] =	vst v1  }
0x47: {  	[tilespmem:$0x1E10] =	vst v1  }
0x48: {  	[tilespmem:$0x2010] =	vst v0  }
0x49: {  	[tilespmem:$0x1820] =	vst v2  }
0x4a: {  	[tilespmem:$0x1A20] =	vst v1  }
0x4b: {  	[tilespmem:$0x1C20] =	vst v1  }
0x4c: {  	[tilespmem:$0x1E20] =	vst v1  }
0x4d: {  	[tilespmem:$0x2020] =	vst v0  }
0x4e: {  	[tilespmem:$0x1830] =	vst v2  }
0x4f: {  	[tilespmem:$0x1A30] =	vst v1  }
0x50: {  	[tilespmem:$0x1C30] =	vst v1  }
0x51: {  	[tilespmem:$0x1E30] =	vst v1  }
0x52: {  	[tilespmem:$0x2030] =	vst v0  }
0x53: {  	[tilespmem:$0x1840] =	vst v2  }
0x54: {  	[tilespmem:$0x1A40] =	vst v1  }
0x55: {  	[tilespmem:$0x1C40] =	vst v1  }
0x56: {  	[tilespmem:$0x1E40] =	vst v1  }
0x57: {  	[tilespmem:$0x2040] =	vst v0  }
0x58: {  	[tilespmem:$0x1850] =	vst v2  }
0x59: {  	[tilespmem:$0x1A50] =	vst v1  }
0x5a: {  	[tilespmem:$0x1C50] =	vst v1  }
0x5b: {  	[tilespmem:$0x1E50] =	vst v1  }
0x5c: {  	[tilespmem:$0x2050] =	vst v0  }
0x5d: {  	[tilespmem:$0x1860] =	vst v2  }
0x5e: {  	[tilespmem:$0x1A60] =	vst v1  }
0x5f: {  	[tilespmem:$0x1C60] =	vst v1  }
0x60: {  	[tilespmem:$0x1E60] =	vst v1  }
0x61: {  	[tilespmem:$0x2060] =	vst v0  }
0x62: {  	[tilespmem:$0x1870] =	vst v2  }
0x63: {  	[tilespmem:$0x1A70] =	vst v1  }
0x64: {  	[tilespmem:$0x1C70] =	vst v1  }
0x65: {  	[tilespmem:$0x1E70] =	vst v1  }
0x66: {  	[tilespmem:$0x2070] =	vst v0  }
0x67: {  	[tilespmem:$0x1880] =	vst v2  }
0x68: {  	[tilespmem:$0x1A80] =	vst v1  }
0x69: {  	[tilespmem:$0x1C80] =	vst v1  }
0x6a: {  	[tilespmem:$0x1E80] =	vst v1  }
0x6b: {  	[tilespmem:$0x2080] =	vst v0  }
0x6c: {  	[tilespmem:$0x1890] =	vst v2  }
0x6d: {  	[tilespmem:$0x1A90] =	vst v1  }
0x6e: {  	[tilespmem:$0x1C90] =	vst v1  }
0x6f: {  	[tilespmem:$0x1E90] =	vst v1  }
0x70: {  	[tilespmem:$0x2090] =	vst v0  }
0x71: {  	[tilespmem:$0x18A0] =	vst v2  }
0x72: {  	[tilespmem:$0x1AA0] =	vst v1  }
0x73: {  	[tilespmem:$0x1CA0] =	vst v1  }
0x74: {  	[tilespmem:$0x1EA0] =	vst v1  }
0x75: {  	[tilespmem:$0x20A0] =	vst v0  }
0x76: {  	[tilespmem:$0x18B0] =	vst v2  }
0x77: {  	[tilespmem:$0x1AB0] =	vst v1  }
0x78: {  	[tilespmem:$0x1CB0] =	vst v1  }
0x79: {  	[tilespmem:$0x1EB0] =	vst v1  }
0x7a: {  	[tilespmem:$0x20B0] =	vst v0  }
0x7b: {  	[tilespmem:$0x18C0] =	vst v2  }
0x7c: {  	[tilespmem:$0x1AC0] =	vst v1  }
0x7d: {  	[tilespmem:$0x1CC0] =	vst v1  }
0x7e: {  	[tilespmem:$0x1EC0] =	vst v1  }
0x7f: {  	[tilespmem:$0x20C0] =	vst v0  }
0x80: {  	[tilespmem:$0x18D0] =	vst v2  }
0x81: {  	[tilespmem:$0x1AD0] =	vst v1  }
0x82: {  	[tilespmem:$0x1CD0] =	vst v1  }
0x83: {  	[tilespmem:$0x1ED0] =	vst v1  }
0x84: {  	[tilespmem:$0x20D0] =	vst v0  }
0x85: {  	[tilespmem:$0x18E0] =	vst v2  }
0x86: {  	[tilespmem:$0x1AE0] =	vst v1  }
0x87: {  	[tilespmem:$0x1CE0] =	vst v1  }
0x88: {  	[tilespmem:$0x1EE0] =	vst v1  }
0x89: {  	[tilespmem:$0x20E0] =	vst v0  }
0x8a: {  	[tilespmem:$0x18F0] =	vst v2  }
0x8b: {  	[tilespmem:$0x1AF0] =	vst v1  }
0x8c: {  	[tilespmem:$0x1CF0] =	vst v1  }
0x8d: {  	[tilespmem:$0x1EF0] =	vst v1  }
0x8e: {  	[tilespmem:$0x20F0] =	vst v0  }
0x8f: {  	[tilespmem:$0x1900] =	vst v2  }
0x90: {  	[tilespmem:$0x1B00] =	vst v1  }
0x91: {  	[tilespmem:$0x1D00] =	vst v1  }
0x92: {  	[tilespmem:$0x1F00] =	vst v1  }
0x93: {  	[tilespmem:$0x2100] =	vst v0  }
0x94: {  	[tilespmem:$0x1910] =	vst v2  }
0x95: {  	[tilespmem:$0x1B10] =	vst v1  }
0x96: {  	[tilespmem:$0x1D10] =	vst v1  }
0x97: {  	[tilespmem:$0x1F10] =	vst v1  }
0x98: {  	[tilespmem:$0x2110] =	vst v0  }
0x99: {  	[tilespmem:$0x1920] =	vst v2  }
0x9a: {  	[tilespmem:$0x1B20] =	vst v1  }
0x9b: {  	[tilespmem:$0x1D20] =	vst v1  }
0x9c: {  	[tilespmem:$0x1F20] =	vst v1  }
0x9d: {  	[tilespmem:$0x2120] =	vst v0  }
0x9e: {  	[tilespmem:$0x1930] =	vst v2  }
0x9f: {  	[tilespmem:$0x1B30] =	vst v1  }
0xa0: {  	[tilespmem:$0x1D30] =	vst v1  }
0xa1: {  	[tilespmem:$0x1F30] =	vst v1  }
0xa2: {  	[tilespmem:$0x1940] =	vst v2  }
0xa3: {  	[tilespmem:$0x1B40] =	vst v1  }
0xa4: {  	[tilespmem:$0x1D40] =	vst v1  }
0xa5: {  	[tilespmem:$0x1950] =	vst v2  }
0xa6: {  	[tilespmem:$0x1960] =	vst v2  }
0xa7: {  	vm0 =	vcmask $0x300;
	[tilespmem:$0x1970] =	vst v2;
	v2 =	vimm.f32 $1.500000000e+01  }
0xa8: {  	vm1 =	vcmask $0x704;
	[tilespmem:$0x1F40] =	vst v1;
	v2 =	vsel vm0, $0x0, v2  }
0xa9: {  	vm2 =	vcmask $0xB08;
	[tilespmem:$0x1B50] =	vst v1;
	v2 =	vsel vm1, $0x3F800000, v2  }
0xaa: {  	vm3 =	vcmask $0xF0C;
	[tilespmem:$0x1D50] =	vst v1;
	v2 =	vsel vm2, $0x40000000, v2  }
0xab: {  	vm4 =	vcmask $0x1310;
	[tilespmem:$0x1F50] =	vst v1;
	v2 =	vsel vm3, $0x40400000, v2  }
0xac: {  	vm5 =	vcmask $0x1714;
	s28 =	sadd.s32 $0x5600, s0;
	[tilespmem:$0x1B60] =	vst v1;
	v2 =	vsel vm4, $0x40800000, v2  }
0xad: {  	vm6 =	vcmask $0x1B18;
	s29 =	sshll.u32 s4, $0x4;
	s0 =	sadd.s32 $0x5400, s0;
	[dreg:$0x8] =	wrdreg s28;
	[tilespmem:$0x1D60] =	vst v1;
	v2 =	vsel vm5, $0x40A00000, v2  }
0xae: {  	vm7 =	vcmask $0x1F1C;
	s31 =	sadd.s32 s29, s5;
	[dreg:$0x9] =	wrdreg s0;
	[tilespmem:$0x1F60] =	vst v1;
	v2 =	vsel vm6, $0x40C00000, v2  }
0xaf: {  	vm8 =	vcmask $0x2320;
	[dreg:$0xa] =	wrdreg s31;
	[tilespmem:$0x1B70] =	vst v1;
	v2 =	vsel vm7, $0x40E00000, v2  }
0xb0: {  	s26 =	simm.s32 $0x4E6E6B28;
	vm9 =	vcmask $0x2724;
	[smem:$0x0] =	sst s6;
	[tilespmem:$0x1D70] =	vst v1;
	v2 =	vsel vm8, $0x41000000, v2  }
0xb1: {  	vm10 =	vcmask $0x2B28;
	[tilespmem:$0x1F70] =	vst v1;
	[smem:$0x80] =	sst s26;
	v1 =	vsel vm9, $0x41100000, v2  }
.Ltmp0:
0xb2: {  	[tilespmem:$0x2130] =	vst v0;
	[smem:$0x81] =	sst s26;
	v1 =	vsel vm10, $0x41200000, v1;
	vm10 =	vcmask $0x2F2C;
	(pc) =	sbr.rel .LBB2_1-.Ltmp0, $4  }
0xb3: {  	[tilespmem:$0x2140] =	vst v0;
	[smem:$0x82] =	sst s26;
	v1 =	vsel vm10, $0x41300000, v1;
	vm10 =	vcmask $0x3330  }
0xb4: {  	s30 =	simm.f32 $1.000000000e+09;
	s14 =	simm.f32 $1.000000000e+09;
	[tilespmem:$0x2150] =	vst v0;
	[smem:$0x83] =	sst s26;
	v1 =	vsel vm10, $0x41400000, v1;
	vm10 =	vcmask $0x3734  }
0xb5: {  	s2 =	simm.f32 $1.000000000e+09;
	s3 =	simm.f32 $1.000000000e+09;
	[tilespmem:$0x2160] =	vst v0;
	[smem:$0x84] =	sst s26;
	v1 =	vsel vm10, $0x41500000, v1;
	vm10 =	vcmask $0x3B38  }
0xb6: {  	s1 =	simm.f32 $1.000000000e+09;
	s0 =	simm.f32 $1.000000000e+09;
	[tilespmem:$0x2170] =	vst v0;
	[smem:$0x85] =	sst s26;
	v0 =	vsel vm10, $0x41600000, v1;
	v1 =	vlaneseq.u32  }
.LBB2_6:
0xb7: {  	s4 =	simm.s32 $0x2  }
0xb8: {  	s4 =	simm.s32 @!p0 $0x1  }
0xb9: {  	s4 =	simm.s32 @!p1 $0x0  }
0xba: {  	s4 =	sadd.s32 s7, s4  }
0xbb: {  	p1 =	slt.s32 s4, $0x200  }
0xbc: {  	s6 =	rddreg [dreg:$0x7];
	s4 =	simm.s32 @!p1 $0x200  }
0xbd: {  	[smem:$0x0] =	sst s4  }
0xbe: {  	[smem:$0x80] =	sst s3  }
0xbf: {  	[smem:$0x81] =	sst s2  }
0xc0: {  	s14 =	simm.s32 @!p0 $0x4E6E6B28;
	[smem:$0x82] =	sst s1  }
0xc1: {  	s30 =	simm.s32 @!p0 $0x4E6E6B28;
	[smem:$0x83] =	sst s14  }
0xc2: {  	s0 =	simm.s32 @!p0 $0x4E6E6B28;
	[smem:$0x84] =	sst s30  }
0xc3: {  	[smem:$0x85] =	sst s0  }
.LBB2_7:
0xc4: {  	s6 =	sadd.s32 $0x1, s6  }
0xc5: {  	p0 =	sne.s32 s6, $0x200  }
.Ltmp1:
0xc6: {  	_ = 	snop;
	(pc) =	sbr.rel @!p0 .LBB2_8-.Ltmp1, $1  }
0xc7: {  	_ =	sdelay $0x3  }
.LBB2_1:
0xc8: {  	s4 =	sld [smem:$0x0];
	_ =	sdelay $0x2  }
0xc9: {  	p0 =	sgt.s32 s4, $0x1FF  }
.Ltmp2:
0xca: {  	_ = 	snop;
	(pc) =	sbr.rel @p0 .LBB2_7-.Ltmp2, $1  }
0xcb: {  	_ =	sdelay $0x3  }
0xcc: {  	s29 =	simm.s32 $0x0  }
0xcd: {  	v4 =	vld [tilespmem:s29+$0x580]  }
0xce: {  	v5 =	vld [tilespmem:s29+$0xB00];
	_ =	sdelay $0x1  }
0xcf: {  	v21 =	vld [tilespmem:s29+$0x1080]  }
0xd0: {  	v19 =	vmov s3;
	v20 =	vmov s2;
	v22 =	vmov s1  }
0xd1: {  	v23 =	vmov s14;
	v24 =	vmov s30;
	v25 =	vmov s0  }
0xd2: {  	s20 =	simm.s32 $0x10;
	v15 =	vimm.f32 $-1.000000000e+00;
	v2 =	vsub.f32 v4, v19;
	v3 =	vsub.f32 v5, v20  }
0xd3: {  	v29 =	vimm.f32 $-1.000000000e+00;
	v7 =	vld [tilespmem:s20+$0x1080];
	v6 =	vsub.f32 v4, v23;
	v8 =	vsub.f32 v5, v24  }
0xd4: {  	v9 =	vsub.f32 v21, v22;
	v2 =	vmul.f32 v2, v2;
	v3 =	vmul.f32 v3, v3  }
0xd5: {  	v11 =	vsub.f32 v21, v25;
	v10 =	vmul.f32 v6, v6;
	v12 =	vmul.f32 v8, v8;
	v6 =	vld [tilespmem:s20+$0x580]  }
0xd6: {  	s30 =	rddreg [dreg:$0x6];
	v28 =	vimm.f32 $0.0e+00;
	v9 =	vmul.f32 v9, v9;
	v8 =	vld [tilespmem:s20+$0xB00];
	v2 =	vadd.f32 v3, v2  }
0xd7: {  	v27 =	vimm.f32 $0.0e+00;
	s31 =	scvt.s32.f32 s30;
	v3 =	vmul.f32 v11, v11;
	v10 =	vadd.f32 v12, v10  }
0xd8: {  	v26 =	vimm.f32 $0.0e+00;
	v12 =	vsub.f32 v7, v22;
	v9 =	vadd.f32 v9, v2  }
0xd9: {  	v11 =	vld [tilespmem:s29+$0x0];
	v2 =	vadd.f32 s31, v0;
	v10 =	vadd.f32 v3, v10;
	v3 =	vimm.f32 $0.0e+00  }
0xda: {  	v33 =	vmul.f32 v12, v12;
	v13 =	vsub.f32 v6, v19;
	v14 =	vsub.f32 v6, v23  }
0xdb: {  	v12 =	vimm.f32 $0.0e+00;
	v16 =	vsub.f32 v8, v20;
	v17 =	vsub.f32 v8, v24  }
0xdc: {  	v9 =	vmin.f32 v9, v10;
	v10 =	vmul.f32 v13, v13;
	v30 =	vmul.f32 v14, v14  }
0xdd: {  	vm10 =	vlt.f32 v9, $6.400000000e+01;
	v9 =	vmul.f32 v16, v16;
	v13 =	vsub.f32 v7, v25  }
0xde: {  	v32 =	vmul.f32 v17, v17;
	v17 =	vimm.f32 $-1.000000000e+00;
	v18 =	vsel vm10, $0xBF800000, v11  }
0xdf: {  	v16 =	vimm.f32 $0.0e+00;
	v11 =	vimm.f32 $0.0e+00;
	vm10 =	vgt.f32 v18, v15  }
0xe0: {  	[dreg:$0xb] =	wrdreg s4;
	v34 =	vadd.f32 v9, v10;
	v31 =	vmul.f32 v13, v13;
	v13 =	vimm.f32 $0.0e+00  }
0xe1: {  	[dreg:$0x7] =	wrdreg s6;
	s3 =	simm.s32 $0x80;
	s0 =	smov.u32 s30;
	[tilespmem:s29+$0x0] =	vst v18;
	v9 =	vimm.f32 $0.0e+00;
	v10 =	vimm.f32 $0.0e+00;
	v14 =	vsel vm10, v21, v3  }
.LBB2_3:
0xe2: {  	s2 =	smov.u32 s3  }
0xe3: {  	s1 =	sshra.s32 s3, $0x2;
	v15 =	vsel vm10, v18, v15;
	v3 =	vsel vm10, v2, v3;
	v12 =	vsel vm10, v5, v12;
	s0 =	sadd.s32 $0x10, s0;
	s2 =	sadd.s32 $0x40, s3  }
0xe4: {  	p0 =	sne.s32 s3, $0x14C0;
	vm11 =	vgt.f32 v18, v29;
	v13 =	vsel vm10, v4, v13;
	v33 =	vadd.f32 v33, v34;
	v35 =	vld [tilespmem:s1+$0x1080]  }
0xe5: {  	v29 =	vsel vm11, v18, v29;
	v28 =	vsel vm11, v2, v28;
	v27 =	vsel vm11, v4, v27;
	v4 =	vmovc v6;
	v6 =	vld [tilespmem:s1+$0x580]  }
0xe6: {  	s3 =	scvt.s32.f32 s0;
	v15 =	vsel vm11, v17, v15;
	v3 =	vsel vm11, v16, v3;
	v26 =	vsel vm11, v21, v26;
	v21 =	vmovc v7;
	v18 =	vld [tilespmem:s1+$0xB00]  }
0xe7: {  	v36 =	vadd.f32 v32, v30;
	v12 =	vsel vm11, v9, v12;
	v14 =	vsel vm11, v11, v14;
	v17 =	vmovc v29  }
0xe8: {  	v13 =	vsel vm11, v10, v13;
	v9 =	vsel vm11, v5, v9;
	v16 =	vmovc v28;
	v10 =	vmovc v27;
	v2 =	vadd.f32 s3, v0;
	v32 =	vld [tilespmem:s20+$0x0]  }
0xe9: {  	v5 =	vmovc v8;
	v30 =	vadd.f32 v31, v36;
	v11 =	vmovc v26;
	v34 =	vsub.f32 v35, v22;
	v7 =	vmov v35  }
0xea: {  	v31 =	vsub.f32 v6, v19;
	v35 =	vsub.f32 v6, v23  }
.Ltmp3:
0xeb: {  	v33 =	vmin.f32 v33, v30;
	v36 =	vsub.f32 v18, v20;
	v37 =	vsub.f32 v18, v24;
	v8 =	vmovc v18;
	(pc) =	sbr.rel @p0 .LBB2_3-.Ltmp3, $4  }
0xec: {  	vm10 =	vlt.f32 v33, $6.400000000e+01;
	v31 =	vmul.f32 v31, v31;
	v30 =	vmul.f32 v35, v35  }
0xed: {  	v35 =	vmul.f32 v36, v36;
	v36 =	vsub.f32 v7, v25;
	v18 =	vsel vm10, $0xBF800000, v32  }
0xee: {  	v33 =	vmul.f32 v34, v34;
	v32 =	vmul.f32 v37, v37;
	[tilespmem:s20+$0x0] =	vst v18;
	vm10 =	vgt.f32 v18, v15;
	s20 =	smov.u32 s1  }
0xef: {  	s3 =	smov.u32 s2;
	v34 =	vadd.f32 v35, v31;
	v31 =	vmul.f32 v36, v36;
	v14 =	vsel vm10, v21, v14  }
0xf0: {  	v19 =	vadd.f32 v32, v30  }
0xf1: {  	v20 =	vld [tilespmem:s20+$0x0]  }
0xf2: {  	v22 =	vadd.f32 v33, v34;
	v19 =	vadd.f32 v31, v19;
	_ =	sdelay $0x1  }
0xf3: {  	s0 =	sadd.s32 $0x10, s0;
	v19 =	vmin.f32 v22, v19  }
0xf4: {  	vm12 =	vgt.f32 v18, v29;
	s0 =	scvt.s32.f32 s0;
	vm11 =	vlt.f32 v19, $6.400000000e+01  }
0xf5: {  	v23 =	vsel vm12, v18, v29;
	v52 =	vsel vm11, $0xBF800000, v20  }
0xf6: {  	v25 =	vadd.f32 s0, v0;
	vm11 =	vgt.f32 v52, v23  }
0xf7: {  	v24 =	vsel vm12, v2, v28;
	v53 =	vsel vm11, v52, v23  }
0xf8: {  	v54 =	vsel vm12, v4, v27;
	v55 =	vsel vm11, v25, v24;
	(v2sf) =	vpush v53, $0x0  }
0xf9: {  	v56 =	vsel vm12, v5, v9;
	v57 =	vsel vm11, v6, v54;
	(v2sf) =	vpush v55, $0x0  }
0xfa: {  	v21 =	vsel vm12, v21, v26;
	v58 =	vsel vm11, v8, v56;
	(v2sf) =	vpush v57, $0x0  }
0xfb: {  	v26 =	vsel vm11, v7, v21;
	(v2sf) =	vpush v58, $0x0  }
0xfc: {  	(v2sf) =	vpush v26, $0x0  }
0xfd: {  	(v2sf) =	vpush v53, $0x1  }
0xfe: {  	(v2sf) =	vpush v55, $0x1  }
0xff: {  	(v2sf) =	vpush v57, $0x1  }
0x100: {  	(v2sf) =	vpush v58, $0x1  }
0x101: {  	(v2sf) =	vpush v26, $0x1  }
0x102: {  	(v2sf) =	vpush v53, $0x2  }
0x103: {  	(v2sf) =	vpush v55, $0x2  }
0x104: {  	(v2sf) =	vpush v57, $0x2  }
0x105: {  	(v2sf) =	vpush v58, $0x2  }
0x106: {  	(v2sf) =	vpush v26, $0x2  }
0x107: {  	s19 =	spop (v2sf);
	(v2sf) =	vpush v53, $0x3  }
0x108: {  	s18 =	spop (v2sf);
	(v2sf) =	vpush v55, $0x3  }
0x109: {  	s17 =	spop (v2sf);
	(v2sf) =	vpush v57, $0x3  }
0x10a: {  	s16 =	spop (v2sf);
	(v2sf) =	vpush v58, $0x3  }
0x10b: {  	s15 =	spop (v2sf);
	(v2sf) =	vpush v26, $0x3  }
0x10c: {  	s4 =	spop (v2sf);
	(v2sf) =	vpush v53, $0x4  }
0x10d: {  	s11 =	spop (v2sf);
	(v2sf) =	vpush v55, $0x4  }
0x10e: {  	s5 =	spop (v2sf);
	(v2sf) =	vpush v57, $0x4  }
0x10f: {  	s2 =	spop (v2sf);
	(v2sf) =	vpush v58, $0x4  }
0x110: {  	s1 =	spop (v2sf);
	(v2sf) =	vpush v26, $0x4  }
0x111: {  	s9 =	spop (v2sf);
	(v2sf) =	vpush v53, $0x5  }
0x112: {  	s3 =	spop (v2sf);
	(v2sf) =	vpush v55, $0x5  }
0x113: {  	s25 =	spop (v2sf);
	(v2sf) =	vpush v57, $0x5  }
0x114: {  	s10 =	spop (v2sf);
	(v2sf) =	vpush v58, $0x5  }
0x115: {  	s13 =	spop (v2sf);
	(v2sf) =	vpush v26, $0x5  }
0x116: {  	s6 =	spop (v2sf);
	(v2sf) =	vpush v53, $0x6  }
0x117: {  	s8 =	spop (v2sf);
	(v2sf) =	vpush v55, $0x6  }
0x118: {  	s7 =	spop (v2sf);
	(v2sf) =	vpush v57, $0x6  }
0x119: {  	s12 =	spop (v2sf);
	(v2sf) =	vpush v58, $0x6  }
0x11a: {  	s14 =	spop (v2sf);
	(v2sf) =	vpush v26, $0x6  }
0x11b: {  	[smem:$0x766] =	sst s7;
	s7 =	spop (v2sf);
	(v2sf) =	vpush v53, $0x7  }
0x11c: {  	s24 =	spop (v2sf);
	(v2sf) =	vpush v55, $0x7  }
0x11d: {  	s21 =	spop (v2sf);
	(v2sf) =	vpush v57, $0x7  }
0x11e: {  	s22 =	spop (v2sf);
	(v2sf) =	vpush v58, $0x7  }
0x11f: {  	s23 =	spop (v2sf);
	(v2sf) =	vpush v26, $0x7  }
0x120: {  	[smem:$0x767] =	sst s12;
	(v2sf) =	vpush v53, $0x8;
	s12 =	spop (v2sf)  }
0x121: {  	p0 =	seq.f32 s4, s19;
	(v2sf) =	vpush v55, $0x8;
	s31 =	spop (v2sf)  }
0x122: {  	p2 =	sgt.f32 s4, s19;
	(v2sf) =	vpush v57, $0x8;
	s26 =	spop (v2sf)  }
0x123: {  	p1 =	slt.f32 s11, s18;
	(v2sf) =	vpush v58, $0x8;
	s28 =	spop (v2sf)  }
0x124: {  	[smem:$0x768] =	sst s14;
	(v2sf) =	vpush v26, $0x8;
	s14 =	spop (v2sf)  }
0x125: {  	[smem:$0x76B] =	sst s23;
	(v2sf) =	vpush v53, $0x9;
	s23 =	spop (v2sf)  }
0x126: {  	[smem:$0x769] =	sst s21;
	(v2sf) =	vpush v55, $0x9;
	s21 =	spop (v2sf)  }
0x127: {  	[smem:$0x76A] =	sst s22;
	(v2sf) =	vpush v57, $0x9;
	s22 =	spop (v2sf)  }
0x128: {  	[smem:$0x76C] =	sst s26;
	(v2sf) =	vpush v58, $0x9;
	s26 =	spop (v2sf)  }
0x129: {  	[smem:$0x76D] =	sst s28;
	(v2sf) =	vpush v26, $0x9;
	s28 =	spop (v2sf)  }
0x12a: {  	[smem:$0x771] =	sst s26;
	(v2sf) =	vpush v53, $0xA;
	s26 =	spop (v2sf)  }
0x12b: {  	[smem:$0x76E] =	sst s14;
	(v2sf) =	vpush v55, $0xA;
	s14 =	spop (v2sf)  }
0x12c: {  	[smem:$0x76F] =	sst s21;
	(v2sf) =	vpush v57, $0xA;
	s21 =	spop (v2sf)  }
0x12d: {  	[smem:$0x770] =	sst s22;
	(v2sf) =	vpush v58, $0xA;
	s22 =	spop (v2sf)  }
0x12e: {  	[smem:$0x772] =	sst s28;
	(v2sf) =	vpush v26, $0xA;
	s28 =	spop (v2sf)  }
0x12f: {  	[smem:$0x773] =	sst s14;
	(v2sf) =	vpush v53, $0xB;
	s14 =	spop (v2sf)  }
0x130: {  	[smem:$0x774] =	sst s21;
	(v2sf) =	vpush v55, $0xB;
	s21 =	spop (v2sf)  }
0x131: {  	[smem:$0x775] =	sst s22;
	(v2sf) =	vpush v57, $0xB;
	s22 =	spop (v2sf)  }
0x132: {  	[smem:$0x776] =	sst s28;
	(v2sf) =	vpush v58, $0xB;
	s28 =	spop (v2sf)  }
0x133: {  	[smem:$0x777] =	sst s14;
	(v2sf) =	vpush v26, $0xB;
	s14 =	spop (v2sf)  }
0x134: {  	[smem:$0x778] =	sst s21;
	(v2sf) =	vpush v53, $0xC;
	s21 =	spop (v2sf)  }
0x135: {  	[smem:$0x779] =	sst s22;
	(v2sf) =	vpush v55, $0xC;
	s22 =	spop (v2sf)  }
0x136: {  	[smem:$0x77A] =	sst s28;
	(v2sf) =	vpush v57, $0xC;
	s28 =	spop (v2sf)  }
0x137: {  	[smem:$0x77B] =	sst s14;
	(v2sf) =	vpush v58, $0xC;
	s14 =	spop (v2sf)  }
0x138: {  	[smem:$0x77C] =	sst s21;
	(v2sf) =	vpush v26, $0xC;
	s21 =	spop (v2sf)  }
0x139: {  	[smem:$0x77D] =	sst s22;
	(v2sf) =	vpush v53, $0xD;
	s22 =	spop (v2sf)  }
0x13a: {  	[smem:$0x77E] =	sst s28;
	(v2sf) =	vpush v55, $0xD;
	s28 =	spop (v2sf)  }
0x13b: {  	[smem:$0x77F] =	sst s14;
	(v2sf) =	vpush v57, $0xD;
	s14 =	spop (v2sf)  }
0x13c: {  	[smem:$0x780] =	sst s21;
	(v2sf) =	vpush v58, $0xD;
	s21 =	spop (v2sf)  }
0x13d: {  	[smem:$0x781] =	sst s22;
	(v2sf) =	vpush v26, $0xD;
	s22 =	spop (v2sf)  }
0x13e: {  	[smem:$0x782] =	sst s28;
	(v2sf) =	vpush v53, $0xE;
	s28 =	spop (v2sf)  }
0x13f: {  	[smem:$0x783] =	sst s14;
	(v2sf) =	vpush v55, $0xE;
	s14 =	spop (v2sf)  }
0x140: {  	[smem:$0x784] =	sst s21;
	(v2sf) =	vpush v57, $0xE;
	s21 =	spop (v2sf)  }
0x141: {  	[smem:$0x785] =	sst s22;
	(v2sf) =	vpush v58, $0xE;
	s22 =	spop (v2sf)  }
0x142: {  	[smem:$0x786] =	sst s28;
	(v2sf) =	vpush v26, $0xE;
	s28 =	spop (v2sf)  }
0x143: {  	[smem:$0x787] =	sst s14;
	(v2sf) =	vpush v53, $0xF;
	s14 =	spop (v2sf)  }
0x144: {  	v15 =	vsel vm10, v18, v15;
	[smem:$0x788] =	sst s21;
	(v2sf) =	vpush v55, $0xF;
	s21 =	spop (v2sf)  }
0x145: {  	v59 =	vsel vm10, v4, v13;
	v60 =	vsel vm10, v5, v12;
	v15 =	vsel vm12, v17, v15;
	[smem:$0x789] =	sst s22;
	s22 =	spop (v2sf)  }
0x146: {  	v2 =	vsel vm10, v2, v3;
	v4 =	vsel vm12, v10, v59;
	v5 =	vsel vm12, v9, v60;
	[smem:$0x78A] =	sst s28;
	s28 =	spop (v2sf)  }
0x147: {  	v61 =	vsel vm12, v11, v14;
	vm13 =	vgt.f32 v52, v15;
	[smem:$0x78B] =	sst s14;
	(v2sf) =	vpush v57, $0xF;
	s14 =	spop (v2sf)  }
0x148: {  	v2 =	vsel vm12, v16, v2;
	v3 =	vsel vm13, v52, v15;
	[smem:$0x78C] =	sst s21;
	(v2sf) =	vpush v58, $0xF;
	s21 =	spop (v2sf)  }
0x149: {  	v2 =	vsel vm13, v25, v2;
	v3 =	vsel vm11, v23, v3;
	[smem:$0x78D] =	sst s22;
	(v2sf) =	vpush v26, $0xF;
	s22 =	spop (v2sf)  }
0x14a: {  	v4 =	vsel vm13, v6, v4;
	v2 =	vsel vm11, v24, v2;
	[smem:$0x78E] =	sst s28;
	(v2sf) =	vpush v3, $0x0;
	s28 =	spop (v2sf)  }
0x14b: {  	v5 =	vsel vm13, v8, v5;
	v6 =	vsel vm11, v54, v4;
	[smem:$0x78F] =	sst s14;
	(v2sf) =	vpush v2, $0x0;
	s14 =	spop (v2sf)  }
0x14c: {  	v62 =	vsel vm13, v7, v61;
	v5 =	vsel vm11, v56, v5;
	[smem:$0x790] =	sst s21;
	(v2sf) =	vpush v6, $0x0;
	s21 =	spop (v2sf)  }
0x14d: {  	v4 =	vsel vm11, v21, v62;
	[smem:$0x791] =	sst s22;
	(v2sf) =	vpush v5, $0x0;
	s22 =	spop (v2sf)  }
0x14e: {  	[smem:$0x792] =	sst s28;
	(v2sf) =	vpush v4, $0x0;
	s28 =	spop (v2sf)  }
0x14f: {  	[smem:$0x793] =	sst s14;
	(v2sf) =	vpush v3, $0x1;
	s14 =	spop (v2sf)  }
0x150: {  	s0 =	smov.u32 s4;
	[smem:$0x794] =	sst s21;
	s21 =	spop (v2sf);
	(v2sf) =	vpush v2, $0x1  }
0x151: {  	p0 =	por !p0, !p1;
	[dreg:$0x1c] =	wrdreg s22;
	s22 =	spop (v2sf);
	(v2sf) =	vpush v6, $0x1  }
0x152: {  	p0 =	por !p0, !p0;
	[dreg:$0x1b] =	wrdreg s28;
	s28 =	spop (v2sf);
	(v2sf) =	vpush v5, $0x1  }
0x153: {  	p0 =	por p2, p0;
	[dreg:$0x15] =	wrdreg s14;
	s14 =	spop (v2sf);
	(v2sf) =	vpush v4, $0x1  }
0x154: {  	s30 =	smov.u32 s5;
	s0 =	smov.u32 @p0 s19;
	s19 =	smov.u32 @p0 s4  }
0x155: {  	s29 =	smov.u32 s2;
	s30 =	smov.u32 @p0 s17;
	p5 =	seq.f32 s9, s19  }
0x156: {  	s17 =	smov.u32 @p0 s5;
	[dreg:$0x16] =	wrdreg s21;
	s21 =	spop (v2sf)  }
0x157: {  	s29 =	smov.u32 @p0 s16;
	[dreg:$0x14] =	wrdreg s22;
	s22 =	spop (v2sf)  }
0x158: {  	s16 =	smov.u32 @p0 s2;
	[dreg:$0x10] =	wrdreg s28;
	s28 =	spop (v2sf)  }
0x159: {  	[tilespmem:s20+$0x0] =	vst v52;
	s2 =	smov.u32 s1;
	[dreg:$0xf] =	wrdreg s14;
	s20 =	spop (v2sf)  }
0x15a: {  	s5 =	smov.u32 s3;
	(v2sf) =	vpush v3, $0x2;
	[dreg:$0xd] =	wrdreg s22;
	s22 =	spop (v2sf)  }
0x15b: {  	s2 =	smov.u32 @p0 s15;
	[dreg:$0xe] =	wrdreg s21;
	(v2sf) =	vpush v2, $0x2;
	s21 =	spop (v2sf)  }
0x15c: {  	[dreg:$0xc] =	wrdreg s28;
	s28 =	smov.u32 s11;
	(v2sf) =	vpush v6, $0x2;
	s14 =	spop (v2sf)  }
0x15d: {  	s28 =	smov.u32 @p0 s18;
	s18 =	smov.u32 @p0 s11;
	(v2sf) =	vpush v5, $0x2;
	s11 =	spop (v2sf)  }
0x15e: {  	s15 =	smov.u32 @p0 s1;
	p3 =	sgt.f32 s9, s19;
	s1 =	spop (v2sf)  }
0x15f: {  	p6 =	slt.f32 s3, s18;
	s20 =	smov.u32 @p0 s1;
	s1 =	spop (v2sf)  }
0x160: {  	p2 =	seq.f32 s0, $-1.000000000e+00;
	(v2sf) =	vpush v4, $0x2;
	s22 =	smov.u32 @p0 s1;
	s1 =	spop (v2sf)  }
0x161: {  	p4 =	slt.f32 s0, $-1.000000000e+00;
	p1 =	por !p5, !p6;
	s4 =	spop (v2sf)  }
0x162: {  	p1 =	por !p1, !p1;
	s21 =	smov.u32 @p0 s1;
	s1 =	spop (v2sf)  }
0x163: {  	s14 =	smov.u32 @p0 s4;
	s4 =	smov.u32 s25;
	s11 =	smov.u32 @p0 s1  }
0x164: {  	p0 =	por p3, p1;
	s1 =	smov.u32 s9;
	p3 =	sgt.f32 s28, $0.0e+00  }
0x165: {  	s1 =	smov.u32 @p0 s19;
	s5 =	smov.u32 @p0 s18;
	s19 =	smov.u32 @p0 s9  }
0x166: {  	s18 =	smov.u32 @p0 s3;
	s3 =	smov.u32 s10;
	s4 =	smov.u32 @p0 s17  }
0x167: {  	s17 =	smov.u32 @p0 s25;
	s9 =	smov.u32 s13;
	s3 =	smov.u32 @p0 s16  }
0x168: {  	s16 =	smov.u32 @p0 s10;
	p1 =	por !p2, !p3;
	s9 =	smov.u32 @p0 s15  }
0x169: {  	s15 =	smov.u32 @p0 s13;
	s10 =	spop (v2sf);
	p1 =	por !p1, !p1  }
0x16a: {  	(v2sf) =	vpush v3, $0x3;
	s20 =	smov.u32 @p0 s10;
	s10 =	spop (v2sf);
	p1 =	por p4, p1  }
0x16b: {  	s22 =	smov.u32 @p0 s10;
	s10 =	spop (v2sf);
	s0 =	simm.s32 @p1 $0xBF800000  }
0x16c: {  	(v2sf) =	vpush v2, $0x3;
	s28 =	simm.s32 @p1 $0x0;
	s21 =	smov.u32 @p0 s10;
	s10 =	spop (v2sf)  }
0x16d: {  	s30 =	simm.s32 @p1 $0x0;
	p5 =	seq.f32 s0, s1;
	p6 =	slt.f32 s28, s5  }
0x16e: {  	(v2sf) =	vpush v6, $0x3;
	s29 =	simm.s32 @p1 $0x0;
	s2 =	simm.s32 @p1 $0x0;
	p4 =	sgt.f32 s0, s1  }
0x16f: {  	s13 =	spop (v2sf);
	s14 =	smov.u32 @p0 s10;
	p2 =	por !p5, !p6  }
0x170: {  	(v2sf) =	vpush v5, $0x3;
	s10 =	smov.u32 s6;
	s11 =	smov.u32 @p0 s13;
	p3 =	por !p2, !p2  }
0x171: {  	(v2sf) =	vpush v4, $0x3;
	p5 =	slt.f32 s8, s18;
	p2 =	por p4, p3;
	p4 =	seq.f32 s6, s19  }
0x172: {  	s13 =	smov.u32 s8;
	p6 =	sgt.f32 s6, s19;
	s1 =	smov.u32 @p2 s0  }
0x173: {  	s9 =	smov.u32 @p2 s2;
	s2 =	sld [smem:$0x766];
	p0 =	por !p4, !p5  }
0x174: {  	s5 =	smov.u32 @p2 s28;
	s0 =	sld [smem:$0x767];
	p0 =	por !p0, !p0  }
0x175: {  	s4 =	smov.u32 @p2 s30;
	s3 =	smov.u32 @p2 s29;
	p0 =	por p6, p0  }
0x176: {  	s25 =	smov.u32 s2;
	s10 =	smov.u32 @p0 s19;
	s19 =	smov.u32 @p0 s6  }
0x177: {  	s13 =	smov.u32 @p0 s18;
	s25 =	smov.u32 @p0 s17;
	s6 =	smov.u32 s0  }
0x178: {  	s17 =	smov.u32 @p0 s2;
	s2 =	sld [smem:$0x768];
	s6 =	smov.u32 @p0 s16  }
0x179: {  	s16 =	smov.u32 @p0 s0;
	s0 =	spop (v2sf);
	p1 =	sgt.f32 s1, s10  }
0x17a: {  	s18 =	smov.u32 @p0 s8;
	p3 =	seq.f32 s1, s10;
	p5 =	slt.f32 s5, s13  }
0x17b: {  	(v2sf) =	vpush v3, $0x4;
	p4 =	seq.f32 s7, s19;
	s20 =	smov.u32 @p0 s0;
	s0 =	spop (v2sf)  }
0x17c: {  	p6 =	slt.f32 s24, s18;
	s8 =	smov.u32 s2;
	s22 =	smov.u32 @p0 s0  }
0x17d: {  	(v2sf) =	vpush v2, $0x4;
	s0 =	spop (v2sf);
	p2 =	por !p3, !p5;
	p5 =	sgt.f32 s7, s19  }
0x17e: {  	(v2sf) =	vpush v6, $0x4;
	p6 =	por !p4, !p6;
	s8 =	smov.u32 @p0 s15;
	s15 =	smov.u32 @p0 s2  }
0x17f: {  	s21 =	smov.u32 @p0 s0;
	s0 =	spop (v2sf);
	p2 =	por !p2, !p2  }
0x180: {  	(v2sf) =	vpush v5, $0x4;
	s2 =	spop (v2sf);
	s14 =	smov.u32 @p0 s0;
	p1 =	por p1, p2  }
0x181: {  	p2 =	por !p6, !p6;
	s0 =	smov.u32 s7;
	s11 =	smov.u32 @p0 s2  }
0x182: {  	s10 =	smov.u32 @p1 s1;
	s13 =	smov.u32 @p1 s5;
	s25 =	smov.u32 @p1 s4  }
0x183: {  	(v2sf) =	vpush v4, $0x4;
	s6 =	smov.u32 @p1 s3;
	p0 =	por p5, p2;
	s3 =	sld [smem:$0x769]  }
0x184: {  	s8 =	smov.u32 @p1 s9;
	s2 =	smov.u32 s24;
	s1 =	sld [smem:$0x76A]  }
0x185: {  	s4 =	sld [smem:$0x76D];
	s0 =	smov.u32 @p0 s19;
	s19 =	smov.u32 @p0 s7  }
0x186: {  	s2 =	smov.u32 @p0 s18;
	p1 =	sgt.f32 s10, s0;
	p3 =	seq.f32 s10, s0  }
0x187: {  	s18 =	smov.u32 @p0 s24;
	p5 =	slt.f32 s13, s2;
	p4 =	seq.f32 s12, s19  }
0x188: {  	(v2sf) =	vpush v3, $0x5;
	p6 =	slt.f32 s31, s18;
	s5 =	smov.u32 s3;
	s7 =	smov.u32 s1  }
0x189: {  	(v2sf) =	vpush v2, $0x5;
	s5 =	smov.u32 @p0 s17;
	s17 =	smov.u32 @p0 s3;
	s7 =	smov.u32 @p0 s16  }
0x18a: {  	s3 =	sld [smem:$0x76B];
	s16 =	smov.u32 @p0 s1;
	s1 =	spop (v2sf)  }
0x18b: {  	p2 =	por !p3, !p5;
	p5 =	sgt.f32 s12, s19;
	p6 =	por !p4, !p6  }
0x18c: {  	(v2sf) =	vpush v6, $0x5;
	s20 =	smov.u32 @p0 s1;
	s1 =	spop (v2sf);
	p2 =	por !p2, !p2  }
0x18d: {  	(v2sf) =	vpush v5, $0x5;
	s22 =	smov.u32 @p0 s1;
	s1 =	spop (v2sf);
	p1 =	por p1, p2  }
0x18e: {  	p2 =	por !p6, !p6;
	s9 =	smov.u32 s3;
	s21 =	smov.u32 @p0 s1  }
0x18f: {  	(v2sf) =	vpush v4, $0x5;
	s1 =	spop (v2sf);
	s0 =	smov.u32 @p1 s10;
	s2 =	smov.u32 @p1 s13  }
0x190: {  	s5 =	smov.u32 @p1 s25;
	s7 =	smov.u32 @p1 s6;
	s10 =	sld [smem:$0x76C]  }
0x191: {  	s13 =	sld [smem:$0x76F];
	s9 =	smov.u32 @p0 s15;
	s15 =	smov.u32 @p0 s3  }
0x192: {  	s3 =	spop (v2sf);
	s14 =	smov.u32 @p0 s1;
	s1 =	smov.u32 s12  }
0x193: {  	s11 =	smov.u32 @p0 s3;
	p0 =	por p5, p2;
	s9 =	smov.u32 @p1 s8  }
0x194: {  	s3 =	smov.u32 s31;
	s8 =	smov.u32 s4;
	s1 =	smov.u32 @p0 s19  }
0x195: {  	s19 =	smov.u32 @p0 s12;
	s3 =	smov.u32 @p0 s18;
	s6 =	smov.u32 s10  }
0x196: {  	s18 =	smov.u32 @p0 s31;
	s8 =	smov.u32 @p0 s16;
	s12 =	sld [smem:$0x76E]  }
0x197: {  	(v2sf) =	vpush v3, $0x6;
	s16 =	smov.u32 @p0 s4;
	s4 =	spop (v2sf);
	s31 =	rddreg [dreg:$0xf]  }
0x198: {  	s20 =	smov.u32 @p0 s4;
	s4 =	spop (v2sf);
	p1 =	sgt.f32 s0, s1  }
0x199: {  	s6 =	smov.u32 @p0 s17;
	p3 =	seq.f32 s0, s1;
	p5 =	slt.f32 s2, s3  }
0x19a: {  	(v2sf) =	vpush v2, $0x6;
	s17 =	smov.u32 @p0 s10;
	p4 =	seq.f32 s23, s19;
	p6 =	slt.f32 s13, s18  }
0x19b: {  	s22 =	smov.u32 @p0 s4;
	s4 =	spop (v2sf);
	s10 =	smov.u32 s12  }
0x19c: {  	(v2sf) =	vpush v6, $0x6;
	s21 =	smov.u32 @p0 s4;
	s4 =	spop (v2sf);
	p2 =	por !p3, !p5  }
0x19d: {  	p5 =	sgt.f32 s23, s19;
	p6 =	por !p4, !p6;
	s10 =	smov.u32 @p0 s15  }
0x19e: {  	(v2sf) =	vpush v5, $0x6;
	s15 =	smov.u32 @p0 s12;
	s12 =	spop (v2sf);
	s14 =	smov.u32 @p0 s4  }
0x19f: {  	(v2sf) =	vpush v4, $0x6;
	p2 =	por !p2, !p2;
	s4 =	sld [smem:$0x771];
	s11 =	smov.u32 @p0 s12  }
0x1a0: {  	p1 =	por p1, p2;
	p2 =	por !p6, !p6;
	s12 =	sld [smem:$0x772]  }
0x1a1: {  	s1 =	smov.u32 @p1 s0;
	s3 =	smov.u32 @p1 s2;
	s8 =	smov.u32 @p1 s7  }
0x1a2: {  	p0 =	por p5, p2;
	s0 =	smov.u32 s23;
	s10 =	smov.u32 @p1 s9  }
0x1a3: {  	s2 =	smov.u32 s13;
	s9 =	sld [smem:$0x770];
	s0 =	smov.u32 @p0 s19  }
0x1a4: {  	s2 =	smov.u32 @p0 s18;
	s18 =	smov.u32 @p0 s13;
	s13 =	sld [smem:$0x773]  }
0x1a5: {  	s19 =	smov.u32 @p0 s23;
	s7 =	smov.u32 s4;
	s23 =	sld [smem:$0x777]  }
0x1a6: {  	s7 =	smov.u32 @p0 s16;
	s16 =	smov.u32 @p0 s4;
	s4 =	spop (v2sf)  }
0x1a7: {  	(v2sf) =	vpush v3, $0x7;
	s6 =	smov.u32 @p1 s5;
	p1 =	sgt.f32 s1, s0;
	p3 =	seq.f32 s1, s0  }
0x1a8: {  	p5 =	slt.f32 s3, s2;
	p4 =	seq.f32 s26, s19  }
0x1a9: {  	s5 =	smov.u32 s9;
	s20 =	smov.u32 @p0 s4;
	s4 =	spop (v2sf)  }
0x1aa: {  	s5 =	smov.u32 @p0 s17;
	s17 =	smov.u32 @p0 s9;
	s9 =	smov.u32 s12  }
0x1ab: {  	(v2sf) =	vpush v2, $0x7;
	s22 =	smov.u32 @p0 s4;
	s4 =	spop (v2sf);
	p2 =	por !p3, !p5  }
0x1ac: {  	(v2sf) =	vpush v6, $0x7;
	p6 =	slt.f32 s13, s18;
	p5 =	sgt.f32 s26, s19;
	s9 =	smov.u32 @p0 s15  }
0x1ad: {  	(v2sf) =	vpush v5, $0x7;
	s15 =	smov.u32 @p0 s12;
	s21 =	smov.u32 @p0 s4;
	s4 =	spop (v2sf)  }
0x1ae: {  	(v2sf) =	vpush v4, $0x7;
	p2 =	por !p2, !p2;
	s12 =	spop (v2sf);
	s14 =	smov.u32 @p0 s4  }
0x1af: {  	p1 =	por p1, p2;
	p6 =	por !p4, !p6;
	s4 =	sld [smem:$0x775]  }
0x1b0: {  	s11 =	smov.u32 @p0 s12;
	s0 =	smov.u32 @p1 s1;
	s2 =	smov.u32 @p1 s3  }
0x1b1: {  	p2 =	por !p6, !p6;
	s5 =	smov.u32 @p1 s6;
	s7 =	smov.u32 @p1 s8  }
0x1b2: {  	s1 =	smov.u32 s26;
	s9 =	smov.u32 @p1 s10;
	s10 =	sld [smem:$0x774]  }
0x1b3: {  	s3 =	smov.u32 s13;
	s12 =	sld [smem:$0x776];
	p0 =	por p5, p2  }
0x1b4: {  	s1 =	smov.u32 @p0 s19;
	s19 =	smov.u32 @p0 s26;
	s3 =	smov.u32 @p0 s18  }
0x1b5: {  	s18 =	smov.u32 @p0 s13;
	s8 =	smov.u32 s4;
	s13 =	sld [smem:$0x778]  }
0x1b6: {  	s8 =	smov.u32 @p0 s16;
	s16 =	smov.u32 @p0 s4;
	s4 =	spop (v2sf)  }
0x1b7: {  	(v2sf) =	vpush v3, $0x8;
	s6 =	smov.u32 s10;
	p1 =	sgt.f32 s0, s1;
	p3 =	seq.f32 s0, s1  }
0x1b8: {  	p5 =	slt.f32 s2, s3;
	p4 =	seq.f32 s23, s19;
	s6 =	smov.u32 @p0 s17  }
0x1b9: {  	s17 =	smov.u32 @p0 s10;
	s10 =	smov.u32 s12;
	s20 =	smov.u32 @p0 s4  }
0x1ba: {  	(v2sf) =	vpush v2, $0x8;
	s4 =	spop (v2sf);
	s10 =	smov.u32 @p0 s15;
	s15 =	smov.u32 @p0 s12  }
0x1bb: {  	(v2sf) =	vpush v6, $0x8;
	s22 =	smov.u32 @p0 s4;
	s4 =	spop (v2sf);
	p2 =	por !p3, !p5  }
0x1bc: {  	p6 =	slt.f32 s13, s18;
	s21 =	smov.u32 @p0 s4;
	s4 =	spop (v2sf)  }
0x1bd: {  	(v2sf) =	vpush v5, $0x8;
	p5 =	sgt.f32 s23, s19;
	p2 =	por !p2, !p2;
	s12 =	spop (v2sf)  }
0x1be: {  	(v2sf) =	vpush v4, $0x8;
	s14 =	smov.u32 @p0 s4;
	p1 =	por p1, p2;
	p6 =	por !p4, !p6  }
0x1bf: {  	s4 =	sld [smem:$0x77A];
	s11 =	smov.u32 @p0 s12;
	s1 =	smov.u32 @p1 s0  }
0x1c0: {  	s3 =	smov.u32 @p1 s2;
	p2 =	por !p6, !p6;
	s6 =	smov.u32 @p1 s5  }
0x1c1: {  	s8 =	smov.u32 @p1 s7;
	s0 =	smov.u32 s23;
	s10 =	smov.u32 @p1 s9  }
0x1c2: {  	s2 =	smov.u32 s13;
	s9 =	sld [smem:$0x779];
	p0 =	por p5, p2  }
0x1c3: {  	s12 =	sld [smem:$0x77B];
	s0 =	smov.u32 @p0 s19;
	s19 =	smov.u32 @p0 s23  }
0x1c4: {  	s2 =	smov.u32 @p0 s18;
	s7 =	smov.u32 s4;
	s23 =	sld [smem:$0x77C]  }
0x1c5: {  	s18 =	smov.u32 @p0 s13;
	s13 =	sld [smem:$0x77D];
	s7 =	smov.u32 @p0 s16  }
0x1c6: {  	s16 =	smov.u32 @p0 s4;
	s4 =	spop (v2sf);
	p1 =	sgt.f32 s1, s0  }
0x1c7: {  	(v2sf) =	vpush v3, $0x9;
	s5 =	smov.u32 s9;
	p3 =	seq.f32 s1, s0;
	p5 =	slt.f32 s3, s2  }
0x1c8: {  	s5 =	smov.u32 @p0 s17;
	s17 =	smov.u32 @p0 s9;
	s9 =	smov.u32 s12  }
0x1c9: {  	s20 =	smov.u32 @p0 s4;
	s4 =	spop (v2sf);
	s9 =	smov.u32 @p0 s15  }
0x1ca: {  	(v2sf) =	vpush v2, $0x9;
	s15 =	smov.u32 @p0 s12;
	s22 =	smov.u32 @p0 s4;
	s4 =	spop (v2sf)  }
0x1cb: {  	(v2sf) =	vpush v6, $0x9;
	p4 =	seq.f32 s23, s19;
	p2 =	por !p3, !p5;
	p6 =	slt.f32 s13, s18  }
0x1cc: {  	p5 =	sgt.f32 s23, s19;
	s21 =	smov.u32 @p0 s4;
	s4 =	spop (v2sf)  }
0x1cd: {  	(v2sf) =	vpush v5, $0x9;
	p2 =	por !p2, !p2;
	s12 =	spop (v2sf);
	s14 =	smov.u32 @p0 s4  }
0x1ce: {  	(v2sf) =	vpush v4, $0x9;
	p1 =	por p1, p2;
	p6 =	por !p4, !p6;
	s4 =	sld [smem:$0x77F]  }
0x1cf: {  	s11 =	smov.u32 @p0 s12;
	s0 =	smov.u32 @p1 s1;
	s2 =	smov.u32 @p1 s3  }
0x1d0: {  	p2 =	por !p6, !p6;
	s5 =	smov.u32 @p1 s6;
	s7 =	smov.u32 @p1 s8  }
0x1d1: {  	s1 =	smov.u32 s23;
	s9 =	smov.u32 @p1 s10;
	s10 =	sld [smem:$0x77E]  }
0x1d2: {  	s3 =	smov.u32 s13;
	s12 =	sld [smem:$0x780];
	p0 =	por p5, p2  }
0x1d3: {  	s1 =	smov.u32 @p0 s19;
	s19 =	smov.u32 @p0 s23;
	s3 =	smov.u32 @p0 s18  }
0x1d4: {  	s18 =	smov.u32 @p0 s13;
	s8 =	smov.u32 s4;
	s23 =	sld [smem:$0x781]  }
0x1d5: {  	s13 =	sld [smem:$0x782];
	s6 =	smov.u32 s10;
	s8 =	smov.u32 @p0 s16  }
0x1d6: {  	(v2sf) =	vpush v3, $0xA;
	s16 =	smov.u32 @p0 s4;
	s4 =	spop (v2sf);
	p1 =	sgt.f32 s0, s1  }
0x1d7: {  	p3 =	seq.f32 s0, s1;
	p5 =	slt.f32 s2, s3;
	s6 =	smov.u32 @p0 s17  }
0x1d8: {  	s17 =	smov.u32 @p0 s10;
	s10 =	smov.u32 s12;
	s20 =	smov.u32 @p0 s4  }
0x1d9: {  	(v2sf) =	vpush v2, $0xA;
	s4 =	spop (v2sf);
	s10 =	smov.u32 @p0 s15;
	s15 =	smov.u32 @p0 s12  }
0x1da: {  	s22 =	smov.u32 @p0 s4;
	s4 =	spop (v2sf);
	p4 =	seq.f32 s23, s19  }
0x1db: {  	(v2sf) =	vpush v6, $0xA;
	p2 =	por !p3, !p5;
	p6 =	slt.f32 s13, s18;
	p5 =	sgt.f32 s23, s19  }
0x1dc: {  	(v2sf) =	vpush v5, $0xA;
	s21 =	smov.u32 @p0 s4;
	s4 =	spop (v2sf);
	p2 =	por !p2, !p2  }
0x1dd: {  	(v2sf) =	vpush v4, $0xA;
	s12 =	spop (v2sf);
	s14 =	smov.u32 @p0 s4;
	p1 =	por p1, p2  }
0x1de: {  	p6 =	por !p4, !p6;
	s4 =	sld [smem:$0x784];
	s11 =	smov.u32 @p0 s12  }
0x1df: {  	s1 =	smov.u32 @p1 s0;
	s3 =	smov.u32 @p1 s2;
	p2 =	por !p6, !p6  }
0x1e0: {  	s6 =	smov.u32 @p1 s5;
	s8 =	smov.u32 @p1 s7;
	s0 =	smov.u32 s23  }
0x1e1: {  	s10 =	smov.u32 @p1 s9;
	s9 =	sld [smem:$0x783];
	p0 =	por p5, p2  }
0x1e2: {  	s2 =	smov.u32 s13;
	s12 =	sld [smem:$0x785];
	s0 =	smov.u32 @p0 s19  }
0x1e3: {  	s19 =	smov.u32 @p0 s23;
	s2 =	smov.u32 @p0 s18;
	s23 =	sld [smem:$0x786]  }
0x1e4: {  	s18 =	smov.u32 @p0 s13;
	s7 =	smov.u32 s4;
	s13 =	sld [smem:$0x787]  }
0x1e5: {  	s7 =	smov.u32 @p0 s16;
	s16 =	smov.u32 @p0 s4;
	s4 =	spop (v2sf)  }
0x1e6: {  	(v2sf) =	vpush v3, $0xB;
	s5 =	smov.u32 s9;
	p1 =	sgt.f32 s1, s0;
	p3 =	seq.f32 s1, s0  }
0x1e7: {  	p5 =	slt.f32 s3, s2;
	s5 =	smov.u32 @p0 s17;
	s17 =	smov.u32 @p0 s9  }
0x1e8: {  	(v2sf) =	vpush v2, $0xB;
	s9 =	smov.u32 s12;
	s20 =	smov.u32 @p0 s4;
	s4 =	spop (v2sf)  }
0x1e9: {  	(v2sf) =	vpush v6, $0xB;
	s9 =	smov.u32 @p0 s15;
	s15 =	smov.u32 @p0 s12;
	s22 =	smov.u32 @p0 s4  }
0x1ea: {  	s4 =	spop (v2sf);
	p4 =	seq.f32 s23, s19;
	p2 =	por !p3, !p5  }
0x1eb: {  	(v2sf) =	vpush v5, $0xB;
	p6 =	slt.f32 s13, s18;
	s21 =	smov.u32 @p0 s4;
	s4 =	spop (v2sf)  }
0x1ec: {  	p5 =	sgt.f32 s23, s19;
	p2 =	por !p2, !p2;
	s12 =	spop (v2sf)  }
0x1ed: {  	s14 =	smov.u32 @p0 s4;
	p1 =	por p1, p2;
	p6 =	por !p4, !p6  }
0x1ee: {  	(v2sf) =	vpush v4, $0xB;
	s4 =	sld [smem:$0x789];
	s11 =	smov.u32 @p0 s12;
	s0 =	smov.u32 @p1 s1  }
0x1ef: {  	s2 =	smov.u32 @p1 s3;
	p2 =	por !p6, !p6;
	s5 =	smov.u32 @p1 s6  }
0x1f0: {  	s7 =	smov.u32 @p1 s8;
	s1 =	smov.u32 s23;
	s9 =	smov.u32 @p1 s10  }
0x1f1: {  	s3 =	smov.u32 s13;
	s8 =	sld [smem:$0x788];
	p0 =	por p5, p2  }
0x1f2: {  	s1 =	smov.u32 @p0 s19;
	s19 =	smov.u32 @p0 s23;
	s3 =	smov.u32 @p0 s18  }
0x1f3: {  	s18 =	smov.u32 @p0 s13;
	s10 =	smov.u32 s4;
	s13 =	sld [smem:$0x78B]  }
0x1f4: {  	s23 =	sld [smem:$0x78C];
	s6 =	smov.u32 s8;
	s10 =	smov.u32 @p0 s16  }
0x1f5: {  	s16 =	smov.u32 @p0 s4;
	s4 =	spop (v2sf);
	p1 =	sgt.f32 s0, s1  }
0x1f6: {  	p3 =	seq.f32 s0, s1;
	p5 =	slt.f32 s2, s3;
	s6 =	smov.u32 @p0 s17  }
0x1f7: {  	s17 =	smov.u32 @p0 s8;
	s20 =	smov.u32 @p0 s4;
	s4 =	spop (v2sf)  }
0x1f8: {  	s8 =	sld [smem:$0x78A];
	s22 =	smov.u32 @p0 s4;
	s4 =	spop (v2sf)  }
0x1f9: {  	p4 =	seq.f32 s13, s19;
	p2 =	por !p3, !p5;
	p6 =	slt.f32 s23, s18  }
0x1fa: {  	(v2sf) =	vpush v3, $0xC;
	p5 =	sgt.f32 s13, s19;
	s21 =	smov.u32 @p0 s4;
	s4 =	spop (v2sf)  }
0x1fb: {  	p2 =	por !p2, !p2;
	s12 =	smov.u32 s8;
	s14 =	smov.u32 @p0 s4  }
0x1fc: {  	(v2sf) =	vpush v2, $0xC;
	p1 =	por p1, p2;
	p6 =	por !p4, !p6;
	s4 =	sld [smem:$0x78D]  }
0x1fd: {  	s12 =	smov.u32 @p0 s15;
	s15 =	smov.u32 @p0 s8;
	s8 =	spop (v2sf)  }
0x1fe: {  	(v2sf) =	vpush v6, $0xC;
	s1 =	smov.u32 @p1 s0;
	s3 =	smov.u32 @p1 s2;
	p2 =	por !p6, !p6  }
0x1ff: {  	(v2sf) =	vpush v5, $0xC;
	s6 =	smov.u32 @p1 s5;
	s10 =	smov.u32 @p1 s7;
	s0 =	smov.u32 s13  }
0x200: {  	(v2sf) =	vpush v4, $0xC;
	s2 =	smov.u32 s23;
	s5 =	sld [smem:$0x78E];
	s11 =	smov.u32 @p0 s8  }
0x201: {  	p0 =	por p5, p2;
	s12 =	smov.u32 @p1 s9;
	s9 =	sld [smem:$0x791]  }
0x202: {  	s0 =	smov.u32 @p0 s19;
	s19 =	smov.u32 @p0 s13;
	s2 =	smov.u32 @p0 s18  }
0x203: {  	s7 =	smov.u32 s4;
	s18 =	smov.u32 @p0 s23;
	s23 =	sld [smem:$0x790]  }
0x204: {  	s7 =	smov.u32 @p0 s17;
	s17 =	smov.u32 @p0 s4;
	s4 =	sld [smem:$0x78F]  }
0x205: {  	s8 =	smov.u32 s5;
	p3 =	seq.f32 s1, s0;
	p5 =	slt.f32 s3, s2  }
0x206: {  	p1 =	sgt.f32 s1, s0;
	s8 =	smov.u32 @p0 s16;
	s16 =	smov.u32 @p0 s5  }
0x207: {  	p6 =	slt.f32 s9, s18;
	p4 =	seq.f32 s23, s19;
	p2 =	por !p3, !p5  }
0x208: {  	p5 =	sgt.f32 s23, s19;
	s13 =	smov.u32 s4;
	p2 =	por !p2, !p2  }
0x209: {  	(v2sf) =	vpush v3, $0xD;
	s13 =	smov.u32 @p0 s15;
	s15 =	smov.u32 @p0 s4;
	s4 =	spop (v2sf)  }
0x20a: {  	(v2sf) =	vpush v2, $0xD;
	p1 =	por p1, p2;
	p6 =	por !p4, !p6;
	s20 =	smov.u32 @p0 s4  }
0x20b: {  	(v2sf) =	vpush v6, $0xD;
	s4 =	spop (v2sf);
	s0 =	smov.u32 @p1 s1;
	s2 =	smov.u32 @p1 s3  }
0x20c: {  	(v2sf) =	vpush v5, $0xD;
	p2 =	por !p6, !p6;
	s7 =	smov.u32 @p1 s6;
	s8 =	smov.u32 @p1 s10  }
0x20d: {  	(v2sf) =	vpush v4, $0xD;
	s10 =	sld [smem:$0x793];
	s22 =	smov.u32 @p0 s4;
	s4 =	spop (v2sf)  }
0x20e: {  	s1 =	smov.u32 s23;
	s21 =	smov.u32 @p0 s4;
	s4 =	spop (v2sf)  }
0x20f: {  	s13 =	smov.u32 @p1 s12;
	s12 =	rddreg [dreg:$0x1c];
	s5 =	spop (v2sf)  }
0x210: {  	s14 =	smov.u32 @p0 s4;
	s4 =	sld [smem:$0x792];
	s6 =	smov.u32 s10  }
0x211: {  	s11 =	smov.u32 @p0 s5;
	p0 =	por p5, p2;
	s5 =	smov.u32 s9  }
0x212: {  	s1 =	smov.u32 @p0 s19;
	s19 =	smov.u32 @p0 s23;
	s5 =	smov.u32 @p0 s18  }
0x213: {  	s18 =	smov.u32 @p0 s9;
	s23 =	rddreg [dreg:$0x1b];
	s3 =	smov.u32 s4  }
0x214: {  	s3 =	smov.u32 @p0 s17;
	s17 =	smov.u32 @p0 s4;
	s4 =	sld [smem:$0x794]  }
0x215: {  	(v2sf) =	vpush v3, $0xE;
	s6 =	smov.u32 @p0 s16;
	p2 =	seq.f32 s0, s1;
	p3 =	slt.f32 s2, s5  }
0x216: {  	s16 =	smov.u32 @p0 s10;
	p4 =	sgt.f32 s0, s1;
	p5 =	seq.f32 s12, s19  }
0x217: {  	p6 =	slt.f32 s23, s18;
	p1 =	por !p2, !p3;
	s9 =	smov.u32 s4  }
0x218: {  	(v2sf) =	vpush v2, $0xE;
	s9 =	smov.u32 @p0 s15;
	s15 =	smov.u32 @p0 s4;
	s4 =	spop (v2sf)  }
0x219: {  	(v2sf) =	vpush v6, $0xE;
	p3 =	sgt.f32 s12, s19;
	s20 =	smov.u32 @p0 s4;
	s4 =	spop (v2sf)  }
0x21a: {  	(v2sf) =	vpush v5, $0xE;
	p2 =	por !p5, !p6;
	s22 =	smov.u32 @p0 s4;
	s4 =	spop (v2sf)  }
0x21b: {  	(v2sf) =	vpush v4, $0xE;
	p1 =	por !p1, !p1;
	s21 =	smov.u32 @p0 s4;
	s4 =	spop (v2sf)  }
0x21c: {  	p2 =	por !p2, !p2;
	s10 =	spop (v2sf);
	s14 =	smov.u32 @p0 s4  }
0x21d: {  	(v2sf) =	vpush v3, $0xF;
	s4 =	smov.u32 s12;
	s11 =	smov.u32 @p0 s10;
	p0 =	por p4, p1  }
0x21e: {  	s10 =	rddreg [dreg:$0x16];
	s1 =	smov.u32 @p0 s0;
	s5 =	smov.u32 @p0 s2  }
0x21f: {  	s3 =	smov.u32 @p0 s7;
	s6 =	smov.u32 @p0 s8;
	s9 =	smov.u32 @p0 s13  }
0x220: {  	p0 =	por p3, p2;
	s8 =	smov.u32 s23;
	s7 =	rddreg [dreg:$0x15]  }
0x221: {  	(v2sf) =	vpush v2, $0xF;
	s0 =	smov.u32 s10;
	s13 =	rddreg [dreg:$0x10];
	s4 =	smov.u32 @p0 s19  }
0x222: {  	s8 =	smov.u32 @p0 s18;
	s19 =	smov.u32 @p0 s12;
	s18 =	smov.u32 @p0 s23  }
0x223: {  	(v2sf) =	vpush v6, $0xF;
	s2 =	smov.u32 s7;
	s0 =	smov.u32 @p0 s16;
	s16 =	smov.u32 @p0 s10  }
0x224: {  	s12 =	rddreg [dreg:$0x14];
	s10 =	spop (v2sf);
	s2 =	smov.u32 @p0 s17  }
0x225: {  	s17 =	smov.u32 @p0 s7;
	s7 =	smov.u32 s12;
	p4 =	seq.f32 s1, s4  }
0x226: {  	s20 =	smov.u32 @p0 s10;
	p5 =	slt.f32 s5, s8;
	p6 =	sgt.f32 s1, s4  }
0x227: {  	(v2sf) =	vpush v5, $0xF;
	s7 =	smov.u32 @p0 s15;
	s15 =	smov.u32 @p0 s12;
	s12 =	spop (v2sf)  }
0x228: {  	s10 =	spop (v2sf);
	p1 =	por !p4, !p5;
	p4 =	seq.f32 s13, s19  }
0x229: {  	s22 =	smov.u32 @p0 s12;
	p5 =	slt.f32 s31, s18;
	s12 =	spop (v2sf)  }
0x22a: {  	s21 =	smov.u32 @p0 s10;
	p2 =	por !p1, !p1;
	s10 =	spop (v2sf)  }
0x22b: {  	s14 =	smov.u32 @p0 s12;
	p1 =	por !p4, !p5;
	s11 =	smov.u32 @p0 s10  }
0x22c: {  	s10 =	spop (v2sf);
	p0 =	por p6, p2;
	p6 =	sgt.f32 s13, s19  }
0x22d: {  	(v2sf) =	vpush v4, $0xF;
	p1 =	por !p1, !p1;
	s4 =	smov.u32 @p0 s1;
	s8 =	smov.u32 @p0 s5  }
0x22e: {  	s2 =	smov.u32 @p0 s3;
	s0 =	smov.u32 @p0 s6;
	s7 =	smov.u32 @p0 s9  }
0x22f: {  	s3 =	smov.u32 s13;
	s6 =	smov.u32 s31;
	p0 =	por p6, p1  }
0x230: {  	s1 =	spop (v2sf);
	s3 =	smov.u32 @p0 s19;
	s6 =	smov.u32 @p0 s18  }
0x231: {  	s24 =	smov.u32 s31;
	p4 =	seq.f32 s4, s3;
	p5 =	slt.f32 s8, s6  }
0x232: {  	s23 =	rddreg [dreg:$0xe];
	s5 =	spop (v2sf);
	s19 =	smov.u32 @p0 s13  }
0x233: {  	s20 =	smov.u32 @p0 s10;
	p6 =	sgt.f32 s4, s3;
	p1 =	por !p4, !p5  }
0x234: {  	s10 =	smov.u32 s23;
	s22 =	smov.u32 @p0 s1;
	p1 =	por !p1, !p1  }
0x235: {  	s13 =	rddreg [dreg:$0xd];
	s18 =	smov.u32 @p0 s24;
	p1 =	por p6, p1  }
0x236: {  	s9 =	spop (v2sf);
	s3 =	smov.u32 @p1 s4;
	s6 =	smov.u32 @p1 s8  }
0x237: {  	s1 =	smov.u32 s13;
	v2 =	vmov s19;
	p4 =	seq.f32 s3, s20;
	p5 =	slt.f32 s6, s22  }
0x238: {  	s10 =	smov.u32 @p0 s17;
	s17 =	smov.u32 @p0 s23;
	s1 =	smov.u32 @p0 s16;
	v2 =	vnsel vm0, $0x0, v2  }
0x239: {  	v2 =	vsel vm1, s18, v2;
	s8 =	rddreg [dreg:$0xc];
	p6 =	sgt.f32 s3, s20;
	p2 =	por !p4, !p5  }
0x23a: {  	s16 =	smov.u32 @p0 s13;
	v2 =	vsel vm2, s17, v2;
	s4 =	smov.u32 s8;
	p2 =	por !p2, !p2  }
0x23b: {  	v2 =	vsel vm3, s16, v2;
	s4 =	smov.u32 @p0 s15;
	s15 =	smov.u32 @p0 s8;
	p2 =	por p6, p2  }
0x23c: {  	s21 =	smov.u32 @p0 s5;
	s12 =	spop (v2sf);
	v2 =	vsel vm4, s15, v2;
	s20 =	smov.u32 @p2 s3  }
0x23d: {  	s14 =	smov.u32 @p0 s9;
	s10 =	smov.u32 @p1 s2;
	s22 =	smov.u32 @p2 s6;
	v2 =	vsel vm5, s20, v2  }
0x23e: {  	s11 =	smov.u32 @p0 s12;
	s1 =	smov.u32 @p1 s0;
	s21 =	smov.u32 @p2 s10;
	v2 =	vsel vm6, s22, v2  }
0x23f: {  	s4 =	smov.u32 @p1 s7;
	s7 =	rddreg [dreg:$0x7];
	s14 =	smov.u32 @p2 s1;
	v2 =	vsel vm7, s21, v2  }
0x240: {  	s0 =	sshll.u32 s7, $0x8;
	s11 =	smov.u32 @p2 s4;
	v2 =	vsel vm8, s14, v2  }
0x241: {  	s8 =	rddreg [dreg:$0xa];
	s0 =	sand.u32 $0x100, s0;
	v2 =	vsel vm9, s11, v2  }
0x242: {  	s9 =	simm.s32 $0x1600;
	s1 =	sadd.s32 s0, s8;
	s10 =	simm.s32 $0x1;
	[tilespmem:$0x1600] =	vst v2  }
0x243: {  	[spmem:s1] =	stream.linear.scatter [tilespmem:s9], [sflag:$0x1], $0x10, $0x38;
	[tilespmem:$0x21A0] =	vst v63  }
0x244: {  	_ =	swait.ge [sflag:s10], $0x10  }
0x245: {  	[sflag:s10] =	ssyncset.done $0x0  }
0x246: {  	[sflag:s10] =	ssyncadd.s32 $0xFFFFFFF0  }
0x247: {  	s11 =	rddreg [dreg:$0x4]  }
0x248: {  	s12 =	simm.s32 $0x1680;
	[bflag:$0x0] =	sbarrier.arrive $0xFFFF;
	s0 =	sadd.s32 s0, s11  }
0x249: {  	[tilespmem:s12], [sflag:$0x1] =	stream.linear.gather [spmem:s0], $0x100, $0x38;
	[tilespmem:$0x21A0] =	vst v63  }
0x24a: {  	_ =	swait.ge [sflag:s10], $0x100  }
0x24b: {  	[sflag:s10] =	ssyncset.done $0x0  }
0x24c: {  	[sflag:s10] =	ssyncadd.s32 $0xFFFFFF00  }
0x24d: {  	v2 =	vld [tilespmem:$0x1680];
	_ =	sdelay $0x4  }
0x24e: {  	(v2sf) =	vpush v2, $0x0  }
0x24f: {  	(v2sf) =	vpush v2, $0x1  }
0x250: {  	(v2sf) =	vpush v2, $0x2  }
0x251: {  	(v2sf) =	vpush v2, $0x3  }
0x252: {  	(v2sf) =	vpush v2, $0x4  }
0x253: {  	v3 =	vld [tilespmem:$0x1690];
	(v2sf) =	vpush v2, $0x5  }
0x254: {  	(v2sf) =	vpush v2, $0x6  }
0x255: {  	(v2sf) =	vpush v2, $0x7  }
0x256: {  	(v2sf) =	vpush v2, $0x8  }
0x257: {  	(v2sf) =	vpush v2, $0x9  }
0x258: {  	(v2sf) =	vpush v3, $0x0  }
0x259: {  	(v2sf) =	vpush v3, $0x1;
	_ =	sdelay $0x1  }
0x25a: {  	(v2sf) =	vpush v3, $0x2  }
0x25b: {  	(v2sf) =	vpush v3, $0x3  }
0x25c: {  	(v2sf) =	vpush v3, $0x4;
	s18 =	spop (v2sf)  }
0x25d: {  	(v2sf) =	vpush v3, $0x5;
	s21 =	spop (v2sf)  }
0x25e: {  	(v2sf) =	vpush v3, $0x6;
	s15 =	spop (v2sf)  }
0x25f: {  	s16 =	spop (v2sf)  }
0x260: {  	v2 =	vld [tilespmem:$0x16A0];
	(v2sf) =	vpush v3, $0x7;
	s17 =	spop (v2sf)  }
0x261: {  	(v2sf) =	vpush v3, $0x8;
	s0 =	spop (v2sf)  }
0x262: {  	s4 =	spop (v2sf)  }
0x263: {  	(v2sf) =	vpush v3, $0x9;
	s13 =	spop (v2sf)  }
0x264: {  	s14 =	spop (v2sf)  }
0x265: {  	(v2sf) =	vpush v2, $0x0;
	[dreg:$0x11] =	wrdreg s13;
	s19 =	spop (v2sf)  }
0x266: {  	[dreg:$0x12] =	wrdreg s14;
	s5 =	spop (v2sf)  }
0x267: {  	[dreg:$0x13] =	wrdreg s19;
	s1 =	spop (v2sf)  }
0x268: {  	p1 =	seq.f32 s5, s18;
	p4 =	sgt.f32 s5, s18  }
0x269: {  	p6 =	seq.f32 s0, s5;
	s20 =	spop (v2sf)  }
0x26a: {  	(v2sf) =	vpush v2, $0x1;
	p2 =	slt.f32 s1, s21;
	s22 =	spop (v2sf)  }
0x26b: {  	(v2sf) =	vpush v2, $0x2;
	[dreg:$0x17] =	wrdreg s20;
	s23 =	spop (v2sf)  }
0x26c: {  	(v2sf) =	vpush v2, $0x3;
	[dreg:$0x19] =	wrdreg s22;
	s6 =	spop (v2sf)  }
0x26d: {  	(v2sf) =	vpush v2, $0x4;
	p0 =	por !p1, !p2;
	[dreg:$0x18] =	wrdreg s23;
	s7 =	spop (v2sf)  }
0x26e: {  	(v2sf) =	vpush v2, $0x5;
	p0 =	por !p0, !p0;
	p3 =	seq.f32 s18, s6;
	p1 =	sgt.f32 s18, s6  }
0x26f: {  	(v2sf) =	vpush v2, $0x6;
	p4 =	por p4, p0;
	s23 =	spop (v2sf);
	p5 =	slt.f32 s21, s7  }
0x270: {  	p0 =	sgt.f32 s0, s5;
	(v2sf) =	vpush v2, $0x7;
	s2 =	simm.s32 @!p4 $0x0;
	s22 =	spop (v2sf)  }
0x271: {  	v3 =	vld [tilespmem:$0x16B0];
	s2 =	simm.s32 @p4 $0x1;
	p2 =	por !p3, !p5;
	p5 =	slt.f32 s4, s1  }
0x272: {  	(v2sf) =	vpush v2, $0x8;
	s24 =	spop (v2sf);
	[smem:$0x796] =	sst s2;
	p2 =	por !p2, !p2  }
0x273: {  	[dreg:$0x1a] =	wrdreg s24;
	p2 =	por p1, p2;
	p6 =	por !p6, !p5  }
0x274: {  	(v2sf) =	vpush v2, $0x9;
	s3 =	spop (v2sf);
	s2 =	simm.s32 @!p2 $0x0;
	p1 =	por !p6, !p6  }
0x275: {  	s6 =	smov.u32 @p2 s18;
	s2 =	simm.s32 @p2 $0x1;
	p0 =	por p0, p1  }
0x276: {  	(v2sf) =	vpush v3, $0x0;
	s18 =	smov.u32 @p4 s5;
	[smem:$0x795] =	sst s2;
	s2 =	simm.s32 @!p0 $0x0  }
0x277: {  	s7 =	smov.u32 @p2 s21;
	p2 =	seq.f32 s3, s18;
	s2 =	simm.s32 @p0 $0x1  }
0x278: {  	(v2sf) =	vpush v3, $0x1;
	s21 =	smov.u32 @p4 s1;
	p6 =	sgt.f32 s3, s18;
	[smem:$0x797] =	sst s2  }
0x279: {  	s5 =	smov.u32 @p0 s0;
	s1 =	smov.u32 @p0 s4;
	s2 =	spop (v2sf)  }
0x27a: {  	s5 =	smov.u32 @p4 s6;
	s25 =	spop (v2sf);
	p3 =	slt.f32 s2, s21  }
0x27b: {  	s1 =	smov.u32 @p4 s7;
	[dreg:$0x1d] =	wrdreg s25;
	s26 =	spop (v2sf)  }
0x27c: {  	[dreg:$0x1e] =	wrdreg s26;
	s28 =	spop (v2sf);
	p0 =	por !p2, !p3  }
0x27d: {  	[dreg:$0x1f] =	wrdreg s28;
	s6 =	spop (v2sf);
	p0 =	por !p0, !p0  }
0x27e: {  	(v2sf) =	vpush v3, $0x2;
	s7 =	spop (v2sf);
	p4 =	seq.f32 s18, s6;
	p6 =	por p6, p0  }
0x27f: {  	(v2sf) =	vpush v3, $0x3;
	p5 =	slt.f32 s21, s7;
	s31 =	spop (v2sf);
	s0 =	simm.s32 @!p6 $0x0  }
0x280: {  	(v2sf) =	vpush v3, $0x4;
	p3 =	sgt.f32 s18, s6;
	[smem:$0x798] =	sst s31;
	s0 =	simm.s32 @p6 $0x1  }
0x281: {  	(v2sf) =	vpush v3, $0x5;
	s4 =	spop (v2sf);
	p2 =	por !p4, !p5;
	p4 =	seq.f32 s5, s3  }
0x282: {  	(v2sf) =	vpush v3, $0x6;
	p5 =	slt.f32 s1, s2;
	[smem:$0x79B] =	sst s0  }
0x283: {  	v2 =	vld [tilespmem:$0x16C0];
	(v2sf) =	vpush v3, $0x7;
	[smem:$0x79A] =	sst s4;
	s8 =	spop (v2sf)  }
0x284: {  	(v2sf) =	vpush v3, $0x8;
	p2 =	por !p2, !p2;
	[smem:$0x79D] =	sst s8  }
0x285: {  	s4 =	spop (v2sf);
	p2 =	por p3, p2;
	p4 =	por !p4, !p5  }
0x286: {  	(v2sf) =	vpush v3, $0x9;
	p5 =	sgt.f32 s5, s3;
	s0 =	simm.s32 @!p2 $0x0;
	s6 =	smov.u32 @p2 s18  }
0x287: {  	p0 =	por !p4, !p4;
	s18 =	smov.u32 @p6 s3;
	s7 =	smov.u32 @p2 s21  }
0x288: {  	(v2sf) =	vpush v2, $0x0;
	s21 =	smov.u32 @p6 s2;
	s0 =	simm.s32 @p2 $0x1;
	p1 =	seq.f32 s4, s18  }
0x289: {  	p4 =	por p5, p0;
	[smem:$0x799] =	sst s0;
	s0 =	spop (v2sf)  }
0x28a: {  	s3 =	smov.u32 @p4 s5;
	s5 =	simm.s32 @!p4 $0x0;
	s2 =	smov.u32 @p4 s1  }
0x28b: {  	s5 =	simm.s32 @p4 $0x1;
	p2 =	slt.f32 s0, s21;
	s3 =	smov.u32 @p6 s6  }
0x28c: {  	s2 =	smov.u32 @p6 s7;
	p6 =	sgt.f32 s4, s18;
	[smem:$0x79C] =	sst s5  }
0x28d: {  	(v2sf) =	vpush v2, $0x1;
	p4 =	seq.f32 s3, s4;
	s9 =	spop (v2sf)  }
0x28e: {  	(v2sf) =	vpush v2, $0x2;
	p0 =	por !p1, !p2;
	[smem:$0x7A0] =	sst s9;
	s10 =	spop (v2sf)  }
0x28f: {  	p0 =	por !p0, !p0;
	[smem:$0x7A2] =	sst s10;
	s11 =	spop (v2sf)  }
0x290: {  	(v2sf) =	vpush v2, $0x3;
	p6 =	por p6, p0;
	[smem:$0x7A4] =	sst s11;
	s5 =	spop (v2sf)  }
0x291: {  	(v2sf) =	vpush v2, $0x4;
	s1 =	simm.s32 @!p6 $0x0;
	s8 =	spop (v2sf);
	p3 =	seq.f32 s18, s5  }
0x292: {  	(v2sf) =	vpush v2, $0x5;
	s1 =	simm.s32 @p6 $0x1;
	p5 =	slt.f32 s21, s8;
	s20 =	spop (v2sf)  }
0x293: {  	(v2sf) =	vpush v2, $0x6;
	[smem:$0x7A1] =	sst s1;
	s12 =	spop (v2sf)  }
0x294: {  	v3 =	vld [tilespmem:$0x16D0];
	(v2sf) =	vpush v2, $0x7;
	p5 =	por !p3, !p5;
	p3 =	sgt.f32 s18, s5;
	[smem:$0x79F] =	sst s12  }
0x295: {  	(v2sf) =	vpush v2, $0x8;
	s13 =	spop (v2sf);
	p1 =	por !p5, !p5;
	p5 =	slt.f32 s2, s0  }
0x296: {  	[smem:$0x7A5] =	sst s13;
	p2 =	por p3, p1  }
0x297: {  	s6 =	spop (v2sf);
	s1 =	simm.s32 @!p2 $0x0;
	p4 =	por !p4, !p5  }
0x298: {  	(v2sf) =	vpush v2, $0x9;
	p5 =	sgt.f32 s3, s4;
	s5 =	smov.u32 @p2 s18;
	s18 =	smov.u32 @p6 s4  }
0x299: {  	(v2sf) =	vpush v3, $0x0;
	s8 =	smov.u32 @p2 s21;
	s21 =	smov.u32 @p6 s0;
	p0 =	por !p4, !p4  }
0x29a: {  	s1 =	simm.s32 @p2 $0x1;
	p1 =	seq.f32 s6, s18;
	p0 =	por p5, p0  }
0x29b: {  	[smem:$0x79E] =	sst s1;
	s1 =	simm.s32 @!p0 $0x0;
	s4 =	smov.u32 @p0 s3  }
0x29c: {  	s3 =	spop (v2sf);
	s0 =	smov.u32 @p0 s2;
	s1 =	simm.s32 @p0 $0x1  }
0x29d: {  	(v2sf) =	vpush v3, $0x1;
	s14 =	spop (v2sf);
	p2 =	slt.f32 s3, s21;
	s4 =	smov.u32 @p6 s5  }
0x29e: {  	(v2sf) =	vpush v3, $0x2;
	s0 =	smov.u32 @p6 s8;
	p6 =	sgt.f32 s6, s18;
	[smem:$0x7A3] =	sst s1  }
0x29f: {  	[smem:$0x7A9] =	sst s14;
	s19 =	spop (v2sf)  }
0x2a0: {  	(v2sf) =	vpush v3, $0x3;
	[smem:$0x7AB] =	sst s19;
	s24 =	spop (v2sf);
	p0 =	por !p1, !p2  }
0x2a1: {  	[smem:$0x7AD] =	sst s24;
	s2 =	spop (v2sf);
	p0 =	por !p0, !p0  }
0x2a2: {  	(v2sf) =	vpush v3, $0x4;
	s7 =	spop (v2sf);
	p3 =	seq.f32 s18, s2;
	p6 =	por p6, p0  }
0x2a3: {  	(v2sf) =	vpush v3, $0x5;
	p4 =	slt.f32 s21, s7;
	s25 =	spop (v2sf);
	s1 =	simm.s32 @!p6 $0x0  }
0x2a4: {  	(v2sf) =	vpush v3, $0x6;
	[smem:$0x7A7] =	sst s25;
	s1 =	simm.s32 @p6 $0x1;
	s26 =	spop (v2sf)  }
0x2a5: {  	v2 =	vld [tilespmem:$0x16E0];
	(v2sf) =	vpush v3, $0x7;
	p5 =	por !p3, !p4;
	p3 =	sgt.f32 s18, s2;
	[smem:$0x7AA] =	sst s1  }
0x2a6: {  	p4 =	seq.f32 s4, s6;
	[smem:$0x7A8] =	sst s26;
	p1 =	por !p5, !p5  }
0x2a7: {  	s28 =	spop (v2sf);
	p5 =	slt.f32 s0, s3;
	p2 =	por p3, p1  }
0x2a8: {  	(v2sf) =	vpush v3, $0x8;
	[smem:$0x7AE] =	sst s28;
	s5 =	spop (v2sf);
	s1 =	simm.s32 @!p2 $0x0  }
0x2a9: {  	(v2sf) =	vpush v3, $0x9;
	p4 =	por !p4, !p5;
	p5 =	sgt.f32 s4, s6;
	s2 =	smov.u32 @p2 s18  }
0x2aa: {  	(v2sf) =	vpush v2, $0x0;
	s18 =	smov.u32 @p6 s6;
	s7 =	smov.u32 @p2 s21;
	s21 =	smov.u32 @p6 s3  }
0x2ab: {  	s1 =	simm.s32 @p2 $0x1;
	p0 =	por !p4, !p4;
	p1 =	seq.f32 s5, s18  }
0x2ac: {  	(v2sf) =	vpush v2, $0x1;
	[smem:$0x7A6] =	sst s1;
	p4 =	por p5, p0;
	s1 =	spop (v2sf)  }
0x2ad: {  	s6 =	smov.u32 @p4 s4;
	s4 =	simm.s32 @!p4 $0x0;
	s31 =	spop (v2sf)  }
0x2ae: {  	p2 =	slt.f32 s1, s21;
	s3 =	smov.u32 @p4 s0;
	s4 =	simm.s32 @p4 $0x1  }
0x2af: {  	[smem:$0x7B2] =	sst s31;
	s8 =	spop (v2sf);
	s6 =	smov.u32 @p6 s2  }
0x2b0: {  	(v2sf) =	vpush v2, $0x2;
	s3 =	smov.u32 @p6 s7;
	p6 =	sgt.f32 s5, s18;
	[smem:$0x7AC] =	sst s4  }
0x2b1: {  	[smem:$0x7B4] =	sst s8;
	s9 =	spop (v2sf);
	p0 =	por !p1, !p2  }
0x2b2: {  	(v2sf) =	vpush v2, $0x3;
	[smem:$0x7B6] =	sst s9;
	s4 =	spop (v2sf);
	p0 =	por !p0, !p0  }
0x2b3: {  	(v2sf) =	vpush v2, $0x4;
	s8 =	spop (v2sf);
	p3 =	seq.f32 s18, s4;
	p6 =	por p6, p0  }
0x2b4: {  	(v2sf) =	vpush v2, $0x5;
	p5 =	slt.f32 s21, s8;
	s0 =	simm.s32 @!p6 $0x0;
	s10 =	spop (v2sf)  }
0x2b5: {  	p4 =	seq.f32 s6, s5;
	(v2sf) =	vpush v2, $0x6;
	s0 =	simm.s32 @p6 $0x1;
	[smem:$0x7B0] =	sst s10  }
0x2b6: {  	p5 =	por !p3, !p5;
	p3 =	sgt.f32 s18, s4;
	[smem:$0x7B3] =	sst s0  }
0x2b7: {  	(v2sf) =	vpush v2, $0x7;
	s11 =	spop (v2sf);
	p1 =	por !p5, !p5;
	p5 =	slt.f32 s3, s1  }
0x2b8: {  	v3 =	vld [tilespmem:$0x16F0];
	[smem:$0x7B1] =	sst s11;
	s12 =	spop (v2sf);
	p2 =	por p3, p1  }
0x2b9: {  	(v2sf) =	vpush v2, $0x8;
	[smem:$0x7B7] =	sst s12;
	s7 =	spop (v2sf);
	s0 =	simm.s32 @!p2 $0x0  }
0x2ba: {  	p4 =	por !p4, !p5;
	p5 =	sgt.f32 s6, s5;
	s4 =	smov.u32 @p2 s18  }
0x2bb: {  	(v2sf) =	vpush v2, $0x9;
	s18 =	smov.u32 @p6 s5;
	s2 =	spop (v2sf);
	s8 =	smov.u32 @p2 s21  }
0x2bc: {  	s21 =	smov.u32 @p6 s1;
	s0 =	simm.s32 @p2 $0x1;
	p0 =	por !p4, !p4  }
0x2bd: {  	(v2sf) =	vpush v3, $0x0;
	p1 =	seq.f32 s7, s18;
	p2 =	slt.f32 s2, s21;
	p0 =	por p5, p0  }
0x2be: {  	[smem:$0x7AF] =	sst s0;
	s0 =	simm.s32 @!p0 $0x0;
	s5 =	smov.u32 @p0 s6  }
0x2bf: {  	s1 =	smov.u32 @p0 s3;
	s0 =	simm.s32 @p0 $0x1;
	s13 =	spop (v2sf)  }
0x2c0: {  	s5 =	smov.u32 @p6 s4;
	s1 =	smov.u32 @p6 s8;
	p6 =	sgt.f32 s7, s18  }
0x2c1: {  	(v2sf) =	vpush v3, $0x1;
	p0 =	por !p1, !p2;
	[smem:$0x7B5] =	sst s0;
	s14 =	spop (v2sf)  }
0x2c2: {  	(v2sf) =	vpush v3, $0x2;
	[smem:$0x7BB] =	sst s13;
	p0 =	por !p0, !p0;
	s19 =	spop (v2sf)  }
0x2c3: {  	[smem:$0x7BD] =	sst s14;
	p6 =	por p6, p0;
	s3 =	spop (v2sf)  }
0x2c4: {  	(v2sf) =	vpush v3, $0x3;
	[smem:$0x7BF] =	sst s19;
	s0 =	simm.s32 @!p6 $0x0;
	s6 =	spop (v2sf)  }
0x2c5: {  	p3 =	seq.f32 s18, s3;
	s0 =	simm.s32 @p6 $0x1;
	p4 =	slt.f32 s21, s6  }
0x2c6: {  	(v2sf) =	vpush v3, $0x4;
	s24 =	spop (v2sf);
	[smem:$0x7BC] =	sst s0  }
0x2c7: {  	(v2sf) =	vpush v3, $0x5;
	[smem:$0x7B9] =	sst s24  }
0x2c8: {  	(v2sf) =	vpush v3, $0x6;
	s25 =	spop (v2sf);
	p5 =	por !p3, !p4;
	p3 =	sgt.f32 s18, s3  }
0x2c9: {  	v2 =	vld [tilespmem:$0x1700];
	p4 =	seq.f32 s5, s7;
	[smem:$0x7BA] =	sst s25  }
0x2ca: {  	(v2sf) =	vpush v3, $0x7;
	s26 =	spop (v2sf);
	p1 =	por !p5, !p5;
	p5 =	slt.f32 s1, s2  }
0x2cb: {  	[smem:$0x7C0] =	sst s26;
	p2 =	por p3, p1  }
0x2cc: {  	(v2sf) =	vpush v3, $0x8;
	s4 =	spop (v2sf);
	s0 =	simm.s32 @!p2 $0x0;
	p4 =	por !p4, !p5  }
0x2cd: {  	(v2sf) =	vpush v3, $0x9;
	p5 =	sgt.f32 s5, s7;
	s3 =	smov.u32 @p2 s18;
	s18 =	smov.u32 @p6 s7  }
0x2ce: {  	(v2sf) =	vpush v2, $0x0;
	s6 =	smov.u32 @p2 s21;
	s21 =	smov.u32 @p6 s2;
	p0 =	por !p4, !p4  }
0x2cf: {  	s0 =	simm.s32 @p2 $0x1;
	p1 =	seq.f32 s4, s18;
	p4 =	por p5, p0  }
0x2d0: {  	(v2sf) =	vpush v2, $0x1;
	[smem:$0x7B8] =	sst s0;
	s0 =	spop (v2sf);
	s7 =	smov.u32 @p4 s5  }
0x2d1: {  	s5 =	simm.s32 @!p4 $0x0;
	s28 =	spop (v2sf);
	p2 =	slt.f32 s0, s21  }
0x2d2: {  	s2 =	smov.u32 @p4 s1;
	s5 =	simm.s32 @p4 $0x1;
	[smem:$0x7C4] =	sst s28  }
0x2d3: {  	s31 =	spop (v2sf);
	s7 =	smov.u32 @p6 s3;
	s2 =	smov.u32 @p6 s6  }
0x2d4: {  	(v2sf) =	vpush v2, $0x2;
	p6 =	sgt.f32 s4, s18;
	[smem:$0x7BE] =	sst s5;
	p0 =	por !p1, !p2  }
0x2d5: {  	[smem:$0x7C6] =	sst s31;
	s8 =	spop (v2sf);
	p0 =	por !p0, !p0  }
0x2d6: {  	(v2sf) =	vpush v2, $0x3;
	p4 =	seq.f32 s7, s4;
	s5 =	spop (v2sf);
	p6 =	por p6, p0  }
0x2d7: {  	(v2sf) =	vpush v2, $0x4;
	[smem:$0x7C8] =	sst s8;
	s8 =	spop (v2sf);
	s1 =	simm.s32 @!p6 $0x0  }
0x2d8: {  	(v2sf) =	vpush v2, $0x5;
	p3 =	seq.f32 s18, s5;
	p5 =	slt.f32 s21, s8;
	s1 =	simm.s32 @p6 $0x1  }
0x2d9: {  	(v2sf) =	vpush v2, $0x6;
	s9 =	spop (v2sf);
	[smem:$0x7C5] =	sst s1  }
0x2da: {  	p5 =	por !p3, !p5;
	p3 =	sgt.f32 s18, s5;
	[smem:$0x7C2] =	sst s9  }
0x2db: {  	v3 =	vld [tilespmem:$0x1710];
	(v2sf) =	vpush v2, $0x7;
	s10 =	spop (v2sf);
	p1 =	por !p5, !p5;
	p5 =	slt.f32 s2, s0  }
0x2dc: {  	[smem:$0x7C3] =	sst s10;
	s11 =	spop (v2sf);
	p2 =	por p3, p1  }
0x2dd: {  	(v2sf) =	vpush v2, $0x8;
	[smem:$0x7C9] =	sst s11;
	s6 =	spop (v2sf);
	s1 =	simm.s32 @!p2 $0x0  }
0x2de: {  	p4 =	por !p4, !p5;
	p5 =	sgt.f32 s7, s4;
	s5 =	smov.u32 @p2 s18  }
0x2df: {  	(v2sf) =	vpush v2, $0x9;
	s18 =	smov.u32 @p6 s4;
	s3 =	spop (v2sf);
	s8 =	smov.u32 @p2 s21  }
0x2e0: {  	(v2sf) =	vpush v3, $0x0;
	s21 =	smov.u32 @p6 s0;
	s1 =	simm.s32 @p2 $0x1;
	p0 =	por !p4, !p4  }
0x2e1: {  	p1 =	seq.f32 s6, s18;
	p2 =	slt.f32 s3, s21;
	p0 =	por p5, p0  }
0x2e2: {  	[smem:$0x7C1] =	sst s1;
	s1 =	simm.s32 @!p0 $0x0;
	s4 =	smov.u32 @p0 s7  }
0x2e3: {  	s0 =	smov.u32 @p0 s2;
	s1 =	simm.s32 @p0 $0x1;
	s12 =	spop (v2sf)  }
0x2e4: {  	(v2sf) =	vpush v3, $0x1;
	s4 =	smov.u32 @p6 s5;
	s0 =	smov.u32 @p6 s8;
	p6 =	sgt.f32 s6, s18  }
0x2e5: {  	(v2sf) =	vpush v3, $0x2;
	p0 =	por !p1, !p2;
	[smem:$0x7C7] =	sst s1;
	s13 =	spop (v2sf)  }
0x2e6: {  	[smem:$0x7CD] =	sst s12;
	p0 =	por !p0, !p0;
	s14 =	spop (v2sf)  }
0x2e7: {  	(v2sf) =	vpush v3, $0x3;
	[smem:$0x7CF] =	sst s13;
	p6 =	por p6, p0;
	s2 =	spop (v2sf)  }
0x2e8: {  	[smem:$0x7D1] =	sst s14;
	s1 =	simm.s32 @!p6 $0x0;
	s7 =	spop (v2sf)  }
0x2e9: {  	(v2sf) =	vpush v3, $0x4;
	p3 =	seq.f32 s18, s2;
	s1 =	simm.s32 @p6 $0x1;
	p4 =	slt.f32 s21, s7  }
0x2ea: {  	(v2sf) =	vpush v3, $0x5;
	s19 =	spop (v2sf);
	[smem:$0x7CE] =	sst s1  }
0x2eb: {  	(v2sf) =	vpush v3, $0x6;
	[smem:$0x7CB] =	sst s19  }
0x2ec: {  	(v2sf) =	vpush v3, $0x7;
	s24 =	spop (v2sf);
	p5 =	por !p3, !p4;
	p3 =	sgt.f32 s18, s2  }
0x2ed: {  	p4 =	seq.f32 s4, s6;
	[smem:$0x7CC] =	sst s24;
	p1 =	por !p5, !p5  }
0x2ee: {  	s25 =	spop (v2sf);
	p5 =	slt.f32 s0, s3;
	p2 =	por p3, p1  }
0x2ef: {  	v2 =	vld [tilespmem:$0x1720];
	(v2sf) =	vpush v3, $0x8;
	[smem:$0x7D2] =	sst s25;
	s5 =	spop (v2sf);
	s1 =	simm.s32 @!p2 $0x0  }
0x2f0: {  	p4 =	por !p4, !p5;
	p5 =	sgt.f32 s4, s6;
	s2 =	smov.u32 @p2 s18  }
0x2f1: {  	s18 =	smov.u32 @p6 s6;
	s7 =	smov.u32 @p2 s21;
	s21 =	smov.u32 @p6 s3  }
0x2f2: {  	(v2sf) =	vpush v3, $0x9;
	s1 =	simm.s32 @p2 $0x1;
	p0 =	por !p4, !p4;
	p1 =	seq.f32 s5, s18  }
0x2f3: {  	[smem:$0x7CA] =	sst s1;
	p4 =	por p5, p0;
	s1 =	spop (v2sf)  }
0x2f4: {  	(v2sf) =	vpush v2, $0x0;
	s6 =	smov.u32 @p4 s4;
	s4 =	simm.s32 @!p4 $0x0;
	s26 =	spop (v2sf)  }
0x2f5: {  	p2 =	slt.f32 s1, s21;
	s3 =	smov.u32 @p4 s0;
	s4 =	simm.s32 @p4 $0x1  }
0x2f6: {  	(v2sf) =	vpush v2, $0x1;
	[smem:$0x7D6] =	sst s26;
	s28 =	spop (v2sf);
	s6 =	smov.u32 @p6 s2  }
0x2f7: {  	(v2sf) =	vpush v2, $0x2;
	s3 =	smov.u32 @p6 s7;
	p6 =	sgt.f32 s5, s18;
	[smem:$0x7D0] =	sst s4  }
0x2f8: {  	(v2sf) =	vpush v2, $0x3;
	[smem:$0x7D8] =	sst s28;
	s31 =	spop (v2sf);
	p0 =	por !p1, !p2  }
0x2f9: {  	(v2sf) =	vpush v2, $0x4;
	[smem:$0x7DA] =	sst s31;
	s8 =	spop (v2sf);
	p0 =	por !p0, !p0  }
0x2fa: {  	(v2sf) =	vpush v2, $0x5;
	s9 =	spop (v2sf);
	p3 =	seq.f32 s18, s8;
	p6 =	por p6, p0  }
0x2fb: {  	(v2sf) =	vpush v2, $0x6;
	p5 =	slt.f32 s21, s9;
	s0 =	simm.s32 @!p6 $0x0;
	s2 =	spop (v2sf)  }
0x2fc: {  	p4 =	seq.f32 s6, s5;
	s0 =	simm.s32 @p6 $0x1;
	[smem:$0x7D4] =	sst s2  }
0x2fd: {  	v3 =	vld [tilespmem:$0x1730];
	(v2sf) =	vpush v2, $0x7;
	p5 =	por !p3, !p5;
	p3 =	sgt.f32 s18, s8;
	[smem:$0x7D7] =	sst s0  }
0x2fe: {  	(v2sf) =	vpush v2, $0x8;
	s4 =	spop (v2sf);
	p1 =	por !p5, !p5;
	p5 =	slt.f32 s3, s1  }
0x2ff: {  	[smem:$0x7D5] =	sst s4  }
0x300: {  	(v2sf) =	vpush v2, $0x9;
	p2 =	por p3, p1;
	p4 =	por !p4, !p5;
	p5 =	sgt.f32 s6, s5  }
0x301: {  	s7 =	spop (v2sf);
	s0 =	simm.s32 @!p2 $0x0;
	p0 =	por !p4, !p4  }
0x302: {  	(v2sf) =	vpush v3, $0x0;
	[smem:$0x7DB] =	sst s7;
	s0 =	simm.s32 @p2 $0x1;
	p0 =	por p5, p0  }
0x303: {  	s4 =	spop (v2sf);
	[smem:$0x7D3] =	sst s0;
	s0 =	simm.s32 @!p0 $0x0  }
0x304: {  	s8 =	smov.u32 @p2 s18;
	s18 =	smov.u32 @p6 s5;
	s0 =	simm.s32 @p0 $0x1  }
0x305: {  	s9 =	smov.u32 @p2 s21;
	[smem:$0x7D9] =	sst s0;
	s0 =	spop (v2sf)  }
0x306: {  	s21 =	smov.u32 @p6 s1;
	p2 =	seq.f32 s4, s18;
	s12 =	spop (v2sf)  }
0x307: {  	(v2sf) =	vpush v3, $0x1;
	s5 =	smov.u32 @p0 s6;
	p3 =	slt.f32 s0, s21;
	s11 =	spop (v2sf)  }
0x308: {  	(v2sf) =	vpush v3, $0x2;
	s1 =	smov.u32 @p0 s3;
	s5 =	smov.u32 @p6 s8;
	s10 =	spop (v2sf)  }
0x309: {  	(v2sf) =	vpush v3, $0x3;
	p0 =	por !p2, !p3;
	p3 =	sgt.f32 s4, s18;
	s6 =	spop (v2sf)  }
0x30a: {  	p2 =	seq.f32 s5, s4;
	s7 =	spop (v2sf)  }
0x30b: {  	s1 =	smov.u32 @p6 s9;
	(v2sf) =	vpush v3, $0x4;
	p4 =	seq.f32 s18, s6;
	p5 =	slt.f32 s21, s7  }
0x30c: {  	(v2sf) =	vpush v3, $0x5;
	[smem:$0x7E1] =	sst s10;
	p0 =	por !p0, !p0;
	s13 =	spop (v2sf)  }
0x30d: {  	(v2sf) =	vpush v3, $0x6;
	[smem:$0x7DD] =	sst s13;
	s14 =	spop (v2sf);
	p6 =	por !p4, !p5  }
0x30e: {  	p5 =	sgt.f32 s18, s6;
	p4 =	por p3, p0;
	[smem:$0x7DE] =	sst s14  }
0x30f: {  	(v2sf) =	vpush v3, $0x7;
	s19 =	spop (v2sf);
	p1 =	por !p6, !p6;
	s2 =	simm.s32 @!p4 $0x0  }
0x310: {  	p6 =	slt.f32 s1, s0;
	[smem:$0x7E2] =	sst s19;
	s2 =	simm.s32 @p4 $0x1  }
0x311: {  	v2 =	vld [tilespmem:$0x1740];
	(v2sf) =	vpush v3, $0x8;
	s3 =	spop (v2sf);
	p3 =	por p5, p1;
	[smem:$0x7DF] =	sst s2  }
0x312: {  	s2 =	simm.s32 @!p3 $0x0;
	p5 =	por !p2, !p6;
	p6 =	sgt.f32 s5, s4  }
0x313: {  	s6 =	smov.u32 @p3 s18;
	s18 =	smov.u32 @p4 s4;
	s7 =	smov.u32 @p3 s21  }
0x314: {  	(v2sf) =	vpush v3, $0x9;
	s21 =	smov.u32 @p4 s0;
	s2 =	simm.s32 @p3 $0x1;
	p0 =	por !p5, !p5  }
0x315: {  	p1 =	seq.f32 s3, s18;
	[smem:$0x7DC] =	sst s2;
	p5 =	por p6, p0  }
0x316: {  	(v2sf) =	vpush v2, $0x0;
	s2 =	spop (v2sf);
	s4 =	smov.u32 @p5 s5;
	s5 =	simm.s32 @!p5 $0x0  }
0x317: {  	s10 =	spop (v2sf);
	p2 =	slt.f32 s2, s21;
	s0 =	smov.u32 @p5 s1  }
0x318: {  	(v2sf) =	vpush v2, $0x1;
	s5 =	simm.s32 @p5 $0x1;
	s9 =	spop (v2sf);
	s4 =	smov.u32 @p4 s6  }
0x319: {  	(v2sf) =	vpush v2, $0x2;
	s0 =	smov.u32 @p4 s7;
	p5 =	sgt.f32 s3, s18;
	p0 =	por !p1, !p2  }
0x31a: {  	(v2sf) =	vpush v2, $0x3;
	[smem:$0x7E0] =	sst s5;
	s24 =	spop (v2sf);
	p2 =	por !p0, !p0  }
0x31b: {  	(v2sf) =	vpush v2, $0x4;
	[smem:$0x7E8] =	sst s24;
	s5 =	spop (v2sf);
	p4 =	por p5, p2  }
0x31c: {  	(v2sf) =	vpush v2, $0x5;
	p0 =	seq.f32 s4, s3;
	s13 =	spop (v2sf);
	s1 =	simm.s32 @!p4 $0x0  }
0x31d: {  	(v2sf) =	vpush v2, $0x6;
	p3 =	seq.f32 s18, s5;
	p6 =	slt.f32 s21, s13;
	s1 =	simm.s32 @p4 $0x1  }
0x31e: {  	s25 =	spop (v2sf);
	[smem:$0x7E6] =	sst s1  }
0x31f: {  	(v2sf) =	vpush v2, $0x7;
	p6 =	por !p3, !p6;
	p3 =	sgt.f32 s18, s5;
	[smem:$0x7E4] =	sst s25  }
0x320: {  	(v2sf) =	vpush v2, $0x8;
	s26 =	spop (v2sf);
	p1 =	por !p6, !p6;
	p6 =	slt.f32 s0, s2  }
0x321: {  	[smem:$0x7E5] =	sst s26  }
0x322: {  	(v2sf) =	vpush v2, $0x9;
	p2 =	por p3, p1;
	p0 =	por !p0, !p6;
	p6 =	sgt.f32 s4, s3  }
0x323: {  	v3 =	vld [tilespmem:$0x1750];
	s28 =	spop (v2sf);
	s1 =	simm.s32 @!p2 $0x0;
	p0 =	por !p0, !p0  }
0x324: {  	[smem:$0x7E9] =	sst s28;
	s1 =	simm.s32 @p2 $0x1;
	p0 =	por p6, p0  }
0x325: {  	s6 =	spop (v2sf);
	[smem:$0x7E3] =	sst s1;
	s1 =	simm.s32 @!p0 $0x0  }
0x326: {  	s5 =	smov.u32 @p2 s18;
	s18 =	smov.u32 @p4 s3;
	s1 =	simm.s32 @p0 $0x1  }
0x327: {  	s13 =	smov.u32 @p2 s21;
	[smem:$0x7E7] =	sst s1;
	s1 =	spop (v2sf)  }
0x328: {  	(v2sf) =	vpush v3, $0x0;
	s21 =	smov.u32 @p4 s2;
	p1 =	seq.f32 s6, s18;
	s8 =	spop (v2sf)  }
0x329: {  	(v2sf) =	vpush v3, $0x1;
	s3 =	smov.u32 @p0 s4;
	s2 =	smov.u32 @p0 s0;
	s7 =	spop (v2sf)  }
0x32a: {  	(v2sf) =	vpush v3, $0x2;
	s3 =	smov.u32 @p4 s5;
	p2 =	slt.f32 s1, s21;
	s31 =	spop (v2sf)  }
0x32b: {  	s2 =	smov.u32 @p4 s13;
	(v2sf) =	vpush v3, $0x3;
	p4 =	sgt.f32 s3, s6;
	s14 =	spop (v2sf)  }
0x32c: {  	(v2sf) =	vpush v3, $0x4;
	p0 =	por !p1, !p2;
	p2 =	sgt.f32 s6, s18;
	s19 =	spop (v2sf)  }
0x32d: {  	(v2sf) =	vpush v3, $0x5;
	p3 =	seq.f32 s18, s14;
	p5 =	slt.f32 s21, s19  }
0x32e: {  	(v2sf) =	vpush v3, $0x6;
	[smem:$0x7EF] =	sst s31;
	s4 =	spop (v2sf)  }
0x32f: {  	[smem:$0x7EB] =	sst s4;
	s5 =	spop (v2sf);
	p6 =	por !p3, !p5  }
0x330: {  	(v2sf) =	vpush v3, $0x7;
	p3 =	por !p0, !p0;
	p5 =	sgt.f32 s18, s14;
	p0 =	seq.f32 s3, s6  }
0x331: {  	[smem:$0x7EC] =	sst s5;
	s13 =	spop (v2sf);
	p2 =	por p2, p3  }
0x332: {  	(v2sf) =	vpush v3, $0x8;
	p1 =	por !p6, !p6;
	p6 =	slt.f32 s2, s1;
	s0 =	simm.s32 @!p2 $0x0  }
0x333: {  	[smem:$0x7F0] =	sst s13;
	p3 =	por p5, p1;
	s0 =	simm.s32 @p2 $0x1  }
0x334: {  	v63 =	vld [tilespmem:$0x1760];
	p0 =	por !p0, !p6;
	s14 =	smov.u32 @p3 s18;
	s18 =	smov.u32 @p2 s6  }
0x335: {  	s19 =	smov.u32 @p3 s21;
	[smem:$0x7ED] =	sst s0;
	s0 =	simm.s32 @!p3 $0x0  }
0x336: {  	s21 =	smov.u32 @p2 s1;
	p0 =	por !p0, !p0;
	s0 =	simm.s32 @p3 $0x1  }
0x337: {  	p0 =	por p4, p0;
	[smem:$0x7EA] =	sst s0;
	s0 =	spop (v2sf)  }
0x338: {  	s4 =	simm.s32 @!p0 $0x0;
	(v2sf) =	vpush v3, $0x9;
	s6 =	smov.u32 @p0 s3;
	s28 =	spop (v2sf)  }
0x339: {  	s1 =	smov.u32 @p0 s2;
	s4 =	simm.s32 @p0 $0x1;
	(v2sf) =	vpush v63, $0x0;
	s5 =	spop (v2sf)  }
0x33a: {  	s6 =	smov.u32 @p2 s14;
	[smem:$0x7EE] =	sst s4;
	(v2sf) =	vpush v63, $0x1;
	s4 =	spop (v2sf)  }
0x33b: {  	s1 =	smov.u32 @p2 s19;
	p2 =	seq.f32 s0, s18;
	(v2sf) =	vpush v63, $0x2;
	s24 =	spop (v2sf)  }
0x33c: {  	p4 =	slt.f32 s28, s21;
	(v2sf) =	vpush v63, $0x3;
	s2 =	spop (v2sf)  }
0x33d: {  	p1 =	slt.f32 s1, s28;
	(v2sf) =	vpush v63, $0x4;
	s3 =	spop (v2sf)  }
0x33e: {  	(v2sf) =	vpush v63, $0x5;
	p5 =	seq.f32 s18, s2;
	p6 =	slt.f32 s21, s3  }
0x33f: {  	v2 =	vld [tilespmem:$0x1770];
	p2 =	por !p2, !p4;
	[smem:$0x7F5] =	sst s24;
	(v2sf) =	vpush v63, $0x6;
	s25 =	spop (v2sf)  }
0x340: {  	(v2sf) =	vpush v63, $0x7;
	[smem:$0x7F2] =	sst s25;
	p0 =	por !p5, !p6;
	p6 =	sgt.f32 s18, s2  }
0x341: {  	(v2sf) =	vpush v63, $0x8;
	p5 =	seq.f32 s6, s0;
	s26 =	spop (v2sf);
	p0 =	por !p0, !p0  }
0x342: {  	p2 =	por !p2, !p2;
	(v2sf) =	vpush v63, $0x9;
	[smem:$0x7F3] =	sst s26;
	p4 =	por p6, p0  }
0x343: {  	p6 =	sgt.f32 s0, s18;
	p3 =	por !p5, !p1;
	p5 =	sgt.f32 s6, s0  }
0x344: {  	(v2sf) =	vpush v2, $0x0;
	s13 =	simm.s32 @!p4 $0x0;
	s2 =	smov.u32 @p4 s18;
	p1 =	por !p3, !p3  }
0x345: {  	(v2sf) =	vpush v2, $0x1;
	s3 =	smov.u32 @p4 s21;
	s13 =	simm.s32 @p4 $0x1;
	p0 =	por p5, p1  }
0x346: {  	p6 =	por p6, p2;
	[smem:$0x7F1] =	sst s13;
	s13 =	simm.s32 @!p0 $0x0  }
0x347: {  	(v2sf) =	vpush v2, $0x2;
	s18 =	smov.u32 @p6 s0;
	s0 =	smov.u32 @p0 s6;
	s31 =	spop (v2sf)  }
0x348: {  	(v2sf) =	vpush v2, $0x3;
	s13 =	simm.s32 @p0 $0x1;
	[smem:$0x7F6] =	sst s31;
	s31 =	spop (v2sf)  }
0x349: {  	s21 =	smov.u32 @p6 s28;
	(v2sf) =	vpush v2, $0x4;
	[smem:$0x7F4] =	sst s13;
	s26 =	spop (v2sf)  }
0x34a: {  	s28 =	smov.u32 @p0 s1;
	(v2sf) =	vpush v2, $0x5;
	p3 =	seq.f32 s31, s18;
	s1 =	spop (v2sf)  }
0x34b: {  	s0 =	smov.u32 @p6 s2;
	(v2sf) =	vpush v2, $0x6;
	p2 =	sgt.f32 s31, s18;
	s2 =	spop (v2sf)  }
0x34c: {  	p4 =	slt.f32 s26, s21;
	s6 =	spop (v2sf)  }
0x34d: {  	s28 =	smov.u32 @p6 s3;
	[smem:$0x7F8] =	sst s6;
	s3 =	spop (v2sf)  }
0x34e: {  	p5 =	seq.f32 s18, s3;
	s25 =	spop (v2sf)  }
0x34f: {  	p1 =	slt.f32 s21, s25;
	s13 =	spop (v2sf)  }
0x350: {  	p0 =	por !p3, !p4;
	[smem:$0x7F7] =	sst s13;
	s13 =	spop (v2sf)  }
0x351: {  	p4 =	sgt.f32 s18, s3;
	p3 =	por !p5, !p1;
	s14 =	spop (v2sf)  }
0x352: {  	p1 =	por !p0, !p0;
	p5 =	seq.f32 s0, s31;
	p0 =	slt.f32 s28, s26  }
0x353: {  	[smem:$0x7F9] =	sst s14;
	s29 =	spop (v2sf)  }
0x354: {  	p3 =	por !p3, !p3;
	p2 =	por p2, p1;
	s24 =	spop (v2sf)  }
0x355: {  	p4 =	por p4, p3;
	p0 =	por !p5, !p0;
	p3 =	sgt.f32 s0, s31  }
0x356: {  	s14 =	spop (v2sf);
	s25 =	smov.u32 @p4 s21;
	p0 =	por !p0, !p0  }
0x357: {  	s21 =	smov.u32 @p2 s26;
	s30 =	spop (v2sf);
	p5 =	por p3, p0  }
0x358: {  	s19 =	spop (v2sf);
	s26 =	smov.u32 @p5 s28;
	s28 =	sld [smem:$0x797]  }
0x359: {  	[smem:$0x7FD] =	sst s19;
	s6 =	spop (v2sf)  }
0x35a: {  	s26 =	smov.u32 @p2 s25;
	s25 =	sld [smem:$0x795];
	s19 =	spop (v2sf)  }
0x35b: {  	p0 =	slt.f32 s21, s19  }
0x35c: {  	p3 =	seq.s32 s28, $0x1  }
0x35d: {  	s28 =	rddreg [dreg:$0x18];
	p1 =	seq.s32 s25, $0x1;
	s19 =	simm.s32 @!p0 $0x0  }
0x35e: {  	s25 =	rddreg [dreg:$0x19];
	s19 =	simm.s32 @p0 $0x1;
	p0 =	slt.f32 s24, s21  }
0x35f: {  	s21 =	rddreg [dreg:$0x11]  }
0x360: {  	[smem:$0x7FB] =	sst s19;
	s19 =	simm.s32 @!p0 $0x0  }
0x361: {  	s19 =	simm.s32 @p0 $0x1;
	p0 =	slt.f32 s26, s24;
	s26 =	sld [smem:$0x796]  }
0x362: {  	s24 =	rddreg [dreg:$0x17]  }
0x363: {  	[smem:$0x7FA] =	sst s19;
	s19 =	simm.s32 @!p0 $0x0  }
0x364: {  	s19 =	simm.s32 @p0 $0x1;
	p0 =	seq.s32 s26, $0x1;
	s26 =	rddreg [dreg:$0x13]  }
0x365: {  	s23 =	smov.u32 @p1 s15;
	[smem:$0x7FC] =	sst s19  }
0x366: {  	s15 =	smov.u32 @p0 s24;
	s24 =	smov.u32 @p3 s21;
	s21 =	rddreg [dreg:$0x12]  }
0x367: {  	s22 =	smov.u32 @p1 s16;
	s16 =	smov.u32 @p0 s25;
	s19 =	sld [smem:$0x79C]  }
0x368: {  	s25 =	smov.u32 @p3 s21;
	s24 =	smov.u32 @p0 s23;
	s23 =	sld [smem:$0x79B]  }
0x369: {  	s21 =	smov.u32 s28;
	s25 =	smov.u32 @p0 s22;
	s22 =	rddreg [dreg:$0x1a]  }
0x36a: {  	s21 =	smov.u32 @p3 s26;
	s26 =	sld [smem:$0x798];
	s22 =	smov.u32 @p1 s17  }
0x36b: {  	s21 =	smov.u32 @p0 s22;
	s22 =	sld [smem:$0x799]  }
0x36c: {  	s17 =	smov.u32 @p0 s28;
	s28 =	sld [smem:$0x79A]  }
0x36d: {  	p3 =	seq.s32 s19, $0x1  }
0x36e: {  	p0 =	seq.s32 s23, $0x1;
	s23 =	rddreg [dreg:$0x1e];
	p1 =	seq.s32 s22, $0x1  }
0x36f: {  	s22 =	rddreg [dreg:$0x1d];
	s26 =	smov.u32 @p1 s15;
	s28 =	smov.u32 @p1 s16  }
0x370: {  	s16 =	smov.u32 @p0 s23;
	s23 =	smov.u32 @p3 s25;
	s25 =	rddreg [dreg:$0x1f]  }
0x371: {  	s15 =	smov.u32 @p0 s22;
	s22 =	smov.u32 @p3 s24;
	s24 =	smov.u32 s25  }
0x372: {  	s24 =	smov.u32 @p3 s21;
	s21 =	sld [smem:$0x79D]  }
0x373: {  	s23 =	smov.u32 @p0 s28;
	s28 =	smov.u32 s20;
	s20 =	sld [smem:$0x79F]  }
0x374: {  	s22 =	smov.u32 @p0 s26;
	s26 =	sld [smem:$0x7A1]  }
0x375: {  	s21 =	smov.u32 @p1 s17;
	s17 =	smov.u32 @p0 s25;
	s25 =	sld [smem:$0x79E]  }
0x376: {  	s24 =	smov.u32 @p0 s21;
	s21 =	sld [smem:$0x7A3]  }
0x377: {  	p0 =	seq.s32 s26, $0x1;
	s26 =	sld [smem:$0x7A2]  }
0x378: {  	p1 =	seq.s32 s25, $0x1;
	s25 =	sld [smem:$0x7A0]  }
0x379: {  	s19 =	sld [smem:$0x7A8];
	s28 =	smov.u32 @p1 s15;
	p3 =	seq.s32 s21, $0x1  }
0x37a: {  	s20 =	smov.u32 @p1 s16;
	s16 =	smov.u32 @p0 s26;
	s26 =	smov.u32 @p3 s23  }
0x37b: {  	s15 =	smov.u32 @p0 s25;
	s25 =	smov.u32 @p3 s22;
	s22 =	sld [smem:$0x7A4]  }
0x37c: {  	s26 =	smov.u32 @p0 s20;
	s20 =	sld [smem:$0x7A5]  }
0x37d: {  	s23 =	sld [smem:$0x7AA]  }
0x37e: {  	s25 =	smov.u32 @p0 s28;
	s28 =	sld [smem:$0x7A7];
	s21 =	smov.u32 s22  }
0x37f: {  	s20 =	smov.u32 @p1 s17;
	s17 =	smov.u32 @p0 s22;
	s22 =	sld [smem:$0x7A6]  }
0x380: {  	s21 =	smov.u32 @p3 s24;
	s24 =	sld [smem:$0x7AC]  }
0x381: {  	s21 =	smov.u32 @p0 s20;
	p0 =	seq.s32 s23, $0x1;
	s23 =	sld [smem:$0x7AB]  }
0x382: {  	s20 =	sld [smem:$0x7AD];
	p1 =	seq.s32 s22, $0x1  }
0x383: {  	s22 =	sld [smem:$0x7A9];
	s19 =	smov.u32 @p1 s16;
	p3 =	seq.s32 s24, $0x1  }
0x384: {  	s16 =	smov.u32 @p0 s23;
	s23 =	smov.u32 @p3 s26;
	s26 =	sld [smem:$0x7B0]  }
0x385: {  	s24 =	smov.u32 s20;
	s23 =	smov.u32 @p0 s19;
	s19 =	sld [smem:$0x7AE]  }
0x386: {  	s28 =	smov.u32 @p1 s15;
	s24 =	smov.u32 @p3 s21;
	s21 =	sld [smem:$0x7AF]  }
0x387: {  	s15 =	smov.u32 @p0 s22;
	s22 =	smov.u32 @p3 s25;
	s25 =	sld [smem:$0x7B3]  }
0x388: {  	s22 =	smov.u32 @p0 s28;
	s28 =	sld [smem:$0x7B1]  }
0x389: {  	s19 =	smov.u32 @p1 s17;
	s17 =	smov.u32 @p0 s20;
	s20 =	sld [smem:$0x7B2]  }
0x38a: {  	p1 =	seq.s32 s21, $0x1;
	s21 =	sld [smem:$0x7B5]  }
0x38b: {  	s24 =	smov.u32 @p0 s19;
	p0 =	seq.s32 s25, $0x1;
	s25 =	sld [smem:$0x7B4]  }
0x38c: {  	s26 =	smov.u32 @p1 s15;
	s19 =	sld [smem:$0x7B6]  }
0x38d: {  	s28 =	smov.u32 @p1 s16;
	s15 =	smov.u32 @p0 s20;
	p3 =	seq.s32 s21, $0x1  }
0x38e: {  	s16 =	smov.u32 @p0 s25;
	s20 =	smov.u32 @p3 s22;
	s22 =	sld [smem:$0x7B7]  }
0x38f: {  	s25 =	smov.u32 @p3 s23;
	s21 =	smov.u32 s19;
	s23 =	sld [smem:$0x7B8]  }
0x390: {  	s21 =	smov.u32 @p3 s24;
	s24 =	sld [smem:$0x7BC]  }
0x391: {  	s25 =	smov.u32 @p0 s28;
	s28 =	sld [smem:$0x7BE]  }
0x392: {  	s22 =	smov.u32 @p1 s17;
	p1 =	seq.s32 s23, $0x1;
	s23 =	sld [smem:$0x7B9]  }
0x393: {  	s17 =	smov.u32 @p0 s19;
	s19 =	sld [smem:$0x7BB]  }
0x394: {  	s20 =	smov.u32 @p0 s26;
	s21 =	smov.u32 @p0 s22  }
0x395: {  	p0 =	seq.s32 s24, $0x1;
	p3 =	seq.s32 s28, $0x1;
	s23 =	smov.u32 @p1 s15  }
0x396: {  	s15 =	smov.u32 @p0 s19;
	s19 =	smov.u32 @p3 s20;
	s20 =	sld [smem:$0x7BF]  }
0x397: {  	_ = 	snop  }
0x398: {  	s26 =	sld [smem:$0x7BA]  }
0x399: {  	s22 =	sld [smem:$0x7BD];
	s24 =	smov.u32 s20  }
0x39a: {  	s24 =	smov.u32 @p3 s21;
	s21 =	sld [smem:$0x7C0]  }
0x39b: {  	s26 =	smov.u32 @p1 s16;
	s28 =	sld [smem:$0x7C7]  }
0x39c: {  	s16 =	smov.u32 @p0 s22;
	s22 =	smov.u32 @p3 s25;
	s25 =	sld [smem:$0x7C2]  }
0x39d: {  	s19 =	smov.u32 @p0 s23;
	s23 =	sld [smem:$0x7C5];
	s21 =	smov.u32 @p1 s17  }
0x39e: {  	s24 =	smov.u32 @p0 s21;
	s21 =	sld [smem:$0x7C1]  }
0x39f: {  	s22 =	smov.u32 @p0 s26;
	s26 =	sld [smem:$0x7C3]  }
0x3a0: {  	s17 =	smov.u32 @p0 s20;
	s20 =	sld [smem:$0x7C4]  }
0x3a1: {  	p0 =	seq.s32 s23, $0x1;
	s23 =	sld [smem:$0x7C6];
	p1 =	seq.s32 s21, $0x1  }
0x3a2: {  	p3 =	seq.s32 s28, $0x1;
	s25 =	smov.u32 @p1 s15;
	s26 =	smov.u32 @p1 s16  }
0x3a3: {  	s15 =	smov.u32 @p0 s20;
	s20 =	smov.u32 @p3 s19;
	s19 =	sld [smem:$0x7C8]  }
0x3a4: {  	s16 =	smov.u32 @p0 s23;
	s23 =	smov.u32 @p3 s22;
	s22 =	sld [smem:$0x7C9]  }
0x3a5: {  	_ = 	snop  }
0x3a6: {  	s28 =	sld [smem:$0x7D0];
	s20 =	smov.u32 @p0 s25;
	s21 =	smov.u32 s19  }
0x3a7: {  	s25 =	sld [smem:$0x7CB];
	s22 =	smov.u32 @p1 s17;
	s21 =	smov.u32 @p3 s24  }
0x3a8: {  	s21 =	smov.u32 @p0 s22;
	s22 =	sld [smem:$0x7CA]  }
0x3a9: {  	s24 =	sld [smem:$0x7CE]  }
0x3aa: {  	s17 =	smov.u32 @p0 s19;
	s19 =	sld [smem:$0x7CD]  }
0x3ab: {  	s23 =	smov.u32 @p0 s26;
	p1 =	seq.s32 s22, $0x1  }
0x3ac: {  	p3 =	seq.s32 s28, $0x1;
	p0 =	seq.s32 s24, $0x1;
	s25 =	smov.u32 @p1 s15  }
0x3ad: {  	s15 =	smov.u32 @p0 s19;
	s19 =	smov.u32 @p3 s20;
	s20 =	sld [smem:$0x7D1]  }
0x3ae: {  	_ = 	snop  }
0x3af: {  	s26 =	sld [smem:$0x7CC]  }
0x3b0: {  	s22 =	sld [smem:$0x7CF];
	s24 =	smov.u32 s20  }
0x3b1: {  	s24 =	smov.u32 @p3 s21;
	s21 =	sld [smem:$0x7D2]  }
0x3b2: {  	s28 =	sld [smem:$0x7D9];
	s26 =	smov.u32 @p1 s16  }
0x3b3: {  	s19 =	smov.u32 @p0 s25;
	s25 =	sld [smem:$0x7D4];
	s16 =	smov.u32 @p0 s22  }
0x3b4: {  	s22 =	smov.u32 @p3 s23;
	s23 =	sld [smem:$0x7D7];
	s21 =	smov.u32 @p1 s17  }
0x3b5: {  	s24 =	smov.u32 @p0 s21;
	s21 =	sld [smem:$0x7D3]  }
0x3b6: {  	s22 =	smov.u32 @p0 s26;
	s26 =	sld [smem:$0x7D5]  }
0x3b7: {  	p3 =	seq.s32 s28, $0x1;
	s17 =	smov.u32 @p0 s20;
	s20 =	sld [smem:$0x7D6]  }
0x3b8: {  	p0 =	seq.s32 s23, $0x1;
	s23 =	sld [smem:$0x7D8];
	p1 =	seq.s32 s21, $0x1  }
0x3b9: {  	s28 =	sld [smem:$0x7E0];
	s25 =	smov.u32 @p1 s15;
	s26 =	smov.u32 @p1 s16  }
0x3ba: {  	s15 =	smov.u32 @p0 s20;
	s20 =	smov.u32 @p3 s19;
	s19 =	sld [smem:$0x7DA]  }
0x3bb: {  	s16 =	smov.u32 @p0 s23;
	s23 =	smov.u32 @p3 s22;
	s22 =	sld [smem:$0x7DB]  }
0x3bc: {  	s20 =	smov.u32 @p0 s25;
	s25 =	sld [smem:$0x7DC]  }
0x3bd: {  	s23 =	smov.u32 @p0 s26;
	s26 =	sld [smem:$0x7DF];
	s21 =	smov.u32 s19  }
0x3be: {  	s22 =	smov.u32 @p1 s17;
	s17 =	smov.u32 @p0 s19;
	s19 =	sld [smem:$0x7E1]  }
0x3bf: {  	s21 =	smov.u32 @p3 s24;
	p1 =	seq.s32 s25, $0x1;
	s25 =	sld [smem:$0x7DE]  }
0x3c0: {  	s21 =	smov.u32 @p0 s22;
	s22 =	sld [smem:$0x7DD]  }
0x3c1: {  	p3 =	seq.s32 s28, $0x1;
	s28 =	sld [smem:$0x7EE]  }
0x3c2: {  	p0 =	seq.s32 s26, $0x1;
	s24 =	smov.u32 s19;
	s25 =	smov.u32 @p1 s16  }
0x3c3: {  	s24 =	smov.u32 @p3 s21;
	s21 =	sld [smem:$0x7E3];
	s22 =	smov.u32 @p1 s15  }
0x3c4: {  	s15 =	smov.u32 @p0 s12;
	s12 =	smov.u32 @p3 s20;
	s20 =	sld [smem:$0x7E2]  }
0x3c5: {  	s16 =	smov.u32 @p0 s11;
	s11 =	smov.u32 @p3 s23;
	s23 =	sld [smem:$0x7E7]  }
0x3c6: {  	s12 =	smov.u32 @p0 s22;
	s22 =	sld [smem:$0x7E6]  }
0x3c7: {  	s20 =	smov.u32 @p1 s17;
	s17 =	smov.u32 @p0 s19;
	s19 =	sld [smem:$0x7E4]  }
0x3c8: {  	s26 =	sld [smem:$0x7ED];
	s11 =	smov.u32 @p0 s25  }
0x3c9: {  	p3 =	seq.s32 s23, $0x1;
	p1 =	seq.s32 s21, $0x1;
	s24 =	smov.u32 @p0 s20  }
0x3ca: {  	s20 =	sld [smem:$0x7E5];
	p0 =	seq.s32 s22, $0x1;
	s19 =	smov.u32 @p1 s15  }
0x3cb: {  	s15 =	smov.u32 @p0 s10;
	s10 =	smov.u32 @p3 s12;
	s12 =	sld [smem:$0x7E8]  }
0x3cc: {  	s10 =	smov.u32 @p0 s19;
	s19 =	sld [smem:$0x7E9]  }
0x3cd: {  	s25 =	sld [smem:$0x7EA];
	s20 =	smov.u32 @p1 s16  }
0x3ce: {  	s16 =	smov.u32 @p0 s9;
	s9 =	smov.u32 @p3 s11;
	s11 =	smov.u32 s12  }
0x3cf: {  	s19 =	smov.u32 @p1 s17;
	s17 =	smov.u32 @p0 s12;
	s12 =	sld [smem:$0x7EB]  }
0x3d0: {  	s9 =	smov.u32 @p0 s20;
	s11 =	smov.u32 @p3 s24  }
0x3d1: {  	p1 =	seq.s32 s25, $0x1;
	p3 =	seq.s32 s28, $0x1;
	s11 =	smov.u32 @p0 s19  }
0x3d2: {  	s19 =	sld [smem:$0x7EC];
	p0 =	seq.s32 s26, $0x1;
	s12 =	smov.u32 @p1 s15  }
0x3d3: {  	s15 =	smov.u32 @p0 s8;
	s8 =	smov.u32 @p3 s10;
	s10 =	sld [smem:$0x7EF]  }
0x3d4: {  	s3 =	smov.u32 @p4 s18;
	s18 =	smov.u32 @p2 s31  }
0x3d5: {  	s31 =	smov.u32 @p5 s0;
	s0 =	sld [smem:$0x7F8];
	s19 =	smov.u32 @p1 s16  }
0x3d6: {  	s16 =	smov.u32 @p0 s7;
	s7 =	smov.u32 @p3 s9;
	s9 =	smov.u32 s10  }
0x3d7: {  	s9 =	smov.u32 @p3 s11;
	s11 =	sld [smem:$0x7F0]  }
0x3d8: {  	s8 =	smov.u32 @p0 s12;
	s12 =	sld [smem:$0x7F1]  }
0x3d9: {  	s7 =	smov.u32 @p0 s19;
	s19 =	sld [smem:$0x7F4]  }
0x3da: {  	s11 =	smov.u32 @p1 s17;
	s17 =	smov.u32 @p0 s10;
	s10 =	sld [smem:$0x7F2]  }
0x3db: {  	s31 =	smov.u32 @p2 s3;
	s3 =	sld [smem:$0x7F9]  }
0x3dc: {  	s21 =	sld [smem:$0x7FB];
	s9 =	smov.u32 @p0 s11;
	p0 =	seq.s32 s12, $0x1  }
0x3dd: {  	(v2sf) =	vpush v2, $0x7;
	p1 =	seq.s32 s19, $0x1;
	s11 =	sld [smem:$0x7F3];
	s10 =	smov.u32 @p0 s15  }
0x3de: {  	s15 =	smov.u32 @p6 s5;
	s5 =	smov.u32 @p1 s8;
	s8 =	sld [smem:$0x7F5]  }
0x3df: {  	s22 =	sld [smem:$0x7FC]  }
0x3e0: {  	(v2sf) =	vpush v2, $0x8;
	s20 =	sld [smem:$0x7FA];
	s11 =	smov.u32 @p0 s16  }
0x3e1: {  	s16 =	smov.u32 @p6 s4;
	s4 =	smov.u32 @p1 s7;
	s7 =	smov.u32 s8  }
0x3e2: {  	s7 =	smov.u32 @p1 s9;
	s9 =	sld [smem:$0x7F6]  }
0x3e3: {  	(v2sf) =	vpush v2, $0x9;
	p3 =	sgt.f32 s29, s18;
	s5 =	smov.u32 @p6 s10;
	s4 =	smov.u32 @p6 s11  }
0x3e4: {  	s13 =	smov.u32 @p4 s16;
	s16 =	smov.u32 @p2 s2;
	s2 =	smov.u32 @p5 s4  }
0x3e5: {  	s9 =	smov.u32 @p0 s17;
	s17 =	smov.u32 @p6 s8;
	s8 =	sld [smem:$0x7F7]  }
0x3e6: {  	s4 =	sld [smem:$0x7FD];
	s2 =	smov.u32 @p2 s13;
	p1 =	seq.f32 s18, s6  }
0x3e7: {  	s7 =	smov.u32 @p6 s9;
	s3 =	smov.u32 @p4 s17;
	p6 =	seq.s32 s21, $0x1  }
0x3e8: {  	s17 =	smov.u32 @p2 s0;
	s8 =	smov.u32 @p4 s15;
	s15 =	smov.u32 @p2 s1  }
0x3e9: {  	s1 =	smov.u32 @p5 s5;
	s5 =	smov.u32 s0;
	p4 =	seq.f32 s29, s18  }
0x3ea: {  	p1 =	por !p1, !p6;
	s5 =	smov.u32 @p5 s7;
	p5 =	seq.s32 s20, $0x1  }
0x3eb: {  	p6 =	seq.f32 s31, s29;
	p0 =	por !p4, !p5;
	p4 =	sgt.f32 s18, s6  }
0x3ec: {  	p1 =	por !p1, !p1;
	s0 =	spop (v2sf);
	s1 =	smov.u32 @p2 s8  }
0x3ed: {  	s5 =	smov.u32 @p2 s3;
	p1 =	por p4, p1;
	p4 =	seq.s32 s22, $0x1  }
0x3ee: {  	p5 =	sgt.f32 s31, s29;
	p0 =	por !p0, !p0;
	p2 =	por !p6, !p4  }
0x3ef: {  	s3 =	spop (v2sf);
	p0 =	por p3, p0;
	p2 =	por !p2, !p2  }
0x3f0: {  	s0 =	smov.u32 @p1 s15;
	s3 =	smov.u32 @p1 s16;
	p2 =	por p5, p2  }
0x3f1: {  	s15 =	smov.u32 @p0 s14;
	s16 =	smov.u32 @p0 s30;
	s14 =	smov.u32 @p2 s1  }
0x3f2: {  	s30 =	smov.u32 @p2 s2;
	s1 =	spop (v2sf);
	s14 =	smov.u32 @p0 s0  }
0x3f3: {  	s0 =	smov.u32 s4;
	s30 =	smov.u32 @p0 s3;
	s23 =	ssub.f32 s15, s14  }
0x3f4: {  	s1 =	smov.u32 @p1 s17;
	s0 =	smov.u32 @p2 s5;
	s3 =	ssub.f32 s16, s30  }
0x3f5: {  	s17 =	smov.u32 @p0 s4;
	s0 =	smov.u32 @p0 s1;
	s24 =	smul.f32 s23, s23  }
0x3f6: {  	s25 =	smul.f32 s3, s3;
	s26 =	ssub.f32 s17, s0  }
0x3f7: {  	_ = 	snop  }
0x3f8: {  	s1 =	sadd.f32 s25, s24;
	s28 =	smul.f32 s26, s26  }
0x3f9: {  	s6 =	smov.u32 @p1 s18;
	s18 =	smov.u32 @p0 s29;
	s29 =	smov.u32 @p2 s31  }
0x3fa: {  	s29 =	smov.u32 @p0 s6;
	s1 =	sadd.f32 s1, s28  }
0x3fb: {  	p1 =	sgt.f32 s18, $0.0e+00;
	p0 =	sgt.f32 s29, $0.0e+00  }
.Ltmp4:
0x3fc: {  	p6 =	slt.f32 s1, $6.400000000e+01;
	(pc) =	sbr.rel @!p1 .LBB2_6-.Ltmp4, $4  }
0x3fd: {  	p0 =	por !p0, !p1  }
0x3fe: {  	p0 =	por !p0, !p0;
	p2 =	por !p6, !p6  }
0x3ff: {  	s7 =	rddreg [dreg:$0xb];
	s2 =	simm.f32 $1.000000000e+09;
	p0 =	por !p0, !p2  }
0x400: {  	s3 =	simm.f32 $1.000000000e+09;
	s1 =	simm.f32 $1.000000000e+09;
	p0 =	por !p0, !p0  }
0x401: {  	s1 =	sshra.s32 s7, $0x1F  }
0x402: {  	s1 =	sshrl.u32 s1, $0x1C  }
0x403: {  	s1 =	sadd.s32 s1, s7  }
0x404: {  	s2 =	sand.u32 $0xFFFFFFF0, s1  }
0x405: {  	p2 =	slt.s32 s7, $0x1;
	p3 =	sne.s32 s7, s2  }
0x406: {  	p2 =	por !p2, !p3  }
0x407: {  	s3 =	simm.s32 $0x1;
	p5 =	seq.s32 s7, $0x1FF;
	p2 =	por !p2, !p2  }
0x408: {  	p6 =	por !p0, !p0;
	s1 =	sshrl.u32 s1, $0x4;
	s3 =	simm.s32 @!p2 $0x0  }
0x409: {  	p2 =	por p5, p6;
	s1 =	ssub.s32 s1, s3  }
0x40a: {  	s3 =	sadd.s32 @!p2 $0x1, s7;
	s1 =	sshll.u32 s1, $0x4  }
0x40b: {  	p3 =	slt.u32 @!p2 s7, $0x7FFFFFFF;
	s4 =	sshra.s32 @!p2 s3, $0x1F;
	v2 =	vld [tilespmem:s1+$0x1780]  }
0x40c: {  	s6 =	simm.s32 @!p2 $0x1;
	p3 =	por !p3, p2;
	v3 =	vld [tilespmem:s1+$0x1980];
	s5 =	sshrl.u32 @!p2 s4, $0x1C  }
0x40d: {  	s2 =	ssub.s32 s7, s2;
	v4 =	vld [tilespmem:s1+$0x1B80];
	s6 =	simm.s32 @p3 $0x0;
	s5 =	sadd.s32 @!p2 s5, s3  }
0x40e: {  	v5 =	vmov s2;
	v6 =	vld [tilespmem:s1+$0x1D80];
	s2 =	sadd.s32 @!p2 s6, s4;
	s4 =	sand.u32 @!p2 $0xFFFFFFF0, s5  }
0x40f: {  	s31 =	smul.f32 $2.000000030e-01, s15;
	vm10 =	veq.s32 v5, v1;
	v63 =	vld [tilespmem:s1+$0x1F80];
	p3 =	sne.s32 @!p2 s2, $0x1;
	p4 =	sne.s32 @!p2 s3, s4  }
0x410: {  	p3 =	por @!p2 !p4, !p3;
	v2 =	vsel vm10, s18, v2  }
0x411: {  	p3 =	por @!p2 !p3, !p3;
	[tilespmem:s1+$0x1780] =	vst v2;
	v2 =	vsel vm10, s31, v3  }
0x412: {  	s2 =	simm.s32 @!p2 $0x1;
	p3 =	por !p3, p2;
	[tilespmem:s1+$0x1980] =	vst v2;
	v2 =	vsel vm10, s16, v4  }
0x413: {  	s5 =	sshrl.u32 @!p2 s5, $0x4;
	s2 =	simm.s32 @p3 $0x0;
	[tilespmem:s1+$0x1B80] =	vst v2;
	v2 =	vsel vm10, s17, v6  }
0x414: {  	s2 =	ssub.s32 @!p2 s5, s2;
	[tilespmem:s1+$0x1D80] =	vst v2;
	v2 =	vsel vm10, $0x0, v63  }
0x415: {  	[tilespmem:s1+$0x1F80] =	vst v2;
	s1 =	sshll.u32 @!p2 s2, $0x4  }
0x416: {  	v2 =	vld @!p2 [tilespmem:s1+$0x1780]  }
0x417: {  	v3 =	vld @!p2 [tilespmem:s1+$0x1980]  }
0x418: {  	s2 =	ssub.s32 @!p2 s3, s4;
	v4 =	vld @!p2 [tilespmem:s1+$0x1B80]  }
0x419: {  	v6 =	vlaneseq.u32 @!p2;
	v5 =	vmov @!p2 s2;
	v7 =	vld @!p2 [tilespmem:s1+$0x1D80]  }
0x41a: {  	s2 =	smul.f32 @!p2 $2.000000030e-01, s14;
	vm10 =	veq.s32 @!p2 v5, v6;
	v5 =	vld @!p2 [tilespmem:s1+$0x1F80]  }
0x41b: {  	v2 =	vsel @!p2 vm10, s29, v2  }
.Ltmp5:
0x41c: {  	[tilespmem:s1+$0x1780] =	vst @!p2 v2;
	v2 =	vsel @!p2 vm10, s2, v3;
	(pc) =	sbr.rel .LBB2_6-.Ltmp5, $4  }
0x41d: {  	[tilespmem:s1+$0x1980] =	vst @!p2 v2;
	v2 =	vsel @!p2 vm10, s30, v4  }
0x41e: {  	[tilespmem:s1+$0x1B80] =	vst @!p2 v2;
	v2 =	vsel @!p2 vm10, s0, v7  }
0x41f: {  	[tilespmem:s1+$0x1D80] =	vst @!p2 v2;
	v2 =	vsel @!p2 vm10, $0x0, v5  }
0x420: {  	s3 =	smov.u32 s15;
	s2 =	smov.u32 s16;
	[tilespmem:s1+$0x1F80] =	vst @!p2 v2;
	s1 =	smov.u32 s17  }
.LBB2_8:
0x421: {  	s0 =	stileid.u32  }
0x422: {  	p0 =	sne.s32 s0, $0x0  }
0x423: {  	_ =	sfence.sel @p0 $0x180000  }
0x424: {  	[bflag:$0x0] =	sbarrier.arrive @p0 $0xFFFF  }
0x425: {  	_ =	strace @p0 $0x90000047  }
0x426: {  	[bflag:$0x2] =	sbarrier.arrive @p0 $0xFFFF  }
0x427: {  	s0 =	simm.s32 @!p0 $0x0;
	s1 =	simm.s32 @!p0 $0x1780;
	s2 =	rddreg [dreg:$0x1]  }
0x428: {  	[hbm4b:s2+s0] =	stream.linear.scatter @!p0 [tilespmem:s1], [sflag:$0x1], $0x200, $0x38;
	[tilespmem:$0x21A0] =	vst v63  }
0x429: {  	s1 =	simm.s32 @!p0 $0x1  }
0x42a: {  	_ =	swait.ge @!p0 [sflag:s1], $0x200  }
0x42b: {  	[sflag:s1] =	ssyncset.done @!p0 $0x0  }
0x42c: {  	[sflag:s1] =	ssyncadd.s32 @!p0 $0xFFFFFE00  }
0x42d: {  	s2 =	simm.s32 @!p0 $0x1980;
	s3 =	rddreg [dreg:$0x2]  }
0x42e: {  	[hbm4b:s3+s0] =	stream.linear.scatter @!p0 [tilespmem:s2], [sflag:$0x1], $0x200, $0x38;
	[tilespmem:$0x21A0] =	vst v63  }
0x42f: {  	_ =	swait.ge @!p0 [sflag:s1], $0x200  }
0x430: {  	[sflag:s1] =	ssyncset.done @!p0 $0x0  }
0x431: {  	s2 =	simm.s32 @!p0 $0x1B80;
	s3 =	rddreg [dreg:$0x8];
	[sflag:s1] =	ssyncadd.s32 @!p0 $0xFFFFFE00  }
0x432: {  	[hbm4b:s3+s0] =	stream.linear.scatter @!p0 [tilespmem:s2], [sflag:$0x1], $0x200, $0x38;
	[tilespmem:$0x21A0] =	vst v63  }
0x433: {  	_ =	swait.ge @!p0 [sflag:s1], $0x200  }
0x434: {  	[sflag:s1] =	ssyncset.done @!p0 $0x0  }
0x435: {  	s2 =	simm.s32 @!p0 $0x1D80;
	s3 =	rddreg [dreg:$0x9];
	[sflag:s1] =	ssyncadd.s32 @!p0 $0xFFFFFE00  }
0x436: {  	[hbm4b:s3+s0] =	stream.linear.scatter @!p0 [tilespmem:s2], [sflag:$0x1], $0x200, $0x38;
	[tilespmem:$0x21A0] =	vst v63  }
0x437: {  	_ =	swait.ge @!p0 [sflag:s1], $0x200  }
0x438: {  	[sflag:s1] =	ssyncset.done @!p0 $0x0  }
0x439: {  	[sflag:s1] =	ssyncadd.s32 @!p0 $0xFFFFFE00  }
0x43a: {  	s2 =	simm.s32 @!p0 $0x1F80;
	s3 =	rddreg [dreg:$0x3]  }
0x43b: {  	[hbm4b:s3+s0] =	stream.linear.scatter @!p0 [tilespmem:s2], [sflag:$0x1], $0x200, $0x38;
	[tilespmem:$0x21A0] =	vst v63  }
0x43c: {  	_ =	swait.ge @!p0 [sflag:s1], $0x200  }
0x43d: {  	[sflag:s1] =	ssyncset.done @!p0 $0x0  }
0x43e: {  	[sflag:s1] =	ssyncadd.s32 @!p0 $0xFFFFFE00  }
0x43f: {  	_ =	sfence.sel @!p0 $0x180000  }
0x440: {  	[bflag:$0x0] =	sbarrier.arrive @!p0 $0xFFFF  }
0x441: {  	_ =	strace @!p0 $0x90000047  }
0x442: {  	[bflag:$0x2] =	sbarrier.arrive @!p0 $0xFFFF  }
0x443: {  	s0 =	rddreg [dreg:$0x5]  }
0x444: {  	s0 =	sadd.s32 @!p0 $0x100000, s0  }
0x445: {  	[sflag:s0] =	ssyncadd.tile.s32 @!p0 $0x1;
	_ =	shalt  }
.Lfunc_end2:
_tile_overlayer_lowered:
.L_overlay_start_2:
0x446: {  	(tag) =	ssettag $0x2  }
0x447: {  	s0 =	rddreg [dreg:$0x0];
	s2 =	stileid.u32  }
0x448: {  	s1 =	rddreg [dreg:$0x1];
	p0 =	sne.s32 s2, $0x0  }
0x449: {  	s3 =	rddreg [dreg:$0x2];
	[bflag:$0x3] =	sbarrier.arrive $0xFFFF;
	s2 =	simm.s32 @!p0 $0x1C01  }
0x44a: {  	[timem:s3], [sflag:s2] =	dma.local @!p0 [hbm:s0], s1  }
0x44b: {  	s0 =	simm.s32 @!p0 $0x1  }
0x44c: {  	_ =	swait.ge @!p0 [sflag:s0], s1  }
0x44d: {  	s1 =	ssub.s32 @!p0 $0x0, s1;
	[sflag:s0] =	ssyncset.done @!p0 $0x0  }
0x44e: {  	[sflag:s0] =	ssyncadd.s32 @!p0 s1  }
0x44f: {  	[bflag:$0x3] =	sbarrier.arrive $0xFFFF  }
0x450: {  	_ =	shalt  }

</sc_bundles>
